<compile_context>
chip_gen: v7x
topology: tpu7x:2x2x1
jax: 0.10.2.dev20260603
libtpu: 0.0.44.dev20260713+nightly
codegen_flags: <defaults>
</compile_context>

<pallas_src>
import functools

import jax
import jax.numpy as jnp
from jax import lax
from jax.experimental import pallas as pl
from jax.experimental.pallas import tpu as pltpu
from jax.experimental.pallas import tpu_sc as plsc

_INFO = plsc.get_sparse_core_info()
_NC, _NS, _NL = _INFO.num_cores, _INFO.num_subcores, _INFO.num_lanes
_NW = _NC * _NS

_UNROLL = 8


@functools.lru_cache(maxsize=None)
def _make_gather(d: int, n_rows: int, n_samples: int):
    assert n_samples % (_NL * _UNROLL) == 0
    r_per_w = -(-d // _NW)
    mesh = plsc.VectorSubcoreMesh(core_axis_name="c", subcore_axis_name="s")

    @functools.partial(
        pl.kernel,
        mesh=mesh,
        out_type=jax.ShapeDtypeStruct((d * n_samples,), jnp.float32),
        scratch_types=[
            pltpu.VMEM((n_samples,), jnp.int32),
            pltpu.VMEM((n_rows,), jnp.float32),
            pltpu.VMEM((n_samples,), jnp.float32),
        ],
        compiler_params=pltpu.CompilerParams(use_tc_tiling_on_sc=True, needs_layout_passes=False),
    )
    def gather(table_hbm, idx_hbm, out_hbm, idx_v, row_v, out_v):
        wid = lax.axis_index("s") * _NC + lax.axis_index("c")
        pltpu.sync_copy(idx_hbm, idx_v)

        def do_row(p):
            pltpu.sync_copy(table_hbm.at[p], row_v)

            def step(i, carry):
                base = i * (_NL * _UNROLL)
                for u in range(_UNROLL):
                    off = base + u * _NL
                    idx16 = idx_v[pl.ds(off, _NL)]
                    out_v[pl.ds(off, _NL)] = plsc.load_gather(row_v, [idx16])
                return carry

            lax.fori_loop(0, n_samples // (_NL * _UNROLL), step, 0)
            pltpu.sync_copy(out_v, out_hbm.at[pl.ds(p * n_samples, n_samples)])

        for r in range(r_per_w):
            p = wid + r * _NW
            if (r + 1) * _NW <= d:
                do_row(p)
            else:
                @pl.when(p < d)
                def _():
                    do_row(p)

    return gather


@jax.jit
def kernel(images, indices):
    n, c, h, w = images.shape
    d = c * h * w
    n_samples = indices.shape[0]
    table_t = images.transpose(2, 3, 1, 0).reshape(d, n)
    idx = indices.astype(jnp.int32)
    out_t = _make_gather(d, n, n_samples)(table_t, idx)
    return out_t.reshape(h, w, c, n_samples).transpose(3, 2, 0, 1)

# --- scband reference (transcript-rebuilt; emitter-appended) ---
"""Pipeline reference for scband-mnistdataset-prior-10161892622794 (READ-ONLY COPY).

The authoritative reference and input builder live on the scoring server;
editing this copy changes nothing except your own understanding.
"""

import jax, jax.numpy as jnp
import numpy as np

N_IMAGES = 60000
C, H, W = 1, 28, 28
N_SAMPLES = 16384


def setup_inputs(seed: int = 0) -> dict:
    key = jax.random.key(seed)
    k1, k2 = jax.random.split(key)
    # Pre-normalized image table (equivalent to dataset.data / 255.0 in __init__),
    # uniform in [0, 1) like pixel intensities.
    images = jax.random.uniform(k1, (N_IMAGES, C, H, W), dtype=jnp.float32)
    # The torch module draws indices internally via torch.randint(0, n, (n_samples,));
    # we materialize them as an explicit input for determinism.
    indices = jax.random.randint(k2, (N_SAMPLES,), 0, N_IMAGES, dtype=jnp.int64)
    return {"images": images, "indices": indices}


def reference(images, indices):
    # MNISTDatasetPrior.sample(): thetas = self.images[indices]
    thetas = jnp.take(images, indices, axis=0)
    return thetas

if __name__ == "__main__":
    import jax
    _d = setup_inputs()
    print(jax.jit(kernel)(*tuple(_d.values())))

</pallas_src>

<mosaic_0001>
#map = affine_map<(d0, d1) -> (0, 0)>
#map1 = affine_map<(d0, d1) -> (0)>
module attributes {stable_mosaic.version = 14 : i64} {
  func.func @gather(%arg0: i32, %arg1: i32, %arg2: memref<784x60000xf32, #tpu.memory_space<hbm>>, %arg3: memref<16384xi32, #tpu.memory_space<hbm>>, %arg4: memref<12845056xf32, #tpu.memory_space<hbm>>, %arg5: memref<16384xi32, #tpu.memory_space<vmem>>, %arg6: memref<60000xf32, #tpu.memory_space<vmem>>, %arg7: memref<16384xf32, #tpu.memory_space<vmem>>) attributes {dimension_semantics = [#tpu.dimension_semantics<core_parallel>, #tpu.dimension_semantics<subcore_parallel>], iteration_bounds = array<i64: 2, 16>, scalar_prefetch = 0 : i64, scratch_operands = 3 : i64, tpu.core_type = #tpu.core_type<sc_vector_subcore>, window_params = [{transform_indices = #map}, {transform_indices = #map1}, {transform_indices = #map1}]} {
    %mul3A = arith.constant 2 : i32
    %mul3A_0 = arith.muli %arg1, %mul3A : i32
    %add3A = arith.addi %mul3A_0, %arg0 : i32
    "tpu.region"() ({
      %run_scoped3A = tpu.sem_alloc : memref<!tpu.dma_semaphore, #tpu.memory_space<semaphore_mem>>
      tpu.enqueue_dma source(%arg3 : memref<16384xi32, #tpu.memory_space<hbm>>) target(%arg5 : memref<16384xi32, #tpu.memory_space<vmem>>) target_semaphore(%run_scoped3A : memref<!tpu.dma_semaphore, #tpu.memory_space<semaphore_mem>>)
      tpu.wait_dma2 semaphore(%run_scoped3A : memref<!tpu.dma_semaphore, #tpu.memory_space<semaphore_mem>>) src(%arg3 : memref<16384xi32, #tpu.memory_space<hbm>>) dst(%arg5 : memref<16384xi32, #tpu.memory_space<vmem>>)
      tpu.yield
    }) : () -> ()
    %add3A_1 = arith.constant 0 : i32
    %add3A_2 = arith.addi %add3A, %add3A_1 : i32
    "tpu.region"() ({
      %run_scoped3A = tpu.sem_alloc : memref<!tpu.dma_semaphore, #tpu.memory_space<semaphore_mem>>
      %dma_start3A = arith.constant 0 : i32
      %dma_start3A_244 = tpu.memref_slice %arg2[%add3A_2, %dma_start3A] : memref<784x60000xf32, #tpu.memory_space<hbm>> -> memref<1x60000xf32, #tpu.memory_space<hbm>>
      %dma_start3A_245 = tpu.memref_squeeze %dma_start3A_244 : memref<1x60000xf32, #tpu.memory_space<hbm>> -> memref<60000xf32, #tpu.memory_space<hbm>>
      %dma_start3A_246 = arith.constant 0 : i32
      %dma_start3A_247 = tpu.memref_slice %arg2[%add3A_2, %dma_start3A_246] : memref<784x60000xf32, #tpu.memory_space<hbm>> -> memref<1x60000xf32, #tpu.memory_space<hbm>>
      %dma_start3A_248 = tpu.memref_squeeze %dma_start3A_247 : memref<1x60000xf32, #tpu.memory_space<hbm>> -> memref<60000xf32, #tpu.memory_space<hbm>>
      tpu.enqueue_dma source(%dma_start3A_248 : memref<60000xf32, #tpu.memory_space<hbm>>) target(%arg6 : memref<60000xf32, #tpu.memory_space<vmem>>) target_semaphore(%run_scoped3A : memref<!tpu.dma_semaphore, #tpu.memory_space<semaphore_mem>>)
      %dma_wait3A = arith.constant 0 : i32
      %dma_wait3A_249 = tpu.memref_slice %arg2[%add3A_2, %dma_wait3A] : memref<784x60000xf32, #tpu.memory_space<hbm>> -> memref<1x60000xf32, #tpu.memory_space<hbm>>
      %dma_wait3A_250 = tpu.memref_squeeze %dma_wait3A_249 : memref<1x60000xf32, #tpu.memory_space<hbm>> -> memref<60000xf32, #tpu.memory_space<hbm>>
      %dma_wait3A_251 = arith.constant 0 : i32
      %dma_wait3A_252 = tpu.memref_slice %arg2[%add3A_2, %dma_wait3A_251] : memref<784x60000xf32, #tpu.memory_space<hbm>> -> memref<1x60000xf32, #tpu.memory_space<hbm>>
      %dma_wait3A_253 = tpu.memref_squeeze %dma_wait3A_252 : memref<1x60000xf32, #tpu.memory_space<hbm>> -> memref<60000xf32, #tpu.memory_space<hbm>>
      tpu.wait_dma2 semaphore(%run_scoped3A : memref<!tpu.dma_semaphore, #tpu.memory_space<semaphore_mem>>) src(%dma_wait3A_253 : memref<60000xf32, #tpu.memory_space<hbm>>) dst(%arg6 : memref<60000xf32, #tpu.memory_space<vmem>>)
      tpu.yield
    }) : () -> ()
    %scan3A = arith.constant 0 : i32
    %scan3A_3 = arith.constant 0 : i32
    %scan3A_4 = arith.constant 128 : i32
    %scan3A_5 = arith.addi %scan3A_3, %scan3A_4 : i32
    %scan3A_6 = arith.constant 1 : i32
    scf.for %scan3A_244 = %scan3A_3 to %scan3A_5 step %scan3A_6  : i32 {
      %mul3A_245 = arith.constant 128 : i32
      %mul3A_246 = arith.muli %scan3A_244, %mul3A_245 : i32
      %add3A_247 = arith.constant 0 : i32
      %add3A_248 = arith.addi %mul3A_246, %add3A_247 : i32
      %get3A = arith.index_cast %add3A_248 : i32 to index
      %get3A_249 = tpu.vector_load %arg5[%get3A] {strides = array<i32>} : memref<16384xi32, #tpu.memory_space<vmem>>, vector<16xi32>,
      %gather3A = tpu.vector_load_idx %arg6[%get3A_249] : memref<60000xf32, #tpu.memory_space<vmem>>[vector<16xi32>], vector<16xf32>,
      %swap3A = arith.index_cast %add3A_248 : i32 to index
      %swap3A_250 = tpu.vector_load %arg7[%swap3A] {strides = array<i32>} : memref<16384xf32, #tpu.memory_space<vmem>>, vector<16xf32>,
      tpu.vector_store %arg7[%swap3A], %gather3A {strides = array<i32>} : memref<16384xf32, #tpu.memory_space<vmem>>, vector<16xf32>,
      %add3A_251 = arith.constant 16 : i32
      %add3A_252 = arith.addi %mul3A_246, %add3A_251 : i32
      %get3A_253 = arith.index_cast %add3A_252 : i32 to index
      %get3A_254 = tpu.vector_load %arg5[%get3A_253] {strides = array<i32>} : memref<16384xi32, #tpu.memory_space<vmem>>, vector<16xi32>,
      %gather3A_255 = tpu.vector_load_idx %arg6[%get3A_254] : memref<60000xf32, #tpu.memory_space<vmem>>[vector<16xi32>], vector<16xf32>,
      %swap3A_256 = arith.index_cast %add3A_252 : i32 to index
      %swap3A_257 = tpu.vector_load %arg7[%swap3A_256] {strides = array<i32>} : memref<16384xf32, #tpu.memory_space<vmem>>, vector<16xf32>,
      tpu.vector_store %arg7[%swap3A_256], %gather3A_255 {strides = array<i32>} : memref<16384xf32, #tpu.memory_space<vmem>>, vector<16xf32>,
      %add3A_258 = arith.constant 32 : i32
      %add3A_259 = arith.addi %mul3A_246, %add3A_258 : i32
      %get3A_260 = arith.index_cast %add3A_259 : i32 to index
      %get3A_261 = tpu.vector_load %arg5[%get3A_260] {strides = array<i32>} : memref<16384xi32, #tpu.memory_space<vmem>>, vector<16xi32>,
      %gather3A_262 = tpu.vector_load_idx %arg6[%get3A_261] : memref<60000xf32, #tpu.memory_space<vmem>>[vector<16xi32>], vector<16xf32>,
      %swap3A_263 = arith.index_cast %add3A_259 : i32 to index
      %swap3A_264 = tpu.vector_load %arg7[%swap3A_263] {strides = array<i32>} : memref<16384xf32, #tpu.memory_space<vmem>>, vector<16xf32>,
      tpu.vector_store %arg7[%swap3A_263], %gather3A_262 {strides = array<i32>} : memref<16384xf32, #tpu.memory_space<vmem>>, vector<16xf32>,
      %add3A_265 = arith.constant 48 : i32
      %add3A_266 = arith.addi %mul3A_246, %add3A_265 : i32
      %get3A_267 = arith.index_cast %add3A_266 : i32 to index
      %get3A_268 = tpu.vector_load %arg5[%get3A_267] {strides = array<i32>} : memref<16384xi32, #tpu.memory_space<vmem>>, vector<16xi32>,
      %gather3A_269 = tpu.vector_load_idx %arg6[%get3A_268] : memref<60000xf32, #tpu.memory_space<vmem>>[vector<16xi32>], vector<16xf32>,
      %swap3A_270 = arith.index_cast %add3A_266 : i32 to index
      %swap3A_271 = tpu.vector_load %arg7[%swap3A_270] {strides = array<i32>} : memref<16384xf32, #tpu.memory_space<vmem>>, vector<16xf32>,
      tpu.vector_store %arg7[%swap3A_270], %gather3A_269 {strides = array<i32>} : memref<16384xf32, #tpu.memory_space<vmem>>, vector<16xf32>,
      %add3A_272 = arith.constant 64 : i32
      %add3A_273 = arith.addi %mul3A_246, %add3A_272 : i32
      %get3A_274 = arith.index_cast %add3A_273 : i32 to index
      %get3A_275 = tpu.vector_load %arg5[%get3A_274] {strides = array<i32>} : memref<16384xi32, #tpu.memory_space<vmem>>, vector<16xi32>,
      %gather3A_276 = tpu.vector_load_idx %arg6[%get3A_275] : memref<60000xf32, #tpu.memory_space<vmem>>[vector<16xi32>], vector<16xf32>,
      %swap3A_277 = arith.index_cast %add3A_273 : i32 to index
      %swap3A_278 = tpu.vector_load %arg7[%swap3A_277] {strides = array<i32>} : memref<16384xf32, #tpu.memory_space<vmem>>, vector<16xf32>,
      tpu.vector_store %arg7[%swap3A_277], %gather3A_276 {strides = array<i32>} : memref<16384xf32, #tpu.memory_space<vmem>>, vector<16xf32>,
      %add3A_279 = arith.constant 80 : i32
      %add3A_280 = arith.addi %mul3A_246, %add3A_279 : i32
      %get3A_281 = arith.index_cast %add3A_280 : i32 to index
      %get3A_282 = tpu.vector_load %arg5[%get3A_281] {strides = array<i32>} : memref<16384xi32, #tpu.memory_space<vmem>>, vector<16xi32>,
      %gather3A_283 = tpu.vector_load_idx %arg6[%get3A_282] : memref<60000xf32, #tpu.memory_space<vmem>>[vector<16xi32>], vector<16xf32>,
      %swap3A_284 = arith.index_cast %add3A_280 : i32 to index
      %swap3A_285 = tpu.vector_load %arg7[%swap3A_284] {strides = array<i32>} : memref<16384xf32, #tpu.memory_space<vmem>>, vector<16xf32>,
      tpu.vector_store %arg7[%swap3A_284], %gather3A_283 {strides = array<i32>} : memref<16384xf32, #tpu.memory_space<vmem>>, vector<16xf32>,
      %add3A_286 = arith.constant 96 : i32
      %add3A_287 = arith.addi %mul3A_246, %add3A_286 : i32
      %get3A_288 = arith.index_cast %add3A_287 : i32 to index
      %get3A_289 = tpu.vector_load %arg5[%get3A_288] {strides = array<i32>} : memref<16384xi32, #tpu.memory_space<vmem>>, vector<16xi32>,
      %gather3A_290 = tpu.vector_load_idx %arg6[%get3A_289] : memref<60000xf32, #tpu.memory_space<vmem>>[vector<16xi32>], vector<16xf32>,
      %swap3A_291 = arith.index_cast %add3A_287 : i32 to index
      %swap3A_292 = tpu.vector_load %arg7[%swap3A_291] {strides = array<i32>} : memref<16384xf32, #tpu.memory_space<vmem>>, vector<16xf32>,
      tpu.vector_store %arg7[%swap3A_291], %gather3A_290 {strides = array<i32>} : memref<16384xf32, #tpu.memory_space<vmem>>, vector<16xf32>,
      %add3A_293 = arith.constant 112 : i32
      %add3A_294 = arith.addi %mul3A_246, %add3A_293 : i32
      %get3A_295 = arith.index_cast %add3A_294 : i32 to index
      %get3A_296 = tpu.vector_load %arg5[%get3A_295] {strides = array<i32>} : memref<16384xi32, #tpu.memory_space<vmem>>, vector<16xi32>,
      %gather3A_297 = tpu.vector_load_idx %arg6[%get3A_296] : memref<60000xf32, #tpu.memory_space<vmem>>[vector<16xi32>], vector<16xf32>,
      %swap3A_298 = arith.index_cast %add3A_294 : i32 to index
      %swap3A_299 = tpu.vector_load %arg7[%swap3A_298] {strides = array<i32>} : memref<16384xf32, #tpu.memory_space<vmem>>, vector<16xf32>,
      tpu.vector_store %arg7[%swap3A_298], %gather3A_297 {strides = array<i32>} : memref<16384xf32, #tpu.memory_space<vmem>>, vector<16xf32>,
    }
    %scan3A_7 = arith.constant 128 : i32
    %mul3A_8 = arith.constant 16384 : i32
    %mul3A_9 = arith.muli %add3A_2, %mul3A_8 : i32
    "tpu.region"() ({
      %run_scoped3A = tpu.sem_alloc : memref<!tpu.dma_semaphore, #tpu.memory_space<semaphore_mem>>
      %dma_start3A = tpu.memref_slice %arg4[%mul3A_9] : memref<12845056xf32, #tpu.memory_space<hbm>> -> memref<16384xf32, #tpu.memory_space<hbm>>
      %dma_start3A_244 = tpu.memref_slice %arg4[%mul3A_9] : memref<12845056xf32, #tpu.memory_space<hbm>> -> memref<16384xf32, #tpu.memory_space<hbm>>
      tpu.enqueue_dma source(%arg7 : memref<16384xf32, #tpu.memory_space<vmem>>) target(%dma_start3A_244 : memref<16384xf32, #tpu.memory_space<hbm>>) target_semaphore(%run_scoped3A : memref<!tpu.dma_semaphore, #tpu.memory_space<semaphore_mem>>)
      %dma_wait3A = tpu.memref_slice %arg4[%mul3A_9] : memref<12845056xf32, #tpu.memory_space<hbm>> -> memref<16384xf32, #tpu.memory_space<hbm>>
      %dma_wait3A_245 = tpu.memref_slice %arg4[%mul3A_9] : memref<12845056xf32, #tpu.memory_space<hbm>> -> memref<16384xf32, #tpu.memory_space<hbm>>
      tpu.wait_dma2 semaphore(%run_scoped3A : memref<!tpu.dma_semaphore, #tpu.memory_space<semaphore_mem>>) src(%arg7 : memref<16384xf32, #tpu.memory_space<vmem>>) dst(%dma_wait3A_245 : memref<16384xf32, #tpu.memory_space<hbm>>)
      tpu.yield
    }) : () -> ()
    %add3A_10 = arith.constant 32 : i32
    %add3A_11 = arith.addi %add3A, %add3A_10 : i32
    "tpu.region"() ({
      %run_scoped3A = tpu.sem_alloc : memref<!tpu.dma_semaphore, #tpu.memory_space<semaphore_mem>>
      %dma_start3A = arith.constant 0 : i32
      %dma_start3A_244 = tpu.memref_slice %arg2[%add3A_11, %dma_start3A] : memref<784x60000xf32, #tpu.memory_space<hbm>> -> memref<1x60000xf32, #tpu.memory_space<hbm>>
      %dma_start3A_245 = tpu.memref_squeeze %dma_start3A_244 : memref<1x60000xf32, #tpu.memory_space<hbm>> -> memref<60000xf32, #tpu.memory_space<hbm>>
      %dma_start3A_246 = arith.constant 0 : i32
      %dma_start3A_247 = tpu.memref_slice %arg2[%add3A_11, %dma_start3A_246] : memref<784x60000xf32, #tpu.memory_space<hbm>> -> memref<1x60000xf32, #tpu.memory_space<hbm>>
      %dma_start3A_248 = tpu.memref_squeeze %dma_start3A_247 : memref<1x60000xf32, #tpu.memory_space<hbm>> -> memref<60000xf32, #tpu.memory_space<hbm>>
      tpu.enqueue_dma source(%dma_start3A_248 : memref<60000xf32, #tpu.memory_space<hbm>>) target(%arg6 : memref<60000xf32, #tpu.memory_space<vmem>>) target_semaphore(%run_scoped3A : memref<!tpu.dma_semaphore, #tpu.memory_space<semaphore_mem>>)
      %dma_wait3A = arith.constant 0 : i32
      %dma_wait3A_249 = tpu.memref_slice %arg2[%add3A_11, %dma_wait3A] : memref<784x60000xf32, #tpu.memory_space<hbm>> -> memref<1x60000xf32, #tpu.memory_space<hbm>>
      %dma_wait3A_250 = tpu.memref_squeeze %dma_wait3A_249 : memref<1x60000xf32, #tpu.memory_space<hbm>> -> memref<60000xf32, #tpu.memory_space<hbm>>
      %dma_wait3A_251 = arith.constant 0 : i32
      %dma_wait3A_252 = tpu.memref_slice %arg2[%add3A_11, %dma_wait3A_251] : memref<784x60000xf32, #tpu.memory_space<hbm>> -> memref<1x60000xf32, #tpu.memory_space<hbm>>
      %dma_wait3A_253 = tpu.memref_squeeze %dma_wait3A_252 : memref<1x60000xf32, #tpu.memory_space<hbm>> -> memref<60000xf32, #tpu.memory_space<hbm>>
      tpu.wait_dma2 semaphore(%run_scoped3A : memref<!tpu.dma_semaphore, #tpu.memory_space<semaphore_mem>>) src(%dma_wait3A_253 : memref<60000xf32, #tpu.memory_space<hbm>>) dst(%arg6 : memref<60000xf32, #tpu.memory_space<vmem>>)
      tpu.yield
    }) : () -> ()
    %scan3A_12 = arith.constant 0 : i32
    %scan3A_13 = arith.constant 0 : i32
    %scan3A_14 = arith.constant 128 : i32
    %scan3A_15 = arith.addi %scan3A_13, %scan3A_14 : i32
    %scan3A_16 = arith.constant 1 : i32
    scf.for %scan3A_244 = %scan3A_13 to %scan3A_15 step %scan3A_16  : i32 {
      %mul3A_245 = arith.constant 128 : i32
      %mul3A_246 = arith.muli %scan3A_244, %mul3A_245 : i32
      %add3A_247 = arith.constant 0 : i32
      %add3A_248 = arith.addi %mul3A_246, %add3A_247 : i32
      %get3A = arith.index_cast %add3A_248 : i32 to index
      %get3A_249 = tpu.vector_load %arg5[%get3A] {strides = array<i32>} : memref<16384xi32, #tpu.memory_space<vmem>>, vector<16xi32>,
      %gather3A = tpu.vector_load_idx %arg6[%get3A_249] : memref<60000xf32, #tpu.memory_space<vmem>>[vector<16xi32>], vector<16xf32>,
      %swap3A = arith.index_cast %add3A_248 : i32 to index
      %swap3A_250 = tpu.vector_load %arg7[%swap3A] {strides = array<i32>} : memref<16384xf32, #tpu.memory_space<vmem>>, vector<16xf32>,
      tpu.vector_store %arg7[%swap3A], %gather3A {strides = array<i32>} : memref<16384xf32, #tpu.memory_space<vmem>>, vector<16xf32>,
      %add3A_251 = arith.constant 16 : i32
      %add3A_252 = arith.addi %mul3A_246, %add3A_251 : i32
      %get3A_253 = arith.index_cast %add3A_252 : i32 to index
      %get3A_254 = tpu.vector_load %arg5[%get3A_253] {strides = array<i32>} : memref<16384xi32, #tpu.memory_space<vmem>>, vector<16xi32>,
      %gather3A_255 = tpu.vector_load_idx %arg6[%get3A_254] : memref<60000xf32, #tpu.memory_space<vmem>>[vector<16xi32>], vector<16xf32>,
      %swap3A_256 = arith.index_cast %add3A_252 : i32 to index
      %swap3A_257 = tpu.vector_load %arg7[%swap3A_256] {strides = array<i32>} : memref<16384xf32, #tpu.memory_space<vmem>>, vector<16xf32>,
      tpu.vector_store %arg7[%swap3A_256], %gather3A_255 {strides = array<i32>} : memref<16384xf32, #tpu.memory_space<vmem>>, vector<16xf32>,
      %add3A_258 = arith.constant 32 : i32
      %add3A_259 = arith.addi %mul3A_246, %add3A_258 : i32
      %get3A_260 = arith.index_cast %add3A_259 : i32 to index
      %get3A_261 = tpu.vector_load %arg5[%get3A_260] {strides = array<i32>} : memref<16384xi32, #tpu.memory_space<vmem>>, vector<16xi32>,
      %gather3A_262 = tpu.vector_load_idx %arg6[%get3A_261] : memref<60000xf32, #tpu.memory_space<vmem>>[vector<16xi32>], vector<16xf32>,
      %swap3A_263 = arith.index_cast %add3A_259 : i32 to index
      %swap3A_264 = tpu.vector_load %arg7[%swap3A_263] {strides = array<i32>} : memref<16384xf32, #tpu.memory_space<vmem>>, vector<16xf32>,
      tpu.vector_store %arg7[%swap3A_263], %gather3A_262 {strides = array<i32>} : memref<16384xf32, #tpu.memory_space<vmem>>, vector<16xf32>,
      %add3A_265 = arith.constant 48 : i32
      %add3A_266 = arith.addi %mul3A_246, %add3A_265 : i32
      %get3A_267 = arith.index_cast %add3A_266 : i32 to index
      %get3A_268 = tpu.vector_load %arg5[%get3A_267] {strides = array<i32>} : memref<16384xi32, #tpu.memory_space<vmem>>, vector<16xi32>,
      %gather3A_269 = tpu.vector_load_idx %arg6[%get3A_268] : memref<60000xf32, #tpu.memory_space<vmem>>[vector<16xi32>], vector<16xf32>,
      %swap3A_270 = arith.index_cast %add3A_266 : i32 to index
      %swap3A_271 = tpu.vector_load %arg7[%swap3A_270] {strides = array<i32>} : memref<16384xf32, #tpu.memory_space<vmem>>, vector<16xf32>,
      tpu.vector_store %arg7[%swap3A_270], %gather3A_269 {strides = array<i32>} : memref<16384xf32, #tpu.memory_space<vmem>>, vector<16xf32>,
      %add3A_272 = arith.constant 64 : i32
      %add3A_273 = arith.addi %mul3A_246, %add3A_272 : i32
      %get3A_274 = arith.index_cast %add3A_273 : i32 to index
      %get3A_275 = tpu.vector_load %arg5[%get3A_274] {strides = array<i32>} : memref<16384xi32, #tpu.memory_space<vmem>>, vector<16xi32>,
      %gather3A_276 = tpu.vector_load_idx %arg6[%get3A_275] : memref<60000xf32, #tpu.memory_space<vmem>>[vector<16xi32>], vector<16xf32>,
      %swap3A_277 = arith.index_cast %add3A_273 : i32 to index
      %swap3A_278 = tpu.vector_load %arg7[%swap3A_277] {strides = array<i32>} : memref<16384xf32, #tpu.memory_space<vmem>>, vector<16xf32>,
      tpu.vector_store %arg7[%swap3A_277], %gather3A_276 {strides = array<i32>} : memref<16384xf32, #tpu.memory_space<vmem>>, vector<16xf32>,
      %add3A_279 = arith.constant 80 : i32
      %add3A_280 = arith.addi %mul3A_246, %add3A_279 : i32
      %get3A_281 = arith.index_cast %add3A_280 : i32 to index
      %get3A_282 = tpu.vector_load %arg5[%get3A_281] {strides = array<i32>} : memref<16384xi32, #tpu.memory_space<vmem>>, vector<16xi32>,
      %gather3A_283 = tpu.vector_load_idx %arg6[%get3A_282] : memref<60000xf32, #tpu.memory_space<vmem>>[vector<16xi32>], vector<16xf32>,
      %swap3A_284 = arith.index_cast %add3A_280 : i32 to index
      %swap3A_285 = tpu.vector_load %arg7[%swap3A_284] {strides = array<i32>} : memref<16384xf32, #tpu.memory_space<vmem>>, vector<16xf32>,
      tpu.vector_store %arg7[%swap3A_284], %gather3A_283 {strides = array<i32>} : memref<16384xf32, #tpu.memory_space<vmem>>, vector<16xf32>,
      %add3A_286 = arith.constant 96 : i32
      %add3A_287 = arith.addi %mul3A_246, %add3A_286 : i32
      %get3A_288 = arith.index_cast %add3A_287 : i32 to index
      %get3A_289 = tpu.vector_load %arg5[%get3A_288] {strides = array<i32>} : memref<16384xi32, #tpu.memory_space<vmem>>, vector<16xi32>,
      %gather3A_290 = tpu.vector_load_idx %arg6[%get3A_289] : memref<60000xf32, #tpu.memory_space<vmem>>[vector<16xi32>], vector<16xf32>,
      %swap3A_291 = arith.index_cast %add3A_287 : i32 to index
      %swap3A_292 = tpu.vector_load %arg7[%swap3A_291] {strides = array<i32>} : memref<16384xf32, #tpu.memory_space<vmem>>, vector<16xf32>,
      tpu.vector_store %arg7[%swap3A_291], %gather3A_290 {strides = array<i32>} : memref<16384xf32, #tpu.memory_space<vmem>>, vector<16xf32>,
      %add3A_293 = arith.constant 112 : i32
      %add3A_294 = arith.addi %mul3A_246, %add3A_293 : i32
      %get3A_295 = arith.index_cast %add3A_294 : i32 to index
      %get3A_296 = tpu.vector_load %arg5[%get3A_295] {strides = array<i32>} : memref<16384xi32, #tpu.memory_space<vmem>>, vector<16xi32>,
      %gather3A_297 = tpu.vector_load_idx %arg6[%get3A_296] : memref<60000xf32, #tpu.memory_space<vmem>>[vector<16xi32>], vector<16xf32>,
      %swap3A_298 = arith.index_cast %add3A_294 : i32 to index
      %swap3A_299 = tpu.vector_load %arg7[%swap3A_298] {strides = array<i32>} : memref<16384xf32, #tpu.memory_space<vmem>>, vector<16xf32>,
      tpu.vector_store %arg7[%swap3A_298], %gather3A_297 {strides = array<i32>} : memref<16384xf32, #tpu.memory_space<vmem>>, vector<16xf32>,
    }
    %scan3A_17 = arith.constant 128 : i32
    %mul3A_18 = arith.constant 16384 : i32
    %mul3A_19 = arith.muli %add3A_11, %mul3A_18 : i32
    "tpu.region"() ({
      %run_scoped3A = tpu.sem_alloc : memref<!tpu.dma_semaphore, #tpu.memory_space<semaphore_mem>>
      %dma_start3A = tpu.memref_slice %arg4[%mul3A_19] : memref<12845056xf32, #tpu.memory_space<hbm>> -> memref<16384xf32, #tpu.memory_space<hbm>>
      %dma_start3A_244 = tpu.memref_slice %arg4[%mul3A_19] : memref<12845056xf32, #tpu.memory_space<hbm>> -> memref<16384xf32, #tpu.memory_space<hbm>>
      tpu.enqueue_dma source(%arg7 : memref<16384xf32, #tpu.memory_space<vmem>>) target(%dma_start3A_244 : memref<16384xf32, #tpu.memory_space<hbm>>) target_semaphore(%run_scoped3A : memref<!tpu.dma_semaphore, #tpu.memory_space<semaphore_mem>>)
      %dma_wait3A = tpu.memref_slice %arg4[%mul3A_19] : memref<12845056xf32, #tpu.memory_space<hbm>> -> memref<16384xf32, #tpu.memory_space<hbm>>
      %dma_wait3A_245 = tpu.memref_slice %arg4[%mul3A_19] : memref<12845056xf32, #tpu.memory_space<hbm>> -> memref<16384xf32, #tpu.memory_space<hbm>>
      tpu.wait_dma2 semaphore(%run_scoped3A : memref<!tpu.dma_semaphore, #tpu.memory_space<semaphore_mem>>) src(%arg7 : memref<16384xf32, #tpu.memory_space<vmem>>) dst(%dma_wait3A_245 : memref<16384xf32, #tpu.memory_space<hbm>>)
      tpu.yield
    }) : () -> ()
    %add3A_20 = arith.constant 64 : i32
    %add3A_21 = arith.addi %add3A, %add3A_20 : i32
    "tpu.region"() ({
      %run_scoped3A = tpu.sem_alloc : memref<!tpu.dma_semaphore, #tpu.memory_space<semaphore_mem>>
      %dma_start3A = arith.constant 0 : i32
      %dma_start3A_244 = tpu.memref_slice %arg2[%add3A_21, %dma_start3A] : memref<784x60000xf32, #tpu.memory_space<hbm>> -> memref<1x60000xf32, #tpu.memory_space<hbm>>
      %dma_start3A_245 = tpu.memref_squeeze %dma_start3A_244 : memref<1x60000xf32, #tpu.memory_space<hbm>> -> memref<60000xf32, #tpu.memory_space<hbm>>
      %dma_start3A_246 = arith.constant 0 : i32
      %dma_start3A_247 = tpu.memref_slice %arg2[%add3A_21, %dma_start3A_246] : memref<784x60000xf32, #tpu.memory_space<hbm>> -> memref<1x60000xf32, #tpu.memory_space<hbm>>
      %dma_start3A_248 = tpu.memref_squeeze %dma_start3A_247 : memref<1x60000xf32, #tpu.memory_space<hbm>> -> memref<60000xf32, #tpu.memory_space<hbm>>
      tpu.enqueue_dma source(%dma_start3A_248 : memref<60000xf32, #tpu.memory_space<hbm>>) target(%arg6 : memref<60000xf32, #tpu.memory_space<vmem>>) target_semaphore(%run_scoped3A : memref<!tpu.dma_semaphore, #tpu.memory_space<semaphore_mem>>)
      %dma_wait3A = arith.constant 0 : i32
      %dma_wait3A_249 = tpu.memref_slice %arg2[%add3A_21, %dma_wait3A] : memref<784x60000xf32, #tpu.memory_space<hbm>> -> memref<1x60000xf32, #tpu.memory_space<hbm>>
      %dma_wait3A_250 = tpu.memref_squeeze %dma_wait3A_249 : memref<1x60000xf32, #tpu.memory_space<hbm>> -> memref<60000xf32, #tpu.memory_space<hbm>>
      %dma_wait3A_251 = arith.constant 0 : i32
      %dma_wait3A_252 = tpu.memref_slice %arg2[%add3A_21, %dma_wait3A_251] : memref<784x60000xf32, #tpu.memory_space<hbm>> -> memref<1x60000xf32, #tpu.memory_space<hbm>>
      %dma_wait3A_253 = tpu.memref_squeeze %dma_wait3A_252 : memref<1x60000xf32, #tpu.memory_space<hbm>> -> memref<60000xf32, #tpu.memory_space<hbm>>
      tpu.wait_dma2 semaphore(%run_scoped3A : memref<!tpu.dma_semaphore, #tpu.memory_space<semaphore_mem>>) src(%dma_wait3A_253 : memref<60000xf32, #tpu.memory_space<hbm>>) dst(%arg6 : memref<60000xf32, #tpu.memory_space<vmem>>)
      tpu.yield
    }) : () -> ()
    %scan3A_22 = arith.constant 0 : i32
    %scan3A_23 = arith.constant 0 : i32
    %scan3A_24 = arith.constant 128 : i32
    %scan3A_25 = arith.addi %scan3A_23, %scan3A_24 : i32
    %scan3A_26 = arith.constant 1 : i32
    scf.for %scan3A_244 = %scan3A_23 to %scan3A_25 step %scan3A_26  : i32 {
      %mul3A_245 = arith.constant 128 : i32
      %mul3A_246 = arith.muli %scan3A_244, %mul3A_245 : i32
      %add3A_247 = arith.constant 0 : i32
      %add3A_248 = arith.addi %mul3A_246, %add3A_247 : i32
      %get3A = arith.index_cast %add3A_248 : i32 to index
      %get3A_249 = tpu.vector_load %arg5[%get3A] {strides = array<i32>} : memref<16384xi32, #tpu.memory_space<vmem>>, vector<16xi32>,
      %gather3A = tpu.vector_load_idx %arg6[%get3A_249] : memref<60000xf32, #tpu.memory_space<vmem>>[vector<16xi32>], vector<16xf32>,
      %swap3A = arith.index_cast %add3A_248 : i32 to index
      %swap3A_250 = tpu.vector_load %arg7[%swap3A] {strides = array<i32>} : memref<16384xf32, #tpu.memory_space<vmem>>, vector<16xf32>,
      tpu.vector_store %arg7[%swap3A], %gather3A {strides = array<i32>} : memref<16384xf32, #tpu.memory_space<vmem>>, vector<16xf32>,
      %add3A_251 = arith.constant 16 : i32
      %add3A_252 = arith.addi %mul3A_246, %add3A_251 : i32
      %get3A_253 = arith.index_cast %add3A_252 : i32 to index
      %get3A_254 = tpu.vector_load %arg5[%get3A_253] {strides = array<i32>} : memref<16384xi32, #tpu.memory_space<vmem>>, vector<16xi32>,
      %gather3A_255 = tpu.vector_load_idx %arg6[%get3A_254] : memref<60000xf32, #tpu.memory_space<vmem>>[vector<16xi32>], vector<16xf32>,
      %swap3A_256 = arith.index_cast %add3A_252 : i32 to index
      %swap3A_257 = tpu.vector_load %arg7[%swap3A_256] {strides = array<i32>} : memref<16384xf32, #tpu.memory_space<vmem>>, vector<16xf32>,
      tpu.vector_store %arg7[%swap3A_256], %gather3A_255 {strides = array<i32>} : memref<16384xf32, #tpu.memory_space<vmem>>, vector<16xf32>,
      %add3A_258 = arith.constant 32 : i32
      %add3A_259 = arith.addi %mul3A_246, %add3A_258 : i32
      %get3A_260 = arith.index_cast %add3A_259 : i32 to index
      %get3A_261 = tpu.vector_load %arg5[%get3A_260] {strides = array<i32>} : memref<16384xi32, #tpu.memory_space<vmem>>, vector<16xi32>,
      %gather3A_262 = tpu.vector_load_idx %arg6[%get3A_261] : memref<60000xf32, #tpu.memory_space<vmem>>[vector<16xi32>], vector<16xf32>,
      %swap3A_263 = arith.index_cast %add3A_259 : i32 to index
      %swap3A_264 = tpu.vector_load %arg7[%swap3A_263] {strides = array<i32>} : memref<16384xf32, #tpu.memory_space<vmem>>, vector<16xf32>,
      tpu.vector_store %arg7[%swap3A_263], %gather3A_262 {strides = array<i32>} : memref<16384xf32, #tpu.memory_space<vmem>>, vector<16xf32>,
      %add3A_265 = arith.constant 48 : i32
      %add3A_266 = arith.addi %mul3A_246, %add3A_265 : i32
      %get3A_267 = arith.index_cast %add3A_266 : i32 to index
      %get3A_268 = tpu.vector_load %arg5[%get3A_267] {strides = array<i32>} : memref<16384xi32, #tpu.memory_space<vmem>>, vector<16xi32>,
      %gather3A_269 = tpu.vector_load_idx %arg6[%get3A_268] : memref<60000xf32, #tpu.memory_space<vmem>>[vector<16xi32>], vector<16xf32>,
      %swap3A_270 = arith.index_cast %add3A_266 : i32 to index
      %swap3A_271 = tpu.vector_load %arg7[%swap3A_270] {strides = array<i32>} : memref<16384xf32, #tpu.memory_space<vmem>>, vector<16xf32>,
      tpu.vector_store %arg7[%swap3A_270], %gather3A_269 {strides = array<i32>} : memref<16384xf32, #tpu.memory_space<vmem>>, vector<16xf32>,
      %add3A_272 = arith.constant 64 : i32
      %add3A_273 = arith.addi %mul3A_246, %add3A_272 : i32
      %get3A_274 = arith.index_cast %add3A_273 : i32 to index
      %get3A_275 = tpu.vector_load %arg5[%get3A_274] {strides = array<i32>} : memref<16384xi32, #tpu.memory_space<vmem>>, vector<16xi32>,
      %gather3A_276 = tpu.vector_load_idx %arg6[%get3A_275] : memref<60000xf32, #tpu.memory_space<vmem>>[vector<16xi32>], vector<16xf32>,
      %swap3A_277 = arith.index_cast %add3A_273 : i32 to index
      %swap3A_278 = tpu.vector_load %arg7[%swap3A_277] {strides = array<i32>} : memref<16384xf32, #tpu.memory_space<vmem>>, vector<16xf32>,
      tpu.vector_store %arg7[%swap3A_277], %gather3A_276 {strides = array<i32>} : memref<16384xf32, #tpu.memory_space<vmem>>, vector<16xf32>,
      %add3A_279 = arith.constant 80 : i32
      %add3A_280 = arith.addi %mul3A_246, %add3A_279 : i32
      %get3A_281 = arith.index_cast %add3A_280 : i32 to index
      %get3A_282 = tpu.vector_load %arg5[%get3A_281] {strides = array<i32>} : memref<16384xi32, #tpu.memory_space<vmem>>, vector<16xi32>,
      %gather3A_283 = tpu.vector_load_idx %arg6[%get3A_282] : memref<60000xf32, #tpu.memory_space<vmem>>[vector<16xi32>], vector<16xf32>,
      %swap3A_284 = arith.index_cast %add3A_280 : i32 to index
      %swap3A_285 = tpu.vector_load %arg7[%swap3A_284] {strides = array<i32>} : memref<16384xf32, #tpu.memory_space<vmem>>, vector<16xf32>,
      tpu.vector_store %arg7[%swap3A_284], %gather3A_283 {strides = array<i32>} : memref<16384xf32, #tpu.memory_space<vmem>>, vector<16xf32>,
      %add3A_286 = arith.constant 96 : i32
      %add3A_287 = arith.addi %mul3A_246, %add3A_286 : i32
      %get3A_288 = arith.index_cast %add3A_287 : i32 to index
      %get3A_289 = tpu.vector_load %arg5[%get3A_288] {strides = array<i32>} : memref<16384xi32, #tpu.memory_space<vmem>>, vector<16xi32>,
      %gather3A_290 = tpu.vector_load_idx %arg6[%get3A_289] : memref<60000xf32, #tpu.memory_space<vmem>>[vector<16xi32>], vector<16xf32>,
      %swap3A_291 = arith.index_cast %add3A_287 : i32 to index
      %swap3A_292 = tpu.vector_load %arg7[%swap3A_291] {strides = array<i32>} : memref<16384xf32, #tpu.memory_space<vmem>>, vector<16xf32>,
      tpu.vector_store %arg7[%swap3A_291], %gather3A_290 {strides = array<i32>} : memref<16384xf32, #tpu.memory_space<vmem>>, vector<16xf32>,
      %add3A_293 = arith.constant 112 : i32
      %add3A_294 = arith.addi %mul3A_246, %add3A_293 : i32
      %get3A_295 = arith.index_cast %add3A_294 : i32 to index
      %get3A_296 = tpu.vector_load %arg5[%get3A_295] {strides = array<i32>} : memref<16384xi32, #tpu.memory_space<vmem>>, vector<16xi32>,
      %gather3A_297 = tpu.vector_load_idx %arg6[%get3A_296] : memref<60000xf32, #tpu.memory_space<vmem>>[vector<16xi32>], vector<16xf32>,
      %swap3A_298 = arith.index_cast %add3A_294 : i32 to index
      %swap3A_299 = tpu.vector_load %arg7[%swap3A_298] {strides = array<i32>} : memref<16384xf32, #tpu.memory_space<vmem>>, vector<16xf32>,
      tpu.vector_store %arg7[%swap3A_298], %gather3A_297 {strides = array<i32>} : memref<16384xf32, #tpu.memory_space<vmem>>, vector<16xf32>,
    }
    %scan3A_27 = arith.constant 128 : i32
    %mul3A_28 = arith.constant 16384 : i32
    %mul3A_29 = arith.muli %add3A_21, %mul3A_28 : i32
    "tpu.region"() ({
      %run_scoped3A = tpu.sem_alloc : memref<!tpu.dma_semaphore, #tpu.memory_space<semaphore_mem>>
      %dma_start3A = tpu.memref_slice %arg4[%mul3A_29] : memref<12845056xf32, #tpu.memory_space<hbm>> -> memref<16384xf32, #tpu.memory_space<hbm>>
      %dma_start3A_244 = tpu.memref_slice %arg4[%mul3A_29] : memref<12845056xf32, #tpu.memory_space<hbm>> -> memref<16384xf32, #tpu.memory_space<hbm>>
      tpu.enqueue_dma source(%arg7 : memref<16384xf32, #tpu.memory_space<vmem>>) target(%dma_start3A_244 : memref<16384xf32, #tpu.memory_space<hbm>>) target_semaphore(%run_scoped3A : memref<!tpu.dma_semaphore, #tpu.memory_space<semaphore_mem>>)
      %dma_wait3A = tpu.memref_slice %arg4[%mul3A_29] : memref<12845056xf32, #tpu.memory_space<hbm>> -> memref<16384xf32, #tpu.memory_space<hbm>>
      %dma_wait3A_245 = tpu.memref_slice %arg4[%mul3A_29] : memref<12845056xf32, #tpu.memory_space<hbm>> -> memref<16384xf32, #tpu.memory_space<hbm>>
      tpu.wait_dma2 semaphore(%run_scoped3A : memref<!tpu.dma_semaphore, #tpu.memory_space<semaphore_mem>>) src(%arg7 : memref<16384xf32, #tpu.memory_space<vmem>>) dst(%dma_wait3A_245 : memref<16384xf32, #tpu.memory_space<hbm>>)
      tpu.yield
    }) : () -> ()
    %add3A_30 = arith.constant 96 : i32
    %add3A_31 = arith.addi %add3A, %add3A_30 : i32
    "tpu.region"() ({
      %run_scoped3A = tpu.sem_alloc : memref<!tpu.dma_semaphore, #tpu.memory_space<semaphore_mem>>
      %dma_start3A = arith.constant 0 : i32
      %dma_start3A_244 = tpu.memref_slice %arg2[%add3A_31, %dma_start3A] : memref<784x60000xf32, #tpu.memory_space<hbm>> -> memref<1x60000xf32, #tpu.memory_space<hbm>>
      %dma_start3A_245 = tpu.memref_squeeze %dma_start3A_244 : memref<1x60000xf32, #tpu.memory_space<hbm>> -> memref<60000xf32, #tpu.memory_space<hbm>>
      %dma_start3A_246 = arith.constant 0 : i32
      %dma_start3A_247 = tpu.memref_slice %arg2[%add3A_31, %dma_start3A_246] : memref<784x60000xf32, #tpu.memory_space<hbm>> -> memref<1x60000xf32, #tpu.memory_space<hbm>>
      %dma_start3A_248 = tpu.memref_squeeze %dma_start3A_247 : memref<1x60000xf32, #tpu.memory_space<hbm>> -> memref<60000xf32, #tpu.memory_space<hbm>>
      tpu.enqueue_dma source(%dma_start3A_248 : memref<60000xf32, #tpu.memory_space<hbm>>) target(%arg6 : memref<60000xf32, #tpu.memory_space<vmem>>) target_semaphore(%run_scoped3A : memref<!tpu.dma_semaphore, #tpu.memory_space<semaphore_mem>>)
      %dma_wait3A = arith.constant 0 : i32
      %dma_wait3A_249 = tpu.memref_slice %arg2[%add3A_31, %dma_wait3A] : memref<784x60000xf32, #tpu.memory_space<hbm>> -> memref<1x60000xf32, #tpu.memory_space<hbm>>
      %dma_wait3A_250 = tpu.memref_squeeze %dma_wait3A_249 : memref<1x60000xf32, #tpu.memory_space<hbm>> -> memref<60000xf32, #tpu.memory_space<hbm>>
      %dma_wait3A_251 = arith.constant 0 : i32
      %dma_wait3A_252 = tpu.memref_slice %arg2[%add3A_31, %dma_wait3A_251] : memref<784x60000xf32, #tpu.memory_space<hbm>> -> memref<1x60000xf32, #tpu.memory_space<hbm>>
      %dma_wait3A_253 = tpu.memref_squeeze %dma_wait3A_252 : memref<1x60000xf32, #tpu.memory_space<hbm>> -> memref<60000xf32, #tpu.memory_space<hbm>>
      tpu.wait_dma2 semaphore(%run_scoped3A : memref<!tpu.dma_semaphore, #tpu.memory_space<semaphore_mem>>) src(%dma_wait3A_253 : memref<60000xf32, #tpu.memory_space<hbm>>) dst(%arg6 : memref<60000xf32, #tpu.memory_space<vmem>>)
      tpu.yield
    }) : () -> ()
    %scan3A_32 = arith.constant 0 : i32
    %scan3A_33 = arith.constant 0 : i32
    %scan3A_34 = arith.constant 128 : i32
    %scan3A_35 = arith.addi %scan3A_33, %scan3A_34 : i32
    %scan3A_36 = arith.constant 1 : i32
    scf.for %scan3A_244 = %scan3A_33 to %scan3A_35 step %scan3A_36  : i32 {
      %mul3A_245 = arith.constant 128 : i32
      %mul3A_246 = arith.muli %scan3A_244, %mul3A_245 : i32
      %add3A_247 = arith.constant 0 : i32
      %add3A_248 = arith.addi %mul3A_246, %add3A_247 : i32
      %get3A = arith.index_cast %add3A_248 : i32 to index
      %get3A_249 = tpu.vector_load %arg5[%get3A] {strides = array<i32>} : memref<16384xi32, #tpu.memory_space<vmem>>, vector<16xi32>,
      %gather3A = tpu.vector_load_idx %arg6[%get3A_249] : memref<60000xf32, #tpu.memory_space<vmem>>[vector<16xi32>], vector<16xf32>,
      %swap3A = arith.index_cast %add3A_248 : i32 to index
      %swap3A_250 = tpu.vector_load %arg7[%swap3A] {strides = array<i32>} : memref<16384xf32, #tpu.memory_space<vmem>>, vector<16xf32>,
      tpu.vector_store %arg7[%swap3A], %gather3A {strides = array<i32>} : memref<16384xf32, #tpu.memory_space<vmem>>, vector<16xf32>,
      %add3A_251 = arith.constant 16 : i32
      %add3A_252 = arith.addi %mul3A_246, %add3A_251 : i32
      %get3A_253 = arith.index_cast %add3A_252 : i32 to index
      %get3A_254 = tpu.vector_load %arg5[%get3A_253] {strides = array<i32>} : memref<16384xi32, #tpu.memory_space<vmem>>, vector<16xi32>,
      %gather3A_255 = tpu.vector_load_idx %arg6[%get3A_254] : memref<60000xf32, #tpu.memory_space<vmem>>[vector<16xi32>], vector<16xf32>,
      %swap3A_256 = arith.index_cast %add3A_252 : i32 to index
      %swap3A_257 = tpu.vector_load %arg7[%swap3A_256] {strides = array<i32>} : memref<16384xf32, #tpu.memory_space<vmem>>, vector<16xf32>,
      tpu.vector_store %arg7[%swap3A_256], %gather3A_255 {strides = array<i32>} : memref<16384xf32, #tpu.memory_space<vmem>>, vector<16xf32>,
      %add3A_258 = arith.constant 32 : i32
      %add3A_259 = arith.addi %mul3A_246, %add3A_258 : i32
      %get3A_260 = arith.index_cast %add3A_259 : i32 to index
      %get3A_261 = tpu.vector_load %arg5[%get3A_260] {strides = array<i32>} : memref<16384xi32, #tpu.memory_space<vmem>>, vector<16xi32>,
      %gather3A_262 = tpu.vector_load_idx %arg6[%get3A_261] : memref<60000xf32, #tpu.memory_space<vmem>>[vector<16xi32>], vector<16xf32>,
      %swap3A_263 = arith.index_cast %add3A_259 : i32 to index
      %swap3A_264 = tpu.vector_load %arg7[%swap3A_263] {strides = array<i32>} : memref<16384xf32, #tpu.memory_space<vmem>>, vector<16xf32>,
      tpu.vector_store %arg7[%swap3A_263], %gather3A_262 {strides = array<i32>} : memref<16384xf32, #tpu.memory_space<vmem>>, vector<16xf32>,
      %add3A_265 = arith.constant 48 : i32
      %add3A_266 = arith.addi %mul3A_246, %add3A_265 : i32
      %get3A_267 = arith.index_cast %add3A_266 : i32 to index
      %get3A_268 = tpu.vector_load %arg5[%get3A_267] {strides = array<i32>} : memref<16384xi32, #tpu.memory_space<vmem>>, vector<16xi32>,
      %gather3A_269 = tpu.vector_load_idx %arg6[%get3A_268] : memref<60000xf32, #tpu.memory_space<vmem>>[vector<16xi32>], vector<16xf32>,
      %swap3A_270 = arith.index_cast %add3A_266 : i32 to index
      %swap3A_271 = tpu.vector_load %arg7[%swap3A_270] {strides = array<i32>} : memref<16384xf32, #tpu.memory_space<vmem>>, vector<16xf32>,
      tpu.vector_store %arg7[%swap3A_270], %gather3A_269 {strides = array<i32>} : memref<16384xf32, #tpu.memory_space<vmem>>, vector<16xf32>,
      %add3A_272 = arith.constant 64 : i32
      %add3A_273 = arith.addi %mul3A_246, %add3A_272 : i32
      %get3A_274 = arith.index_cast %add3A_273 : i32 to index
      %get3A_275 = tpu.vector_load %arg5[%get3A_274] {strides = array<i32>} : memref<16384xi32, #tpu.memory_space<vmem>>, vector<16xi32>,
      %gather3A_276 = tpu.vector_load_idx %arg6[%get3A_275] : memref<60000xf32, #tpu.memory_space<vmem>>[vector<16xi32>], vector<16xf32>,
      %swap3A_277 = arith.index_cast %add3A_273 : i32 to index
      %swap3A_278 = tpu.vector_load %arg7[%swap3A_277] {strides = array<i32>} : memref<16384xf32, #tpu.memory_space<vmem>>, vector<16xf32>,
      tpu.vector_store %arg7[%swap3A_277], %gather3A_276 {strides = array<i32>} : memref<16384xf32, #tpu.memory_space<vmem>>, vector<16xf32>,
      %add3A_279 = arith.constant 80 : i32
      %add3A_280 = arith.addi %mul3A_246, %add3A_279 : i32
      %get3A_281 = arith.index_cast %add3A_280 : i32 to index
      %get3A_282 = tpu.vector_load %arg5[%get3A_281] {strides = array<i32>} : memref<16384xi32, #tpu.memory_space<vmem>>, vector<16xi32>,
      %gather3A_283 = tpu.vector_load_idx %arg6[%get3A_282] : memref<60000xf32, #tpu.memory_space<vmem>>[vector<16xi32>], vector<16xf32>,
      %swap3A_284 = arith.index_cast %add3A_280 : i32 to index
      %swap3A_285 = tpu.vector_load %arg7[%swap3A_284] {strides = array<i32>} : memref<16384xf32, #tpu.memory_space<vmem>>, vector<16xf32>,
      tpu.vector_store %arg7[%swap3A_284], %gather3A_283 {strides = array<i32>} : memref<16384xf32, #tpu.memory_space<vmem>>, vector<16xf32>,
      %add3A_286 = arith.constant 96 : i32
      %add3A_287 = arith.addi %mul3A_246, %add3A_286 : i32
      %get3A_288 = arith.index_cast %add3A_287 : i32 to index
      %get3A_289 = tpu.vector_load %arg5[%get3A_288] {strides = array<i32>} : memref<16384xi32, #tpu.memory_space<vmem>>, vector<16xi32>,
      %gather3A_290 = tpu.vector_load_idx %arg6[%get3A_289] : memref<60000xf32, #tpu.memory_space<vmem>>[vector<16xi32>], vector<16xf32>,
      %swap3A_291 = arith.index_cast %add3A_287 : i32 to index
      %swap3A_292 = tpu.vector_load %arg7[%swap3A_291] {strides = array<i32>} : memref<16384xf32, #tpu.memory_space<vmem>>, vector<16xf32>,
      tpu.vector_store %arg7[%swap3A_291], %gather3A_290 {strides = array<i32>} : memref<16384xf32, #tpu.memory_space<vmem>>, vector<16xf32>,
      %add3A_293 = arith.constant 112 : i32
      %add3A_294 = arith.addi %mul3A_246, %add3A_293 : i32
      %get3A_295 = arith.index_cast %add3A_294 : i32 to index
      %get3A_296 = tpu.vector_load %arg5[%get3A_295] {strides = array<i32>} : memref<16384xi32, #tpu.memory_space<vmem>>, vector<16xi32>,
      %gather3A_297 = tpu.vector_load_idx %arg6[%get3A_296] : memref<60000xf32, #tpu.memory_space<vmem>>[vector<16xi32>], vector<16xf32>,
      %swap3A_298 = arith.index_cast %add3A_294 : i32 to index
      %swap3A_299 = tpu.vector_load %arg7[%swap3A_298] {strides = array<i32>} : memref<16384xf32, #tpu.memory_space<vmem>>, vector<16xf32>,
      tpu.vector_store %arg7[%swap3A_298], %gather3A_297 {strides = array<i32>} : memref<16384xf32, #tpu.memory_space<vmem>>, vector<16xf32>,
    }
    %scan3A_37 = arith.constant 128 : i32
    %mul3A_38 = arith.constant 16384 : i32
    %mul3A_39 = arith.muli %add3A_31, %mul3A_38 : i32
    "tpu.region"() ({
      %run_scoped3A = tpu.sem_alloc : memref<!tpu.dma_semaphore, #tpu.memory_space<semaphore_mem>>
      %dma_start3A = tpu.memref_slice %arg4[%mul3A_39] : memref<12845056xf32, #tpu.memory_space<hbm>> -> memref<16384xf32, #tpu.memory_space<hbm>>
      %dma_start3A_244 = tpu.memref_slice %arg4[%mul3A_39] : memref<12845056xf32, #tpu.memory_space<hbm>> -> memref<16384xf32, #tpu.memory_space<hbm>>
      tpu.enqueue_dma source(%arg7 : memref<16384xf32, #tpu.memory_space<vmem>>) target(%dma_start3A_244 : memref<16384xf32, #tpu.memory_space<hbm>>) target_semaphore(%run_scoped3A : memref<!tpu.dma_semaphore, #tpu.memory_space<semaphore_mem>>)
      %dma_wait3A = tpu.memref_slice %arg4[%mul3A_39] : memref<12845056xf32, #tpu.memory_space<hbm>> -> memref<16384xf32, #tpu.memory_space<hbm>>
      %dma_wait3A_245 = tpu.memref_slice %arg4[%mul3A_39] : memref<12845056xf32, #tpu.memory_space<hbm>> -> memref<16384xf32, #tpu.memory_space<hbm>>
      tpu.wait_dma2 semaphore(%run_scoped3A : memref<!tpu.dma_semaphore, #tpu.memory_space<semaphore_mem>>) src(%arg7 : memref<16384xf32, #tpu.memory_space<vmem>>) dst(%dma_wait3A_245 : memref<16384xf32, #tpu.memory_space<hbm>>)
      tpu.yield
    }) : () -> ()
    %add3A_40 = arith.constant 128 : i32
    %add3A_41 = arith.addi %add3A, %add3A_40 : i32
    "tpu.region"() ({
      %run_scoped3A = tpu.sem_alloc : memref<!tpu.dma_semaphore, #tpu.memory_space<semaphore_mem>>
      %dma_start3A = arith.constant 0 : i32
      %dma_start3A_244 = tpu.memref_slice %arg2[%add3A_41, %dma_start3A] : memref<784x60000xf32, #tpu.memory_space<hbm>> -> memref<1x60000xf32, #tpu.memory_space<hbm>>
      %dma_start3A_245 = tpu.memref_squeeze %dma_start3A_244 : memref<1x60000xf32, #tpu.memory_space<hbm>> -> memref<60000xf32, #tpu.memory_space<hbm>>
      %dma_start3A_246 = arith.constant 0 : i32
      %dma_start3A_247 = tpu.memref_slice %arg2[%add3A_41, %dma_start3A_246] : memref<784x60000xf32, #tpu.memory_space<hbm>> -> memref<1x60000xf32, #tpu.memory_space<hbm>>
      %dma_start3A_248 = tpu.memref_squeeze %dma_start3A_247 : memref<1x60000xf32, #tpu.memory_space<hbm>> -> memref<60000xf32, #tpu.memory_space<hbm>>
      tpu.enqueue_dma source(%dma_start3A_248 : memref<60000xf32, #tpu.memory_space<hbm>>) target(%arg6 : memref<60000xf32, #tpu.memory_space<vmem>>) target_semaphore(%run_scoped3A : memref<!tpu.dma_semaphore, #tpu.memory_space<semaphore_mem>>)
      %dma_wait3A = arith.constant 0 : i32
      %dma_wait3A_249 = tpu.memref_slice %arg2[%add3A_41, %dma_wait3A] : memref<784x60000xf32, #tpu.memory_space<hbm>> -> memref<1x60000xf32, #tpu.memory_space<hbm>>
      %dma_wait3A_250 = tpu.memref_squeeze %dma_wait3A_249 : memref<1x60000xf32, #tpu.memory_space<hbm>> -> memref<60000xf32, #tpu.memory_space<hbm>>
      %dma_wait3A_251 = arith.constant 0 : i32
      %dma_wait3A_252 = tpu.memref_slice %arg2[%add3A_41, %dma_wait3A_251] : memref<784x60000xf32, #tpu.memory_space<hbm>> -> memref<1x60000xf32, #tpu.memory_space<hbm>>
      %dma_wait3A_253 = tpu.memref_squeeze %dma_wait3A_252 : memref<1x60000xf32, #tpu.memory_space<hbm>> -> memref<60000xf32, #tpu.memory_space<hbm>>
      tpu.wait_dma2 semaphore(%run_scoped3A : memref<!tpu.dma_semaphore, #tpu.memory_space<semaphore_mem>>) src(%dma_wait3A_253 : memref<60000xf32, #tpu.memory_space<hbm>>) dst(%arg6 : memref<60000xf32, #tpu.memory_space<vmem>>)
      tpu.yield
    }) : () -> ()
    %scan3A_42 = arith.constant 0 : i32
    %scan3A_43 = arith.constant 0 : i32
    %scan3A_44 = arith.constant 128 : i32
    %scan3A_45 = arith.addi %scan3A_43, %scan3A_44 : i32
    %scan3A_46 = arith.constant 1 : i32
    scf.for %scan3A_244 = %scan3A_43 to %scan3A_45 step %scan3A_46  : i32 {
      %mul3A_245 = arith.constant 128 : i32
      %mul3A_246 = arith.muli %scan3A_244, %mul3A_245 : i32
      %add3A_247 = arith.constant 0 : i32
      %add3A_248 = arith.addi %mul3A_246, %add3A_247 : i32
      %get3A = arith.index_cast %add3A_248 : i32 to index
      %get3A_249 = tpu.vector_load %arg5[%get3A] {strides = array<i32>} : memref<16384xi32, #tpu.memory_space<vmem>>, vector<16xi32>,
      %gather3A = tpu.vector_load_idx %arg6[%get3A_249] : memref<60000xf32, #tpu.memory_space<vmem>>[vector<16xi32>], vector<16xf32>,
      %swap3A = arith.index_cast %add3A_248 : i32 to index
      %swap3A_250 = tpu.vector_load %arg7[%swap3A] {strides = array<i32>} : memref<16384xf32, #tpu.memory_space<vmem>>, vector<16xf32>,
      tpu.vector_store %arg7[%swap3A], %gather3A {strides = array<i32>} : memref<16384xf32, #tpu.memory_space<vmem>>, vector<16xf32>,
      %add3A_251 = arith.constant 16 : i32
      %add3A_252 = arith.addi %mul3A_246, %add3A_251 : i32
      %get3A_253 = arith.index_cast %add3A_252 : i32 to index
      %get3A_254 = tpu.vector_load %arg5[%get3A_253] {strides = array<i32>} : memref<16384xi32, #tpu.memory_space<vmem>>, vector<16xi32>,
      %gather3A_255 = tpu.vector_load_idx %arg6[%get3A_254] : memref<60000xf32, #tpu.memory_space<vmem>>[vector<16xi32>], vector<16xf32>,
      %swap3A_256 = arith.index_cast %add3A_252 : i32 to index
      %swap3A_257 = tpu.vector_load %arg7[%swap3A_256] {strides = array<i32>} : memref<16384xf32, #tpu.memory_space<vmem>>, vector<16xf32>,
      tpu.vector_store %arg7[%swap3A_256], %gather3A_255 {strides = array<i32>} : memref<16384xf32, #tpu.memory_space<vmem>>, vector<16xf32>,
      %add3A_258 = arith.constant 32 : i32
      %add3A_259 = arith.addi %mul3A_246, %add3A_258 : i32
      %get3A_260 = arith.index_cast %add3A_259 : i32 to index
      %get3A_261 = tpu.vector_load %arg5[%get3A_260] {strides = array<i32>} : memref<16384xi32, #tpu.memory_space<vmem>>, vector<16xi32>,
      %gather3A_262 = tpu.vector_load_idx %arg6[%get3A_261] : memref<60000xf32, #tpu.memory_space<vmem>>[vector<16xi32>], vector<16xf32>,
      %swap3A_263 = arith.index_cast %add3A_259 : i32 to index
      %swap3A_264 = tpu.vector_load %arg7[%swap3A_263] {strides = array<i32>} : memref<16384xf32, #tpu.memory_space<vmem>>, vector<16xf32>,
      tpu.vector_store %arg7[%swap3A_263], %gather3A_262 {strides = array<i32>} : memref<16384xf32, #tpu.memory_space<vmem>>, vector<16xf32>,
      %add3A_265 = arith.constant 48 : i32
      %add3A_266 = arith.addi %mul3A_246, %add3A_265 : i32
      %get3A_267 = arith.index_cast %add3A_266 : i32 to index
      %get3A_268 = tpu.vector_load %arg5[%get3A_267] {strides = array<i32>} : memref<16384xi32, #tpu.memory_space<vmem>>, vector<16xi32>,
      %gather3A_269 = tpu.vector_load_idx %arg6[%get3A_268] : memref<60000xf32, #tpu.memory_space<vmem>>[vector<16xi32>], vector<16xf32>,
      %swap3A_270 = arith.index_cast %add3A_266 : i32 to index
      %swap3A_271 = tpu.vector_load %arg7[%swap3A_270] {strides = array<i32>} : memref<16384xf32, #tpu.memory_space<vmem>>, vector<16xf32>,
      tpu.vector_store %arg7[%swap3A_270], %gather3A_269 {strides = array<i32>} : memref<16384xf32, #tpu.memory_space<vmem>>, vector<16xf32>,
      %add3A_272 = arith.constant 64 : i32
      %add3A_273 = arith.addi %mul3A_246, %add3A_272 : i32
      %get3A_274 = arith.index_cast %add3A_273 : i32 to index
      %get3A_275 = tpu.vector_load %arg5[%get3A_274] {strides = array<i32>} : memref<16384xi32, #tpu.memory_space<vmem>>, vector<16xi32>,
      %gather3A_276 = tpu.vector_load_idx %arg6[%get3A_275] : memref<60000xf32, #tpu.memory_space<vmem>>[vector<16xi32>], vector<16xf32>,
      %swap3A_277 = arith.index_cast %add3A_273 : i32 to index
      %swap3A_278 = tpu.vector_load %arg7[%swap3A_277] {strides = array<i32>} : memref<16384xf32, #tpu.memory_space<vmem>>, vector<16xf32>,
      tpu.vector_store %arg7[%swap3A_277], %gather3A_276 {strides = array<i32>} : memref<16384xf32, #tpu.memory_space<vmem>>, vector<16xf32>,
      %add3A_279 = arith.constant 80 : i32
      %add3A_280 = arith.addi %mul3A_246, %add3A_279 : i32
      %get3A_281 = arith.index_cast %add3A_280 : i32 to index
      %get3A_282 = tpu.vector_load %arg5[%get3A_281] {strides = array<i32>} : memref<16384xi32, #tpu.memory_space<vmem>>, vector<16xi32>,
      %gather3A_283 = tpu.vector_load_idx %arg6[%get3A_282] : memref<60000xf32, #tpu.memory_space<vmem>>[vector<16xi32>], vector<16xf32>,
      %swap3A_284 = arith.index_cast %add3A_280 : i32 to index
      %swap3A_285 = tpu.vector_load %arg7[%swap3A_284] {strides = array<i32>} : memref<16384xf32, #tpu.memory_space<vmem>>, vector<16xf32>,
      tpu.vector_store %arg7[%swap3A_284], %gather3A_283 {strides = array<i32>} : memref<16384xf32, #tpu.memory_space<vmem>>, vector<16xf32>,
      %add3A_286 = arith.constant 96 : i32
      %add3A_287 = arith.addi %mul3A_246, %add3A_286 : i32
      %get3A_288 = arith.index_cast %add3A_287 : i32 to index
      %get3A_289 = tpu.vector_load %arg5[%get3A_288] {strides = array<i32>} : memref<16384xi32, #tpu.memory_space<vmem>>, vector<16xi32>,
      %gather3A_290 = tpu.vector_load_idx %arg6[%get3A_289] : memref<60000xf32, #tpu.memory_space<vmem>>[vector<16xi32>], vector<16xf32>,
      %swap3A_291 = arith.index_cast %add3A_287 : i32 to index
      %swap3A_292 = tpu.vector_load %arg7[%swap3A_291] {strides = array<i32>} : memref<16384xf32, #tpu.memory_space<vmem>>, vector<16xf32>,
      tpu.vector_store %arg7[%swap3A_291], %gather3A_290 {strides = array<i32>} : memref<16384xf32, #tpu.memory_space<vmem>>, vector<16xf32>,
      %add3A_293 = arith.constant 112 : i32
      %add3A_294 = arith.addi %mul3A_246, %add3A_293 : i32
      %get3A_295 = arith.index_cast %add3A_294 : i32 to index
      %get3A_296 = tpu.vector_load %arg5[%get3A_295] {strides = array<i32>} : memref<16384xi32, #tpu.memory_space<vmem>>, vector<16xi32>,
      %gather3A_297 = tpu.vector_load_idx %arg6[%get3A_296] : memref<60000xf32, #tpu.memory_space<vmem>>[vector<16xi32>], vector<16xf32>,
      %swap3A_298 = arith.index_cast %add3A_294 : i32 to index
      %swap3A_299 = tpu.vector_load %arg7[%swap3A_298] {strides = array<i32>} : memref<16384xf32, #tpu.memory_space<vmem>>, vector<16xf32>,
      tpu.vector_store %arg7[%swap3A_298], %gather3A_297 {strides = array<i32>} : memref<16384xf32, #tpu.memory_space<vmem>>, vector<16xf32>,
    }
    %scan3A_47 = arith.constant 128 : i32
    %mul3A_48 = arith.constant 16384 : i32
    %mul3A_49 = arith.muli %add3A_41, %mul3A_48 : i32
    "tpu.region"() ({
      %run_scoped3A = tpu.sem_alloc : memref<!tpu.dma_semaphore, #tpu.memory_space<semaphore_mem>>
      %dma_start3A = tpu.memref_slice %arg4[%mul3A_49] : memref<12845056xf32, #tpu.memory_space<hbm>> -> memref<16384xf32, #tpu.memory_space<hbm>>
      %dma_start3A_244 = tpu.memref_slice %arg4[%mul3A_49] : memref<12845056xf32, #tpu.memory_space<hbm>> -> memref<16384xf32, #tpu.memory_space<hbm>>
      tpu.enqueue_dma source(%arg7 : memref<16384xf32, #tpu.memory_space<vmem>>) target(%dma_start3A_244 : memref<16384xf32, #tpu.memory_space<hbm>>) target_semaphore(%run_scoped3A : memref<!tpu.dma_semaphore, #tpu.memory_space<semaphore_mem>>)
      %dma_wait3A = tpu.memref_slice %arg4[%mul3A_49] : memref<12845056xf32, #tpu.memory_space<hbm>> -> memref<16384xf32, #tpu.memory_space<hbm>>
      %dma_wait3A_245 = tpu.memref_slice %arg4[%mul3A_49] : memref<12845056xf32, #tpu.memory_space<hbm>> -> memref<16384xf32, #tpu.memory_space<hbm>>
      tpu.wait_dma2 semaphore(%run_scoped3A : memref<!tpu.dma_semaphore, #tpu.memory_space<semaphore_mem>>) src(%arg7 : memref<16384xf32, #tpu.memory_space<vmem>>) dst(%dma_wait3A_245 : memref<16384xf32, #tpu.memory_space<hbm>>)
      tpu.yield
    }) : () -> ()
    %add3A_50 = arith.constant 160 : i32
    %add3A_51 = arith.addi %add3A, %add3A_50 : i32
    "tpu.region"() ({
      %run_scoped3A = tpu.sem_alloc : memref<!tpu.dma_semaphore, #tpu.memory_space<semaphore_mem>>
      %dma_start3A = arith.constant 0 : i32
      %dma_start3A_244 = tpu.memref_slice %arg2[%add3A_51, %dma_start3A] : memref<784x60000xf32, #tpu.memory_space<hbm>> -> memref<1x60000xf32, #tpu.memory_space<hbm>>
      %dma_start3A_245 = tpu.memref_squeeze %dma_start3A_244 : memref<1x60000xf32, #tpu.memory_space<hbm>> -> memref<60000xf32, #tpu.memory_space<hbm>>
      %dma_start3A_246 = arith.constant 0 : i32
      %dma_start3A_247 = tpu.memref_slice %arg2[%add3A_51, %dma_start3A_246] : memref<784x60000xf32, #tpu.memory_space<hbm>> -> memref<1x60000xf32, #tpu.memory_space<hbm>>
      %dma_start3A_248 = tpu.memref_squeeze %dma_start3A_247 : memref<1x60000xf32, #tpu.memory_space<hbm>> -> memref<60000xf32, #tpu.memory_space<hbm>>
      tpu.enqueue_dma source(%dma_start3A_248 : memref<60000xf32, #tpu.memory_space<hbm>>) target(%arg6 : memref<60000xf32, #tpu.memory_space<vmem>>) target_semaphore(%run_scoped3A : memref<!tpu.dma_semaphore, #tpu.memory_space<semaphore_mem>>)
      %dma_wait3A = arith.constant 0 : i32
      %dma_wait3A_249 = tpu.memref_slice %arg2[%add3A_51, %dma_wait3A] : memref<784x60000xf32, #tpu.memory_space<hbm>> -> memref<1x60000xf32, #tpu.memory_space<hbm>>
      %dma_wait3A_250 = tpu.memref_squeeze %dma_wait3A_249 : memref<1x60000xf32, #tpu.memory_space<hbm>> -> memref<60000xf32, #tpu.memory_space<hbm>>
      %dma_wait3A_251 = arith.constant 0 : i32
      %dma_wait3A_252 = tpu.memref_slice %arg2[%add3A_51, %dma_wait3A_251] : memref<784x60000xf32, #tpu.memory_space<hbm>> -> memref<1x60000xf32, #tpu.memory_space<hbm>>
      %dma_wait3A_253 = tpu.memref_squeeze %dma_wait3A_252 : memref<1x60000xf32, #tpu.memory_space<hbm>> -> memref<60000xf32, #tpu.memory_space<hbm>>
      tpu.wait_dma2 semaphore(%run_scoped3A : memref<!tpu.dma_semaphore, #tpu.memory_space<semaphore_mem>>) src(%dma_wait3A_253 : memref<60000xf32, #tpu.memory_space<hbm>>) dst(%arg6 : memref<60000xf32, #tpu.memory_space<vmem>>)
      tpu.yield
    }) : () -> ()
    %scan3A_52 = arith.constant 0 : i32
    %scan3A_53 = arith.constant 0 : i32
    %scan3A_54 = arith.constant 128 : i32
    %scan3A_55 = arith.addi %scan3A_53, %scan3A_54 : i32
    %scan3A_56 = arith.constant 1 : i32
    scf.for %scan3A_244 = %scan3A_53 to %scan3A_55 step %scan3A_56  : i32 {
      %mul3A_245 = arith.constant 128 : i32
      %mul3A_246 = arith.muli %scan3A_244, %mul3A_245 : i32
      %add3A_247 = arith.constant 0 : i32
      %add3A_248 = arith.addi %mul3A_246, %add3A_247 : i32
      %get3A = arith.index_cast %add3A_248 : i32 to index
      %get3A_249 = tpu.vector_load %arg5[%get3A] {strides = array<i32>} : memref<16384xi32, #tpu.memory_space<vmem>>, vector<16xi32>,
      %gather3A = tpu.vector_load_idx %arg6[%get3A_249] : memref<60000xf32, #tpu.memory_space<vmem>>[vector<16xi32>], vector<16xf32>,
      %swap3A = arith.index_cast %add3A_248 : i32 to index
      %swap3A_250 = tpu.vector_load %arg7[%swap3A] {strides = array<i32>} : memref<16384xf32, #tpu.memory_space<vmem>>, vector<16xf32>,
      tpu.vector_store %arg7[%swap3A], %gather3A {strides = array<i32>} : memref<16384xf32, #tpu.memory_space<vmem>>, vector<16xf32>,
      %add3A_251 = arith.constant 16 : i32
      %add3A_252 = arith.addi %mul3A_246, %add3A_251 : i32
      %get3A_253 = arith.index_cast %add3A_252 : i32 to index
      %get3A_254 = tpu.vector_load %arg5[%get3A_253] {strides = array<i32>} : memref<16384xi32, #tpu.memory_space<vmem>>, vector<16xi32>,
      %gather3A_255 = tpu.vector_load_idx %arg6[%get3A_254] : memref<60000xf32, #tpu.memory_space<vmem>>[vector<16xi32>], vector<16xf32>,
      %swap3A_256 = arith.index_cast %add3A_252 : i32 to index
      %swap3A_257 = tpu.vector_load %arg7[%swap3A_256] {strides = array<i32>} : memref<16384xf32, #tpu.memory_space<vmem>>, vector<16xf32>,
      tpu.vector_store %arg7[%swap3A_256], %gather3A_255 {strides = array<i32>} : memref<16384xf32, #tpu.memory_space<vmem>>, vector<16xf32>,
      %add3A_258 = arith.constant 32 : i32
      %add3A_259 = arith.addi %mul3A_246, %add3A_258 : i32
      %get3A_260 = arith.index_cast %add3A_259 : i32 to index
      %get3A_261 = tpu.vector_load %arg5[%get3A_260] {strides = array<i32>} : memref<16384xi32, #tpu.memory_space<vmem>>, vector<16xi32>,
      %gather3A_262 = tpu.vector_load_idx %arg6[%get3A_261] : memref<60000xf32, #tpu.memory_space<vmem>>[vector<16xi32>], vector<16xf32>,
      %swap3A_263 = arith.index_cast %add3A_259 : i32 to index
      %swap3A_264 = tpu.vector_load %arg7[%swap3A_263] {strides = array<i32>} : memref<16384xf32, #tpu.memory_space<vmem>>, vector<16xf32>,
      tpu.vector_store %arg7[%swap3A_263], %gather3A_262 {strides = array<i32>} : memref<16384xf32, #tpu.memory_space<vmem>>, vector<16xf32>,
      %add3A_265 = arith.constant 48 : i32
      %add3A_266 = arith.addi %mul3A_246, %add3A_265 : i32
      %get3A_267 = arith.index_cast %add3A_266 : i32 to index
      %get3A_268 = tpu.vector_load %arg5[%get3A_267] {strides = array<i32>} : memref<16384xi32, #tpu.memory_space<vmem>>, vector<16xi32>,
      %gather3A_269 = tpu.vector_load_idx %arg6[%get3A_268] : memref<60000xf32, #tpu.memory_space<vmem>>[vector<16xi32>], vector<16xf32>,
      %swap3A_270 = arith.index_cast %add3A_266 : i32 to index
      %swap3A_271 = tpu.vector_load %arg7[%swap3A_270] {strides = array<i32>} : memref<16384xf32, #tpu.memory_space<vmem>>, vector<16xf32>,
      tpu.vector_store %arg7[%swap3A_270], %gather3A_269 {strides = array<i32>} : memref<16384xf32, #tpu.memory_space<vmem>>, vector<16xf32>,
      %add3A_272 = arith.constant 64 : i32
      %add3A_273 = arith.addi %mul3A_246, %add3A_272 : i32
      %get3A_274 = arith.index_cast %add3A_273 : i32 to index
      %get3A_275 = tpu.vector_load %arg5[%get3A_274] {strides = array<i32>} : memref<16384xi32, #tpu.memory_space<vmem>>, vector<16xi32>,
      %gather3A_276 = tpu.vector_load_idx %arg6[%get3A_275] : memref<60000xf32, #tpu.memory_space<vmem>>[vector<16xi32>], vector<16xf32>,
      %swap3A_277 = arith.index_cast %add3A_273 : i32 to index
      %swap3A_278 = tpu.vector_load %arg7[%swap3A_277] {strides = array<i32>} : memref<16384xf32, #tpu.memory_space<vmem>>, vector<16xf32>,
      tpu.vector_store %arg7[%swap3A_277], %gather3A_276 {strides = array<i32>} : memref<16384xf32, #tpu.memory_space<vmem>>, vector<16xf32>,
      %add3A_279 = arith.constant 80 : i32
      %add3A_280 = arith.addi %mul3A_246, %add3A_279 : i32
      %get3A_281 = arith.index_cast %add3A_280 : i32 to index
      %get3A_282 = tpu.vector_load %arg5[%get3A_281] {strides = array<i32>} : memref<16384xi32, #tpu.memory_space<vmem>>, vector<16xi32>,
      %gather3A_283 = tpu.vector_load_idx %arg6[%get3A_282] : memref<60000xf32, #tpu.memory_space<vmem>>[vector<16xi32>], vector<16xf32>,
      %swap3A_284 = arith.index_cast %add3A_280 : i32 to index
      %swap3A_285 = tpu.vector_load %arg7[%swap3A_284] {strides = array<i32>} : memref<16384xf32, #tpu.memory_space<vmem>>, vector<16xf32>,
      tpu.vector_store %arg7[%swap3A_284], %gather3A_283 {strides = array<i32>} : memref<16384xf32, #tpu.memory_space<vmem>>, vector<16xf32>,
      %add3A_286 = arith.constant 96 : i32
      %add3A_287 = arith.addi %mul3A_246, %add3A_286 : i32
      %get3A_288 = arith.index_cast %add3A_287 : i32 to index
      %get3A_289 = tpu.vector_load %arg5[%get3A_288] {strides = array<i32>} : memref<16384xi32, #tpu.memory_space<vmem>>, vector<16xi32>,
      %gather3A_290 = tpu.vector_load_idx %arg6[%get3A_289] : memref<60000xf32, #tpu.memory_space<vmem>>[vector<16xi32>], vector<16xf32>,
      %swap3A_291 = arith.index_cast %add3A_287 : i32 to index
      %swap3A_292 = tpu.vector_load %arg7[%swap3A_291] {strides = array<i32>} : memref<16384xf32, #tpu.memory_space<vmem>>, vector<16xf32>,
      tpu.vector_store %arg7[%swap3A_291], %gather3A_290 {strides = array<i32>} : memref<16384xf32, #tpu.memory_space<vmem>>, vector<16xf32>,
      %add3A_293 = arith.constant 112 : i32
      %add3A_294 = arith.addi %mul3A_246, %add3A_293 : i32
      %get3A_295 = arith.index_cast %add3A_294 : i32 to index
      %get3A_296 = tpu.vector_load %arg5[%get3A_295] {strides = array<i32>} : memref<16384xi32, #tpu.memory_space<vmem>>, vector<16xi32>,
      %gather3A_297 = tpu.vector_load_idx %arg6[%get3A_296] : memref<60000xf32, #tpu.memory_space<vmem>>[vector<16xi32>], vector<16xf32>,
      %swap3A_298 = arith.index_cast %add3A_294 : i32 to index
      %swap3A_299 = tpu.vector_load %arg7[%swap3A_298] {strides = array<i32>} : memref<16384xf32, #tpu.memory_space<vmem>>, vector<16xf32>,
      tpu.vector_store %arg7[%swap3A_298], %gather3A_297 {strides = array<i32>} : memref<16384xf32, #tpu.memory_space<vmem>>, vector<16xf32>,
    }
    %scan3A_57 = arith.constant 128 : i32
    %mul3A_58 = arith.constant 16384 : i32
    %mul3A_59 = arith.muli %add3A_51, %mul3A_58 : i32
    "tpu.region"() ({
      %run_scoped3A = tpu.sem_alloc : memref<!tpu.dma_semaphore, #tpu.memory_space<semaphore_mem>>
      %dma_start3A = tpu.memref_slice %arg4[%mul3A_59] : memref<12845056xf32, #tpu.memory_space<hbm>> -> memref<16384xf32, #tpu.memory_space<hbm>>
      %dma_start3A_244 = tpu.memref_slice %arg4[%mul3A_59] : memref<12845056xf32, #tpu.memory_space<hbm>> -> memref<16384xf32, #tpu.memory_space<hbm>>
      tpu.enqueue_dma source(%arg7 : memref<16384xf32, #tpu.memory_space<vmem>>) target(%dma_start3A_244 : memref<16384xf32, #tpu.memory_space<hbm>>) target_semaphore(%run_scoped3A : memref<!tpu.dma_semaphore, #tpu.memory_space<semaphore_mem>>)
      %dma_wait3A = tpu.memref_slice %arg4[%mul3A_59] : memref<12845056xf32, #tpu.memory_space<hbm>> -> memref<16384xf32, #tpu.memory_space<hbm>>
      %dma_wait3A_245 = tpu.memref_slice %arg4[%mul3A_59] : memref<12845056xf32, #tpu.memory_space<hbm>> -> memref<16384xf32, #tpu.memory_space<hbm>>
      tpu.wait_dma2 semaphore(%run_scoped3A : memref<!tpu.dma_semaphore, #tpu.memory_space<semaphore_mem>>) src(%arg7 : memref<16384xf32, #tpu.memory_space<vmem>>) dst(%dma_wait3A_245 : memref<16384xf32, #tpu.memory_space<hbm>>)
      tpu.yield
    }) : () -> ()
    %add3A_60 = arith.constant 192 : i32
    %add3A_61 = arith.addi %add3A, %add3A_60 : i32
    "tpu.region"() ({
      %run_scoped3A = tpu.sem_alloc : memref<!tpu.dma_semaphore, #tpu.memory_space<semaphore_mem>>
      %dma_start3A = arith.constant 0 : i32
      %dma_start3A_244 = tpu.memref_slice %arg2[%add3A_61, %dma_start3A] : memref<784x60000xf32, #tpu.memory_space<hbm>> -> memref<1x60000xf32, #tpu.memory_space<hbm>>
      %dma_start3A_245 = tpu.memref_squeeze %dma_start3A_244 : memref<1x60000xf32, #tpu.memory_space<hbm>> -> memref<60000xf32, #tpu.memory_space<hbm>>
      %dma_start3A_246 = arith.constant 0 : i32
      %dma_start3A_247 = tpu.memref_slice %arg2[%add3A_61, %dma_start3A_246] : memref<784x60000xf32, #tpu.memory_space<hbm>> -> memref<1x60000xf32, #tpu.memory_space<hbm>>
      %dma_start3A_248 = tpu.memref_squeeze %dma_start3A_247 : memref<1x60000xf32, #tpu.memory_space<hbm>> -> memref<60000xf32, #tpu.memory_space<hbm>>
      tpu.enqueue_dma source(%dma_start3A_248 : memref<60000xf32, #tpu.memory_space<hbm>>) target(%arg6 : memref<60000xf32, #tpu.memory_space<vmem>>) target_semaphore(%run_scoped3A : memref<!tpu.dma_semaphore, #tpu.memory_space<semaphore_mem>>)
      %dma_wait3A = arith.constant 0 : i32
      %dma_wait3A_249 = tpu.memref_slice %arg2[%add3A_61, %dma_wait3A] : memref<784x60000xf32, #tpu.memory_space<hbm>> -> memref<1x60000xf32, #tpu.memory_space<hbm>>
      %dma_wait3A_250 = tpu.memref_squeeze %dma_wait3A_249 : memref<1x60000xf32, #tpu.memory_space<hbm>> -> memref<60000xf32, #tpu.memory_space<hbm>>
      %dma_wait3A_251 = arith.constant 0 : i32
      %dma_wait3A_252 = tpu.memref_slice %arg2[%add3A_61, %dma_wait3A_251] : memref<784x60000xf32, #tpu.memory_space<hbm>> -> memref<1x60000xf32, #tpu.memory_space<hbm>>
      %dma_wait3A_253 = tpu.memref_squeeze %dma_wait3A_252 : memref<1x60000xf32, #tpu.memory_space<hbm>> -> memref<60000xf32, #tpu.memory_space<hbm>>
      tpu.wait_dma2 semaphore(%run_scoped3A : memref<!tpu.dma_semaphore, #tpu.memory_space<semaphore_mem>>) src(%dma_wait3A_253 : memref<60000xf32, #tpu.memory_space<hbm>>) dst(%arg6 : memref<60000xf32, #tpu.memory_space<vmem>>)
      tpu.yield
    }) : () -> ()
    %scan3A_62 = arith.constant 0 : i32
    %scan3A_63 = arith.constant 0 : i32
    %scan3A_64 = arith.constant 128 : i32
    %scan3A_65 = arith.addi %scan3A_63, %scan3A_64 : i32
    %scan3A_66 = arith.constant 1 : i32
    scf.for %scan3A_244 = %scan3A_63 to %scan3A_65 step %scan3A_66  : i32 {
      %mul3A_245 = arith.constant 128 : i32
      %mul3A_246 = arith.muli %scan3A_244, %mul3A_245 : i32
      %add3A_247 = arith.constant 0 : i32
      %add3A_248 = arith.addi %mul3A_246, %add3A_247 : i32
      %get3A = arith.index_cast %add3A_248 : i32 to index
      %get3A_249 = tpu.vector_load %arg5[%get3A] {strides = array<i32>} : memref<16384xi32, #tpu.memory_space<vmem>>, vector<16xi32>,
      %gather3A = tpu.vector_load_idx %arg6[%get3A_249] : memref<60000xf32, #tpu.memory_space<vmem>>[vector<16xi32>], vector<16xf32>,
      %swap3A = arith.index_cast %add3A_248 : i32 to index
      %swap3A_250 = tpu.vector_load %arg7[%swap3A] {strides = array<i32>} : memref<16384xf32, #tpu.memory_space<vmem>>, vector<16xf32>,
      tpu.vector_store %arg7[%swap3A], %gather3A {strides = array<i32>} : memref<16384xf32, #tpu.memory_space<vmem>>, vector<16xf32>,
      %add3A_251 = arith.constant 16 : i32
      %add3A_252 = arith.addi %mul3A_246, %add3A_251 : i32
      %get3A_253 = arith.index_cast %add3A_252 : i32 to index
      %get3A_254 = tpu.vector_load %arg5[%get3A_253] {strides = array<i32>} : memref<16384xi32, #tpu.memory_space<vmem>>, vector<16xi32>,
      %gather3A_255 = tpu.vector_load_idx %arg6[%get3A_254] : memref<60000xf32, #tpu.memory_space<vmem>>[vector<16xi32>], vector<16xf32>,
      %swap3A_256 = arith.index_cast %add3A_252 : i32 to index
      %swap3A_257 = tpu.vector_load %arg7[%swap3A_256] {strides = array<i32>} : memref<16384xf32, #tpu.memory_space<vmem>>, vector<16xf32>,
      tpu.vector_store %arg7[%swap3A_256], %gather3A_255 {strides = array<i32>} : memref<16384xf32, #tpu.memory_space<vmem>>, vector<16xf32>,
      %add3A_258 = arith.constant 32 : i32
      %add3A_259 = arith.addi %mul3A_246, %add3A_258 : i32
      %get3A_260 = arith.index_cast %add3A_259 : i32 to index
      %get3A_261 = tpu.vector_load %arg5[%get3A_260] {strides = array<i32>} : memref<16384xi32, #tpu.memory_space<vmem>>, vector<16xi32>,
      %gather3A_262 = tpu.vector_load_idx %arg6[%get3A_261] : memref<60000xf32, #tpu.memory_space<vmem>>[vector<16xi32>], vector<16xf32>,
      %swap3A_263 = arith.index_cast %add3A_259 : i32 to index
      %swap3A_264 = tpu.vector_load %arg7[%swap3A_263] {strides = array<i32>} : memref<16384xf32, #tpu.memory_space<vmem>>, vector<16xf32>,
      tpu.vector_store %arg7[%swap3A_263], %gather3A_262 {strides = array<i32>} : memref<16384xf32, #tpu.memory_space<vmem>>, vector<16xf32>,
      %add3A_265 = arith.constant 48 : i32
      %add3A_266 = arith.addi %mul3A_246, %add3A_265 : i32
      %get3A_267 = arith.index_cast %add3A_266 : i32 to index
      %get3A_268 = tpu.vector_load %arg5[%get3A_267] {strides = array<i32>} : memref<16384xi32, #tpu.memory_space<vmem>>, vector<16xi32>,
      %gather3A_269 = tpu.vector_load_idx %arg6[%get3A_268] : memref<60000xf32, #tpu.memory_space<vmem>>[vector<16xi32>], vector<16xf32>,
      %swap3A_270 = arith.index_cast %add3A_266 : i32 to index
      %swap3A_271 = tpu.vector_load %arg7[%swap3A_270] {strides = array<i32>} : memref<16384xf32, #tpu.memory_space<vmem>>, vector<16xf32>,
      tpu.vector_store %arg7[%swap3A_270], %gather3A_269 {strides = array<i32>} : memref<16384xf32, #tpu.memory_space<vmem>>, vector<16xf32>,
      %add3A_272 = arith.constant 64 : i32
      %add3A_273 = arith.addi %mul3A_246, %add3A_272 : i32
      %get3A_274 = arith.index_cast %add3A_273 : i32 to index
      %get3A_275 = tpu.vector_load %arg5[%get3A_274] {strides = array<i32>} : memref<16384xi32, #tpu.memory_space<vmem>>, vector<16xi32>,
      %gather3A_276 = tpu.vector_load_idx %arg6[%get3A_275] : memref<60000xf32, #tpu.memory_space<vmem>>[vector<16xi32>], vector<16xf32>,
      %swap3A_277 = arith.index_cast %add3A_273 : i32 to index
      %swap3A_278 = tpu.vector_load %arg7[%swap3A_277] {strides = array<i32>} : memref<16384xf32, #tpu.memory_space<vmem>>, vector<16xf32>,
      tpu.vector_store %arg7[%swap3A_277], %gather3A_276 {strides = array<i32>} : memref<16384xf32, #tpu.memory_space<vmem>>, vector<16xf32>,
      %add3A_279 = arith.constant 80 : i32
      %add3A_280 = arith.addi %mul3A_246, %add3A_279 : i32
      %get3A_281 = arith.index_cast %add3A_280 : i32 to index
      %get3A_282 = tpu.vector_load %arg5[%get3A_281] {strides = array<i32>} : memref<16384xi32, #tpu.memory_space<vmem>>, vector<16xi32>,
      %gather3A_283 = tpu.vector_load_idx %arg6[%get3A_282] : memref<60000xf32, #tpu.memory_space<vmem>>[vector<16xi32>], vector<16xf32>,
      %swap3A_284 = arith.index_cast %add3A_280 : i32 to index
      %swap3A_285 = tpu.vector_load %arg7[%swap3A_284] {strides = array<i32>} : memref<16384xf32, #tpu.memory_space<vmem>>, vector<16xf32>,
      tpu.vector_store %arg7[%swap3A_284], %gather3A_283 {strides = array<i32>} : memref<16384xf32, #tpu.memory_space<vmem>>, vector<16xf32>,
      %add3A_286 = arith.constant 96 : i32
      %add3A_287 = arith.addi %mul3A_246, %add3A_286 : i32
      %get3A_288 = arith.index_cast %add3A_287 : i32 to index
      %get3A_289 = tpu.vector_load %arg5[%get3A_288] {strides = array<i32>} : memref<16384xi32, #tpu.memory_space<vmem>>, vector<16xi32>,
      %gather3A_290 = tpu.vector_load_idx %arg6[%get3A_289] : memref<60000xf32, #tpu.memory_space<vmem>>[vector<16xi32>], vector<16xf32>,
      %swap3A_291 = arith.index_cast %add3A_287 : i32 to index
      %swap3A_292 = tpu.vector_load %arg7[%swap3A_291] {strides = array<i32>} : memref<16384xf32, #tpu.memory_space<vmem>>, vector<16xf32>,
      tpu.vector_store %arg7[%swap3A_291], %gather3A_290 {strides = array<i32>} : memref<16384xf32, #tpu.memory_space<vmem>>, vector<16xf32>,
      %add3A_293 = arith.constant 112 : i32
      %add3A_294 = arith.addi %mul3A_246, %add3A_293 : i32
      %get3A_295 = arith.index_cast %add3A_294 : i32 to index
      %get3A_296 = tpu.vector_load %arg5[%get3A_295] {strides = array<i32>} : memref<16384xi32, #tpu.memory_space<vmem>>, vector<16xi32>,
      %gather3A_297 = tpu.vector_load_idx %arg6[%get3A_296] : memref<60000xf32, #tpu.memory_space<vmem>>[vector<16xi32>], vector<16xf32>,
      %swap3A_298 = arith.index_cast %add3A_294 : i32 to index
      %swap3A_299 = tpu.vector_load %arg7[%swap3A_298] {strides = array<i32>} : memref<16384xf32, #tpu.memory_space<vmem>>, vector<16xf32>,
      tpu.vector_store %arg7[%swap3A_298], %gather3A_297 {strides = array<i32>} : memref<16384xf32, #tpu.memory_space<vmem>>, vector<16xf32>,
    }
    %scan3A_67 = arith.constant 128 : i32
    %mul3A_68 = arith.constant 16384 : i32
    %mul3A_69 = arith.muli %add3A_61, %mul3A_68 : i32
    "tpu.region"() ({
      %run_scoped3A = tpu.sem_alloc : memref<!tpu.dma_semaphore, #tpu.memory_space<semaphore_mem>>
      %dma_start3A = tpu.memref_slice %arg4[%mul3A_69] : memref<12845056xf32, #tpu.memory_space<hbm>> -> memref<16384xf32, #tpu.memory_space<hbm>>
      %dma_start3A_244 = tpu.memref_slice %arg4[%mul3A_69] : memref<12845056xf32, #tpu.memory_space<hbm>> -> memref<16384xf32, #tpu.memory_space<hbm>>
      tpu.enqueue_dma source(%arg7 : memref<16384xf32, #tpu.memory_space<vmem>>) target(%dma_start3A_244 : memref<16384xf32, #tpu.memory_space<hbm>>) target_semaphore(%run_scoped3A : memref<!tpu.dma_semaphore, #tpu.memory_space<semaphore_mem>>)
      %dma_wait3A = tpu.memref_slice %arg4[%mul3A_69] : memref<12845056xf32, #tpu.memory_space<hbm>> -> memref<16384xf32, #tpu.memory_space<hbm>>
      %dma_wait3A_245 = tpu.memref_slice %arg4[%mul3A_69] : memref<12845056xf32, #tpu.memory_space<hbm>> -> memref<16384xf32, #tpu.memory_space<hbm>>
      tpu.wait_dma2 semaphore(%run_scoped3A : memref<!tpu.dma_semaphore, #tpu.memory_space<semaphore_mem>>) src(%arg7 : memref<16384xf32, #tpu.memory_space<vmem>>) dst(%dma_wait3A_245 : memref<16384xf32, #tpu.memory_space<hbm>>)
      tpu.yield
    }) : () -> ()
    %add3A_70 = arith.constant 224 : i32
    %add3A_71 = arith.addi %add3A, %add3A_70 : i32
    "tpu.region"() ({
      %run_scoped3A = tpu.sem_alloc : memref<!tpu.dma_semaphore, #tpu.memory_space<semaphore_mem>>
      %dma_start3A = arith.constant 0 : i32
      %dma_start3A_244 = tpu.memref_slice %arg2[%add3A_71, %dma_start3A] : memref<784x60000xf32, #tpu.memory_space<hbm>> -> memref<1x60000xf32, #tpu.memory_space<hbm>>
      %dma_start3A_245 = tpu.memref_squeeze %dma_start3A_244 : memref<1x60000xf32, #tpu.memory_space<hbm>> -> memref<60000xf32, #tpu.memory_space<hbm>>
      %dma_start3A_246 = arith.constant 0 : i32
      %dma_start3A_247 = tpu.memref_slice %arg2[%add3A_71, %dma_start3A_246] : memref<784x60000xf32, #tpu.memory_space<hbm>> -> memref<1x60000xf32, #tpu.memory_space<hbm>>
      %dma_start3A_248 = tpu.memref_squeeze %dma_start3A_247 : memref<1x60000xf32, #tpu.memory_space<hbm>> -> memref<60000xf32, #tpu.memory_space<hbm>>
      tpu.enqueue_dma source(%dma_start3A_248 : memref<60000xf32, #tpu.memory_space<hbm>>) target(%arg6 : memref<60000xf32, #tpu.memory_space<vmem>>) target_semaphore(%run_scoped3A : memref<!tpu.dma_semaphore, #tpu.memory_space<semaphore_mem>>)
      %dma_wait3A = arith.constant 0 : i32
      %dma_wait3A_249 = tpu.memref_slice %arg2[%add3A_71, %dma_wait3A] : memref<784x60000xf32, #tpu.memory_space<hbm>> -> memref<1x60000xf32, #tpu.memory_space<hbm>>
      %dma_wait3A_250 = tpu.memref_squeeze %dma_wait3A_249 : memref<1x60000xf32, #tpu.memory_space<hbm>> -> memref<60000xf32, #tpu.memory_space<hbm>>
      %dma_wait3A_251 = arith.constant 0 : i32
      %dma_wait3A_252 = tpu.memref_slice %arg2[%add3A_71, %dma_wait3A_251] : memref<784x60000xf32, #tpu.memory_space<hbm>> -> memref<1x60000xf32, #tpu.memory_space<hbm>>
      %dma_wait3A_253 = tpu.memref_squeeze %dma_wait3A_252 : memref<1x60000xf32, #tpu.memory_space<hbm>> -> memref<60000xf32, #tpu.memory_space<hbm>>
      tpu.wait_dma2 semaphore(%run_scoped3A : memref<!tpu.dma_semaphore, #tpu.memory_space<semaphore_mem>>) src(%dma_wait3A_253 : memref<60000xf32, #tpu.memory_space<hbm>>) dst(%arg6 : memref<60000xf32, #tpu.memory_space<vmem>>)
      tpu.yield
    }) : () -> ()
    %scan3A_72 = arith.constant 0 : i32
    %scan3A_73 = arith.constant 0 : i32
    %scan3A_74 = arith.constant 128 : i32
    %scan3A_75 = arith.addi %scan3A_73, %scan3A_74 : i32
    %scan3A_76 = arith.constant 1 : i32
    scf.for %scan3A_244 = %scan3A_73 to %scan3A_75 step %scan3A_76  : i32 {
      %mul3A_245 = arith.constant 128 : i32
      %mul3A_246 = arith.muli %scan3A_244, %mul3A_245 : i32
      %add3A_247 = arith.constant 0 : i32
      %add3A_248 = arith.addi %mul3A_246, %add3A_247 : i32
      %get3A = arith.index_cast %add3A_248 : i32 to index
      %get3A_249 = tpu.vector_load %arg5[%get3A] {strides = array<i32>} : memref<16384xi32, #tpu.memory_space<vmem>>, vector<16xi32>,
      %gather3A = tpu.vector_load_idx %arg6[%get3A_249] : memref<60000xf32, #tpu.memory_space<vmem>>[vector<16xi32>], vector<16xf32>,
      %swap3A = arith.index_cast %add3A_248 : i32 to index
      %swap3A_250 = tpu.vector_load %arg7[%swap3A] {strides = array<i32>} : memref<16384xf32, #tpu.memory_space<vmem>>, vector<16xf32>,
      tpu.vector_store %arg7[%swap3A], %gather3A {strides = array<i32>} : memref<16384xf32, #tpu.memory_space<vmem>>, vector<16xf32>,
      %add3A_251 = arith.constant 16 : i32
      %add3A_252 = arith.addi %mul3A_246, %add3A_251 : i32
      %get3A_253 = arith.index_cast %add3A_252 : i32 to index
      %get3A_254 = tpu.vector_load %arg5[%get3A_253] {strides = array<i32>} : memref<16384xi32, #tpu.memory_space<vmem>>, vector<16xi32>,
      %gather3A_255 = tpu.vector_load_idx %arg6[%get3A_254] : memref<60000xf32, #tpu.memory_space<vmem>>[vector<16xi32>], vector<16xf32>,
      %swap3A_256 = arith.index_cast %add3A_252 : i32 to index
      %swap3A_257 = tpu.vector_load %arg7[%swap3A_256] {strides = array<i32>} : memref<16384xf32, #tpu.memory_space<vmem>>, vector<16xf32>,
      tpu.vector_store %arg7[%swap3A_256], %gather3A_255 {strides = array<i32>} : memref<16384xf32, #tpu.memory_space<vmem>>, vector<16xf32>,
      %add3A_258 = arith.constant 32 : i32
      %add3A_259 = arith.addi %mul3A_246, %add3A_258 : i32
      %get3A_260 = arith.index_cast %add3A_259 : i32 to index
      %get3A_261 = tpu.vector_load %arg5[%get3A_260] {strides = array<i32>} : memref<16384xi32, #tpu.memory_space<vmem>>, vector<16xi32>,
      %gather3A_262 = tpu.vector_load_idx %arg6[%get3A_261] : memref<60000xf32, #tpu.memory_space<vmem>>[vector<16xi32>], vector<16xf32>,
      %swap3A_263 = arith.index_cast %add3A_259 : i32 to index
      %swap3A_264 = tpu.vector_load %arg7[%swap3A_263] {strides = array<i32>} : memref<16384xf32, #tpu.memory_space<vmem>>, vector<16xf32>,
      tpu.vector_store %arg7[%swap3A_263], %gather3A_262 {strides = array<i32>} : memref<16384xf32, #tpu.memory_space<vmem>>, vector<16xf32>,
      %add3A_265 = arith.constant 48 : i32
      %add3A_266 = arith.addi %mul3A_246, %add3A_265 : i32
      %get3A_267 = arith.index_cast %add3A_266 : i32 to index
      %get3A_268 = tpu.vector_load %arg5[%get3A_267] {strides = array<i32>} : memref<16384xi32, #tpu.memory_space<vmem>>, vector<16xi32>,
      %gather3A_269 = tpu.vector_load_idx %arg6[%get3A_268] : memref<60000xf32, #tpu.memory_space<vmem>>[vector<16xi32>], vector<16xf32>,
      %swap3A_270 = arith.index_cast %add3A_266 : i32 to index
      %swap3A_271 = tpu.vector_load %arg7[%swap3A_270] {strides = array<i32>} : memref<16384xf32, #tpu.memory_space<vmem>>, vector<16xf32>,
      tpu.vector_store %arg7[%swap3A_270], %gather3A_269 {strides = array<i32>} : memref<16384xf32, #tpu.memory_space<vmem>>, vector<16xf32>,
      %add3A_272 = arith.constant 64 : i32
      %add3A_273 = arith.addi %mul3A_246, %add3A_272 : i32
      %get3A_274 = arith.index_cast %add3A_273 : i32 to index
      %get3A_275 = tpu.vector_load %arg5[%get3A_274] {strides = array<i32>} : memref<16384xi32, #tpu.memory_space<vmem>>, vector<16xi32>,
      %gather3A_276 = tpu.vector_load_idx %arg6[%get3A_275] : memref<60000xf32, #tpu.memory_space<vmem>>[vector<16xi32>], vector<16xf32>,
      %swap3A_277 = arith.index_cast %add3A_273 : i32 to index
      %swap3A_278 = tpu.vector_load %arg7[%swap3A_277] {strides = array<i32>} : memref<16384xf32, #tpu.memory_space<vmem>>, vector<16xf32>,
      tpu.vector_store %arg7[%swap3A_277], %gather3A_276 {strides = array<i32>} : memref<16384xf32, #tpu.memory_space<vmem>>, vector<16xf32>,
      %add3A_279 = arith.constant 80 : i32
      %add3A_280 = arith.addi %mul3A_246, %add3A_279 : i32
      %get3A_281 = arith.index_cast %add3A_280 : i32 to index
      %get3A_282 = tpu.vector_load %arg5[%get3A_281] {strides = array<i32>} : memref<16384xi32, #tpu.memory_space<vmem>>, vector<16xi32>,
      %gather3A_283 = tpu.vector_load_idx %arg6[%get3A_282] : memref<60000xf32, #tpu.memory_space<vmem>>[vector<16xi32>], vector<16xf32>,
      %swap3A_284 = arith.index_cast %add3A_280 : i32 to index
      %swap3A_285 = tpu.vector_load %arg7[%swap3A_284] {strides = array<i32>} : memref<16384xf32, #tpu.memory_space<vmem>>, vector<16xf32>,
      tpu.vector_store %arg7[%swap3A_284], %gather3A_283 {strides = array<i32>} : memref<16384xf32, #tpu.memory_space<vmem>>, vector<16xf32>,
      %add3A_286 = arith.constant 96 : i32
      %add3A_287 = arith.addi %mul3A_246, %add3A_286 : i32
      %get3A_288 = arith.index_cast %add3A_287 : i32 to index
      %get3A_289 = tpu.vector_load %arg5[%get3A_288] {strides = array<i32>} : memref<16384xi32, #tpu.memory_space<vmem>>, vector<16xi32>,
      %gather3A_290 = tpu.vector_load_idx %arg6[%get3A_289] : memref<60000xf32, #tpu.memory_space<vmem>>[vector<16xi32>], vector<16xf32>,
      %swap3A_291 = arith.index_cast %add3A_287 : i32 to index
      %swap3A_292 = tpu.vector_load %arg7[%swap3A_291] {strides = array<i32>} : memref<16384xf32, #tpu.memory_space<vmem>>, vector<16xf32>,
      tpu.vector_store %arg7[%swap3A_291], %gather3A_290 {strides = array<i32>} : memref<16384xf32, #tpu.memory_space<vmem>>, vector<16xf32>,
      %add3A_293 = arith.constant 112 : i32
      %add3A_294 = arith.addi %mul3A_246, %add3A_293 : i32
      %get3A_295 = arith.index_cast %add3A_294 : i32 to index
      %get3A_296 = tpu.vector_load %arg5[%get3A_295] {strides = array<i32>} : memref<16384xi32, #tpu.memory_space<vmem>>, vector<16xi32>,
      %gather3A_297 = tpu.vector_load_idx %arg6[%get3A_296] : memref<60000xf32, #tpu.memory_space<vmem>>[vector<16xi32>], vector<16xf32>,
      %swap3A_298 = arith.index_cast %add3A_294 : i32 to index
      %swap3A_299 = tpu.vector_load %arg7[%swap3A_298] {strides = array<i32>} : memref<16384xf32, #tpu.memory_space<vmem>>, vector<16xf32>,
      tpu.vector_store %arg7[%swap3A_298], %gather3A_297 {strides = array<i32>} : memref<16384xf32, #tpu.memory_space<vmem>>, vector<16xf32>,
    }
    %scan3A_77 = arith.constant 128 : i32
    %mul3A_78 = arith.constant 16384 : i32
    %mul3A_79 = arith.muli %add3A_71, %mul3A_78 : i32
    "tpu.region"() ({
      %run_scoped3A = tpu.sem_alloc : memref<!tpu.dma_semaphore, #tpu.memory_space<semaphore_mem>>
      %dma_start3A = tpu.memref_slice %arg4[%mul3A_79] : memref<12845056xf32, #tpu.memory_space<hbm>> -> memref<16384xf32, #tpu.memory_space<hbm>>
      %dma_start3A_244 = tpu.memref_slice %arg4[%mul3A_79] : memref<12845056xf32, #tpu.memory_space<hbm>> -> memref<16384xf32, #tpu.memory_space<hbm>>
      tpu.enqueue_dma source(%arg7 : memref<16384xf32, #tpu.memory_space<vmem>>) target(%dma_start3A_244 : memref<16384xf32, #tpu.memory_space<hbm>>) target_semaphore(%run_scoped3A : memref<!tpu.dma_semaphore, #tpu.memory_space<semaphore_mem>>)
      %dma_wait3A = tpu.memref_slice %arg4[%mul3A_79] : memref<12845056xf32, #tpu.memory_space<hbm>> -> memref<16384xf32, #tpu.memory_space<hbm>>
      %dma_wait3A_245 = tpu.memref_slice %arg4[%mul3A_79] : memref<12845056xf32, #tpu.memory_space<hbm>> -> memref<16384xf32, #tpu.memory_space<hbm>>
      tpu.wait_dma2 semaphore(%run_scoped3A : memref<!tpu.dma_semaphore, #tpu.memory_space<semaphore_mem>>) src(%arg7 : memref<16384xf32, #tpu.memory_space<vmem>>) dst(%dma_wait3A_245 : memref<16384xf32, #tpu.memory_space<hbm>>)
      tpu.yield
    }) : () -> ()
    %add3A_80 = arith.constant 256 : i32
    %add3A_81 = arith.addi %add3A, %add3A_80 : i32
    "tpu.region"() ({
      %run_scoped3A = tpu.sem_alloc : memref<!tpu.dma_semaphore, #tpu.memory_space<semaphore_mem>>
      %dma_start3A = arith.constant 0 : i32
      %dma_start3A_244 = tpu.memref_slice %arg2[%add3A_81, %dma_start3A] : memref<784x60000xf32, #tpu.memory_space<hbm>> -> memref<1x60000xf32, #tpu.memory_space<hbm>>
      %dma_start3A_245 = tpu.memref_squeeze %dma_start3A_244 : memref<1x60000xf32, #tpu.memory_space<hbm>> -> memref<60000xf32, #tpu.memory_space<hbm>>
      %dma_start3A_246 = arith.constant 0 : i32
      %dma_start3A_247 = tpu.memref_slice %arg2[%add3A_81, %dma_start3A_246] : memref<784x60000xf32, #tpu.memory_space<hbm>> -> memref<1x60000xf32, #tpu.memory_space<hbm>>
      %dma_start3A_248 = tpu.memref_squeeze %dma_start3A_247 : memref<1x60000xf32, #tpu.memory_space<hbm>> -> memref<60000xf32, #tpu.memory_space<hbm>>
      tpu.enqueue_dma source(%dma_start3A_248 : memref<60000xf32, #tpu.memory_space<hbm>>) target(%arg6 : memref<60000xf32, #tpu.memory_space<vmem>>) target_semaphore(%run_scoped3A : memref<!tpu.dma_semaphore, #tpu.memory_space<semaphore_mem>>)
      %dma_wait3A = arith.constant 0 : i32
      %dma_wait3A_249 = tpu.memref_slice %arg2[%add3A_81, %dma_wait3A] : memref<784x60000xf32, #tpu.memory_space<hbm>> -> memref<1x60000xf32, #tpu.memory_space<hbm>>
      %dma_wait3A_250 = tpu.memref_squeeze %dma_wait3A_249 : memref<1x60000xf32, #tpu.memory_space<hbm>> -> memref<60000xf32, #tpu.memory_space<hbm>>
      %dma_wait3A_251 = arith.constant 0 : i32
      %dma_wait3A_252 = tpu.memref_slice %arg2[%add3A_81, %dma_wait3A_251] : memref<784x60000xf32, #tpu.memory_space<hbm>> -> memref<1x60000xf32, #tpu.memory_space<hbm>>
      %dma_wait3A_253 = tpu.memref_squeeze %dma_wait3A_252 : memref<1x60000xf32, #tpu.memory_space<hbm>> -> memref<60000xf32, #tpu.memory_space<hbm>>
      tpu.wait_dma2 semaphore(%run_scoped3A : memref<!tpu.dma_semaphore, #tpu.memory_space<semaphore_mem>>) src(%dma_wait3A_253 : memref<60000xf32, #tpu.memory_space<hbm>>) dst(%arg6 : memref<60000xf32, #tpu.memory_space<vmem>>)
      tpu.yield
    }) : () -> ()
    %scan3A_82 = arith.constant 0 : i32
    %scan3A_83 = arith.constant 0 : i32
    %scan3A_84 = arith.constant 128 : i32
    %scan3A_85 = arith.addi %scan3A_83, %scan3A_84 : i32
    %scan3A_86 = arith.constant 1 : i32
    scf.for %scan3A_244 = %scan3A_83 to %scan3A_85 step %scan3A_86  : i32 {
      %mul3A_245 = arith.constant 128 : i32
      %mul3A_246 = arith.muli %scan3A_244, %mul3A_245 : i32
      %add3A_247 = arith.constant 0 : i32
      %add3A_248 = arith.addi %mul3A_246, %add3A_247 : i32
      %get3A = arith.index_cast %add3A_248 : i32 to index
      %get3A_249 = tpu.vector_load %arg5[%get3A] {strides = array<i32>} : memref<16384xi32, #tpu.memory_space<vmem>>, vector<16xi32>,
      %gather3A = tpu.vector_load_idx %arg6[%get3A_249] : memref<60000xf32, #tpu.memory_space<vmem>>[vector<16xi32>], vector<16xf32>,
      %swap3A = arith.index_cast %add3A_248 : i32 to index
      %swap3A_250 = tpu.vector_load %arg7[%swap3A] {strides = array<i32>} : memref<16384xf32, #tpu.memory_space<vmem>>, vector<16xf32>,
      tpu.vector_store %arg7[%swap3A], %gather3A {strides = array<i32>} : memref<16384xf32, #tpu.memory_space<vmem>>, vector<16xf32>,
      %add3A_251 = arith.constant 16 : i32
      %add3A_252 = arith.addi %mul3A_246, %add3A_251 : i32
      %get3A_253 = arith.index_cast %add3A_252 : i32 to index
      %get3A_254 = tpu.vector_load %arg5[%get3A_253] {strides = array<i32>} : memref<16384xi32, #tpu.memory_space<vmem>>, vector<16xi32>,
      %gather3A_255 = tpu.vector_load_idx %arg6[%get3A_254] : memref<60000xf32, #tpu.memory_space<vmem>>[vector<16xi32>], vector<16xf32>,
      %swap3A_256 = arith.index_cast %add3A_252 : i32 to index
      %swap3A_257 = tpu.vector_load %arg7[%swap3A_256] {strides = array<i32>} : memref<16384xf32, #tpu.memory_space<vmem>>, vector<16xf32>,
      tpu.vector_store %arg7[%swap3A_256], %gather3A_255 {strides = array<i32>} : memref<16384xf32, #tpu.memory_space<vmem>>, vector<16xf32>,
      %add3A_258 = arith.constant 32 : i32
      %add3A_259 = arith.addi %mul3A_246, %add3A_258 : i32
      %get3A_260 = arith.index_cast %add3A_259 : i32 to index
      %get3A_261 = tpu.vector_load %arg5[%get3A_260] {strides = array<i32>} : memref<16384xi32, #tpu.memory_space<vmem>>, vector<16xi32>,
      %gather3A_262 = tpu.vector_load_idx %arg6[%get3A_261] : memref<60000xf32, #tpu.memory_space<vmem>>[vector<16xi32>], vector<16xf32>,
      %swap3A_263 = arith.index_cast %add3A_259 : i32 to index
      %swap3A_264 = tpu.vector_load %arg7[%swap3A_263] {strides = array<i32>} : memref<16384xf32, #tpu.memory_space<vmem>>, vector<16xf32>,
      tpu.vector_store %arg7[%swap3A_263], %gather3A_262 {strides = array<i32>} : memref<16384xf32, #tpu.memory_space<vmem>>, vector<16xf32>,
      %add3A_265 = arith.constant 48 : i32
      %add3A_266 = arith.addi %mul3A_246, %add3A_265 : i32
      %get3A_267 = arith.index_cast %add3A_266 : i32 to index
      %get3A_268 = tpu.vector_load %arg5[%get3A_267] {strides = array<i32>} : memref<16384xi32, #tpu.memory_space<vmem>>, vector<16xi32>,
      %gather3A_269 = tpu.vector_load_idx %arg6[%get3A_268] : memref<60000xf32, #tpu.memory_space<vmem>>[vector<16xi32>], vector<16xf32>,
      %swap3A_270 = arith.index_cast %add3A_266 : i32 to index
      %swap3A_271 = tpu.vector_load %arg7[%swap3A_270] {strides = array<i32>} : memref<16384xf32, #tpu.memory_space<vmem>>, vector<16xf32>,
      tpu.vector_store %arg7[%swap3A_270], %gather3A_269 {strides = array<i32>} : memref<16384xf32, #tpu.memory_space<vmem>>, vector<16xf32>,
      %add3A_272 = arith.constant 64 : i32
      %add3A_273 = arith.addi %mul3A_246, %add3A_272 : i32
      %get3A_274 = arith.index_cast %add3A_273 : i32 to index
      %get3A_275 = tpu.vector_load %arg5[%get3A_274] {strides = array<i32>} : memref<16384xi32, #tpu.memory_space<vmem>>, vector<16xi32>,
      %gather3A_276 = tpu.vector_load_idx %arg6[%get3A_275] : memref<60000xf32, #tpu.memory_space<vmem>>[vector<16xi32>], vector<16xf32>,
      %swap3A_277 = arith.index_cast %add3A_273 : i32 to index
      %swap3A_278 = tpu.vector_load %arg7[%swap3A_277] {strides = array<i32>} : memref<16384xf32, #tpu.memory_space<vmem>>, vector<16xf32>,
      tpu.vector_store %arg7[%swap3A_277], %gather3A_276 {strides = array<i32>} : memref<16384xf32, #tpu.memory_space<vmem>>, vector<16xf32>,
      %add3A_279 = arith.constant 80 : i32
      %add3A_280 = arith.addi %mul3A_246, %add3A_279 : i32
      %get3A_281 = arith.index_cast %add3A_280 : i32 to index
      %get3A_282 = tpu.vector_load %arg5[%get3A_281] {strides = array<i32>} : memref<16384xi32, #tpu.memory_space<vmem>>, vector<16xi32>,
      %gather3A_283 = tpu.vector_load_idx %arg6[%get3A_282] : memref<60000xf32, #tpu.memory_space<vmem>>[vector<16xi32>], vector<16xf32>,
      %swap3A_284 = arith.index_cast %add3A_280 : i32 to index
      %swap3A_285 = tpu.vector_load %arg7[%swap3A_284] {strides = array<i32>} : memref<16384xf32, #tpu.memory_space<vmem>>, vector<16xf32>,
      tpu.vector_store %arg7[%swap3A_284], %gather3A_283 {strides = array<i32>} : memref<16384xf32, #tpu.memory_space<vmem>>, vector<16xf32>,
      %add3A_286 = arith.constant 96 : i32
      %add3A_287 = arith.addi %mul3A_246, %add3A_286 : i32
      %get3A_288 = arith.index_cast %add3A_287 : i32 to index
      %get3A_289 = tpu.vector_load %arg5[%get3A_288] {strides = array<i32>} : memref<16384xi32, #tpu.memory_space<vmem>>, vector<16xi32>,
      %gather3A_290 = tpu.vector_load_idx %arg6[%get3A_289] : memref<60000xf32, #tpu.memory_space<vmem>>[vector<16xi32>], vector<16xf32>,
      %swap3A_291 = arith.index_cast %add3A_287 : i32 to index
      %swap3A_292 = tpu.vector_load %arg7[%swap3A_291] {strides = array<i32>} : memref<16384xf32, #tpu.memory_space<vmem>>, vector<16xf32>,
      tpu.vector_store %arg7[%swap3A_291], %gather3A_290 {strides = array<i32>} : memref<16384xf32, #tpu.memory_space<vmem>>, vector<16xf32>,
      %add3A_293 = arith.constant 112 : i32
      %add3A_294 = arith.addi %mul3A_246, %add3A_293 : i32
      %get3A_295 = arith.index_cast %add3A_294 : i32 to index
      %get3A_296 = tpu.vector_load %arg5[%get3A_295] {strides = array<i32>} : memref<16384xi32, #tpu.memory_space<vmem>>, vector<16xi32>,
      %gather3A_297 = tpu.vector_load_idx %arg6[%get3A_296] : memref<60000xf32, #tpu.memory_space<vmem>>[vector<16xi32>], vector<16xf32>,
      %swap3A_298 = arith.index_cast %add3A_294 : i32 to index
      %swap3A_299 = tpu.vector_load %arg7[%swap3A_298] {strides = array<i32>} : memref<16384xf32, #tpu.memory_space<vmem>>, vector<16xf32>,
      tpu.vector_store %arg7[%swap3A_298], %gather3A_297 {strides = array<i32>} : memref<16384xf32, #tpu.memory_space<vmem>>, vector<16xf32>,
    }
    %scan3A_87 = arith.constant 128 : i32
    %mul3A_88 = arith.constant 16384 : i32
    %mul3A_89 = arith.muli %add3A_81, %mul3A_88 : i32
    "tpu.region"() ({
      %run_scoped3A = tpu.sem_alloc : memref<!tpu.dma_semaphore, #tpu.memory_space<semaphore_mem>>
      %dma_start3A = tpu.memref_slice %arg4[%mul3A_89] : memref<12845056xf32, #tpu.memory_space<hbm>> -> memref<16384xf32, #tpu.memory_space<hbm>>
      %dma_start3A_244 = tpu.memref_slice %arg4[%mul3A_89] : memref<12845056xf32, #tpu.memory_space<hbm>> -> memref<16384xf32, #tpu.memory_space<hbm>>
      tpu.enqueue_dma source(%arg7 : memref<16384xf32, #tpu.memory_space<vmem>>) target(%dma_start3A_244 : memref<16384xf32, #tpu.memory_space<hbm>>) target_semaphore(%run_scoped3A : memref<!tpu.dma_semaphore, #tpu.memory_space<semaphore_mem>>)
      %dma_wait3A = tpu.memref_slice %arg4[%mul3A_89] : memref<12845056xf32, #tpu.memory_space<hbm>> -> memref<16384xf32, #tpu.memory_space<hbm>>
      %dma_wait3A_245 = tpu.memref_slice %arg4[%mul3A_89] : memref<12845056xf32, #tpu.memory_space<hbm>> -> memref<16384xf32, #tpu.memory_space<hbm>>
      tpu.wait_dma2 semaphore(%run_scoped3A : memref<!tpu.dma_semaphore, #tpu.memory_space<semaphore_mem>>) src(%arg7 : memref<16384xf32, #tpu.memory_space<vmem>>) dst(%dma_wait3A_245 : memref<16384xf32, #tpu.memory_space<hbm>>)
      tpu.yield
    }) : () -> ()
    %add3A_90 = arith.constant 288 : i32
    %add3A_91 = arith.addi %add3A, %add3A_90 : i32
    "tpu.region"() ({
      %run_scoped3A = tpu.sem_alloc : memref<!tpu.dma_semaphore, #tpu.memory_space<semaphore_mem>>
      %dma_start3A = arith.constant 0 : i32
      %dma_start3A_244 = tpu.memref_slice %arg2[%add3A_91, %dma_start3A] : memref<784x60000xf32, #tpu.memory_space<hbm>> -> memref<1x60000xf32, #tpu.memory_space<hbm>>
      %dma_start3A_245 = tpu.memref_squeeze %dma_start3A_244 : memref<1x60000xf32, #tpu.memory_space<hbm>> -> memref<60000xf32, #tpu.memory_space<hbm>>
      %dma_start3A_246 = arith.constant 0 : i32
      %dma_start3A_247 = tpu.memref_slice %arg2[%add3A_91, %dma_start3A_246] : memref<784x60000xf32, #tpu.memory_space<hbm>> -> memref<1x60000xf32, #tpu.memory_space<hbm>>
      %dma_start3A_248 = tpu.memref_squeeze %dma_start3A_247 : memref<1x60000xf32, #tpu.memory_space<hbm>> -> memref<60000xf32, #tpu.memory_space<hbm>>
      tpu.enqueue_dma source(%dma_start3A_248 : memref<60000xf32, #tpu.memory_space<hbm>>) target(%arg6 : memref<60000xf32, #tpu.memory_space<vmem>>) target_semaphore(%run_scoped3A : memref<!tpu.dma_semaphore, #tpu.memory_space<semaphore_mem>>)
      %dma_wait3A = arith.constant 0 : i32
      %dma_wait3A_249 = tpu.memref_slice %arg2[%add3A_91, %dma_wait3A] : memref<784x60000xf32, #tpu.memory_space<hbm>> -> memref<1x60000xf32, #tpu.memory_space<hbm>>
      %dma_wait3A_250 = tpu.memref_squeeze %dma_wait3A_249 : memref<1x60000xf32, #tpu.memory_space<hbm>> -> memref<60000xf32, #tpu.memory_space<hbm>>
      %dma_wait3A_251 = arith.constant 0 : i32
      %dma_wait3A_252 = tpu.memref_slice %arg2[%add3A_91, %dma_wait3A_251] : memref<784x60000xf32, #tpu.memory_space<hbm>> -> memref<1x60000xf32, #tpu.memory_space<hbm>>
      %dma_wait3A_253 = tpu.memref_squeeze %dma_wait3A_252 : memref<1x60000xf32, #tpu.memory_space<hbm>> -> memref<60000xf32, #tpu.memory_space<hbm>>
      tpu.wait_dma2 semaphore(%run_scoped3A : memref<!tpu.dma_semaphore, #tpu.memory_space<semaphore_mem>>) src(%dma_wait3A_253 : memref<60000xf32, #tpu.memory_space<hbm>>) dst(%arg6 : memref<60000xf32, #tpu.memory_space<vmem>>)
      tpu.yield
    }) : () -> ()
    %scan3A_92 = arith.constant 0 : i32
    %scan3A_93 = arith.constant 0 : i32
    %scan3A_94 = arith.constant 128 : i32
    %scan3A_95 = arith.addi %scan3A_93, %scan3A_94 : i32
    %scan3A_96 = arith.constant 1 : i32
    scf.for %scan3A_244 = %scan3A_93 to %scan3A_95 step %scan3A_96  : i32 {
      %mul3A_245 = arith.constant 128 : i32
      %mul3A_246 = arith.muli %scan3A_244, %mul3A_245 : i32
      %add3A_247 = arith.constant 0 : i32
      %add3A_248 = arith.addi %mul3A_246, %add3A_247 : i32
      %get3A = arith.index_cast %add3A_248 : i32 to index
      %get3A_249 = tpu.vector_load %arg5[%get3A] {strides = array<i32>} : memref<16384xi32, #tpu.memory_space<vmem>>, vector<16xi32>,
      %gather3A = tpu.vector_load_idx %arg6[%get3A_249] : memref<60000xf32, #tpu.memory_space<vmem>>[vector<16xi32>], vector<16xf32>,
      %swap3A = arith.index_cast %add3A_248 : i32 to index
      %swap3A_250 = tpu.vector_load %arg7[%swap3A] {strides = array<i32>} : memref<16384xf32, #tpu.memory_space<vmem>>, vector<16xf32>,
      tpu.vector_store %arg7[%swap3A], %gather3A {strides = array<i32>} : memref<16384xf32, #tpu.memory_space<vmem>>, vector<16xf32>,
      %add3A_251 = arith.constant 16 : i32
      %add3A_252 = arith.addi %mul3A_246, %add3A_251 : i32
      %get3A_253 = arith.index_cast %add3A_252 : i32 to index
      %get3A_254 = tpu.vector_load %arg5[%get3A_253] {strides = array<i32>} : memref<16384xi32, #tpu.memory_space<vmem>>, vector<16xi32>,
      %gather3A_255 = tpu.vector_load_idx %arg6[%get3A_254] : memref<60000xf32, #tpu.memory_space<vmem>>[vector<16xi32>], vector<16xf32>,
      %swap3A_256 = arith.index_cast %add3A_252 : i32 to index
      %swap3A_257 = tpu.vector_load %arg7[%swap3A_256] {strides = array<i32>} : memref<16384xf32, #tpu.memory_space<vmem>>, vector<16xf32>,
      tpu.vector_store %arg7[%swap3A_256], %gather3A_255 {strides = array<i32>} : memref<16384xf32, #tpu.memory_space<vmem>>, vector<16xf32>,
      %add3A_258 = arith.constant 32 : i32
      %add3A_259 = arith.addi %mul3A_246, %add3A_258 : i32
      %get3A_260 = arith.index_cast %add3A_259 : i32 to index
      %get3A_261 = tpu.vector_load %arg5[%get3A_260] {strides = array<i32>} : memref<16384xi32, #tpu.memory_space<vmem>>, vector<16xi32>,
      %gather3A_262 = tpu.vector_load_idx %arg6[%get3A_261] : memref<60000xf32, #tpu.memory_space<vmem>>[vector<16xi32>], vector<16xf32>,
      %swap3A_263 = arith.index_cast %add3A_259 : i32 to index
      %swap3A_264 = tpu.vector_load %arg7[%swap3A_263] {strides = array<i32>} : memref<16384xf32, #tpu.memory_space<vmem>>, vector<16xf32>,
      tpu.vector_store %arg7[%swap3A_263], %gather3A_262 {strides = array<i32>} : memref<16384xf32, #tpu.memory_space<vmem>>, vector<16xf32>,
      %add3A_265 = arith.constant 48 : i32
      %add3A_266 = arith.addi %mul3A_246, %add3A_265 : i32
      %get3A_267 = arith.index_cast %add3A_266 : i32 to index
      %get3A_268 = tpu.vector_load %arg5[%get3A_267] {strides = array<i32>} : memref<16384xi32, #tpu.memory_space<vmem>>, vector<16xi32>,
      %gather3A_269 = tpu.vector_load_idx %arg6[%get3A_268] : memref<60000xf32, #tpu.memory_space<vmem>>[vector<16xi32>], vector<16xf32>,
      %swap3A_270 = arith.index_cast %add3A_266 : i32 to index
      %swap3A_271 = tpu.vector_load %arg7[%swap3A_270] {strides = array<i32>} : memref<16384xf32, #tpu.memory_space<vmem>>, vector<16xf32>,
      tpu.vector_store %arg7[%swap3A_270], %gather3A_269 {strides = array<i32>} : memref<16384xf32, #tpu.memory_space<vmem>>, vector<16xf32>,
      %add3A_272 = arith.constant 64 : i32
      %add3A_273 = arith.addi %mul3A_246, %add3A_272 : i32
      %get3A_274 = arith.index_cast %add3A_273 : i32 to index
      %get3A_275 = tpu.vector_load %arg5[%get3A_274] {strides = array<i32>} : memref<16384xi32, #tpu.memory_space<vmem>>, vector<16xi32>,
      %gather3A_276 = tpu.vector_load_idx %arg6[%get3A_275] : memref<60000xf32, #tpu.memory_space<vmem>>[vector<16xi32>], vector<16xf32>,
      %swap3A_277 = arith.index_cast %add3A_273 : i32 to index
      %swap3A_278 = tpu.vector_load %arg7[%swap3A_277] {strides = array<i32>} : memref<16384xf32, #tpu.memory_space<vmem>>, vector<16xf32>,
      tpu.vector_store %arg7[%swap3A_277], %gather3A_276 {strides = array<i32>} : memref<16384xf32, #tpu.memory_space<vmem>>, vector<16xf32>,
      %add3A_279 = arith.constant 80 : i32
      %add3A_280 = arith.addi %mul3A_246, %add3A_279 : i32
      %get3A_281 = arith.index_cast %add3A_280 : i32 to index
      %get3A_282 = tpu.vector_load %arg5[%get3A_281] {strides = array<i32>} : memref<16384xi32, #tpu.memory_space<vmem>>, vector<16xi32>,
      %gather3A_283 = tpu.vector_load_idx %arg6[%get3A_282] : memref<60000xf32, #tpu.memory_space<vmem>>[vector<16xi32>], vector<16xf32>,
      %swap3A_284 = arith.index_cast %add3A_280 : i32 to index
      %swap3A_285 = tpu.vector_load %arg7[%swap3A_284] {strides = array<i32>} : memref<16384xf32, #tpu.memory_space<vmem>>, vector<16xf32>,
      tpu.vector_store %arg7[%swap3A_284], %gather3A_283 {strides = array<i32>} : memref<16384xf32, #tpu.memory_space<vmem>>, vector<16xf32>,
      %add3A_286 = arith.constant 96 : i32
      %add3A_287 = arith.addi %mul3A_246, %add3A_286 : i32
      %get3A_288 = arith.index_cast %add3A_287 : i32 to index
      %get3A_289 = tpu.vector_load %arg5[%get3A_288] {strides = array<i32>} : memref<16384xi32, #tpu.memory_space<vmem>>, vector<16xi32>,
      %gather3A_290 = tpu.vector_load_idx %arg6[%get3A_289] : memref<60000xf32, #tpu.memory_space<vmem>>[vector<16xi32>], vector<16xf32>,
      %swap3A_291 = arith.index_cast %add3A_287 : i32 to index
      %swap3A_292 = tpu.vector_load %arg7[%swap3A_291] {strides = array<i32>} : memref<16384xf32, #tpu.memory_space<vmem>>, vector<16xf32>,
      tpu.vector_store %arg7[%swap3A_291], %gather3A_290 {strides = array<i32>} : memref<16384xf32, #tpu.memory_space<vmem>>, vector<16xf32>,
      %add3A_293 = arith.constant 112 : i32
      %add3A_294 = arith.addi %mul3A_246, %add3A_293 : i32
      %get3A_295 = arith.index_cast %add3A_294 : i32 to index
      %get3A_296 = tpu.vector_load %arg5[%get3A_295] {strides = array<i32>} : memref<16384xi32, #tpu.memory_space<vmem>>, vector<16xi32>,
      %gather3A_297 = tpu.vector_load_idx %arg6[%get3A_296] : memref<60000xf32, #tpu.memory_space<vmem>>[vector<16xi32>], vector<16xf32>,
      %swap3A_298 = arith.index_cast %add3A_294 : i32 to index
      %swap3A_299 = tpu.vector_load %arg7[%swap3A_298] {strides = array<i32>} : memref<16384xf32, #tpu.memory_space<vmem>>, vector<16xf32>,
      tpu.vector_store %arg7[%swap3A_298], %gather3A_297 {strides = array<i32>} : memref<16384xf32, #tpu.memory_space<vmem>>, vector<16xf32>,
    }
    %scan3A_97 = arith.constant 128 : i32
    %mul3A_98 = arith.constant 16384 : i32
    %mul3A_99 = arith.muli %add3A_91, %mul3A_98 : i32
    "tpu.region"() ({
      %run_scoped3A = tpu.sem_alloc : memref<!tpu.dma_semaphore, #tpu.memory_space<semaphore_mem>>
      %dma_start3A = tpu.memref_slice %arg4[%mul3A_99] : memref<12845056xf32, #tpu.memory_space<hbm>> -> memref<16384xf32, #tpu.memory_space<hbm>>
      %dma_start3A_244 = tpu.memref_slice %arg4[%mul3A_99] : memref<12845056xf32, #tpu.memory_space<hbm>> -> memref<16384xf32, #tpu.memory_space<hbm>>
      tpu.enqueue_dma source(%arg7 : memref<16384xf32, #tpu.memory_space<vmem>>) target(%dma_start3A_244 : memref<16384xf32, #tpu.memory_space<hbm>>) target_semaphore(%run_scoped3A : memref<!tpu.dma_semaphore, #tpu.memory_space<semaphore_mem>>)
      %dma_wait3A = tpu.memref_slice %arg4[%mul3A_99] : memref<12845056xf32, #tpu.memory_space<hbm>> -> memref<16384xf32, #tpu.memory_space<hbm>>
      %dma_wait3A_245 = tpu.memref_slice %arg4[%mul3A_99] : memref<12845056xf32, #tpu.memory_space<hbm>> -> memref<16384xf32, #tpu.memory_space<hbm>>
      tpu.wait_dma2 semaphore(%run_scoped3A : memref<!tpu.dma_semaphore, #tpu.memory_space<semaphore_mem>>) src(%arg7 : memref<16384xf32, #tpu.memory_space<vmem>>) dst(%dma_wait3A_245 : memref<16384xf32, #tpu.memory_space<hbm>>)
      tpu.yield
    }) : () -> ()
    %add3A_100 = arith.constant 320 : i32
    %add3A_101 = arith.addi %add3A, %add3A_100 : i32
    "tpu.region"() ({
      %run_scoped3A = tpu.sem_alloc : memref<!tpu.dma_semaphore, #tpu.memory_space<semaphore_mem>>
      %dma_start3A = arith.constant 0 : i32
      %dma_start3A_244 = tpu.memref_slice %arg2[%add3A_101, %dma_start3A] : memref<784x60000xf32, #tpu.memory_space<hbm>> -> memref<1x60000xf32, #tpu.memory_space<hbm>>
      %dma_start3A_245 = tpu.memref_squeeze %dma_start3A_244 : memref<1x60000xf32, #tpu.memory_space<hbm>> -> memref<60000xf32, #tpu.memory_space<hbm>>
      %dma_start3A_246 = arith.constant 0 : i32
      %dma_start3A_247 = tpu.memref_slice %arg2[%add3A_101, %dma_start3A_246] : memref<784x60000xf32, #tpu.memory_space<hbm>> -> memref<1x60000xf32, #tpu.memory_space<hbm>>
      %dma_start3A_248 = tpu.memref_squeeze %dma_start3A_247 : memref<1x60000xf32, #tpu.memory_space<hbm>> -> memref<60000xf32, #tpu.memory_space<hbm>>
      tpu.enqueue_dma source(%dma_start3A_248 : memref<60000xf32, #tpu.memory_space<hbm>>) target(%arg6 : memref<60000xf32, #tpu.memory_space<vmem>>) target_semaphore(%run_scoped3A : memref<!tpu.dma_semaphore, #tpu.memory_space<semaphore_mem>>)
      %dma_wait3A = arith.constant 0 : i32
      %dma_wait3A_249 = tpu.memref_slice %arg2[%add3A_101, %dma_wait3A] : memref<784x60000xf32, #tpu.memory_space<hbm>> -> memref<1x60000xf32, #tpu.memory_space<hbm>>
      %dma_wait3A_250 = tpu.memref_squeeze %dma_wait3A_249 : memref<1x60000xf32, #tpu.memory_space<hbm>> -> memref<60000xf32, #tpu.memory_space<hbm>>
      %dma_wait3A_251 = arith.constant 0 : i32
      %dma_wait3A_252 = tpu.memref_slice %arg2[%add3A_101, %dma_wait3A_251] : memref<784x60000xf32, #tpu.memory_space<hbm>> -> memref<1x60000xf32, #tpu.memory_space<hbm>>
      %dma_wait3A_253 = tpu.memref_squeeze %dma_wait3A_252 : memref<1x60000xf32, #tpu.memory_space<hbm>> -> memref<60000xf32, #tpu.memory_space<hbm>>
      tpu.wait_dma2 semaphore(%run_scoped3A : memref<!tpu.dma_semaphore, #tpu.memory_space<semaphore_mem>>) src(%dma_wait3A_253 : memref<60000xf32, #tpu.memory_space<hbm>>) dst(%arg6 : memref<60000xf32, #tpu.memory_space<vmem>>)
      tpu.yield
    }) : () -> ()
    %scan3A_102 = arith.constant 0 : i32
    %scan3A_103 = arith.constant 0 : i32
    %scan3A_104 = arith.constant 128 : i32
    %scan3A_105 = arith.addi %scan3A_103, %scan3A_104 : i32
    %scan3A_106 = arith.constant 1 : i32
    scf.for %scan3A_244 = %scan3A_103 to %scan3A_105 step %scan3A_106  : i32 {
      %mul3A_245 = arith.constant 128 : i32
      %mul3A_246 = arith.muli %scan3A_244, %mul3A_245 : i32
      %add3A_247 = arith.constant 0 : i32
      %add3A_248 = arith.addi %mul3A_246, %add3A_247 : i32
      %get3A = arith.index_cast %add3A_248 : i32 to index
      %get3A_249 = tpu.vector_load %arg5[%get3A] {strides = array<i32>} : memref<16384xi32, #tpu.memory_space<vmem>>, vector<16xi32>,
      %gather3A = tpu.vector_load_idx %arg6[%get3A_249] : memref<60000xf32, #tpu.memory_space<vmem>>[vector<16xi32>], vector<16xf32>,
      %swap3A = arith.index_cast %add3A_248 : i32 to index
      %swap3A_250 = tpu.vector_load %arg7[%swap3A] {strides = array<i32>} : memref<16384xf32, #tpu.memory_space<vmem>>, vector<16xf32>,
      tpu.vector_store %arg7[%swap3A], %gather3A {strides = array<i32>} : memref<16384xf32, #tpu.memory_space<vmem>>, vector<16xf32>,
      %add3A_251 = arith.constant 16 : i32
      %add3A_252 = arith.addi %mul3A_246, %add3A_251 : i32
      %get3A_253 = arith.index_cast %add3A_252 : i32 to index
      %get3A_254 = tpu.vector_load %arg5[%get3A_253] {strides = array<i32>} : memref<16384xi32, #tpu.memory_space<vmem>>, vector<16xi32>,
      %gather3A_255 = tpu.vector_load_idx %arg6[%get3A_254] : memref<60000xf32, #tpu.memory_space<vmem>>[vector<16xi32>], vector<16xf32>,
      %swap3A_256 = arith.index_cast %add3A_252 : i32 to index
      %swap3A_257 = tpu.vector_load %arg7[%swap3A_256] {strides = array<i32>} : memref<16384xf32, #tpu.memory_space<vmem>>, vector<16xf32>,
      tpu.vector_store %arg7[%swap3A_256], %gather3A_255 {strides = array<i32>} : memref<16384xf32, #tpu.memory_space<vmem>>, vector<16xf32>,
      %add3A_258 = arith.constant 32 : i32
      %add3A_259 = arith.addi %mul3A_246, %add3A_258 : i32
      %get3A_260 = arith.index_cast %add3A_259 : i32 to index
      %get3A_261 = tpu.vector_load %arg5[%get3A_260] {strides = array<i32>} : memref<16384xi32, #tpu.memory_space<vmem>>, vector<16xi32>,
      %gather3A_262 = tpu.vector_load_idx %arg6[%get3A_261] : memref<60000xf32, #tpu.memory_space<vmem>>[vector<16xi32>], vector<16xf32>,
      %swap3A_263 = arith.index_cast %add3A_259 : i32 to index
      %swap3A_264 = tpu.vector_load %arg7[%swap3A_263] {strides = array<i32>} : memref<16384xf32, #tpu.memory_space<vmem>>, vector<16xf32>,
      tpu.vector_store %arg7[%swap3A_263], %gather3A_262 {strides = array<i32>} : memref<16384xf32, #tpu.memory_space<vmem>>, vector<16xf32>,
      %add3A_265 = arith.constant 48 : i32
      %add3A_266 = arith.addi %mul3A_246, %add3A_265 : i32
      %get3A_267 = arith.index_cast %add3A_266 : i32 to index
      %get3A_268 = tpu.vector_load %arg5[%get3A_267] {strides = array<i32>} : memref<16384xi32, #tpu.memory_space<vmem>>, vector<16xi32>,
      %gather3A_269 = tpu.vector_load_idx %arg6[%get3A_268] : memref<60000xf32, #tpu.memory_space<vmem>>[vector<16xi32>], vector<16xf32>,
      %swap3A_270 = arith.index_cast %add3A_266 : i32 to index
      %swap3A_271 = tpu.vector_load %arg7[%swap3A_270] {strides = array<i32>} : memref<16384xf32, #tpu.memory_space<vmem>>, vector<16xf32>,
      tpu.vector_store %arg7[%swap3A_270], %gather3A_269 {strides = array<i32>} : memref<16384xf32, #tpu.memory_space<vmem>>, vector<16xf32>,
      %add3A_272 = arith.constant 64 : i32
      %add3A_273 = arith.addi %mul3A_246, %add3A_272 : i32
      %get3A_274 = arith.index_cast %add3A_273 : i32 to index
      %get3A_275 = tpu.vector_load %arg5[%get3A_274] {strides = array<i32>} : memref<16384xi32, #tpu.memory_space<vmem>>, vector<16xi32>,
      %gather3A_276 = tpu.vector_load_idx %arg6[%get3A_275] : memref<60000xf32, #tpu.memory_space<vmem>>[vector<16xi32>], vector<16xf32>,
      %swap3A_277 = arith.index_cast %add3A_273 : i32 to index
      %swap3A_278 = tpu.vector_load %arg7[%swap3A_277] {strides = array<i32>} : memref<16384xf32, #tpu.memory_space<vmem>>, vector<16xf32>,
      tpu.vector_store %arg7[%swap3A_277], %gather3A_276 {strides = array<i32>} : memref<16384xf32, #tpu.memory_space<vmem>>, vector<16xf32>,
      %add3A_279 = arith.constant 80 : i32
      %add3A_280 = arith.addi %mul3A_246, %add3A_279 : i32
      %get3A_281 = arith.index_cast %add3A_280 : i32 to index
      %get3A_282 = tpu.vector_load %arg5[%get3A_281] {strides = array<i32>} : memref<16384xi32, #tpu.memory_space<vmem>>, vector<16xi32>,
      %gather3A_283 = tpu.vector_load_idx %arg6[%get3A_282] : memref<60000xf32, #tpu.memory_space<vmem>>[vector<16xi32>], vector<16xf32>,
      %swap3A_284 = arith.index_cast %add3A_280 : i32 to index
      %swap3A_285 = tpu.vector_load %arg7[%swap3A_284] {strides = array<i32>} : memref<16384xf32, #tpu.memory_space<vmem>>, vector<16xf32>,
      tpu.vector_store %arg7[%swap3A_284], %gather3A_283 {strides = array<i32>} : memref<16384xf32, #tpu.memory_space<vmem>>, vector<16xf32>,
      %add3A_286 = arith.constant 96 : i32
      %add3A_287 = arith.addi %mul3A_246, %add3A_286 : i32
      %get3A_288 = arith.index_cast %add3A_287 : i32 to index
      %get3A_289 = tpu.vector_load %arg5[%get3A_288] {strides = array<i32>} : memref<16384xi32, #tpu.memory_space<vmem>>, vector<16xi32>,
      %gather3A_290 = tpu.vector_load_idx %arg6[%get3A_289] : memref<60000xf32, #tpu.memory_space<vmem>>[vector<16xi32>], vector<16xf32>,
      %swap3A_291 = arith.index_cast %add3A_287 : i32 to index
      %swap3A_292 = tpu.vector_load %arg7[%swap3A_291] {strides = array<i32>} : memref<16384xf32, #tpu.memory_space<vmem>>, vector<16xf32>,
      tpu.vector_store %arg7[%swap3A_291], %gather3A_290 {strides = array<i32>} : memref<16384xf32, #tpu.memory_space<vmem>>, vector<16xf32>,
      %add3A_293 = arith.constant 112 : i32
      %add3A_294 = arith.addi %mul3A_246, %add3A_293 : i32
      %get3A_295 = arith.index_cast %add3A_294 : i32 to index
      %get3A_296 = tpu.vector_load %arg5[%get3A_295] {strides = array<i32>} : memref<16384xi32, #tpu.memory_space<vmem>>, vector<16xi32>,
      %gather3A_297 = tpu.vector_load_idx %arg6[%get3A_296] : memref<60000xf32, #tpu.memory_space<vmem>>[vector<16xi32>], vector<16xf32>,
      %swap3A_298 = arith.index_cast %add3A_294 : i32 to index
      %swap3A_299 = tpu.vector_load %arg7[%swap3A_298] {strides = array<i32>} : memref<16384xf32, #tpu.memory_space<vmem>>, vector<16xf32>,
      tpu.vector_store %arg7[%swap3A_298], %gather3A_297 {strides = array<i32>} : memref<16384xf32, #tpu.memory_space<vmem>>, vector<16xf32>,
    }
    %scan3A_107 = arith.constant 128 : i32
    %mul3A_108 = arith.constant 16384 : i32
    %mul3A_109 = arith.muli %add3A_101, %mul3A_108 : i32
    "tpu.region"() ({
      %run_scoped3A = tpu.sem_alloc : memref<!tpu.dma_semaphore, #tpu.memory_space<semaphore_mem>>
      %dma_start3A = tpu.memref_slice %arg4[%mul3A_109] : memref<12845056xf32, #tpu.memory_space<hbm>> -> memref<16384xf32, #tpu.memory_space<hbm>>
      %dma_start3A_244 = tpu.memref_slice %arg4[%mul3A_109] : memref<12845056xf32, #tpu.memory_space<hbm>> -> memref<16384xf32, #tpu.memory_space<hbm>>
      tpu.enqueue_dma source(%arg7 : memref<16384xf32, #tpu.memory_space<vmem>>) target(%dma_start3A_244 : memref<16384xf32, #tpu.memory_space<hbm>>) target_semaphore(%run_scoped3A : memref<!tpu.dma_semaphore, #tpu.memory_space<semaphore_mem>>)
      %dma_wait3A = tpu.memref_slice %arg4[%mul3A_109] : memref<12845056xf32, #tpu.memory_space<hbm>> -> memref<16384xf32, #tpu.memory_space<hbm>>
      %dma_wait3A_245 = tpu.memref_slice %arg4[%mul3A_109] : memref<12845056xf32, #tpu.memory_space<hbm>> -> memref<16384xf32, #tpu.memory_space<hbm>>
      tpu.wait_dma2 semaphore(%run_scoped3A : memref<!tpu.dma_semaphore, #tpu.memory_space<semaphore_mem>>) src(%arg7 : memref<16384xf32, #tpu.memory_space<vmem>>) dst(%dma_wait3A_245 : memref<16384xf32, #tpu.memory_space<hbm>>)
      tpu.yield
    }) : () -> ()
    %add3A_110 = arith.constant 352 : i32
    %add3A_111 = arith.addi %add3A, %add3A_110 : i32
    "tpu.region"() ({
      %run_scoped3A = tpu.sem_alloc : memref<!tpu.dma_semaphore, #tpu.memory_space<semaphore_mem>>
      %dma_start3A = arith.constant 0 : i32
      %dma_start3A_244 = tpu.memref_slice %arg2[%add3A_111, %dma_start3A] : memref<784x60000xf32, #tpu.memory_space<hbm>> -> memref<1x60000xf32, #tpu.memory_space<hbm>>
      %dma_start3A_245 = tpu.memref_squeeze %dma_start3A_244 : memref<1x60000xf32, #tpu.memory_space<hbm>> -> memref<60000xf32, #tpu.memory_space<hbm>>
      %dma_start3A_246 = arith.constant 0 : i32
      %dma_start3A_247 = tpu.memref_slice %arg2[%add3A_111, %dma_start3A_246] : memref<784x60000xf32, #tpu.memory_space<hbm>> -> memref<1x60000xf32, #tpu.memory_space<hbm>>
      %dma_start3A_248 = tpu.memref_squeeze %dma_start3A_247 : memref<1x60000xf32, #tpu.memory_space<hbm>> -> memref<60000xf32, #tpu.memory_space<hbm>>
      tpu.enqueue_dma source(%dma_start3A_248 : memref<60000xf32, #tpu.memory_space<hbm>>) target(%arg6 : memref<60000xf32, #tpu.memory_space<vmem>>) target_semaphore(%run_scoped3A : memref<!tpu.dma_semaphore, #tpu.memory_space<semaphore_mem>>)
      %dma_wait3A = arith.constant 0 : i32
      %dma_wait3A_249 = tpu.memref_slice %arg2[%add3A_111, %dma_wait3A] : memref<784x60000xf32, #tpu.memory_space<hbm>> -> memref<1x60000xf32, #tpu.memory_space<hbm>>
      %dma_wait3A_250 = tpu.memref_squeeze %dma_wait3A_249 : memref<1x60000xf32, #tpu.memory_space<hbm>> -> memref<60000xf32, #tpu.memory_space<hbm>>
      %dma_wait3A_251 = arith.constant 0 : i32
      %dma_wait3A_252 = tpu.memref_slice %arg2[%add3A_111, %dma_wait3A_251] : memref<784x60000xf32, #tpu.memory_space<hbm>> -> memref<1x60000xf32, #tpu.memory_space<hbm>>
      %dma_wait3A_253 = tpu.memref_squeeze %dma_wait3A_252 : memref<1x60000xf32, #tpu.memory_space<hbm>> -> memref<60000xf32, #tpu.memory_space<hbm>>
      tpu.wait_dma2 semaphore(%run_scoped3A : memref<!tpu.dma_semaphore, #tpu.memory_space<semaphore_mem>>) src(%dma_wait3A_253 : memref<60000xf32, #tpu.memory_space<hbm>>) dst(%arg6 : memref<60000xf32, #tpu.memory_space<vmem>>)
      tpu.yield
    }) : () -> ()
    %scan3A_112 = arith.constant 0 : i32
    %scan3A_113 = arith.constant 0 : i32
    %scan3A_114 = arith.constant 128 : i32
    %scan3A_115 = arith.addi %scan3A_113, %scan3A_114 : i32
    %scan3A_116 = arith.constant 1 : i32
    scf.for %scan3A_244 = %scan3A_113 to %scan3A_115 step %scan3A_116  : i32 {
      %mul3A_245 = arith.constant 128 : i32
      %mul3A_246 = arith.muli %scan3A_244, %mul3A_245 : i32
      %add3A_247 = arith.constant 0 : i32
      %add3A_248 = arith.addi %mul3A_246, %add3A_247 : i32
      %get3A = arith.index_cast %add3A_248 : i32 to index
      %get3A_249 = tpu.vector_load %arg5[%get3A] {strides = array<i32>} : memref<16384xi32, #tpu.memory_space<vmem>>, vector<16xi32>,
      %gather3A = tpu.vector_load_idx %arg6[%get3A_249] : memref<60000xf32, #tpu.memory_space<vmem>>[vector<16xi32>], vector<16xf32>,
      %swap3A = arith.index_cast %add3A_248 : i32 to index
      %swap3A_250 = tpu.vector_load %arg7[%swap3A] {strides = array<i32>} : memref<16384xf32, #tpu.memory_space<vmem>>, vector<16xf32>,
      tpu.vector_store %arg7[%swap3A], %gather3A {strides = array<i32>} : memref<16384xf32, #tpu.memory_space<vmem>>, vector<16xf32>,
      %add3A_251 = arith.constant 16 : i32
      %add3A_252 = arith.addi %mul3A_246, %add3A_251 : i32
      %get3A_253 = arith.index_cast %add3A_252 : i32 to index
      %get3A_254 = tpu.vector_load %arg5[%get3A_253] {strides = array<i32>} : memref<16384xi32, #tpu.memory_space<vmem>>, vector<16xi32>,
      %gather3A_255 = tpu.vector_load_idx %arg6[%get3A_254] : memref<60000xf32, #tpu.memory_space<vmem>>[vector<16xi32>], vector<16xf32>,
      %swap3A_256 = arith.index_cast %add3A_252 : i32 to index
      %swap3A_257 = tpu.vector_load %arg7[%swap3A_256] {strides = array<i32>} : memref<16384xf32, #tpu.memory_space<vmem>>, vector<16xf32>,
      tpu.vector_store %arg7[%swap3A_256], %gather3A_255 {strides = array<i32>} : memref<16384xf32, #tpu.memory_space<vmem>>, vector<16xf32>,
      %add3A_258 = arith.constant 32 : i32
      %add3A_259 = arith.addi %mul3A_246, %add3A_258 : i32
      %get3A_260 = arith.index_cast %add3A_259 : i32 to index
      %get3A_261 = tpu.vector_load %arg5[%get3A_260] {strides = array<i32>} : memref<16384xi32, #tpu.memory_space<vmem>>, vector<16xi32>,
      %gather3A_262 = tpu.vector_load_idx %arg6[%get3A_261] : memref<60000xf32, #tpu.memory_space<vmem>>[vector<16xi32>], vector<16xf32>,
      %swap3A_263 = arith.index_cast %add3A_259 : i32 to index
      %swap3A_264 = tpu.vector_load %arg7[%swap3A_263] {strides = array<i32>} : memref<16384xf32, #tpu.memory_space<vmem>>, vector<16xf32>,
      tpu.vector_store %arg7[%swap3A_263], %gather3A_262 {strides = array<i32>} : memref<16384xf32, #tpu.memory_space<vmem>>, vector<16xf32>,
      %add3A_265 = arith.constant 48 : i32
      %add3A_266 = arith.addi %mul3A_246, %add3A_265 : i32
      %get3A_267 = arith.index_cast %add3A_266 : i32 to index
      %get3A_268 = tpu.vector_load %arg5[%get3A_267] {strides = array<i32>} : memref<16384xi32, #tpu.memory_space<vmem>>, vector<16xi32>,
      %gather3A_269 = tpu.vector_load_idx %arg6[%get3A_268] : memref<60000xf32, #tpu.memory_space<vmem>>[vector<16xi32>], vector<16xf32>,
      %swap3A_270 = arith.index_cast %add3A_266 : i32 to index
      %swap3A_271 = tpu.vector_load %arg7[%swap3A_270] {strides = array<i32>} : memref<16384xf32, #tpu.memory_space<vmem>>, vector<16xf32>,
      tpu.vector_store %arg7[%swap3A_270], %gather3A_269 {strides = array<i32>} : memref<16384xf32, #tpu.memory_space<vmem>>, vector<16xf32>,
      %add3A_272 = arith.constant 64 : i32
      %add3A_273 = arith.addi %mul3A_246, %add3A_272 : i32
      %get3A_274 = arith.index_cast %add3A_273 : i32 to index
      %get3A_275 = tpu.vector_load %arg5[%get3A_274] {strides = array<i32>} : memref<16384xi32, #tpu.memory_space<vmem>>, vector<16xi32>,
      %gather3A_276 = tpu.vector_load_idx %arg6[%get3A_275] : memref<60000xf32, #tpu.memory_space<vmem>>[vector<16xi32>], vector<16xf32>,
      %swap3A_277 = arith.index_cast %add3A_273 : i32 to index
      %swap3A_278 = tpu.vector_load %arg7[%swap3A_277] {strides = array<i32>} : memref<16384xf32, #tpu.memory_space<vmem>>, vector<16xf32>,
      tpu.vector_store %arg7[%swap3A_277], %gather3A_276 {strides = array<i32>} : memref<16384xf32, #tpu.memory_space<vmem>>, vector<16xf32>,
      %add3A_279 = arith.constant 80 : i32
      %add3A_280 = arith.addi %mul3A_246, %add3A_279 : i32
      %get3A_281 = arith.index_cast %add3A_280 : i32 to index
      %get3A_282 = tpu.vector_load %arg5[%get3A_281] {strides = array<i32>} : memref<16384xi32, #tpu.memory_space<vmem>>, vector<16xi32>,
      %gather3A_283 = tpu.vector_load_idx %arg6[%get3A_282] : memref<60000xf32, #tpu.memory_space<vmem>>[vector<16xi32>], vector<16xf32>,
      %swap3A_284 = arith.index_cast %add3A_280 : i32 to index
      %swap3A_285 = tpu.vector_load %arg7[%swap3A_284] {strides = array<i32>} : memref<16384xf32, #tpu.memory_space<vmem>>, vector<16xf32>,
      tpu.vector_store %arg7[%swap3A_284], %gather3A_283 {strides = array<i32>} : memref<16384xf32, #tpu.memory_space<vmem>>, vector<16xf32>,
      %add3A_286 = arith.constant 96 : i32
      %add3A_287 = arith.addi %mul3A_246, %add3A_286 : i32
      %get3A_288 = arith.index_cast %add3A_287 : i32 to index
      %get3A_289 = tpu.vector_load %arg5[%get3A_288] {strides = array<i32>} : memref<16384xi32, #tpu.memory_space<vmem>>, vector<16xi32>,
      %gather3A_290 = tpu.vector_load_idx %arg6[%get3A_289] : memref<60000xf32, #tpu.memory_space<vmem>>[vector<16xi32>], vector<16xf32>,
      %swap3A_291 = arith.index_cast %add3A_287 : i32 to index
      %swap3A_292 = tpu.vector_load %arg7[%swap3A_291] {strides = array<i32>} : memref<16384xf32, #tpu.memory_space<vmem>>, vector<16xf32>,
      tpu.vector_store %arg7[%swap3A_291], %gather3A_290 {strides = array<i32>} : memref<16384xf32, #tpu.memory_space<vmem>>, vector<16xf32>,
      %add3A_293 = arith.constant 112 : i32
      %add3A_294 = arith.addi %mul3A_246, %add3A_293 : i32
      %get3A_295 = arith.index_cast %add3A_294 : i32 to index
      %get3A_296 = tpu.vector_load %arg5[%get3A_295] {strides = array<i32>} : memref<16384xi32, #tpu.memory_space<vmem>>, vector<16xi32>,
      %gather3A_297 = tpu.vector_load_idx %arg6[%get3A_296] : memref<60000xf32, #tpu.memory_space<vmem>>[vector<16xi32>], vector<16xf32>,
      %swap3A_298 = arith.index_cast %add3A_294 : i32 to index
      %swap3A_299 = tpu.vector_load %arg7[%swap3A_298] {strides = array<i32>} : memref<16384xf32, #tpu.memory_space<vmem>>, vector<16xf32>,
      tpu.vector_store %arg7[%swap3A_298], %gather3A_297 {strides = array<i32>} : memref<16384xf32, #tpu.memory_space<vmem>>, vector<16xf32>,
    }
    %scan3A_117 = arith.constant 128 : i32
    %mul3A_118 = arith.constant 16384 : i32
    %mul3A_119 = arith.muli %add3A_111, %mul3A_118 : i32
    "tpu.region"() ({
      %run_scoped3A = tpu.sem_alloc : memref<!tpu.dma_semaphore, #tpu.memory_space<semaphore_mem>>
      %dma_start3A = tpu.memref_slice %arg4[%mul3A_119] : memref<12845056xf32, #tpu.memory_space<hbm>> -> memref<16384xf32, #tpu.memory_space<hbm>>
      %dma_start3A_244 = tpu.memref_slice %arg4[%mul3A_119] : memref<12845056xf32, #tpu.memory_space<hbm>> -> memref<16384xf32, #tpu.memory_space<hbm>>
      tpu.enqueue_dma source(%arg7 : memref<16384xf32, #tpu.memory_space<vmem>>) target(%dma_start3A_244 : memref<16384xf32, #tpu.memory_space<hbm>>) target_semaphore(%run_scoped3A : memref<!tpu.dma_semaphore, #tpu.memory_space<semaphore_mem>>)
      %dma_wait3A = tpu.memref_slice %arg4[%mul3A_119] : memref<12845056xf32, #tpu.memory_space<hbm>> -> memref<16384xf32, #tpu.memory_space<hbm>>
      %dma_wait3A_245 = tpu.memref_slice %arg4[%mul3A_119] : memref<12845056xf32, #tpu.memory_space<hbm>> -> memref<16384xf32, #tpu.memory_space<hbm>>
      tpu.wait_dma2 semaphore(%run_scoped3A : memref<!tpu.dma_semaphore, #tpu.memory_space<semaphore_mem>>) src(%arg7 : memref<16384xf32, #tpu.memory_space<vmem>>) dst(%dma_wait3A_245 : memref<16384xf32, #tpu.memory_space<hbm>>)
      tpu.yield
    }) : () -> ()
    %add3A_120 = arith.constant 384 : i32
    %add3A_121 = arith.addi %add3A, %add3A_120 : i32
    "tpu.region"() ({
      %run_scoped3A = tpu.sem_alloc : memref<!tpu.dma_semaphore, #tpu.memory_space<semaphore_mem>>
      %dma_start3A = arith.constant 0 : i32
      %dma_start3A_244 = tpu.memref_slice %arg2[%add3A_121, %dma_start3A] : memref<784x60000xf32, #tpu.memory_space<hbm>> -> memref<1x60000xf32, #tpu.memory_space<hbm>>
      %dma_start3A_245 = tpu.memref_squeeze %dma_start3A_244 : memref<1x60000xf32, #tpu.memory_space<hbm>> -> memref<60000xf32, #tpu.memory_space<hbm>>
      %dma_start3A_246 = arith.constant 0 : i32
      %dma_start3A_247 = tpu.memref_slice %arg2[%add3A_121, %dma_start3A_246] : memref<784x60000xf32, #tpu.memory_space<hbm>> -> memref<1x60000xf32, #tpu.memory_space<hbm>>
      %dma_start3A_248 = tpu.memref_squeeze %dma_start3A_247 : memref<1x60000xf32, #tpu.memory_space<hbm>> -> memref<60000xf32, #tpu.memory_space<hbm>>
      tpu.enqueue_dma source(%dma_start3A_248 : memref<60000xf32, #tpu.memory_space<hbm>>) target(%arg6 : memref<60000xf32, #tpu.memory_space<vmem>>) target_semaphore(%run_scoped3A : memref<!tpu.dma_semaphore, #tpu.memory_space<semaphore_mem>>)
      %dma_wait3A = arith.constant 0 : i32
      %dma_wait3A_249 = tpu.memref_slice %arg2[%add3A_121, %dma_wait3A] : memref<784x60000xf32, #tpu.memory_space<hbm>> -> memref<1x60000xf32, #tpu.memory_space<hbm>>
      %dma_wait3A_250 = tpu.memref_squeeze %dma_wait3A_249 : memref<1x60000xf32, #tpu.memory_space<hbm>> -> memref<60000xf32, #tpu.memory_space<hbm>>
      %dma_wait3A_251 = arith.constant 0 : i32
      %dma_wait3A_252 = tpu.memref_slice %arg2[%add3A_121, %dma_wait3A_251] : memref<784x60000xf32, #tpu.memory_space<hbm>> -> memref<1x60000xf32, #tpu.memory_space<hbm>>
      %dma_wait3A_253 = tpu.memref_squeeze %dma_wait3A_252 : memref<1x60000xf32, #tpu.memory_space<hbm>> -> memref<60000xf32, #tpu.memory_space<hbm>>
      tpu.wait_dma2 semaphore(%run_scoped3A : memref<!tpu.dma_semaphore, #tpu.memory_space<semaphore_mem>>) src(%dma_wait3A_253 : memref<60000xf32, #tpu.memory_space<hbm>>) dst(%arg6 : memref<60000xf32, #tpu.memory_space<vmem>>)
      tpu.yield
    }) : () -> ()
    %scan3A_122 = arith.constant 0 : i32
    %scan3A_123 = arith.constant 0 : i32
    %scan3A_124 = arith.constant 128 : i32
    %scan3A_125 = arith.addi %scan3A_123, %scan3A_124 : i32
    %scan3A_126 = arith.constant 1 : i32
    scf.for %scan3A_244 = %scan3A_123 to %scan3A_125 step %scan3A_126  : i32 {
      %mul3A_245 = arith.constant 128 : i32
      %mul3A_246 = arith.muli %scan3A_244, %mul3A_245 : i32
      %add3A_247 = arith.constant 0 : i32
      %add3A_248 = arith.addi %mul3A_246, %add3A_247 : i32
      %get3A = arith.index_cast %add3A_248 : i32 to index
      %get3A_249 = tpu.vector_load %arg5[%get3A] {strides = array<i32>} : memref<16384xi32, #tpu.memory_space<vmem>>, vector<16xi32>,
      %gather3A = tpu.vector_load_idx %arg6[%get3A_249] : memref<60000xf32, #tpu.memory_space<vmem>>[vector<16xi32>], vector<16xf32>,
      %swap3A = arith.index_cast %add3A_248 : i32 to index
      %swap3A_250 = tpu.vector_load %arg7[%swap3A] {strides = array<i32>} : memref<16384xf32, #tpu.memory_space<vmem>>, vector<16xf32>,
      tpu.vector_store %arg7[%swap3A], %gather3A {strides = array<i32>} : memref<16384xf32, #tpu.memory_space<vmem>>, vector<16xf32>,
      %add3A_251 = arith.constant 16 : i32
      %add3A_252 = arith.addi %mul3A_246, %add3A_251 : i32
      %get3A_253 = arith.index_cast %add3A_252 : i32 to index
      %get3A_254 = tpu.vector_load %arg5[%get3A_253] {strides = array<i32>} : memref<16384xi32, #tpu.memory_space<vmem>>, vector<16xi32>,
      %gather3A_255 = tpu.vector_load_idx %arg6[%get3A_254] : memref<60000xf32, #tpu.memory_space<vmem>>[vector<16xi32>], vector<16xf32>,
      %swap3A_256 = arith.index_cast %add3A_252 : i32 to index
      %swap3A_257 = tpu.vector_load %arg7[%swap3A_256] {strides = array<i32>} : memref<16384xf32, #tpu.memory_space<vmem>>, vector<16xf32>,
      tpu.vector_store %arg7[%swap3A_256], %gather3A_255 {strides = array<i32>} : memref<16384xf32, #tpu.memory_space<vmem>>, vector<16xf32>,
      %add3A_258 = arith.constant 32 : i32
      %add3A_259 = arith.addi %mul3A_246, %add3A_258 : i32
      %get3A_260 = arith.index_cast %add3A_259 : i32 to index
      %get3A_261 = tpu.vector_load %arg5[%get3A_260] {strides = array<i32>} : memref<16384xi32, #tpu.memory_space<vmem>>, vector<16xi32>,
      %gather3A_262 = tpu.vector_load_idx %arg6[%get3A_261] : memref<60000xf32, #tpu.memory_space<vmem>>[vector<16xi32>], vector<16xf32>,
      %swap3A_263 = arith.index_cast %add3A_259 : i32 to index
      %swap3A_264 = tpu.vector_load %arg7[%swap3A_263] {strides = array<i32>} : memref<16384xf32, #tpu.memory_space<vmem>>, vector<16xf32>,
      tpu.vector_store %arg7[%swap3A_263], %gather3A_262 {strides = array<i32>} : memref<16384xf32, #tpu.memory_space<vmem>>, vector<16xf32>,
      %add3A_265 = arith.constant 48 : i32
      %add3A_266 = arith.addi %mul3A_246, %add3A_265 : i32
      %get3A_267 = arith.index_cast %add3A_266 : i32 to index
      %get3A_268 = tpu.vector_load %arg5[%get3A_267] {strides = array<i32>} : memref<16384xi32, #tpu.memory_space<vmem>>, vector<16xi32>,
      %gather3A_269 = tpu.vector_load_idx %arg6[%get3A_268] : memref<60000xf32, #tpu.memory_space<vmem>>[vector<16xi32>], vector<16xf32>,
      %swap3A_270 = arith.index_cast %add3A_266 : i32 to index
      %swap3A_271 = tpu.vector_load %arg7[%swap3A_270] {strides = array<i32>} : memref<16384xf32, #tpu.memory_space<vmem>>, vector<16xf32>,
      tpu.vector_store %arg7[%swap3A_270], %gather3A_269 {strides = array<i32>} : memref<16384xf32, #tpu.memory_space<vmem>>, vector<16xf32>,
      %add3A_272 = arith.constant 64 : i32
      %add3A_273 = arith.addi %mul3A_246, %add3A_272 : i32
      %get3A_274 = arith.index_cast %add3A_273 : i32 to index
      %get3A_275 = tpu.vector_load %arg5[%get3A_274] {strides = array<i32>} : memref<16384xi32, #tpu.memory_space<vmem>>, vector<16xi32>,
      %gather3A_276 = tpu.vector_load_idx %arg6[%get3A_275] : memref<60000xf32, #tpu.memory_space<vmem>>[vector<16xi32>], vector<16xf32>,
      %swap3A_277 = arith.index_cast %add3A_273 : i32 to index
      %swap3A_278 = tpu.vector_load %arg7[%swap3A_277] {strides = array<i32>} : memref<16384xf32, #tpu.memory_space<vmem>>, vector<16xf32>,
      tpu.vector_store %arg7[%swap3A_277], %gather3A_276 {strides = array<i32>} : memref<16384xf32, #tpu.memory_space<vmem>>, vector<16xf32>,
      %add3A_279 = arith.constant 80 : i32
      %add3A_280 = arith.addi %mul3A_246, %add3A_279 : i32
      %get3A_281 = arith.index_cast %add3A_280 : i32 to index
      %get3A_282 = tpu.vector_load %arg5[%get3A_281] {strides = array<i32>} : memref<16384xi32, #tpu.memory_space<vmem>>, vector<16xi32>,
      %gather3A_283 = tpu.vector_load_idx %arg6[%get3A_282] : memref<60000xf32, #tpu.memory_space<vmem>>[vector<16xi32>], vector<16xf32>,
      %swap3A_284 = arith.index_cast %add3A_280 : i32 to index
      %swap3A_285 = tpu.vector_load %arg7[%swap3A_284] {strides = array<i32>} : memref<16384xf32, #tpu.memory_space<vmem>>, vector<16xf32>,
      tpu.vector_store %arg7[%swap3A_284], %gather3A_283 {strides = array<i32>} : memref<16384xf32, #tpu.memory_space<vmem>>, vector<16xf32>,
      %add3A_286 = arith.constant 96 : i32
      %add3A_287 = arith.addi %mul3A_246, %add3A_286 : i32
      %get3A_288 = arith.index_cast %add3A_287 : i32 to index
      %get3A_289 = tpu.vector_load %arg5[%get3A_288] {strides = array<i32>} : memref<16384xi32, #tpu.memory_space<vmem>>, vector<16xi32>,
      %gather3A_290 = tpu.vector_load_idx %arg6[%get3A_289] : memref<60000xf32, #tpu.memory_space<vmem>>[vector<16xi32>], vector<16xf32>,
      %swap3A_291 = arith.index_cast %add3A_287 : i32 to index
      %swap3A_292 = tpu.vector_load %arg7[%swap3A_291] {strides = array<i32>} : memref<16384xf32, #tpu.memory_space<vmem>>, vector<16xf32>,
      tpu.vector_store %arg7[%swap3A_291], %gather3A_290 {strides = array<i32>} : memref<16384xf32, #tpu.memory_space<vmem>>, vector<16xf32>,
      %add3A_293 = arith.constant 112 : i32
      %add3A_294 = arith.addi %mul3A_246, %add3A_293 : i32
      %get3A_295 = arith.index_cast %add3A_294 : i32 to index
      %get3A_296 = tpu.vector_load %arg5[%get3A_295] {strides = array<i32>} : memref<16384xi32, #tpu.memory_space<vmem>>, vector<16xi32>,
      %gather3A_297 = tpu.vector_load_idx %arg6[%get3A_296] : memref<60000xf32, #tpu.memory_space<vmem>>[vector<16xi32>], vector<16xf32>,
      %swap3A_298 = arith.index_cast %add3A_294 : i32 to index
      %swap3A_299 = tpu.vector_load %arg7[%swap3A_298] {strides = array<i32>} : memref<16384xf32, #tpu.memory_space<vmem>>, vector<16xf32>,
      tpu.vector_store %arg7[%swap3A_298], %gather3A_297 {strides = array<i32>} : memref<16384xf32, #tpu.memory_space<vmem>>, vector<16xf32>,
    }
    %scan3A_127 = arith.constant 128 : i32
    %mul3A_128 = arith.constant 16384 : i32
    %mul3A_129 = arith.muli %add3A_121, %mul3A_128 : i32
    "tpu.region"() ({
      %run_scoped3A = tpu.sem_alloc : memref<!tpu.dma_semaphore, #tpu.memory_space<semaphore_mem>>
      %dma_start3A = tpu.memref_slice %arg4[%mul3A_129] : memref<12845056xf32, #tpu.memory_space<hbm>> -> memref<16384xf32, #tpu.memory_space<hbm>>
      %dma_start3A_244 = tpu.memref_slice %arg4[%mul3A_129] : memref<12845056xf32, #tpu.memory_space<hbm>> -> memref<16384xf32, #tpu.memory_space<hbm>>
      tpu.enqueue_dma source(%arg7 : memref<16384xf32, #tpu.memory_space<vmem>>) target(%dma_start3A_244 : memref<16384xf32, #tpu.memory_space<hbm>>) target_semaphore(%run_scoped3A : memref<!tpu.dma_semaphore, #tpu.memory_space<semaphore_mem>>)
      %dma_wait3A = tpu.memref_slice %arg4[%mul3A_129] : memref<12845056xf32, #tpu.memory_space<hbm>> -> memref<16384xf32, #tpu.memory_space<hbm>>
      %dma_wait3A_245 = tpu.memref_slice %arg4[%mul3A_129] : memref<12845056xf32, #tpu.memory_space<hbm>> -> memref<16384xf32, #tpu.memory_space<hbm>>
      tpu.wait_dma2 semaphore(%run_scoped3A : memref<!tpu.dma_semaphore, #tpu.memory_space<semaphore_mem>>) src(%arg7 : memref<16384xf32, #tpu.memory_space<vmem>>) dst(%dma_wait3A_245 : memref<16384xf32, #tpu.memory_space<hbm>>)
      tpu.yield
    }) : () -> ()
    %add3A_130 = arith.constant 416 : i32
    %add3A_131 = arith.addi %add3A, %add3A_130 : i32
    "tpu.region"() ({
      %run_scoped3A = tpu.sem_alloc : memref<!tpu.dma_semaphore, #tpu.memory_space<semaphore_mem>>
      %dma_start3A = arith.constant 0 : i32
      %dma_start3A_244 = tpu.memref_slice %arg2[%add3A_131, %dma_start3A] : memref<784x60000xf32, #tpu.memory_space<hbm>> -> memref<1x60000xf32, #tpu.memory_space<hbm>>
      %dma_start3A_245 = tpu.memref_squeeze %dma_start3A_244 : memref<1x60000xf32, #tpu.memory_space<hbm>> -> memref<60000xf32, #tpu.memory_space<hbm>>
      %dma_start3A_246 = arith.constant 0 : i32
      %dma_start3A_247 = tpu.memref_slice %arg2[%add3A_131, %dma_start3A_246] : memref<784x60000xf32, #tpu.memory_space<hbm>> -> memref<1x60000xf32, #tpu.memory_space<hbm>>
      %dma_start3A_248 = tpu.memref_squeeze %dma_start3A_247 : memref<1x60000xf32, #tpu.memory_space<hbm>> -> memref<60000xf32, #tpu.memory_space<hbm>>
      tpu.enqueue_dma source(%dma_start3A_248 : memref<60000xf32, #tpu.memory_space<hbm>>) target(%arg6 : memref<60000xf32, #tpu.memory_space<vmem>>) target_semaphore(%run_scoped3A : memref<!tpu.dma_semaphore, #tpu.memory_space<semaphore_mem>>)
      %dma_wait3A = arith.constant 0 : i32
      %dma_wait3A_249 = tpu.memref_slice %arg2[%add3A_131, %dma_wait3A] : memref<784x60000xf32, #tpu.memory_space<hbm>> -> memref<1x60000xf32, #tpu.memory_space<hbm>>
      %dma_wait3A_250 = tpu.memref_squeeze %dma_wait3A_249 : memref<1x60000xf32, #tpu.memory_space<hbm>> -> memref<60000xf32, #tpu.memory_space<hbm>>
      %dma_wait3A_251 = arith.constant 0 : i32
      %dma_wait3A_252 = tpu.memref_slice %arg2[%add3A_131, %dma_wait3A_251] : memref<784x60000xf32, #tpu.memory_space<hbm>> -> memref<1x60000xf32, #tpu.memory_space<hbm>>
      %dma_wait3A_253 = tpu.memref_squeeze %dma_wait3A_252 : memref<1x60000xf32, #tpu.memory_space<hbm>> -> memref<60000xf32, #tpu.memory_space<hbm>>
      tpu.wait_dma2 semaphore(%run_scoped3A : memref<!tpu.dma_semaphore, #tpu.memory_space<semaphore_mem>>) src(%dma_wait3A_253 : memref<60000xf32, #tpu.memory_space<hbm>>) dst(%arg6 : memref<60000xf32, #tpu.memory_space<vmem>>)
      tpu.yield
    }) : () -> ()
    %scan3A_132 = arith.constant 0 : i32
    %scan3A_133 = arith.constant 0 : i32
    %scan3A_134 = arith.constant 128 : i32
    %scan3A_135 = arith.addi %scan3A_133, %scan3A_134 : i32
    %scan3A_136 = arith.constant 1 : i32
    scf.for %scan3A_244 = %scan3A_133 to %scan3A_135 step %scan3A_136  : i32 {
      %mul3A_245 = arith.constant 128 : i32
      %mul3A_246 = arith.muli %scan3A_244, %mul3A_245 : i32
      %add3A_247 = arith.constant 0 : i32
      %add3A_248 = arith.addi %mul3A_246, %add3A_247 : i32
      %get3A = arith.index_cast %add3A_248 : i32 to index
      %get3A_249 = tpu.vector_load %arg5[%get3A] {strides = array<i32>} : memref<16384xi32, #tpu.memory_space<vmem>>, vector<16xi32>,
      %gather3A = tpu.vector_load_idx %arg6[%get3A_249] : memref<60000xf32, #tpu.memory_space<vmem>>[vector<16xi32>], vector<16xf32>,
      %swap3A = arith.index_cast %add3A_248 : i32 to index
      %swap3A_250 = tpu.vector_load %arg7[%swap3A] {strides = array<i32>} : memref<16384xf32, #tpu.memory_space<vmem>>, vector<16xf32>,
      tpu.vector_store %arg7[%swap3A], %gather3A {strides = array<i32>} : memref<16384xf32, #tpu.memory_space<vmem>>, vector<16xf32>,
      %add3A_251 = arith.constant 16 : i32
      %add3A_252 = arith.addi %mul3A_246, %add3A_251 : i32
      %get3A_253 = arith.index_cast %add3A_252 : i32 to index
      %get3A_254 = tpu.vector_load %arg5[%get3A_253] {strides = array<i32>} : memref<16384xi32, #tpu.memory_space<vmem>>, vector<16xi32>,
      %gather3A_255 = tpu.vector_load_idx %arg6[%get3A_254] : memref<60000xf32, #tpu.memory_space<vmem>>[vector<16xi32>], vector<16xf32>,
      %swap3A_256 = arith.index_cast %add3A_252 : i32 to index
      %swap3A_257 = tpu.vector_load %arg7[%swap3A_256] {strides = array<i32>} : memref<16384xf32, #tpu.memory_space<vmem>>, vector<16xf32>,
      tpu.vector_store %arg7[%swap3A_256], %gather3A_255 {strides = array<i32>} : memref<16384xf32, #tpu.memory_space<vmem>>, vector<16xf32>,
      %add3A_258 = arith.constant 32 : i32
      %add3A_259 = arith.addi %mul3A_246, %add3A_258 : i32
      %get3A_260 = arith.index_cast %add3A_259 : i32 to index
      %get3A_261 = tpu.vector_load %arg5[%get3A_260] {strides = array<i32>} : memref<16384xi32, #tpu.memory_space<vmem>>, vector<16xi32>,
      %gather3A_262 = tpu.vector_load_idx %arg6[%get3A_261] : memref<60000xf32, #tpu.memory_space<vmem>>[vector<16xi32>], vector<16xf32>,
      %swap3A_263 = arith.index_cast %add3A_259 : i32 to index
      %swap3A_264 = tpu.vector_load %arg7[%swap3A_263] {strides = array<i32>} : memref<16384xf32, #tpu.memory_space<vmem>>, vector<16xf32>,
      tpu.vector_store %arg7[%swap3A_263], %gather3A_262 {strides = array<i32>} : memref<16384xf32, #tpu.memory_space<vmem>>, vector<16xf32>,
      %add3A_265 = arith.constant 48 : i32
      %add3A_266 = arith.addi %mul3A_246, %add3A_265 : i32
      %get3A_267 = arith.index_cast %add3A_266 : i32 to index
      %get3A_268 = tpu.vector_load %arg5[%get3A_267] {strides = array<i32>} : memref<16384xi32, #tpu.memory_space<vmem>>, vector<16xi32>,
      %gather3A_269 = tpu.vector_load_idx %arg6[%get3A_268] : memref<60000xf32, #tpu.memory_space<vmem>>[vector<16xi32>], vector<16xf32>,
      %swap3A_270 = arith.index_cast %add3A_266 : i32 to index
      %swap3A_271 = tpu.vector_load %arg7[%swap3A_270] {strides = array<i32>} : memref<16384xf32, #tpu.memory_space<vmem>>, vector<16xf32>,
      tpu.vector_store %arg7[%swap3A_270], %gather3A_269 {strides = array<i32>} : memref<16384xf32, #tpu.memory_space<vmem>>, vector<16xf32>,
      %add3A_272 = arith.constant 64 : i32
      %add3A_273 = arith.addi %mul3A_246, %add3A_272 : i32
      %get3A_274 = arith.index_cast %add3A_273 : i32 to index
      %get3A_275 = tpu.vector_load %arg5[%get3A_274] {strides = array<i32>} : memref<16384xi32, #tpu.memory_space<vmem>>, vector<16xi32>,
      %gather3A_276 = tpu.vector_load_idx %arg6[%get3A_275] : memref<60000xf32, #tpu.memory_space<vmem>>[vector<16xi32>], vector<16xf32>,
      %swap3A_277 = arith.index_cast %add3A_273 : i32 to index
      %swap3A_278 = tpu.vector_load %arg7[%swap3A_277] {strides = array<i32>} : memref<16384xf32, #tpu.memory_space<vmem>>, vector<16xf32>,
      tpu.vector_store %arg7[%swap3A_277], %gather3A_276 {strides = array<i32>} : memref<16384xf32, #tpu.memory_space<vmem>>, vector<16xf32>,
      %add3A_279 = arith.constant 80 : i32
      %add3A_280 = arith.addi %mul3A_246, %add3A_279 : i32
      %get3A_281 = arith.index_cast %add3A_280 : i32 to index
      %get3A_282 = tpu.vector_load %arg5[%get3A_281] {strides = array<i32>} : memref<16384xi32, #tpu.memory_space<vmem>>, vector<16xi32>,
      %gather3A_283 = tpu.vector_load_idx %arg6[%get3A_282] : memref<60000xf32, #tpu.memory_space<vmem>>[vector<16xi32>], vector<16xf32>,
      %swap3A_284 = arith.index_cast %add3A_280 : i32 to index
      %swap3A_285 = tpu.vector_load %arg7[%swap3A_284] {strides = array<i32>} : memref<16384xf32, #tpu.memory_space<vmem>>, vector<16xf32>,
      tpu.vector_store %arg7[%swap3A_284], %gather3A_283 {strides = array<i32>} : memref<16384xf32, #tpu.memory_space<vmem>>, vector<16xf32>,
      %add3A_286 = arith.constant 96 : i32
      %add3A_287 = arith.addi %mul3A_246, %add3A_286 : i32
      %get3A_288 = arith.index_cast %add3A_287 : i32 to index
      %get3A_289 = tpu.vector_load %arg5[%get3A_288] {strides = array<i32>} : memref<16384xi32, #tpu.memory_space<vmem>>, vector<16xi32>,
      %gather3A_290 = tpu.vector_load_idx %arg6[%get3A_289] : memref<60000xf32, #tpu.memory_space<vmem>>[vector<16xi32>], vector<16xf32>,
      %swap3A_291 = arith.index_cast %add3A_287 : i32 to index
      %swap3A_292 = tpu.vector_load %arg7[%swap3A_291] {strides = array<i32>} : memref<16384xf32, #tpu.memory_space<vmem>>, vector<16xf32>,
      tpu.vector_store %arg7[%swap3A_291], %gather3A_290 {strides = array<i32>} : memref<16384xf32, #tpu.memory_space<vmem>>, vector<16xf32>,
      %add3A_293 = arith.constant 112 : i32
      %add3A_294 = arith.addi %mul3A_246, %add3A_293 : i32
      %get3A_295 = arith.index_cast %add3A_294 : i32 to index
      %get3A_296 = tpu.vector_load %arg5[%get3A_295] {strides = array<i32>} : memref<16384xi32, #tpu.memory_space<vmem>>, vector<16xi32>,
      %gather3A_297 = tpu.vector_load_idx %arg6[%get3A_296] : memref<60000xf32, #tpu.memory_space<vmem>>[vector<16xi32>], vector<16xf32>,
      %swap3A_298 = arith.index_cast %add3A_294 : i32 to index
      %swap3A_299 = tpu.vector_load %arg7[%swap3A_298] {strides = array<i32>} : memref<16384xf32, #tpu.memory_space<vmem>>, vector<16xf32>,
      tpu.vector_store %arg7[%swap3A_298], %gather3A_297 {strides = array<i32>} : memref<16384xf32, #tpu.memory_space<vmem>>, vector<16xf32>,
    }
    %scan3A_137 = arith.constant 128 : i32
    %mul3A_138 = arith.constant 16384 : i32
    %mul3A_139 = arith.muli %add3A_131, %mul3A_138 : i32
    "tpu.region"() ({
      %run_scoped3A = tpu.sem_alloc : memref<!tpu.dma_semaphore, #tpu.memory_space<semaphore_mem>>
      %dma_start3A = tpu.memref_slice %arg4[%mul3A_139] : memref<12845056xf32, #tpu.memory_space<hbm>> -> memref<16384xf32, #tpu.memory_space<hbm>>
      %dma_start3A_244 = tpu.memref_slice %arg4[%mul3A_139] : memref<12845056xf32, #tpu.memory_space<hbm>> -> memref<16384xf32, #tpu.memory_space<hbm>>
      tpu.enqueue_dma source(%arg7 : memref<16384xf32, #tpu.memory_space<vmem>>) target(%dma_start3A_244 : memref<16384xf32, #tpu.memory_space<hbm>>) target_semaphore(%run_scoped3A : memref<!tpu.dma_semaphore, #tpu.memory_space<semaphore_mem>>)
      %dma_wait3A = tpu.memref_slice %arg4[%mul3A_139] : memref<12845056xf32, #tpu.memory_space<hbm>> -> memref<16384xf32, #tpu.memory_space<hbm>>
      %dma_wait3A_245 = tpu.memref_slice %arg4[%mul3A_139] : memref<12845056xf32, #tpu.memory_space<hbm>> -> memref<16384xf32, #tpu.memory_space<hbm>>
      tpu.wait_dma2 semaphore(%run_scoped3A : memref<!tpu.dma_semaphore, #tpu.memory_space<semaphore_mem>>) src(%arg7 : memref<16384xf32, #tpu.memory_space<vmem>>) dst(%dma_wait3A_245 : memref<16384xf32, #tpu.memory_space<hbm>>)
      tpu.yield
    }) : () -> ()
    %add3A_140 = arith.constant 448 : i32
    %add3A_141 = arith.addi %add3A, %add3A_140 : i32
    "tpu.region"() ({
      %run_scoped3A = tpu.sem_alloc : memref<!tpu.dma_semaphore, #tpu.memory_space<semaphore_mem>>
      %dma_start3A = arith.constant 0 : i32
      %dma_start3A_244 = tpu.memref_slice %arg2[%add3A_141, %dma_start3A] : memref<784x60000xf32, #tpu.memory_space<hbm>> -> memref<1x60000xf32, #tpu.memory_space<hbm>>
      %dma_start3A_245 = tpu.memref_squeeze %dma_start3A_244 : memref<1x60000xf32, #tpu.memory_space<hbm>> -> memref<60000xf32, #tpu.memory_space<hbm>>
      %dma_start3A_246 = arith.constant 0 : i32
      %dma_start3A_247 = tpu.memref_slice %arg2[%add3A_141, %dma_start3A_246] : memref<784x60000xf32, #tpu.memory_space<hbm>> -> memref<1x60000xf32, #tpu.memory_space<hbm>>
      %dma_start3A_248 = tpu.memref_squeeze %dma_start3A_247 : memref<1x60000xf32, #tpu.memory_space<hbm>> -> memref<60000xf32, #tpu.memory_space<hbm>>
      tpu.enqueue_dma source(%dma_start3A_248 : memref<60000xf32, #tpu.memory_space<hbm>>) target(%arg6 : memref<60000xf32, #tpu.memory_space<vmem>>) target_semaphore(%run_scoped3A : memref<!tpu.dma_semaphore, #tpu.memory_space<semaphore_mem>>)
      %dma_wait3A = arith.constant 0 : i32
      %dma_wait3A_249 = tpu.memref_slice %arg2[%add3A_141, %dma_wait3A] : memref<784x60000xf32, #tpu.memory_space<hbm>> -> memref<1x60000xf32, #tpu.memory_space<hbm>>
      %dma_wait3A_250 = tpu.memref_squeeze %dma_wait3A_249 : memref<1x60000xf32, #tpu.memory_space<hbm>> -> memref<60000xf32, #tpu.memory_space<hbm>>
      %dma_wait3A_251 = arith.constant 0 : i32
      %dma_wait3A_252 = tpu.memref_slice %arg2[%add3A_141, %dma_wait3A_251] : memref<784x60000xf32, #tpu.memory_space<hbm>> -> memref<1x60000xf32, #tpu.memory_space<hbm>>
      %dma_wait3A_253 = tpu.memref_squeeze %dma_wait3A_252 : memref<1x60000xf32, #tpu.memory_space<hbm>> -> memref<60000xf32, #tpu.memory_space<hbm>>
      tpu.wait_dma2 semaphore(%run_scoped3A : memref<!tpu.dma_semaphore, #tpu.memory_space<semaphore_mem>>) src(%dma_wait3A_253 : memref<60000xf32, #tpu.memory_space<hbm>>) dst(%arg6 : memref<60000xf32, #tpu.memory_space<vmem>>)
      tpu.yield
    }) : () -> ()
    %scan3A_142 = arith.constant 0 : i32
    %scan3A_143 = arith.constant 0 : i32
    %scan3A_144 = arith.constant 128 : i32
    %scan3A_145 = arith.addi %scan3A_143, %scan3A_144 : i32
    %scan3A_146 = arith.constant 1 : i32
    scf.for %scan3A_244 = %scan3A_143 to %scan3A_145 step %scan3A_146  : i32 {
      %mul3A_245 = arith.constant 128 : i32
      %mul3A_246 = arith.muli %scan3A_244, %mul3A_245 : i32
      %add3A_247 = arith.constant 0 : i32
      %add3A_248 = arith.addi %mul3A_246, %add3A_247 : i32
      %get3A = arith.index_cast %add3A_248 : i32 to index
      %get3A_249 = tpu.vector_load %arg5[%get3A] {strides = array<i32>} : memref<16384xi32, #tpu.memory_space<vmem>>, vector<16xi32>,
      %gather3A = tpu.vector_load_idx %arg6[%get3A_249] : memref<60000xf32, #tpu.memory_space<vmem>>[vector<16xi32>], vector<16xf32>,
      %swap3A = arith.index_cast %add3A_248 : i32 to index
      %swap3A_250 = tpu.vector_load %arg7[%swap3A] {strides = array<i32>} : memref<16384xf32, #tpu.memory_space<vmem>>, vector<16xf32>,
      tpu.vector_store %arg7[%swap3A], %gather3A {strides = array<i32>} : memref<16384xf32, #tpu.memory_space<vmem>>, vector<16xf32>,
      %add3A_251 = arith.constant 16 : i32
      %add3A_252 = arith.addi %mul3A_246, %add3A_251 : i32
      %get3A_253 = arith.index_cast %add3A_252 : i32 to index
      %get3A_254 = tpu.vector_load %arg5[%get3A_253] {strides = array<i32>} : memref<16384xi32, #tpu.memory_space<vmem>>, vector<16xi32>,
      %gather3A_255 = tpu.vector_load_idx %arg6[%get3A_254] : memref<60000xf32, #tpu.memory_space<vmem>>[vector<16xi32>], vector<16xf32>,
      %swap3A_256 = arith.index_cast %add3A_252 : i32 to index
      %swap3A_257 = tpu.vector_load %arg7[%swap3A_256] {strides = array<i32>} : memref<16384xf32, #tpu.memory_space<vmem>>, vector<16xf32>,
      tpu.vector_store %arg7[%swap3A_256], %gather3A_255 {strides = array<i32>} : memref<16384xf32, #tpu.memory_space<vmem>>, vector<16xf32>,
      %add3A_258 = arith.constant 32 : i32
      %add3A_259 = arith.addi %mul3A_246, %add3A_258 : i32
      %get3A_260 = arith.index_cast %add3A_259 : i32 to index
      %get3A_261 = tpu.vector_load %arg5[%get3A_260] {strides = array<i32>} : memref<16384xi32, #tpu.memory_space<vmem>>, vector<16xi32>,
      %gather3A_262 = tpu.vector_load_idx %arg6[%get3A_261] : memref<60000xf32, #tpu.memory_space<vmem>>[vector<16xi32>], vector<16xf32>,
      %swap3A_263 = arith.index_cast %add3A_259 : i32 to index
      %swap3A_264 = tpu.vector_load %arg7[%swap3A_263] {strides = array<i32>} : memref<16384xf32, #tpu.memory_space<vmem>>, vector<16xf32>,
      tpu.vector_store %arg7[%swap3A_263], %gather3A_262 {strides = array<i32>} : memref<16384xf32, #tpu.memory_space<vmem>>, vector<16xf32>,
      %add3A_265 = arith.constant 48 : i32
      %add3A_266 = arith.addi %mul3A_246, %add3A_265 : i32
      %get3A_267 = arith.index_cast %add3A_266 : i32 to index
      %get3A_268 = tpu.vector_load %arg5[%get3A_267] {strides = array<i32>} : memref<16384xi32, #tpu.memory_space<vmem>>, vector<16xi32>,
      %gather3A_269 = tpu.vector_load_idx %arg6[%get3A_268] : memref<60000xf32, #tpu.memory_space<vmem>>[vector<16xi32>], vector<16xf32>,
      %swap3A_270 = arith.index_cast %add3A_266 : i32 to index
      %swap3A_271 = tpu.vector_load %arg7[%swap3A_270] {strides = array<i32>} : memref<16384xf32, #tpu.memory_space<vmem>>, vector<16xf32>,
      tpu.vector_store %arg7[%swap3A_270], %gather3A_269 {strides = array<i32>} : memref<16384xf32, #tpu.memory_space<vmem>>, vector<16xf32>,
      %add3A_272 = arith.constant 64 : i32
      %add3A_273 = arith.addi %mul3A_246, %add3A_272 : i32
      %get3A_274 = arith.index_cast %add3A_273 : i32 to index
      %get3A_275 = tpu.vector_load %arg5[%get3A_274] {strides = array<i32>} : memref<16384xi32, #tpu.memory_space<vmem>>, vector<16xi32>,
      %gather3A_276 = tpu.vector_load_idx %arg6[%get3A_275] : memref<60000xf32, #tpu.memory_space<vmem>>[vector<16xi32>], vector<16xf32>,
      %swap3A_277 = arith.index_cast %add3A_273 : i32 to index
      %swap3A_278 = tpu.vector_load %arg7[%swap3A_277] {strides = array<i32>} : memref<16384xf32, #tpu.memory_space<vmem>>, vector<16xf32>,
      tpu.vector_store %arg7[%swap3A_277], %gather3A_276 {strides = array<i32>} : memref<16384xf32, #tpu.memory_space<vmem>>, vector<16xf32>,
      %add3A_279 = arith.constant 80 : i32
      %add3A_280 = arith.addi %mul3A_246, %add3A_279 : i32
      %get3A_281 = arith.index_cast %add3A_280 : i32 to index
      %get3A_282 = tpu.vector_load %arg5[%get3A_281] {strides = array<i32>} : memref<16384xi32, #tpu.memory_space<vmem>>, vector<16xi32>,
      %gather3A_283 = tpu.vector_load_idx %arg6[%get3A_282] : memref<60000xf32, #tpu.memory_space<vmem>>[vector<16xi32>], vector<16xf32>,
      %swap3A_284 = arith.index_cast %add3A_280 : i32 to index
      %swap3A_285 = tpu.vector_load %arg7[%swap3A_284] {strides = array<i32>} : memref<16384xf32, #tpu.memory_space<vmem>>, vector<16xf32>,
      tpu.vector_store %arg7[%swap3A_284], %gather3A_283 {strides = array<i32>} : memref<16384xf32, #tpu.memory_space<vmem>>, vector<16xf32>,
      %add3A_286 = arith.constant 96 : i32
      %add3A_287 = arith.addi %mul3A_246, %add3A_286 : i32
      %get3A_288 = arith.index_cast %add3A_287 : i32 to index
      %get3A_289 = tpu.vector_load %arg5[%get3A_288] {strides = array<i32>} : memref<16384xi32, #tpu.memory_space<vmem>>, vector<16xi32>,
      %gather3A_290 = tpu.vector_load_idx %arg6[%get3A_289] : memref<60000xf32, #tpu.memory_space<vmem>>[vector<16xi32>], vector<16xf32>,
      %swap3A_291 = arith.index_cast %add3A_287 : i32 to index
      %swap3A_292 = tpu.vector_load %arg7[%swap3A_291] {strides = array<i32>} : memref<16384xf32, #tpu.memory_space<vmem>>, vector<16xf32>,
      tpu.vector_store %arg7[%swap3A_291], %gather3A_290 {strides = array<i32>} : memref<16384xf32, #tpu.memory_space<vmem>>, vector<16xf32>,
      %add3A_293 = arith.constant 112 : i32
      %add3A_294 = arith.addi %mul3A_246, %add3A_293 : i32
      %get3A_295 = arith.index_cast %add3A_294 : i32 to index
      %get3A_296 = tpu.vector_load %arg5[%get3A_295] {strides = array<i32>} : memref<16384xi32, #tpu.memory_space<vmem>>, vector<16xi32>,
      %gather3A_297 = tpu.vector_load_idx %arg6[%get3A_296] : memref<60000xf32, #tpu.memory_space<vmem>>[vector<16xi32>], vector<16xf32>,
      %swap3A_298 = arith.index_cast %add3A_294 : i32 to index
      %swap3A_299 = tpu.vector_load %arg7[%swap3A_298] {strides = array<i32>} : memref<16384xf32, #tpu.memory_space<vmem>>, vector<16xf32>,
      tpu.vector_store %arg7[%swap3A_298], %gather3A_297 {strides = array<i32>} : memref<16384xf32, #tpu.memory_space<vmem>>, vector<16xf32>,
    }
    %scan3A_147 = arith.constant 128 : i32
    %mul3A_148 = arith.constant 16384 : i32
    %mul3A_149 = arith.muli %add3A_141, %mul3A_148 : i32
    "tpu.region"() ({
      %run_scoped3A = tpu.sem_alloc : memref<!tpu.dma_semaphore, #tpu.memory_space<semaphore_mem>>
      %dma_start3A = tpu.memref_slice %arg4[%mul3A_149] : memref<12845056xf32, #tpu.memory_space<hbm>> -> memref<16384xf32, #tpu.memory_space<hbm>>
      %dma_start3A_244 = tpu.memref_slice %arg4[%mul3A_149] : memref<12845056xf32, #tpu.memory_space<hbm>> -> memref<16384xf32, #tpu.memory_space<hbm>>
      tpu.enqueue_dma source(%arg7 : memref<16384xf32, #tpu.memory_space<vmem>>) target(%dma_start3A_244 : memref<16384xf32, #tpu.memory_space<hbm>>) target_semaphore(%run_scoped3A : memref<!tpu.dma_semaphore, #tpu.memory_space<semaphore_mem>>)
      %dma_wait3A = tpu.memref_slice %arg4[%mul3A_149] : memref<12845056xf32, #tpu.memory_space<hbm>> -> memref<16384xf32, #tpu.memory_space<hbm>>
      %dma_wait3A_245 = tpu.memref_slice %arg4[%mul3A_149] : memref<12845056xf32, #tpu.memory_space<hbm>> -> memref<16384xf32, #tpu.memory_space<hbm>>
      tpu.wait_dma2 semaphore(%run_scoped3A : memref<!tpu.dma_semaphore, #tpu.memory_space<semaphore_mem>>) src(%arg7 : memref<16384xf32, #tpu.memory_space<vmem>>) dst(%dma_wait3A_245 : memref<16384xf32, #tpu.memory_space<hbm>>)
      tpu.yield
    }) : () -> ()
    %add3A_150 = arith.constant 480 : i32
    %add3A_151 = arith.addi %add3A, %add3A_150 : i32
    "tpu.region"() ({
      %run_scoped3A = tpu.sem_alloc : memref<!tpu.dma_semaphore, #tpu.memory_space<semaphore_mem>>
      %dma_start3A = arith.constant 0 : i32
      %dma_start3A_244 = tpu.memref_slice %arg2[%add3A_151, %dma_start3A] : memref<784x60000xf32, #tpu.memory_space<hbm>> -> memref<1x60000xf32, #tpu.memory_space<hbm>>
      %dma_start3A_245 = tpu.memref_squeeze %dma_start3A_244 : memref<1x60000xf32, #tpu.memory_space<hbm>> -> memref<60000xf32, #tpu.memory_space<hbm>>
      %dma_start3A_246 = arith.constant 0 : i32
      %dma_start3A_247 = tpu.memref_slice %arg2[%add3A_151, %dma_start3A_246] : memref<784x60000xf32, #tpu.memory_space<hbm>> -> memref<1x60000xf32, #tpu.memory_space<hbm>>
      %dma_start3A_248 = tpu.memref_squeeze %dma_start3A_247 : memref<1x60000xf32, #tpu.memory_space<hbm>> -> memref<60000xf32, #tpu.memory_space<hbm>>
      tpu.enqueue_dma source(%dma_start3A_248 : memref<60000xf32, #tpu.memory_space<hbm>>) target(%arg6 : memref<60000xf32, #tpu.memory_space<vmem>>) target_semaphore(%run_scoped3A : memref<!tpu.dma_semaphore, #tpu.memory_space<semaphore_mem>>)
      %dma_wait3A = arith.constant 0 : i32
      %dma_wait3A_249 = tpu.memref_slice %arg2[%add3A_151, %dma_wait3A] : memref<784x60000xf32, #tpu.memory_space<hbm>> -> memref<1x60000xf32, #tpu.memory_space<hbm>>
      %dma_wait3A_250 = tpu.memref_squeeze %dma_wait3A_249 : memref<1x60000xf32, #tpu.memory_space<hbm>> -> memref<60000xf32, #tpu.memory_space<hbm>>
      %dma_wait3A_251 = arith.constant 0 : i32
      %dma_wait3A_252 = tpu.memref_slice %arg2[%add3A_151, %dma_wait3A_251] : memref<784x60000xf32, #tpu.memory_space<hbm>> -> memref<1x60000xf32, #tpu.memory_space<hbm>>
      %dma_wait3A_253 = tpu.memref_squeeze %dma_wait3A_252 : memref<1x60000xf32, #tpu.memory_space<hbm>> -> memref<60000xf32, #tpu.memory_space<hbm>>
      tpu.wait_dma2 semaphore(%run_scoped3A : memref<!tpu.dma_semaphore, #tpu.memory_space<semaphore_mem>>) src(%dma_wait3A_253 : memref<60000xf32, #tpu.memory_space<hbm>>) dst(%arg6 : memref<60000xf32, #tpu.memory_space<vmem>>)
      tpu.yield
    }) : () -> ()
    %scan3A_152 = arith.constant 0 : i32
    %scan3A_153 = arith.constant 0 : i32
    %scan3A_154 = arith.constant 128 : i32
    %scan3A_155 = arith.addi %scan3A_153, %scan3A_154 : i32
    %scan3A_156 = arith.constant 1 : i32
    scf.for %scan3A_244 = %scan3A_153 to %scan3A_155 step %scan3A_156  : i32 {
      %mul3A_245 = arith.constant 128 : i32
      %mul3A_246 = arith.muli %scan3A_244, %mul3A_245 : i32
      %add3A_247 = arith.constant 0 : i32
      %add3A_248 = arith.addi %mul3A_246, %add3A_247 : i32
      %get3A = arith.index_cast %add3A_248 : i32 to index
      %get3A_249 = tpu.vector_load %arg5[%get3A] {strides = array<i32>} : memref<16384xi32, #tpu.memory_space<vmem>>, vector<16xi32>,
      %gather3A = tpu.vector_load_idx %arg6[%get3A_249] : memref<60000xf32, #tpu.memory_space<vmem>>[vector<16xi32>], vector<16xf32>,
      %swap3A = arith.index_cast %add3A_248 : i32 to index
      %swap3A_250 = tpu.vector_load %arg7[%swap3A] {strides = array<i32>} : memref<16384xf32, #tpu.memory_space<vmem>>, vector<16xf32>,
      tpu.vector_store %arg7[%swap3A], %gather3A {strides = array<i32>} : memref<16384xf32, #tpu.memory_space<vmem>>, vector<16xf32>,
      %add3A_251 = arith.constant 16 : i32
      %add3A_252 = arith.addi %mul3A_246, %add3A_251 : i32
      %get3A_253 = arith.index_cast %add3A_252 : i32 to index
      %get3A_254 = tpu.vector_load %arg5[%get3A_253] {strides = array<i32>} : memref<16384xi32, #tpu.memory_space<vmem>>, vector<16xi32>,
      %gather3A_255 = tpu.vector_load_idx %arg6[%get3A_254] : memref<60000xf32, #tpu.memory_space<vmem>>[vector<16xi32>], vector<16xf32>,
      %swap3A_256 = arith.index_cast %add3A_252 : i32 to index
      %swap3A_257 = tpu.vector_load %arg7[%swap3A_256] {strides = array<i32>} : memref<16384xf32, #tpu.memory_space<vmem>>, vector<16xf32>,
      tpu.vector_store %arg7[%swap3A_256], %gather3A_255 {strides = array<i32>} : memref<16384xf32, #tpu.memory_space<vmem>>, vector<16xf32>,
      %add3A_258 = arith.constant 32 : i32
      %add3A_259 = arith.addi %mul3A_246, %add3A_258 : i32
      %get3A_260 = arith.index_cast %add3A_259 : i32 to index
      %get3A_261 = tpu.vector_load %arg5[%get3A_260] {strides = array<i32>} : memref<16384xi32, #tpu.memory_space<vmem>>, vector<16xi32>,
      %gather3A_262 = tpu.vector_load_idx %arg6[%get3A_261] : memref<60000xf32, #tpu.memory_space<vmem>>[vector<16xi32>], vector<16xf32>,
      %swap3A_263 = arith.index_cast %add3A_259 : i32 to index
      %swap3A_264 = tpu.vector_load %arg7[%swap3A_263] {strides = array<i32>} : memref<16384xf32, #tpu.memory_space<vmem>>, vector<16xf32>,
      tpu.vector_store %arg7[%swap3A_263], %gather3A_262 {strides = array<i32>} : memref<16384xf32, #tpu.memory_space<vmem>>, vector<16xf32>,
      %add3A_265 = arith.constant 48 : i32
      %add3A_266 = arith.addi %mul3A_246, %add3A_265 : i32
      %get3A_267 = arith.index_cast %add3A_266 : i32 to index
      %get3A_268 = tpu.vector_load %arg5[%get3A_267] {strides = array<i32>} : memref<16384xi32, #tpu.memory_space<vmem>>, vector<16xi32>,
      %gather3A_269 = tpu.vector_load_idx %arg6[%get3A_268] : memref<60000xf32, #tpu.memory_space<vmem>>[vector<16xi32>], vector<16xf32>,
      %swap3A_270 = arith.index_cast %add3A_266 : i32 to index
      %swap3A_271 = tpu.vector_load %arg7[%swap3A_270] {strides = array<i32>} : memref<16384xf32, #tpu.memory_space<vmem>>, vector<16xf32>,
      tpu.vector_store %arg7[%swap3A_270], %gather3A_269 {strides = array<i32>} : memref<16384xf32, #tpu.memory_space<vmem>>, vector<16xf32>,
      %add3A_272 = arith.constant 64 : i32
      %add3A_273 = arith.addi %mul3A_246, %add3A_272 : i32
      %get3A_274 = arith.index_cast %add3A_273 : i32 to index
      %get3A_275 = tpu.vector_load %arg5[%get3A_274] {strides = array<i32>} : memref<16384xi32, #tpu.memory_space<vmem>>, vector<16xi32>,
      %gather3A_276 = tpu.vector_load_idx %arg6[%get3A_275] : memref<60000xf32, #tpu.memory_space<vmem>>[vector<16xi32>], vector<16xf32>,
      %swap3A_277 = arith.index_cast %add3A_273 : i32 to index
      %swap3A_278 = tpu.vector_load %arg7[%swap3A_277] {strides = array<i32>} : memref<16384xf32, #tpu.memory_space<vmem>>, vector<16xf32>,
      tpu.vector_store %arg7[%swap3A_277], %gather3A_276 {strides = array<i32>} : memref<16384xf32, #tpu.memory_space<vmem>>, vector<16xf32>,
      %add3A_279 = arith.constant 80 : i32
      %add3A_280 = arith.addi %mul3A_246, %add3A_279 : i32
      %get3A_281 = arith.index_cast %add3A_280 : i32 to index
      %get3A_282 = tpu.vector_load %arg5[%get3A_281] {strides = array<i32>} : memref<16384xi32, #tpu.memory_space<vmem>>, vector<16xi32>,
      %gather3A_283 = tpu.vector_load_idx %arg6[%get3A_282] : memref<60000xf32, #tpu.memory_space<vmem>>[vector<16xi32>], vector<16xf32>,
      %swap3A_284 = arith.index_cast %add3A_280 : i32 to index
      %swap3A_285 = tpu.vector_load %arg7[%swap3A_284] {strides = array<i32>} : memref<16384xf32, #tpu.memory_space<vmem>>, vector<16xf32>,
      tpu.vector_store %arg7[%swap3A_284], %gather3A_283 {strides = array<i32>} : memref<16384xf32, #tpu.memory_space<vmem>>, vector<16xf32>,
      %add3A_286 = arith.constant 96 : i32
      %add3A_287 = arith.addi %mul3A_246, %add3A_286 : i32
      %get3A_288 = arith.index_cast %add3A_287 : i32 to index
      %get3A_289 = tpu.vector_load %arg5[%get3A_288] {strides = array<i32>} : memref<16384xi32, #tpu.memory_space<vmem>>, vector<16xi32>,
      %gather3A_290 = tpu.vector_load_idx %arg6[%get3A_289] : memref<60000xf32, #tpu.memory_space<vmem>>[vector<16xi32>], vector<16xf32>,
      %swap3A_291 = arith.index_cast %add3A_287 : i32 to index
      %swap3A_292 = tpu.vector_load %arg7[%swap3A_291] {strides = array<i32>} : memref<16384xf32, #tpu.memory_space<vmem>>, vector<16xf32>,
      tpu.vector_store %arg7[%swap3A_291], %gather3A_290 {strides = array<i32>} : memref<16384xf32, #tpu.memory_space<vmem>>, vector<16xf32>,
      %add3A_293 = arith.constant 112 : i32
      %add3A_294 = arith.addi %mul3A_246, %add3A_293 : i32
      %get3A_295 = arith.index_cast %add3A_294 : i32 to index
      %get3A_296 = tpu.vector_load %arg5[%get3A_295] {strides = array<i32>} : memref<16384xi32, #tpu.memory_space<vmem>>, vector<16xi32>,
      %gather3A_297 = tpu.vector_load_idx %arg6[%get3A_296] : memref<60000xf32, #tpu.memory_space<vmem>>[vector<16xi32>], vector<16xf32>,
      %swap3A_298 = arith.index_cast %add3A_294 : i32 to index
      %swap3A_299 = tpu.vector_load %arg7[%swap3A_298] {strides = array<i32>} : memref<16384xf32, #tpu.memory_space<vmem>>, vector<16xf32>,
      tpu.vector_store %arg7[%swap3A_298], %gather3A_297 {strides = array<i32>} : memref<16384xf32, #tpu.memory_space<vmem>>, vector<16xf32>,
    }
    %scan3A_157 = arith.constant 128 : i32
    %mul3A_158 = arith.constant 16384 : i32
    %mul3A_159 = arith.muli %add3A_151, %mul3A_158 : i32
    "tpu.region"() ({
      %run_scoped3A = tpu.sem_alloc : memref<!tpu.dma_semaphore, #tpu.memory_space<semaphore_mem>>
      %dma_start3A = tpu.memref_slice %arg4[%mul3A_159] : memref<12845056xf32, #tpu.memory_space<hbm>> -> memref<16384xf32, #tpu.memory_space<hbm>>
      %dma_start3A_244 = tpu.memref_slice %arg4[%mul3A_159] : memref<12845056xf32, #tpu.memory_space<hbm>> -> memref<16384xf32, #tpu.memory_space<hbm>>
      tpu.enqueue_dma source(%arg7 : memref<16384xf32, #tpu.memory_space<vmem>>) target(%dma_start3A_244 : memref<16384xf32, #tpu.memory_space<hbm>>) target_semaphore(%run_scoped3A : memref<!tpu.dma_semaphore, #tpu.memory_space<semaphore_mem>>)
      %dma_wait3A = tpu.memref_slice %arg4[%mul3A_159] : memref<12845056xf32, #tpu.memory_space<hbm>> -> memref<16384xf32, #tpu.memory_space<hbm>>
      %dma_wait3A_245 = tpu.memref_slice %arg4[%mul3A_159] : memref<12845056xf32, #tpu.memory_space<hbm>> -> memref<16384xf32, #tpu.memory_space<hbm>>
      tpu.wait_dma2 semaphore(%run_scoped3A : memref<!tpu.dma_semaphore, #tpu.memory_space<semaphore_mem>>) src(%arg7 : memref<16384xf32, #tpu.memory_space<vmem>>) dst(%dma_wait3A_245 : memref<16384xf32, #tpu.memory_space<hbm>>)
      tpu.yield
    }) : () -> ()
    %add3A_160 = arith.constant 512 : i32
    %add3A_161 = arith.addi %add3A, %add3A_160 : i32
    "tpu.region"() ({
      %run_scoped3A = tpu.sem_alloc : memref<!tpu.dma_semaphore, #tpu.memory_space<semaphore_mem>>
      %dma_start3A = arith.constant 0 : i32
      %dma_start3A_244 = tpu.memref_slice %arg2[%add3A_161, %dma_start3A] : memref<784x60000xf32, #tpu.memory_space<hbm>> -> memref<1x60000xf32, #tpu.memory_space<hbm>>
      %dma_start3A_245 = tpu.memref_squeeze %dma_start3A_244 : memref<1x60000xf32, #tpu.memory_space<hbm>> -> memref<60000xf32, #tpu.memory_space<hbm>>
      %dma_start3A_246 = arith.constant 0 : i32
      %dma_start3A_247 = tpu.memref_slice %arg2[%add3A_161, %dma_start3A_246] : memref<784x60000xf32, #tpu.memory_space<hbm>> -> memref<1x60000xf32, #tpu.memory_space<hbm>>
      %dma_start3A_248 = tpu.memref_squeeze %dma_start3A_247 : memref<1x60000xf32, #tpu.memory_space<hbm>> -> memref<60000xf32, #tpu.memory_space<hbm>>
      tpu.enqueue_dma source(%dma_start3A_248 : memref<60000xf32, #tpu.memory_space<hbm>>) target(%arg6 : memref<60000xf32, #tpu.memory_space<vmem>>) target_semaphore(%run_scoped3A : memref<!tpu.dma_semaphore, #tpu.memory_space<semaphore_mem>>)
      %dma_wait3A = arith.constant 0 : i32
      %dma_wait3A_249 = tpu.memref_slice %arg2[%add3A_161, %dma_wait3A] : memref<784x60000xf32, #tpu.memory_space<hbm>> -> memref<1x60000xf32, #tpu.memory_space<hbm>>
      %dma_wait3A_250 = tpu.memref_squeeze %dma_wait3A_249 : memref<1x60000xf32, #tpu.memory_space<hbm>> -> memref<60000xf32, #tpu.memory_space<hbm>>
      %dma_wait3A_251 = arith.constant 0 : i32
      %dma_wait3A_252 = tpu.memref_slice %arg2[%add3A_161, %dma_wait3A_251] : memref<784x60000xf32, #tpu.memory_space<hbm>> -> memref<1x60000xf32, #tpu.memory_space<hbm>>
      %dma_wait3A_253 = tpu.memref_squeeze %dma_wait3A_252 : memref<1x60000xf32, #tpu.memory_space<hbm>> -> memref<60000xf32, #tpu.memory_space<hbm>>
      tpu.wait_dma2 semaphore(%run_scoped3A : memref<!tpu.dma_semaphore, #tpu.memory_space<semaphore_mem>>) src(%dma_wait3A_253 : memref<60000xf32, #tpu.memory_space<hbm>>) dst(%arg6 : memref<60000xf32, #tpu.memory_space<vmem>>)
      tpu.yield
    }) : () -> ()
    %scan3A_162 = arith.constant 0 : i32
    %scan3A_163 = arith.constant 0 : i32
    %scan3A_164 = arith.constant 128 : i32
    %scan3A_165 = arith.addi %scan3A_163, %scan3A_164 : i32
    %scan3A_166 = arith.constant 1 : i32
    scf.for %scan3A_244 = %scan3A_163 to %scan3A_165 step %scan3A_166  : i32 {
      %mul3A_245 = arith.constant 128 : i32
      %mul3A_246 = arith.muli %scan3A_244, %mul3A_245 : i32
      %add3A_247 = arith.constant 0 : i32
      %add3A_248 = arith.addi %mul3A_246, %add3A_247 : i32
      %get3A = arith.index_cast %add3A_248 : i32 to index
      %get3A_249 = tpu.vector_load %arg5[%get3A] {strides = array<i32>} : memref<16384xi32, #tpu.memory_space<vmem>>, vector<16xi32>,
      %gather3A = tpu.vector_load_idx %arg6[%get3A_249] : memref<60000xf32, #tpu.memory_space<vmem>>[vector<16xi32>], vector<16xf32>,
      %swap3A = arith.index_cast %add3A_248 : i32 to index
      %swap3A_250 = tpu.vector_load %arg7[%swap3A] {strides = array<i32>} : memref<16384xf32, #tpu.memory_space<vmem>>, vector<16xf32>,
      tpu.vector_store %arg7[%swap3A], %gather3A {strides = array<i32>} : memref<16384xf32, #tpu.memory_space<vmem>>, vector<16xf32>,
      %add3A_251 = arith.constant 16 : i32
      %add3A_252 = arith.addi %mul3A_246, %add3A_251 : i32
      %get3A_253 = arith.index_cast %add3A_252 : i32 to index
      %get3A_254 = tpu.vector_load %arg5[%get3A_253] {strides = array<i32>} : memref<16384xi32, #tpu.memory_space<vmem>>, vector<16xi32>,
      %gather3A_255 = tpu.vector_load_idx %arg6[%get3A_254] : memref<60000xf32, #tpu.memory_space<vmem>>[vector<16xi32>], vector<16xf32>,
      %swap3A_256 = arith.index_cast %add3A_252 : i32 to index
      %swap3A_257 = tpu.vector_load %arg7[%swap3A_256] {strides = array<i32>} : memref<16384xf32, #tpu.memory_space<vmem>>, vector<16xf32>,
      tpu.vector_store %arg7[%swap3A_256], %gather3A_255 {strides = array<i32>} : memref<16384xf32, #tpu.memory_space<vmem>>, vector<16xf32>,
      %add3A_258 = arith.constant 32 : i32
      %add3A_259 = arith.addi %mul3A_246, %add3A_258 : i32
      %get3A_260 = arith.index_cast %add3A_259 : i32 to index
      %get3A_261 = tpu.vector_load %arg5[%get3A_260] {strides = array<i32>} : memref<16384xi32, #tpu.memory_space<vmem>>, vector<16xi32>,
      %gather3A_262 = tpu.vector_load_idx %arg6[%get3A_261] : memref<60000xf32, #tpu.memory_space<vmem>>[vector<16xi32>], vector<16xf32>,
      %swap3A_263 = arith.index_cast %add3A_259 : i32 to index
      %swap3A_264 = tpu.vector_load %arg7[%swap3A_263] {strides = array<i32>} : memref<16384xf32, #tpu.memory_space<vmem>>, vector<16xf32>,
      tpu.vector_store %arg7[%swap3A_263], %gather3A_262 {strides = array<i32>} : memref<16384xf32, #tpu.memory_space<vmem>>, vector<16xf32>,
      %add3A_265 = arith.constant 48 : i32
      %add3A_266 = arith.addi %mul3A_246, %add3A_265 : i32
      %get3A_267 = arith.index_cast %add3A_266 : i32 to index
      %get3A_268 = tpu.vector_load %arg5[%get3A_267] {strides = array<i32>} : memref<16384xi32, #tpu.memory_space<vmem>>, vector<16xi32>,
      %gather3A_269 = tpu.vector_load_idx %arg6[%get3A_268] : memref<60000xf32, #tpu.memory_space<vmem>>[vector<16xi32>], vector<16xf32>,
      %swap3A_270 = arith.index_cast %add3A_266 : i32 to index
      %swap3A_271 = tpu.vector_load %arg7[%swap3A_270] {strides = array<i32>} : memref<16384xf32, #tpu.memory_space<vmem>>, vector<16xf32>,
      tpu.vector_store %arg7[%swap3A_270], %gather3A_269 {strides = array<i32>} : memref<16384xf32, #tpu.memory_space<vmem>>, vector<16xf32>,
      %add3A_272 = arith.constant 64 : i32
      %add3A_273 = arith.addi %mul3A_246, %add3A_272 : i32
      %get3A_274 = arith.index_cast %add3A_273 : i32 to index
      %get3A_275 = tpu.vector_load %arg5[%get3A_274] {strides = array<i32>} : memref<16384xi32, #tpu.memory_space<vmem>>, vector<16xi32>,
      %gather3A_276 = tpu.vector_load_idx %arg6[%get3A_275] : memref<60000xf32, #tpu.memory_space<vmem>>[vector<16xi32>], vector<16xf32>,
      %swap3A_277 = arith.index_cast %add3A_273 : i32 to index
      %swap3A_278 = tpu.vector_load %arg7[%swap3A_277] {strides = array<i32>} : memref<16384xf32, #tpu.memory_space<vmem>>, vector<16xf32>,
      tpu.vector_store %arg7[%swap3A_277], %gather3A_276 {strides = array<i32>} : memref<16384xf32, #tpu.memory_space<vmem>>, vector<16xf32>,
      %add3A_279 = arith.constant 80 : i32
      %add3A_280 = arith.addi %mul3A_246, %add3A_279 : i32
      %get3A_281 = arith.index_cast %add3A_280 : i32 to index
      %get3A_282 = tpu.vector_load %arg5[%get3A_281] {strides = array<i32>} : memref<16384xi32, #tpu.memory_space<vmem>>, vector<16xi32>,
      %gather3A_283 = tpu.vector_load_idx %arg6[%get3A_282] : memref<60000xf32, #tpu.memory_space<vmem>>[vector<16xi32>], vector<16xf32>,
      %swap3A_284 = arith.index_cast %add3A_280 : i32 to index
      %swap3A_285 = tpu.vector_load %arg7[%swap3A_284] {strides = array<i32>} : memref<16384xf32, #tpu.memory_space<vmem>>, vector<16xf32>,
      tpu.vector_store %arg7[%swap3A_284], %gather3A_283 {strides = array<i32>} : memref<16384xf32, #tpu.memory_space<vmem>>, vector<16xf32>,
      %add3A_286 = arith.constant 96 : i32
      %add3A_287 = arith.addi %mul3A_246, %add3A_286 : i32
      %get3A_288 = arith.index_cast %add3A_287 : i32 to index
      %get3A_289 = tpu.vector_load %arg5[%get3A_288] {strides = array<i32>} : memref<16384xi32, #tpu.memory_space<vmem>>, vector<16xi32>,
      %gather3A_290 = tpu.vector_load_idx %arg6[%get3A_289] : memref<60000xf32, #tpu.memory_space<vmem>>[vector<16xi32>], vector<16xf32>,
      %swap3A_291 = arith.index_cast %add3A_287 : i32 to index
      %swap3A_292 = tpu.vector_load %arg7[%swap3A_291] {strides = array<i32>} : memref<16384xf32, #tpu.memory_space<vmem>>, vector<16xf32>,
      tpu.vector_store %arg7[%swap3A_291], %gather3A_290 {strides = array<i32>} : memref<16384xf32, #tpu.memory_space<vmem>>, vector<16xf32>,
      %add3A_293 = arith.constant 112 : i32
      %add3A_294 = arith.addi %mul3A_246, %add3A_293 : i32
      %get3A_295 = arith.index_cast %add3A_294 : i32 to index
      %get3A_296 = tpu.vector_load %arg5[%get3A_295] {strides = array<i32>} : memref<16384xi32, #tpu.memory_space<vmem>>, vector<16xi32>,
      %gather3A_297 = tpu.vector_load_idx %arg6[%get3A_296] : memref<60000xf32, #tpu.memory_space<vmem>>[vector<16xi32>], vector<16xf32>,
      %swap3A_298 = arith.index_cast %add3A_294 : i32 to index
      %swap3A_299 = tpu.vector_load %arg7[%swap3A_298] {strides = array<i32>} : memref<16384xf32, #tpu.memory_space<vmem>>, vector<16xf32>,
      tpu.vector_store %arg7[%swap3A_298], %gather3A_297 {strides = array<i32>} : memref<16384xf32, #tpu.memory_space<vmem>>, vector<16xf32>,
    }
    %scan3A_167 = arith.constant 128 : i32
    %mul3A_168 = arith.constant 16384 : i32
    %mul3A_169 = arith.muli %add3A_161, %mul3A_168 : i32
    "tpu.region"() ({
      %run_scoped3A = tpu.sem_alloc : memref<!tpu.dma_semaphore, #tpu.memory_space<semaphore_mem>>
      %dma_start3A = tpu.memref_slice %arg4[%mul3A_169] : memref<12845056xf32, #tpu.memory_space<hbm>> -> memref<16384xf32, #tpu.memory_space<hbm>>
      %dma_start3A_244 = tpu.memref_slice %arg4[%mul3A_169] : memref<12845056xf32, #tpu.memory_space<hbm>> -> memref<16384xf32, #tpu.memory_space<hbm>>
      tpu.enqueue_dma source(%arg7 : memref<16384xf32, #tpu.memory_space<vmem>>) target(%dma_start3A_244 : memref<16384xf32, #tpu.memory_space<hbm>>) target_semaphore(%run_scoped3A : memref<!tpu.dma_semaphore, #tpu.memory_space<semaphore_mem>>)
      %dma_wait3A = tpu.memref_slice %arg4[%mul3A_169] : memref<12845056xf32, #tpu.memory_space<hbm>> -> memref<16384xf32, #tpu.memory_space<hbm>>
      %dma_wait3A_245 = tpu.memref_slice %arg4[%mul3A_169] : memref<12845056xf32, #tpu.memory_space<hbm>> -> memref<16384xf32, #tpu.memory_space<hbm>>
      tpu.wait_dma2 semaphore(%run_scoped3A : memref<!tpu.dma_semaphore, #tpu.memory_space<semaphore_mem>>) src(%arg7 : memref<16384xf32, #tpu.memory_space<vmem>>) dst(%dma_wait3A_245 : memref<16384xf32, #tpu.memory_space<hbm>>)
      tpu.yield
    }) : () -> ()
    %add3A_170 = arith.constant 544 : i32
    %add3A_171 = arith.addi %add3A, %add3A_170 : i32
    "tpu.region"() ({
      %run_scoped3A = tpu.sem_alloc : memref<!tpu.dma_semaphore, #tpu.memory_space<semaphore_mem>>
      %dma_start3A = arith.constant 0 : i32
      %dma_start3A_244 = tpu.memref_slice %arg2[%add3A_171, %dma_start3A] : memref<784x60000xf32, #tpu.memory_space<hbm>> -> memref<1x60000xf32, #tpu.memory_space<hbm>>
      %dma_start3A_245 = tpu.memref_squeeze %dma_start3A_244 : memref<1x60000xf32, #tpu.memory_space<hbm>> -> memref<60000xf32, #tpu.memory_space<hbm>>
      %dma_start3A_246 = arith.constant 0 : i32
      %dma_start3A_247 = tpu.memref_slice %arg2[%add3A_171, %dma_start3A_246] : memref<784x60000xf32, #tpu.memory_space<hbm>> -> memref<1x60000xf32, #tpu.memory_space<hbm>>
      %dma_start3A_248 = tpu.memref_squeeze %dma_start3A_247 : memref<1x60000xf32, #tpu.memory_space<hbm>> -> memref<60000xf32, #tpu.memory_space<hbm>>
      tpu.enqueue_dma source(%dma_start3A_248 : memref<60000xf32, #tpu.memory_space<hbm>>) target(%arg6 : memref<60000xf32, #tpu.memory_space<vmem>>) target_semaphore(%run_scoped3A : memref<!tpu.dma_semaphore, #tpu.memory_space<semaphore_mem>>)
      %dma_wait3A = arith.constant 0 : i32
      %dma_wait3A_249 = tpu.memref_slice %arg2[%add3A_171, %dma_wait3A] : memref<784x60000xf32, #tpu.memory_space<hbm>> -> memref<1x60000xf32, #tpu.memory_space<hbm>>
      %dma_wait3A_250 = tpu.memref_squeeze %dma_wait3A_249 : memref<1x60000xf32, #tpu.memory_space<hbm>> -> memref<60000xf32, #tpu.memory_space<hbm>>
      %dma_wait3A_251 = arith.constant 0 : i32
      %dma_wait3A_252 = tpu.memref_slice %arg2[%add3A_171, %dma_wait3A_251] : memref<784x60000xf32, #tpu.memory_space<hbm>> -> memref<1x60000xf32, #tpu.memory_space<hbm>>
      %dma_wait3A_253 = tpu.memref_squeeze %dma_wait3A_252 : memref<1x60000xf32, #tpu.memory_space<hbm>> -> memref<60000xf32, #tpu.memory_space<hbm>>
      tpu.wait_dma2 semaphore(%run_scoped3A : memref<!tpu.dma_semaphore, #tpu.memory_space<semaphore_mem>>) src(%dma_wait3A_253 : memref<60000xf32, #tpu.memory_space<hbm>>) dst(%arg6 : memref<60000xf32, #tpu.memory_space<vmem>>)
      tpu.yield
    }) : () -> ()
    %scan3A_172 = arith.constant 0 : i32
    %scan3A_173 = arith.constant 0 : i32
    %scan3A_174 = arith.constant 128 : i32
    %scan3A_175 = arith.addi %scan3A_173, %scan3A_174 : i32
    %scan3A_176 = arith.constant 1 : i32
    scf.for %scan3A_244 = %scan3A_173 to %scan3A_175 step %scan3A_176  : i32 {
      %mul3A_245 = arith.constant 128 : i32
      %mul3A_246 = arith.muli %scan3A_244, %mul3A_245 : i32
      %add3A_247 = arith.constant 0 : i32
      %add3A_248 = arith.addi %mul3A_246, %add3A_247 : i32
      %get3A = arith.index_cast %add3A_248 : i32 to index
      %get3A_249 = tpu.vector_load %arg5[%get3A] {strides = array<i32>} : memref<16384xi32, #tpu.memory_space<vmem>>, vector<16xi32>,
      %gather3A = tpu.vector_load_idx %arg6[%get3A_249] : memref<60000xf32, #tpu.memory_space<vmem>>[vector<16xi32>], vector<16xf32>,
      %swap3A = arith.index_cast %add3A_248 : i32 to index
      %swap3A_250 = tpu.vector_load %arg7[%swap3A] {strides = array<i32>} : memref<16384xf32, #tpu.memory_space<vmem>>, vector<16xf32>,
      tpu.vector_store %arg7[%swap3A], %gather3A {strides = array<i32>} : memref<16384xf32, #tpu.memory_space<vmem>>, vector<16xf32>,
      %add3A_251 = arith.constant 16 : i32
      %add3A_252 = arith.addi %mul3A_246, %add3A_251 : i32
      %get3A_253 = arith.index_cast %add3A_252 : i32 to index
      %get3A_254 = tpu.vector_load %arg5[%get3A_253] {strides = array<i32>} : memref<16384xi32, #tpu.memory_space<vmem>>, vector<16xi32>,
      %gather3A_255 = tpu.vector_load_idx %arg6[%get3A_254] : memref<60000xf32, #tpu.memory_space<vmem>>[vector<16xi32>], vector<16xf32>,
      %swap3A_256 = arith.index_cast %add3A_252 : i32 to index
      %swap3A_257 = tpu.vector_load %arg7[%swap3A_256] {strides = array<i32>} : memref<16384xf32, #tpu.memory_space<vmem>>, vector<16xf32>,
      tpu.vector_store %arg7[%swap3A_256], %gather3A_255 {strides = array<i32>} : memref<16384xf32, #tpu.memory_space<vmem>>, vector<16xf32>,
      %add3A_258 = arith.constant 32 : i32
      %add3A_259 = arith.addi %mul3A_246, %add3A_258 : i32
      %get3A_260 = arith.index_cast %add3A_259 : i32 to index
      %get3A_261 = tpu.vector_load %arg5[%get3A_260] {strides = array<i32>} : memref<16384xi32, #tpu.memory_space<vmem>>, vector<16xi32>,
      %gather3A_262 = tpu.vector_load_idx %arg6[%get3A_261] : memref<60000xf32, #tpu.memory_space<vmem>>[vector<16xi32>], vector<16xf32>,
      %swap3A_263 = arith.index_cast %add3A_259 : i32 to index
      %swap3A_264 = tpu.vector_load %arg7[%swap3A_263] {strides = array<i32>} : memref<16384xf32, #tpu.memory_space<vmem>>, vector<16xf32>,
      tpu.vector_store %arg7[%swap3A_263], %gather3A_262 {strides = array<i32>} : memref<16384xf32, #tpu.memory_space<vmem>>, vector<16xf32>,
      %add3A_265 = arith.constant 48 : i32
      %add3A_266 = arith.addi %mul3A_246, %add3A_265 : i32
      %get3A_267 = arith.index_cast %add3A_266 : i32 to index
      %get3A_268 = tpu.vector_load %arg5[%get3A_267] {strides = array<i32>} : memref<16384xi32, #tpu.memory_space<vmem>>, vector<16xi32>,
      %gather3A_269 = tpu.vector_load_idx %arg6[%get3A_268] : memref<60000xf32, #tpu.memory_space<vmem>>[vector<16xi32>], vector<16xf32>,
      %swap3A_270 = arith.index_cast %add3A_266 : i32 to index
      %swap3A_271 = tpu.vector_load %arg7[%swap3A_270] {strides = array<i32>} : memref<16384xf32, #tpu.memory_space<vmem>>, vector<16xf32>,
      tpu.vector_store %arg7[%swap3A_270], %gather3A_269 {strides = array<i32>} : memref<16384xf32, #tpu.memory_space<vmem>>, vector<16xf32>,
      %add3A_272 = arith.constant 64 : i32
      %add3A_273 = arith.addi %mul3A_246, %add3A_272 : i32
      %get3A_274 = arith.index_cast %add3A_273 : i32 to index
      %get3A_275 = tpu.vector_load %arg5[%get3A_274] {strides = array<i32>} : memref<16384xi32, #tpu.memory_space<vmem>>, vector<16xi32>,
      %gather3A_276 = tpu.vector_load_idx %arg6[%get3A_275] : memref<60000xf32, #tpu.memory_space<vmem>>[vector<16xi32>], vector<16xf32>,
      %swap3A_277 = arith.index_cast %add3A_273 : i32 to index
      %swap3A_278 = tpu.vector_load %arg7[%swap3A_277] {strides = array<i32>} : memref<16384xf32, #tpu.memory_space<vmem>>, vector<16xf32>,
      tpu.vector_store %arg7[%swap3A_277], %gather3A_276 {strides = array<i32>} : memref<16384xf32, #tpu.memory_space<vmem>>, vector<16xf32>,
      %add3A_279 = arith.constant 80 : i32
      %add3A_280 = arith.addi %mul3A_246, %add3A_279 : i32
      %get3A_281 = arith.index_cast %add3A_280 : i32 to index
      %get3A_282 = tpu.vector_load %arg5[%get3A_281] {strides = array<i32>} : memref<16384xi32, #tpu.memory_space<vmem>>, vector<16xi32>,
      %gather3A_283 = tpu.vector_load_idx %arg6[%get3A_282] : memref<60000xf32, #tpu.memory_space<vmem>>[vector<16xi32>], vector<16xf32>,
      %swap3A_284 = arith.index_cast %add3A_280 : i32 to index
      %swap3A_285 = tpu.vector_load %arg7[%swap3A_284] {strides = array<i32>} : memref<16384xf32, #tpu.memory_space<vmem>>, vector<16xf32>,
      tpu.vector_store %arg7[%swap3A_284], %gather3A_283 {strides = array<i32>} : memref<16384xf32, #tpu.memory_space<vmem>>, vector<16xf32>,
      %add3A_286 = arith.constant 96 : i32
      %add3A_287 = arith.addi %mul3A_246, %add3A_286 : i32
      %get3A_288 = arith.index_cast %add3A_287 : i32 to index
      %get3A_289 = tpu.vector_load %arg5[%get3A_288] {strides = array<i32>} : memref<16384xi32, #tpu.memory_space<vmem>>, vector<16xi32>,
      %gather3A_290 = tpu.vector_load_idx %arg6[%get3A_289] : memref<60000xf32, #tpu.memory_space<vmem>>[vector<16xi32>], vector<16xf32>,
      %swap3A_291 = arith.index_cast %add3A_287 : i32 to index
      %swap3A_292 = tpu.vector_load %arg7[%swap3A_291] {strides = array<i32>} : memref<16384xf32, #tpu.memory_space<vmem>>, vector<16xf32>,
      tpu.vector_store %arg7[%swap3A_291], %gather3A_290 {strides = array<i32>} : memref<16384xf32, #tpu.memory_space<vmem>>, vector<16xf32>,
      %add3A_293 = arith.constant 112 : i32
      %add3A_294 = arith.addi %mul3A_246, %add3A_293 : i32
      %get3A_295 = arith.index_cast %add3A_294 : i32 to index
      %get3A_296 = tpu.vector_load %arg5[%get3A_295] {strides = array<i32>} : memref<16384xi32, #tpu.memory_space<vmem>>, vector<16xi32>,
      %gather3A_297 = tpu.vector_load_idx %arg6[%get3A_296] : memref<60000xf32, #tpu.memory_space<vmem>>[vector<16xi32>], vector<16xf32>,
      %swap3A_298 = arith.index_cast %add3A_294 : i32 to index
      %swap3A_299 = tpu.vector_load %arg7[%swap3A_298] {strides = array<i32>} : memref<16384xf32, #tpu.memory_space<vmem>>, vector<16xf32>,
      tpu.vector_store %arg7[%swap3A_298], %gather3A_297 {strides = array<i32>} : memref<16384xf32, #tpu.memory_space<vmem>>, vector<16xf32>,
    }
    %scan3A_177 = arith.constant 128 : i32
    %mul3A_178 = arith.constant 16384 : i32
    %mul3A_179 = arith.muli %add3A_171, %mul3A_178 : i32
    "tpu.region"() ({
      %run_scoped3A = tpu.sem_alloc : memref<!tpu.dma_semaphore, #tpu.memory_space<semaphore_mem>>
      %dma_start3A = tpu.memref_slice %arg4[%mul3A_179] : memref<12845056xf32, #tpu.memory_space<hbm>> -> memref<16384xf32, #tpu.memory_space<hbm>>
      %dma_start3A_244 = tpu.memref_slice %arg4[%mul3A_179] : memref<12845056xf32, #tpu.memory_space<hbm>> -> memref<16384xf32, #tpu.memory_space<hbm>>
      tpu.enqueue_dma source(%arg7 : memref<16384xf32, #tpu.memory_space<vmem>>) target(%dma_start3A_244 : memref<16384xf32, #tpu.memory_space<hbm>>) target_semaphore(%run_scoped3A : memref<!tpu.dma_semaphore, #tpu.memory_space<semaphore_mem>>)
      %dma_wait3A = tpu.memref_slice %arg4[%mul3A_179] : memref<12845056xf32, #tpu.memory_space<hbm>> -> memref<16384xf32, #tpu.memory_space<hbm>>
      %dma_wait3A_245 = tpu.memref_slice %arg4[%mul3A_179] : memref<12845056xf32, #tpu.memory_space<hbm>> -> memref<16384xf32, #tpu.memory_space<hbm>>
      tpu.wait_dma2 semaphore(%run_scoped3A : memref<!tpu.dma_semaphore, #tpu.memory_space<semaphore_mem>>) src(%arg7 : memref<16384xf32, #tpu.memory_space<vmem>>) dst(%dma_wait3A_245 : memref<16384xf32, #tpu.memory_space<hbm>>)
      tpu.yield
    }) : () -> ()
    %add3A_180 = arith.constant 576 : i32
    %add3A_181 = arith.addi %add3A, %add3A_180 : i32
    "tpu.region"() ({
      %run_scoped3A = tpu.sem_alloc : memref<!tpu.dma_semaphore, #tpu.memory_space<semaphore_mem>>
      %dma_start3A = arith.constant 0 : i32
      %dma_start3A_244 = tpu.memref_slice %arg2[%add3A_181, %dma_start3A] : memref<784x60000xf32, #tpu.memory_space<hbm>> -> memref<1x60000xf32, #tpu.memory_space<hbm>>
      %dma_start3A_245 = tpu.memref_squeeze %dma_start3A_244 : memref<1x60000xf32, #tpu.memory_space<hbm>> -> memref<60000xf32, #tpu.memory_space<hbm>>
      %dma_start3A_246 = arith.constant 0 : i32
      %dma_start3A_247 = tpu.memref_slice %arg2[%add3A_181, %dma_start3A_246] : memref<784x60000xf32, #tpu.memory_space<hbm>> -> memref<1x60000xf32, #tpu.memory_space<hbm>>
      %dma_start3A_248 = tpu.memref_squeeze %dma_start3A_247 : memref<1x60000xf32, #tpu.memory_space<hbm>> -> memref<60000xf32, #tpu.memory_space<hbm>>
      tpu.enqueue_dma source(%dma_start3A_248 : memref<60000xf32, #tpu.memory_space<hbm>>) target(%arg6 : memref<60000xf32, #tpu.memory_space<vmem>>) target_semaphore(%run_scoped3A : memref<!tpu.dma_semaphore, #tpu.memory_space<semaphore_mem>>)
      %dma_wait3A = arith.constant 0 : i32
      %dma_wait3A_249 = tpu.memref_slice %arg2[%add3A_181, %dma_wait3A] : memref<784x60000xf32, #tpu.memory_space<hbm>> -> memref<1x60000xf32, #tpu.memory_space<hbm>>
      %dma_wait3A_250 = tpu.memref_squeeze %dma_wait3A_249 : memref<1x60000xf32, #tpu.memory_space<hbm>> -> memref<60000xf32, #tpu.memory_space<hbm>>
      %dma_wait3A_251 = arith.constant 0 : i32
      %dma_wait3A_252 = tpu.memref_slice %arg2[%add3A_181, %dma_wait3A_251] : memref<784x60000xf32, #tpu.memory_space<hbm>> -> memref<1x60000xf32, #tpu.memory_space<hbm>>
      %dma_wait3A_253 = tpu.memref_squeeze %dma_wait3A_252 : memref<1x60000xf32, #tpu.memory_space<hbm>> -> memref<60000xf32, #tpu.memory_space<hbm>>
      tpu.wait_dma2 semaphore(%run_scoped3A : memref<!tpu.dma_semaphore, #tpu.memory_space<semaphore_mem>>) src(%dma_wait3A_253 : memref<60000xf32, #tpu.memory_space<hbm>>) dst(%arg6 : memref<60000xf32, #tpu.memory_space<vmem>>)
      tpu.yield
    }) : () -> ()
    %scan3A_182 = arith.constant 0 : i32
    %scan3A_183 = arith.constant 0 : i32
    %scan3A_184 = arith.constant 128 : i32
    %scan3A_185 = arith.addi %scan3A_183, %scan3A_184 : i32
    %scan3A_186 = arith.constant 1 : i32
    scf.for %scan3A_244 = %scan3A_183 to %scan3A_185 step %scan3A_186  : i32 {
      %mul3A_245 = arith.constant 128 : i32
      %mul3A_246 = arith.muli %scan3A_244, %mul3A_245 : i32
      %add3A_247 = arith.constant 0 : i32
      %add3A_248 = arith.addi %mul3A_246, %add3A_247 : i32
      %get3A = arith.index_cast %add3A_248 : i32 to index
      %get3A_249 = tpu.vector_load %arg5[%get3A] {strides = array<i32>} : memref<16384xi32, #tpu.memory_space<vmem>>, vector<16xi32>,
      %gather3A = tpu.vector_load_idx %arg6[%get3A_249] : memref<60000xf32, #tpu.memory_space<vmem>>[vector<16xi32>], vector<16xf32>,
      %swap3A = arith.index_cast %add3A_248 : i32 to index
      %swap3A_250 = tpu.vector_load %arg7[%swap3A] {strides = array<i32>} : memref<16384xf32, #tpu.memory_space<vmem>>, vector<16xf32>,
      tpu.vector_store %arg7[%swap3A], %gather3A {strides = array<i32>} : memref<16384xf32, #tpu.memory_space<vmem>>, vector<16xf32>,
      %add3A_251 = arith.constant 16 : i32
      %add3A_252 = arith.addi %mul3A_246, %add3A_251 : i32
      %get3A_253 = arith.index_cast %add3A_252 : i32 to index
      %get3A_254 = tpu.vector_load %arg5[%get3A_253] {strides = array<i32>} : memref<16384xi32, #tpu.memory_space<vmem>>, vector<16xi32>,
      %gather3A_255 = tpu.vector_load_idx %arg6[%get3A_254] : memref<60000xf32, #tpu.memory_space<vmem>>[vector<16xi32>], vector<16xf32>,
      %swap3A_256 = arith.index_cast %add3A_252 : i32 to index
      %swap3A_257 = tpu.vector_load %arg7[%swap3A_256] {strides = array<i32>} : memref<16384xf32, #tpu.memory_space<vmem>>, vector<16xf32>,
      tpu.vector_store %arg7[%swap3A_256], %gather3A_255 {strides = array<i32>} : memref<16384xf32, #tpu.memory_space<vmem>>, vector<16xf32>,
      %add3A_258 = arith.constant 32 : i32
      %add3A_259 = arith.addi %mul3A_246, %add3A_258 : i32
      %get3A_260 = arith.index_cast %add3A_259 : i32 to index
      %get3A_261 = tpu.vector_load %arg5[%get3A_260] {strides = array<i32>} : memref<16384xi32, #tpu.memory_space<vmem>>, vector<16xi32>,
      %gather3A_262 = tpu.vector_load_idx %arg6[%get3A_261] : memref<60000xf32, #tpu.memory_space<vmem>>[vector<16xi32>], vector<16xf32>,
      %swap3A_263 = arith.index_cast %add3A_259 : i32 to index
      %swap3A_264 = tpu.vector_load %arg7[%swap3A_263] {strides = array<i32>} : memref<16384xf32, #tpu.memory_space<vmem>>, vector<16xf32>,
      tpu.vector_store %arg7[%swap3A_263], %gather3A_262 {strides = array<i32>} : memref<16384xf32, #tpu.memory_space<vmem>>, vector<16xf32>,
      %add3A_265 = arith.constant 48 : i32
      %add3A_266 = arith.addi %mul3A_246, %add3A_265 : i32
      %get3A_267 = arith.index_cast %add3A_266 : i32 to index
      %get3A_268 = tpu.vector_load %arg5[%get3A_267] {strides = array<i32>} : memref<16384xi32, #tpu.memory_space<vmem>>, vector<16xi32>,
      %gather3A_269 = tpu.vector_load_idx %arg6[%get3A_268] : memref<60000xf32, #tpu.memory_space<vmem>>[vector<16xi32>], vector<16xf32>,
      %swap3A_270 = arith.index_cast %add3A_266 : i32 to index
      %swap3A_271 = tpu.vector_load %arg7[%swap3A_270] {strides = array<i32>} : memref<16384xf32, #tpu.memory_space<vmem>>, vector<16xf32>,
      tpu.vector_store %arg7[%swap3A_270], %gather3A_269 {strides = array<i32>} : memref<16384xf32, #tpu.memory_space<vmem>>, vector<16xf32>,
      %add3A_272 = arith.constant 64 : i32
      %add3A_273 = arith.addi %mul3A_246, %add3A_272 : i32
      %get3A_274 = arith.index_cast %add3A_273 : i32 to index
      %get3A_275 = tpu.vector_load %arg5[%get3A_274] {strides = array<i32>} : memref<16384xi32, #tpu.memory_space<vmem>>, vector<16xi32>,
      %gather3A_276 = tpu.vector_load_idx %arg6[%get3A_275] : memref<60000xf32, #tpu.memory_space<vmem>>[vector<16xi32>], vector<16xf32>,
      %swap3A_277 = arith.index_cast %add3A_273 : i32 to index
      %swap3A_278 = tpu.vector_load %arg7[%swap3A_277] {strides = array<i32>} : memref<16384xf32, #tpu.memory_space<vmem>>, vector<16xf32>,
      tpu.vector_store %arg7[%swap3A_277], %gather3A_276 {strides = array<i32>} : memref<16384xf32, #tpu.memory_space<vmem>>, vector<16xf32>,
      %add3A_279 = arith.constant 80 : i32
      %add3A_280 = arith.addi %mul3A_246, %add3A_279 : i32
      %get3A_281 = arith.index_cast %add3A_280 : i32 to index
      %get3A_282 = tpu.vector_load %arg5[%get3A_281] {strides = array<i32>} : memref<16384xi32, #tpu.memory_space<vmem>>, vector<16xi32>,
      %gather3A_283 = tpu.vector_load_idx %arg6[%get3A_282] : memref<60000xf32, #tpu.memory_space<vmem>>[vector<16xi32>], vector<16xf32>,
      %swap3A_284 = arith.index_cast %add3A_280 : i32 to index
      %swap3A_285 = tpu.vector_load %arg7[%swap3A_284] {strides = array<i32>} : memref<16384xf32, #tpu.memory_space<vmem>>, vector<16xf32>,
      tpu.vector_store %arg7[%swap3A_284], %gather3A_283 {strides = array<i32>} : memref<16384xf32, #tpu.memory_space<vmem>>, vector<16xf32>,
      %add3A_286 = arith.constant 96 : i32
      %add3A_287 = arith.addi %mul3A_246, %add3A_286 : i32
      %get3A_288 = arith.index_cast %add3A_287 : i32 to index
      %get3A_289 = tpu.vector_load %arg5[%get3A_288] {strides = array<i32>} : memref<16384xi32, #tpu.memory_space<vmem>>, vector<16xi32>,
      %gather3A_290 = tpu.vector_load_idx %arg6[%get3A_289] : memref<60000xf32, #tpu.memory_space<vmem>>[vector<16xi32>], vector<16xf32>,
      %swap3A_291 = arith.index_cast %add3A_287 : i32 to index
      %swap3A_292 = tpu.vector_load %arg7[%swap3A_291] {strides = array<i32>} : memref<16384xf32, #tpu.memory_space<vmem>>, vector<16xf32>,
      tpu.vector_store %arg7[%swap3A_291], %gather3A_290 {strides = array<i32>} : memref<16384xf32, #tpu.memory_space<vmem>>, vector<16xf32>,
      %add3A_293 = arith.constant 112 : i32
      %add3A_294 = arith.addi %mul3A_246, %add3A_293 : i32
      %get3A_295 = arith.index_cast %add3A_294 : i32 to index
      %get3A_296 = tpu.vector_load %arg5[%get3A_295] {strides = array<i32>} : memref<16384xi32, #tpu.memory_space<vmem>>, vector<16xi32>,
      %gather3A_297 = tpu.vector_load_idx %arg6[%get3A_296] : memref<60000xf32, #tpu.memory_space<vmem>>[vector<16xi32>], vector<16xf32>,
      %swap3A_298 = arith.index_cast %add3A_294 : i32 to index
      %swap3A_299 = tpu.vector_load %arg7[%swap3A_298] {strides = array<i32>} : memref<16384xf32, #tpu.memory_space<vmem>>, vector<16xf32>,
      tpu.vector_store %arg7[%swap3A_298], %gather3A_297 {strides = array<i32>} : memref<16384xf32, #tpu.memory_space<vmem>>, vector<16xf32>,
    }
    %scan3A_187 = arith.constant 128 : i32
    %mul3A_188 = arith.constant 16384 : i32
    %mul3A_189 = arith.muli %add3A_181, %mul3A_188 : i32
    "tpu.region"() ({
      %run_scoped3A = tpu.sem_alloc : memref<!tpu.dma_semaphore, #tpu.memory_space<semaphore_mem>>
      %dma_start3A = tpu.memref_slice %arg4[%mul3A_189] : memref<12845056xf32, #tpu.memory_space<hbm>> -> memref<16384xf32, #tpu.memory_space<hbm>>
      %dma_start3A_244 = tpu.memref_slice %arg4[%mul3A_189] : memref<12845056xf32, #tpu.memory_space<hbm>> -> memref<16384xf32, #tpu.memory_space<hbm>>
      tpu.enqueue_dma source(%arg7 : memref<16384xf32, #tpu.memory_space<vmem>>) target(%dma_start3A_244 : memref<16384xf32, #tpu.memory_space<hbm>>) target_semaphore(%run_scoped3A : memref<!tpu.dma_semaphore, #tpu.memory_space<semaphore_mem>>)
      %dma_wait3A = tpu.memref_slice %arg4[%mul3A_189] : memref<12845056xf32, #tpu.memory_space<hbm>> -> memref<16384xf32, #tpu.memory_space<hbm>>
      %dma_wait3A_245 = tpu.memref_slice %arg4[%mul3A_189] : memref<12845056xf32, #tpu.memory_space<hbm>> -> memref<16384xf32, #tpu.memory_space<hbm>>
      tpu.wait_dma2 semaphore(%run_scoped3A : memref<!tpu.dma_semaphore, #tpu.memory_space<semaphore_mem>>) src(%arg7 : memref<16384xf32, #tpu.memory_space<vmem>>) dst(%dma_wait3A_245 : memref<16384xf32, #tpu.memory_space<hbm>>)
      tpu.yield
    }) : () -> ()
    %add3A_190 = arith.constant 608 : i32
    %add3A_191 = arith.addi %add3A, %add3A_190 : i32
    "tpu.region"() ({
      %run_scoped3A = tpu.sem_alloc : memref<!tpu.dma_semaphore, #tpu.memory_space<semaphore_mem>>
      %dma_start3A = arith.constant 0 : i32
      %dma_start3A_244 = tpu.memref_slice %arg2[%add3A_191, %dma_start3A] : memref<784x60000xf32, #tpu.memory_space<hbm>> -> memref<1x60000xf32, #tpu.memory_space<hbm>>
      %dma_start3A_245 = tpu.memref_squeeze %dma_start3A_244 : memref<1x60000xf32, #tpu.memory_space<hbm>> -> memref<60000xf32, #tpu.memory_space<hbm>>
      %dma_start3A_246 = arith.constant 0 : i32
      %dma_start3A_247 = tpu.memref_slice %arg2[%add3A_191, %dma_start3A_246] : memref<784x60000xf32, #tpu.memory_space<hbm>> -> memref<1x60000xf32, #tpu.memory_space<hbm>>
      %dma_start3A_248 = tpu.memref_squeeze %dma_start3A_247 : memref<1x60000xf32, #tpu.memory_space<hbm>> -> memref<60000xf32, #tpu.memory_space<hbm>>
      tpu.enqueue_dma source(%dma_start3A_248 : memref<60000xf32, #tpu.memory_space<hbm>>) target(%arg6 : memref<60000xf32, #tpu.memory_space<vmem>>) target_semaphore(%run_scoped3A : memref<!tpu.dma_semaphore, #tpu.memory_space<semaphore_mem>>)
      %dma_wait3A = arith.constant 0 : i32
      %dma_wait3A_249 = tpu.memref_slice %arg2[%add3A_191, %dma_wait3A] : memref<784x60000xf32, #tpu.memory_space<hbm>> -> memref<1x60000xf32, #tpu.memory_space<hbm>>
      %dma_wait3A_250 = tpu.memref_squeeze %dma_wait3A_249 : memref<1x60000xf32, #tpu.memory_space<hbm>> -> memref<60000xf32, #tpu.memory_space<hbm>>
      %dma_wait3A_251 = arith.constant 0 : i32
      %dma_wait3A_252 = tpu.memref_slice %arg2[%add3A_191, %dma_wait3A_251] : memref<784x60000xf32, #tpu.memory_space<hbm>> -> memref<1x60000xf32, #tpu.memory_space<hbm>>
      %dma_wait3A_253 = tpu.memref_squeeze %dma_wait3A_252 : memref<1x60000xf32, #tpu.memory_space<hbm>> -> memref<60000xf32, #tpu.memory_space<hbm>>
      tpu.wait_dma2 semaphore(%run_scoped3A : memref<!tpu.dma_semaphore, #tpu.memory_space<semaphore_mem>>) src(%dma_wait3A_253 : memref<60000xf32, #tpu.memory_space<hbm>>) dst(%arg6 : memref<60000xf32, #tpu.memory_space<vmem>>)
      tpu.yield
    }) : () -> ()
    %scan3A_192 = arith.constant 0 : i32
    %scan3A_193 = arith.constant 0 : i32
    %scan3A_194 = arith.constant 128 : i32
    %scan3A_195 = arith.addi %scan3A_193, %scan3A_194 : i32
    %scan3A_196 = arith.constant 1 : i32
    scf.for %scan3A_244 = %scan3A_193 to %scan3A_195 step %scan3A_196  : i32 {
      %mul3A_245 = arith.constant 128 : i32
      %mul3A_246 = arith.muli %scan3A_244, %mul3A_245 : i32
      %add3A_247 = arith.constant 0 : i32
      %add3A_248 = arith.addi %mul3A_246, %add3A_247 : i32
      %get3A = arith.index_cast %add3A_248 : i32 to index
      %get3A_249 = tpu.vector_load %arg5[%get3A] {strides = array<i32>} : memref<16384xi32, #tpu.memory_space<vmem>>, vector<16xi32>,
      %gather3A = tpu.vector_load_idx %arg6[%get3A_249] : memref<60000xf32, #tpu.memory_space<vmem>>[vector<16xi32>], vector<16xf32>,
      %swap3A = arith.index_cast %add3A_248 : i32 to index
      %swap3A_250 = tpu.vector_load %arg7[%swap3A] {strides = array<i32>} : memref<16384xf32, #tpu.memory_space<vmem>>, vector<16xf32>,
      tpu.vector_store %arg7[%swap3A], %gather3A {strides = array<i32>} : memref<16384xf32, #tpu.memory_space<vmem>>, vector<16xf32>,
      %add3A_251 = arith.constant 16 : i32
      %add3A_252 = arith.addi %mul3A_246, %add3A_251 : i32
      %get3A_253 = arith.index_cast %add3A_252 : i32 to index
      %get3A_254 = tpu.vector_load %arg5[%get3A_253] {strides = array<i32>} : memref<16384xi32, #tpu.memory_space<vmem>>, vector<16xi32>,
      %gather3A_255 = tpu.vector_load_idx %arg6[%get3A_254] : memref<60000xf32, #tpu.memory_space<vmem>>[vector<16xi32>], vector<16xf32>,
      %swap3A_256 = arith.index_cast %add3A_252 : i32 to index
      %swap3A_257 = tpu.vector_load %arg7[%swap3A_256] {strides = array<i32>} : memref<16384xf32, #tpu.memory_space<vmem>>, vector<16xf32>,
      tpu.vector_store %arg7[%swap3A_256], %gather3A_255 {strides = array<i32>} : memref<16384xf32, #tpu.memory_space<vmem>>, vector<16xf32>,
      %add3A_258 = arith.constant 32 : i32
      %add3A_259 = arith.addi %mul3A_246, %add3A_258 : i32
      %get3A_260 = arith.index_cast %add3A_259 : i32 to index
      %get3A_261 = tpu.vector_load %arg5[%get3A_260] {strides = array<i32>} : memref<16384xi32, #tpu.memory_space<vmem>>, vector<16xi32>,
      %gather3A_262 = tpu.vector_load_idx %arg6[%get3A_261] : memref<60000xf32, #tpu.memory_space<vmem>>[vector<16xi32>], vector<16xf32>,
      %swap3A_263 = arith.index_cast %add3A_259 : i32 to index
      %swap3A_264 = tpu.vector_load %arg7[%swap3A_263] {strides = array<i32>} : memref<16384xf32, #tpu.memory_space<vmem>>, vector<16xf32>,
      tpu.vector_store %arg7[%swap3A_263], %gather3A_262 {strides = array<i32>} : memref<16384xf32, #tpu.memory_space<vmem>>, vector<16xf32>,
      %add3A_265 = arith.constant 48 : i32
      %add3A_266 = arith.addi %mul3A_246, %add3A_265 : i32
      %get3A_267 = arith.index_cast %add3A_266 : i32 to index
      %get3A_268 = tpu.vector_load %arg5[%get3A_267] {strides = array<i32>} : memref<16384xi32, #tpu.memory_space<vmem>>, vector<16xi32>,
      %gather3A_269 = tpu.vector_load_idx %arg6[%get3A_268] : memref<60000xf32, #tpu.memory_space<vmem>>[vector<16xi32>], vector<16xf32>,
      %swap3A_270 = arith.index_cast %add3A_266 : i32 to index
      %swap3A_271 = tpu.vector_load %arg7[%swap3A_270] {strides = array<i32>} : memref<16384xf32, #tpu.memory_space<vmem>>, vector<16xf32>,
      tpu.vector_store %arg7[%swap3A_270], %gather3A_269 {strides = array<i32>} : memref<16384xf32, #tpu.memory_space<vmem>>, vector<16xf32>,
      %add3A_272 = arith.constant 64 : i32
      %add3A_273 = arith.addi %mul3A_246, %add3A_272 : i32
      %get3A_274 = arith.index_cast %add3A_273 : i32 to index
      %get3A_275 = tpu.vector_load %arg5[%get3A_274] {strides = array<i32>} : memref<16384xi32, #tpu.memory_space<vmem>>, vector<16xi32>,
      %gather3A_276 = tpu.vector_load_idx %arg6[%get3A_275] : memref<60000xf32, #tpu.memory_space<vmem>>[vector<16xi32>], vector<16xf32>,
      %swap3A_277 = arith.index_cast %add3A_273 : i32 to index
      %swap3A_278 = tpu.vector_load %arg7[%swap3A_277] {strides = array<i32>} : memref<16384xf32, #tpu.memory_space<vmem>>, vector<16xf32>,
      tpu.vector_store %arg7[%swap3A_277], %gather3A_276 {strides = array<i32>} : memref<16384xf32, #tpu.memory_space<vmem>>, vector<16xf32>,
      %add3A_279 = arith.constant 80 : i32
      %add3A_280 = arith.addi %mul3A_246, %add3A_279 : i32
      %get3A_281 = arith.index_cast %add3A_280 : i32 to index
      %get3A_282 = tpu.vector_load %arg5[%get3A_281] {strides = array<i32>} : memref<16384xi32, #tpu.memory_space<vmem>>, vector<16xi32>,
      %gather3A_283 = tpu.vector_load_idx %arg6[%get3A_282] : memref<60000xf32, #tpu.memory_space<vmem>>[vector<16xi32>], vector<16xf32>,
      %swap3A_284 = arith.index_cast %add3A_280 : i32 to index
      %swap3A_285 = tpu.vector_load %arg7[%swap3A_284] {strides = array<i32>} : memref<16384xf32, #tpu.memory_space<vmem>>, vector<16xf32>,
      tpu.vector_store %arg7[%swap3A_284], %gather3A_283 {strides = array<i32>} : memref<16384xf32, #tpu.memory_space<vmem>>, vector<16xf32>,
      %add3A_286 = arith.constant 96 : i32
      %add3A_287 = arith.addi %mul3A_246, %add3A_286 : i32
      %get3A_288 = arith.index_cast %add3A_287 : i32 to index
      %get3A_289 = tpu.vector_load %arg5[%get3A_288] {strides = array<i32>} : memref<16384xi32, #tpu.memory_space<vmem>>, vector<16xi32>,
      %gather3A_290 = tpu.vector_load_idx %arg6[%get3A_289] : memref<60000xf32, #tpu.memory_space<vmem>>[vector<16xi32>], vector<16xf32>,
      %swap3A_291 = arith.index_cast %add3A_287 : i32 to index
      %swap3A_292 = tpu.vector_load %arg7[%swap3A_291] {strides = array<i32>} : memref<16384xf32, #tpu.memory_space<vmem>>, vector<16xf32>,
      tpu.vector_store %arg7[%swap3A_291], %gather3A_290 {strides = array<i32>} : memref<16384xf32, #tpu.memory_space<vmem>>, vector<16xf32>,
      %add3A_293 = arith.constant 112 : i32
      %add3A_294 = arith.addi %mul3A_246, %add3A_293 : i32
      %get3A_295 = arith.index_cast %add3A_294 : i32 to index
      %get3A_296 = tpu.vector_load %arg5[%get3A_295] {strides = array<i32>} : memref<16384xi32, #tpu.memory_space<vmem>>, vector<16xi32>,
      %gather3A_297 = tpu.vector_load_idx %arg6[%get3A_296] : memref<60000xf32, #tpu.memory_space<vmem>>[vector<16xi32>], vector<16xf32>,
      %swap3A_298 = arith.index_cast %add3A_294 : i32 to index
      %swap3A_299 = tpu.vector_load %arg7[%swap3A_298] {strides = array<i32>} : memref<16384xf32, #tpu.memory_space<vmem>>, vector<16xf32>,
      tpu.vector_store %arg7[%swap3A_298], %gather3A_297 {strides = array<i32>} : memref<16384xf32, #tpu.memory_space<vmem>>, vector<16xf32>,
    }
    %scan3A_197 = arith.constant 128 : i32
    %mul3A_198 = arith.constant 16384 : i32
    %mul3A_199 = arith.muli %add3A_191, %mul3A_198 : i32
    "tpu.region"() ({
      %run_scoped3A = tpu.sem_alloc : memref<!tpu.dma_semaphore, #tpu.memory_space<semaphore_mem>>
      %dma_start3A = tpu.memref_slice %arg4[%mul3A_199] : memref<12845056xf32, #tpu.memory_space<hbm>> -> memref<16384xf32, #tpu.memory_space<hbm>>
      %dma_start3A_244 = tpu.memref_slice %arg4[%mul3A_199] : memref<12845056xf32, #tpu.memory_space<hbm>> -> memref<16384xf32, #tpu.memory_space<hbm>>
      tpu.enqueue_dma source(%arg7 : memref<16384xf32, #tpu.memory_space<vmem>>) target(%dma_start3A_244 : memref<16384xf32, #tpu.memory_space<hbm>>) target_semaphore(%run_scoped3A : memref<!tpu.dma_semaphore, #tpu.memory_space<semaphore_mem>>)
      %dma_wait3A = tpu.memref_slice %arg4[%mul3A_199] : memref<12845056xf32, #tpu.memory_space<hbm>> -> memref<16384xf32, #tpu.memory_space<hbm>>
      %dma_wait3A_245 = tpu.memref_slice %arg4[%mul3A_199] : memref<12845056xf32, #tpu.memory_space<hbm>> -> memref<16384xf32, #tpu.memory_space<hbm>>
      tpu.wait_dma2 semaphore(%run_scoped3A : memref<!tpu.dma_semaphore, #tpu.memory_space<semaphore_mem>>) src(%arg7 : memref<16384xf32, #tpu.memory_space<vmem>>) dst(%dma_wait3A_245 : memref<16384xf32, #tpu.memory_space<hbm>>)
      tpu.yield
    }) : () -> ()
    %add3A_200 = arith.constant 640 : i32
    %add3A_201 = arith.addi %add3A, %add3A_200 : i32
    "tpu.region"() ({
      %run_scoped3A = tpu.sem_alloc : memref<!tpu.dma_semaphore, #tpu.memory_space<semaphore_mem>>
      %dma_start3A = arith.constant 0 : i32
      %dma_start3A_244 = tpu.memref_slice %arg2[%add3A_201, %dma_start3A] : memref<784x60000xf32, #tpu.memory_space<hbm>> -> memref<1x60000xf32, #tpu.memory_space<hbm>>
      %dma_start3A_245 = tpu.memref_squeeze %dma_start3A_244 : memref<1x60000xf32, #tpu.memory_space<hbm>> -> memref<60000xf32, #tpu.memory_space<hbm>>
      %dma_start3A_246 = arith.constant 0 : i32
      %dma_start3A_247 = tpu.memref_slice %arg2[%add3A_201, %dma_start3A_246] : memref<784x60000xf32, #tpu.memory_space<hbm>> -> memref<1x60000xf32, #tpu.memory_space<hbm>>
      %dma_start3A_248 = tpu.memref_squeeze %dma_start3A_247 : memref<1x60000xf32, #tpu.memory_space<hbm>> -> memref<60000xf32, #tpu.memory_space<hbm>>
      tpu.enqueue_dma source(%dma_start3A_248 : memref<60000xf32, #tpu.memory_space<hbm>>) target(%arg6 : memref<60000xf32, #tpu.memory_space<vmem>>) target_semaphore(%run_scoped3A : memref<!tpu.dma_semaphore, #tpu.memory_space<semaphore_mem>>)
      %dma_wait3A = arith.constant 0 : i32
      %dma_wait3A_249 = tpu.memref_slice %arg2[%add3A_201, %dma_wait3A] : memref<784x60000xf32, #tpu.memory_space<hbm>> -> memref<1x60000xf32, #tpu.memory_space<hbm>>
      %dma_wait3A_250 = tpu.memref_squeeze %dma_wait3A_249 : memref<1x60000xf32, #tpu.memory_space<hbm>> -> memref<60000xf32, #tpu.memory_space<hbm>>
      %dma_wait3A_251 = arith.constant 0 : i32
      %dma_wait3A_252 = tpu.memref_slice %arg2[%add3A_201, %dma_wait3A_251] : memref<784x60000xf32, #tpu.memory_space<hbm>> -> memref<1x60000xf32, #tpu.memory_space<hbm>>
      %dma_wait3A_253 = tpu.memref_squeeze %dma_wait3A_252 : memref<1x60000xf32, #tpu.memory_space<hbm>> -> memref<60000xf32, #tpu.memory_space<hbm>>
      tpu.wait_dma2 semaphore(%run_scoped3A : memref<!tpu.dma_semaphore, #tpu.memory_space<semaphore_mem>>) src(%dma_wait3A_253 : memref<60000xf32, #tpu.memory_space<hbm>>) dst(%arg6 : memref<60000xf32, #tpu.memory_space<vmem>>)
      tpu.yield
    }) : () -> ()
    %scan3A_202 = arith.constant 0 : i32
    %scan3A_203 = arith.constant 0 : i32
    %scan3A_204 = arith.constant 128 : i32
    %scan3A_205 = arith.addi %scan3A_203, %scan3A_204 : i32
    %scan3A_206 = arith.constant 1 : i32
    scf.for %scan3A_244 = %scan3A_203 to %scan3A_205 step %scan3A_206  : i32 {
      %mul3A_245 = arith.constant 128 : i32
      %mul3A_246 = arith.muli %scan3A_244, %mul3A_245 : i32
      %add3A_247 = arith.constant 0 : i32
      %add3A_248 = arith.addi %mul3A_246, %add3A_247 : i32
      %get3A = arith.index_cast %add3A_248 : i32 to index
      %get3A_249 = tpu.vector_load %arg5[%get3A] {strides = array<i32>} : memref<16384xi32, #tpu.memory_space<vmem>>, vector<16xi32>,
      %gather3A = tpu.vector_load_idx %arg6[%get3A_249] : memref<60000xf32, #tpu.memory_space<vmem>>[vector<16xi32>], vector<16xf32>,
      %swap3A = arith.index_cast %add3A_248 : i32 to index
      %swap3A_250 = tpu.vector_load %arg7[%swap3A] {strides = array<i32>} : memref<16384xf32, #tpu.memory_space<vmem>>, vector<16xf32>,
      tpu.vector_store %arg7[%swap3A], %gather3A {strides = array<i32>} : memref<16384xf32, #tpu.memory_space<vmem>>, vector<16xf32>,
      %add3A_251 = arith.constant 16 : i32
      %add3A_252 = arith.addi %mul3A_246, %add3A_251 : i32
      %get3A_253 = arith.index_cast %add3A_252 : i32 to index
      %get3A_254 = tpu.vector_load %arg5[%get3A_253] {strides = array<i32>} : memref<16384xi32, #tpu.memory_space<vmem>>, vector<16xi32>,
      %gather3A_255 = tpu.vector_load_idx %arg6[%get3A_254] : memref<60000xf32, #tpu.memory_space<vmem>>[vector<16xi32>], vector<16xf32>,
      %swap3A_256 = arith.index_cast %add3A_252 : i32 to index
      %swap3A_257 = tpu.vector_load %arg7[%swap3A_256] {strides = array<i32>} : memref<16384xf32, #tpu.memory_space<vmem>>, vector<16xf32>,
      tpu.vector_store %arg7[%swap3A_256], %gather3A_255 {strides = array<i32>} : memref<16384xf32, #tpu.memory_space<vmem>>, vector<16xf32>,
      %add3A_258 = arith.constant 32 : i32
      %add3A_259 = arith.addi %mul3A_246, %add3A_258 : i32
      %get3A_260 = arith.index_cast %add3A_259 : i32 to index
      %get3A_261 = tpu.vector_load %arg5[%get3A_260] {strides = array<i32>} : memref<16384xi32, #tpu.memory_space<vmem>>, vector<16xi32>,
      %gather3A_262 = tpu.vector_load_idx %arg6[%get3A_261] : memref<60000xf32, #tpu.memory_space<vmem>>[vector<16xi32>], vector<16xf32>,
      %swap3A_263 = arith.index_cast %add3A_259 : i32 to index
      %swap3A_264 = tpu.vector_load %arg7[%swap3A_263] {strides = array<i32>} : memref<16384xf32, #tpu.memory_space<vmem>>, vector<16xf32>,
      tpu.vector_store %arg7[%swap3A_263], %gather3A_262 {strides = array<i32>} : memref<16384xf32, #tpu.memory_space<vmem>>, vector<16xf32>,
      %add3A_265 = arith.constant 48 : i32
      %add3A_266 = arith.addi %mul3A_246, %add3A_265 : i32
      %get3A_267 = arith.index_cast %add3A_266 : i32 to index
      %get3A_268 = tpu.vector_load %arg5[%get3A_267] {strides = array<i32>} : memref<16384xi32, #tpu.memory_space<vmem>>, vector<16xi32>,
      %gather3A_269 = tpu.vector_load_idx %arg6[%get3A_268] : memref<60000xf32, #tpu.memory_space<vmem>>[vector<16xi32>], vector<16xf32>,
      %swap3A_270 = arith.index_cast %add3A_266 : i32 to index
      %swap3A_271 = tpu.vector_load %arg7[%swap3A_270] {strides = array<i32>} : memref<16384xf32, #tpu.memory_space<vmem>>, vector<16xf32>,
      tpu.vector_store %arg7[%swap3A_270], %gather3A_269 {strides = array<i32>} : memref<16384xf32, #tpu.memory_space<vmem>>, vector<16xf32>,
      %add3A_272 = arith.constant 64 : i32
      %add3A_273 = arith.addi %mul3A_246, %add3A_272 : i32
      %get3A_274 = arith.index_cast %add3A_273 : i32 to index
      %get3A_275 = tpu.vector_load %arg5[%get3A_274] {strides = array<i32>} : memref<16384xi32, #tpu.memory_space<vmem>>, vector<16xi32>,
      %gather3A_276 = tpu.vector_load_idx %arg6[%get3A_275] : memref<60000xf32, #tpu.memory_space<vmem>>[vector<16xi32>], vector<16xf32>,
      %swap3A_277 = arith.index_cast %add3A_273 : i32 to index
      %swap3A_278 = tpu.vector_load %arg7[%swap3A_277] {strides = array<i32>} : memref<16384xf32, #tpu.memory_space<vmem>>, vector<16xf32>,
      tpu.vector_store %arg7[%swap3A_277], %gather3A_276 {strides = array<i32>} : memref<16384xf32, #tpu.memory_space<vmem>>, vector<16xf32>,
      %add3A_279 = arith.constant 80 : i32
      %add3A_280 = arith.addi %mul3A_246, %add3A_279 : i32
      %get3A_281 = arith.index_cast %add3A_280 : i32 to index
      %get3A_282 = tpu.vector_load %arg5[%get3A_281] {strides = array<i32>} : memref<16384xi32, #tpu.memory_space<vmem>>, vector<16xi32>,
      %gather3A_283 = tpu.vector_load_idx %arg6[%get3A_282] : memref<60000xf32, #tpu.memory_space<vmem>>[vector<16xi32>], vector<16xf32>,
      %swap3A_284 = arith.index_cast %add3A_280 : i32 to index
      %swap3A_285 = tpu.vector_load %arg7[%swap3A_284] {strides = array<i32>} : memref<16384xf32, #tpu.memory_space<vmem>>, vector<16xf32>,
      tpu.vector_store %arg7[%swap3A_284], %gather3A_283 {strides = array<i32>} : memref<16384xf32, #tpu.memory_space<vmem>>, vector<16xf32>,
      %add3A_286 = arith.constant 96 : i32
      %add3A_287 = arith.addi %mul3A_246, %add3A_286 : i32
      %get3A_288 = arith.index_cast %add3A_287 : i32 to index
      %get3A_289 = tpu.vector_load %arg5[%get3A_288] {strides = array<i32>} : memref<16384xi32, #tpu.memory_space<vmem>>, vector<16xi32>,
      %gather3A_290 = tpu.vector_load_idx %arg6[%get3A_289] : memref<60000xf32, #tpu.memory_space<vmem>>[vector<16xi32>], vector<16xf32>,
      %swap3A_291 = arith.index_cast %add3A_287 : i32 to index
      %swap3A_292 = tpu.vector_load %arg7[%swap3A_291] {strides = array<i32>} : memref<16384xf32, #tpu.memory_space<vmem>>, vector<16xf32>,
      tpu.vector_store %arg7[%swap3A_291], %gather3A_290 {strides = array<i32>} : memref<16384xf32, #tpu.memory_space<vmem>>, vector<16xf32>,
      %add3A_293 = arith.constant 112 : i32
      %add3A_294 = arith.addi %mul3A_246, %add3A_293 : i32
      %get3A_295 = arith.index_cast %add3A_294 : i32 to index
      %get3A_296 = tpu.vector_load %arg5[%get3A_295] {strides = array<i32>} : memref<16384xi32, #tpu.memory_space<vmem>>, vector<16xi32>,
      %gather3A_297 = tpu.vector_load_idx %arg6[%get3A_296] : memref<60000xf32, #tpu.memory_space<vmem>>[vector<16xi32>], vector<16xf32>,
      %swap3A_298 = arith.index_cast %add3A_294 : i32 to index
      %swap3A_299 = tpu.vector_load %arg7[%swap3A_298] {strides = array<i32>} : memref<16384xf32, #tpu.memory_space<vmem>>, vector<16xf32>,
      tpu.vector_store %arg7[%swap3A_298], %gather3A_297 {strides = array<i32>} : memref<16384xf32, #tpu.memory_space<vmem>>, vector<16xf32>,
    }
    %scan3A_207 = arith.constant 128 : i32
    %mul3A_208 = arith.constant 16384 : i32
    %mul3A_209 = arith.muli %add3A_201, %mul3A_208 : i32
    "tpu.region"() ({
      %run_scoped3A = tpu.sem_alloc : memref<!tpu.dma_semaphore, #tpu.memory_space<semaphore_mem>>
      %dma_start3A = tpu.memref_slice %arg4[%mul3A_209] : memref<12845056xf32, #tpu.memory_space<hbm>> -> memref<16384xf32, #tpu.memory_space<hbm>>
      %dma_start3A_244 = tpu.memref_slice %arg4[%mul3A_209] : memref<12845056xf32, #tpu.memory_space<hbm>> -> memref<16384xf32, #tpu.memory_space<hbm>>
      tpu.enqueue_dma source(%arg7 : memref<16384xf32, #tpu.memory_space<vmem>>) target(%dma_start3A_244 : memref<16384xf32, #tpu.memory_space<hbm>>) target_semaphore(%run_scoped3A : memref<!tpu.dma_semaphore, #tpu.memory_space<semaphore_mem>>)
      %dma_wait3A = tpu.memref_slice %arg4[%mul3A_209] : memref<12845056xf32, #tpu.memory_space<hbm>> -> memref<16384xf32, #tpu.memory_space<hbm>>
      %dma_wait3A_245 = tpu.memref_slice %arg4[%mul3A_209] : memref<12845056xf32, #tpu.memory_space<hbm>> -> memref<16384xf32, #tpu.memory_space<hbm>>
      tpu.wait_dma2 semaphore(%run_scoped3A : memref<!tpu.dma_semaphore, #tpu.memory_space<semaphore_mem>>) src(%arg7 : memref<16384xf32, #tpu.memory_space<vmem>>) dst(%dma_wait3A_245 : memref<16384xf32, #tpu.memory_space<hbm>>)
      tpu.yield
    }) : () -> ()
    %add3A_210 = arith.constant 672 : i32
    %add3A_211 = arith.addi %add3A, %add3A_210 : i32
    "tpu.region"() ({
      %run_scoped3A = tpu.sem_alloc : memref<!tpu.dma_semaphore, #tpu.memory_space<semaphore_mem>>
      %dma_start3A = arith.constant 0 : i32
      %dma_start3A_244 = tpu.memref_slice %arg2[%add3A_211, %dma_start3A] : memref<784x60000xf32, #tpu.memory_space<hbm>> -> memref<1x60000xf32, #tpu.memory_space<hbm>>
      %dma_start3A_245 = tpu.memref_squeeze %dma_start3A_244 : memref<1x60000xf32, #tpu.memory_space<hbm>> -> memref<60000xf32, #tpu.memory_space<hbm>>
      %dma_start3A_246 = arith.constant 0 : i32
      %dma_start3A_247 = tpu.memref_slice %arg2[%add3A_211, %dma_start3A_246] : memref<784x60000xf32, #tpu.memory_space<hbm>> -> memref<1x60000xf32, #tpu.memory_space<hbm>>
      %dma_start3A_248 = tpu.memref_squeeze %dma_start3A_247 : memref<1x60000xf32, #tpu.memory_space<hbm>> -> memref<60000xf32, #tpu.memory_space<hbm>>
      tpu.enqueue_dma source(%dma_start3A_248 : memref<60000xf32, #tpu.memory_space<hbm>>) target(%arg6 : memref<60000xf32, #tpu.memory_space<vmem>>) target_semaphore(%run_scoped3A : memref<!tpu.dma_semaphore, #tpu.memory_space<semaphore_mem>>)
      %dma_wait3A = arith.constant 0 : i32
      %dma_wait3A_249 = tpu.memref_slice %arg2[%add3A_211, %dma_wait3A] : memref<784x60000xf32, #tpu.memory_space<hbm>> -> memref<1x60000xf32, #tpu.memory_space<hbm>>
      %dma_wait3A_250 = tpu.memref_squeeze %dma_wait3A_249 : memref<1x60000xf32, #tpu.memory_space<hbm>> -> memref<60000xf32, #tpu.memory_space<hbm>>
      %dma_wait3A_251 = arith.constant 0 : i32
      %dma_wait3A_252 = tpu.memref_slice %arg2[%add3A_211, %dma_wait3A_251] : memref<784x60000xf32, #tpu.memory_space<hbm>> -> memref<1x60000xf32, #tpu.memory_space<hbm>>
      %dma_wait3A_253 = tpu.memref_squeeze %dma_wait3A_252 : memref<1x60000xf32, #tpu.memory_space<hbm>> -> memref<60000xf32, #tpu.memory_space<hbm>>
      tpu.wait_dma2 semaphore(%run_scoped3A : memref<!tpu.dma_semaphore, #tpu.memory_space<semaphore_mem>>) src(%dma_wait3A_253 : memref<60000xf32, #tpu.memory_space<hbm>>) dst(%arg6 : memref<60000xf32, #tpu.memory_space<vmem>>)
      tpu.yield
    }) : () -> ()
    %scan3A_212 = arith.constant 0 : i32
    %scan3A_213 = arith.constant 0 : i32
    %scan3A_214 = arith.constant 128 : i32
    %scan3A_215 = arith.addi %scan3A_213, %scan3A_214 : i32
    %scan3A_216 = arith.constant 1 : i32
    scf.for %scan3A_244 = %scan3A_213 to %scan3A_215 step %scan3A_216  : i32 {
      %mul3A_245 = arith.constant 128 : i32
      %mul3A_246 = arith.muli %scan3A_244, %mul3A_245 : i32
      %add3A_247 = arith.constant 0 : i32
      %add3A_248 = arith.addi %mul3A_246, %add3A_247 : i32
      %get3A = arith.index_cast %add3A_248 : i32 to index
      %get3A_249 = tpu.vector_load %arg5[%get3A] {strides = array<i32>} : memref<16384xi32, #tpu.memory_space<vmem>>, vector<16xi32>,
      %gather3A = tpu.vector_load_idx %arg6[%get3A_249] : memref<60000xf32, #tpu.memory_space<vmem>>[vector<16xi32>], vector<16xf32>,
      %swap3A = arith.index_cast %add3A_248 : i32 to index
      %swap3A_250 = tpu.vector_load %arg7[%swap3A] {strides = array<i32>} : memref<16384xf32, #tpu.memory_space<vmem>>, vector<16xf32>,
      tpu.vector_store %arg7[%swap3A], %gather3A {strides = array<i32>} : memref<16384xf32, #tpu.memory_space<vmem>>, vector<16xf32>,
      %add3A_251 = arith.constant 16 : i32
      %add3A_252 = arith.addi %mul3A_246, %add3A_251 : i32
      %get3A_253 = arith.index_cast %add3A_252 : i32 to index
      %get3A_254 = tpu.vector_load %arg5[%get3A_253] {strides = array<i32>} : memref<16384xi32, #tpu.memory_space<vmem>>, vector<16xi32>,
      %gather3A_255 = tpu.vector_load_idx %arg6[%get3A_254] : memref<60000xf32, #tpu.memory_space<vmem>>[vector<16xi32>], vector<16xf32>,
      %swap3A_256 = arith.index_cast %add3A_252 : i32 to index
      %swap3A_257 = tpu.vector_load %arg7[%swap3A_256] {strides = array<i32>} : memref<16384xf32, #tpu.memory_space<vmem>>, vector<16xf32>,
      tpu.vector_store %arg7[%swap3A_256], %gather3A_255 {strides = array<i32>} : memref<16384xf32, #tpu.memory_space<vmem>>, vector<16xf32>,
      %add3A_258 = arith.constant 32 : i32
      %add3A_259 = arith.addi %mul3A_246, %add3A_258 : i32
      %get3A_260 = arith.index_cast %add3A_259 : i32 to index
      %get3A_261 = tpu.vector_load %arg5[%get3A_260] {strides = array<i32>} : memref<16384xi32, #tpu.memory_space<vmem>>, vector<16xi32>,
      %gather3A_262 = tpu.vector_load_idx %arg6[%get3A_261] : memref<60000xf32, #tpu.memory_space<vmem>>[vector<16xi32>], vector<16xf32>,
      %swap3A_263 = arith.index_cast %add3A_259 : i32 to index
      %swap3A_264 = tpu.vector_load %arg7[%swap3A_263] {strides = array<i32>} : memref<16384xf32, #tpu.memory_space<vmem>>, vector<16xf32>,
      tpu.vector_store %arg7[%swap3A_263], %gather3A_262 {strides = array<i32>} : memref<16384xf32, #tpu.memory_space<vmem>>, vector<16xf32>,
      %add3A_265 = arith.constant 48 : i32
      %add3A_266 = arith.addi %mul3A_246, %add3A_265 : i32
      %get3A_267 = arith.index_cast %add3A_266 : i32 to index
      %get3A_268 = tpu.vector_load %arg5[%get3A_267] {strides = array<i32>} : memref<16384xi32, #tpu.memory_space<vmem>>, vector<16xi32>,
      %gather3A_269 = tpu.vector_load_idx %arg6[%get3A_268] : memref<60000xf32, #tpu.memory_space<vmem>>[vector<16xi32>], vector<16xf32>,
      %swap3A_270 = arith.index_cast %add3A_266 : i32 to index
      %swap3A_271 = tpu.vector_load %arg7[%swap3A_270] {strides = array<i32>} : memref<16384xf32, #tpu.memory_space<vmem>>, vector<16xf32>,
      tpu.vector_store %arg7[%swap3A_270], %gather3A_269 {strides = array<i32>} : memref<16384xf32, #tpu.memory_space<vmem>>, vector<16xf32>,
      %add3A_272 = arith.constant 64 : i32
      %add3A_273 = arith.addi %mul3A_246, %add3A_272 : i32
      %get3A_274 = arith.index_cast %add3A_273 : i32 to index
      %get3A_275 = tpu.vector_load %arg5[%get3A_274] {strides = array<i32>} : memref<16384xi32, #tpu.memory_space<vmem>>, vector<16xi32>,
      %gather3A_276 = tpu.vector_load_idx %arg6[%get3A_275] : memref<60000xf32, #tpu.memory_space<vmem>>[vector<16xi32>], vector<16xf32>,
      %swap3A_277 = arith.index_cast %add3A_273 : i32 to index
      %swap3A_278 = tpu.vector_load %arg7[%swap3A_277] {strides = array<i32>} : memref<16384xf32, #tpu.memory_space<vmem>>, vector<16xf32>,
      tpu.vector_store %arg7[%swap3A_277], %gather3A_276 {strides = array<i32>} : memref<16384xf32, #tpu.memory_space<vmem>>, vector<16xf32>,
      %add3A_279 = arith.constant 80 : i32
      %add3A_280 = arith.addi %mul3A_246, %add3A_279 : i32
      %get3A_281 = arith.index_cast %add3A_280 : i32 to index
      %get3A_282 = tpu.vector_load %arg5[%get3A_281] {strides = array<i32>} : memref<16384xi32, #tpu.memory_space<vmem>>, vector<16xi32>,
      %gather3A_283 = tpu.vector_load_idx %arg6[%get3A_282] : memref<60000xf32, #tpu.memory_space<vmem>>[vector<16xi32>], vector<16xf32>,
      %swap3A_284 = arith.index_cast %add3A_280 : i32 to index
      %swap3A_285 = tpu.vector_load %arg7[%swap3A_284] {strides = array<i32>} : memref<16384xf32, #tpu.memory_space<vmem>>, vector<16xf32>,
      tpu.vector_store %arg7[%swap3A_284], %gather3A_283 {strides = array<i32>} : memref<16384xf32, #tpu.memory_space<vmem>>, vector<16xf32>,
      %add3A_286 = arith.constant 96 : i32
      %add3A_287 = arith.addi %mul3A_246, %add3A_286 : i32
      %get3A_288 = arith.index_cast %add3A_287 : i32 to index
      %get3A_289 = tpu.vector_load %arg5[%get3A_288] {strides = array<i32>} : memref<16384xi32, #tpu.memory_space<vmem>>, vector<16xi32>,
      %gather3A_290 = tpu.vector_load_idx %arg6[%get3A_289] : memref<60000xf32, #tpu.memory_space<vmem>>[vector<16xi32>], vector<16xf32>,
      %swap3A_291 = arith.index_cast %add3A_287 : i32 to index
      %swap3A_292 = tpu.vector_load %arg7[%swap3A_291] {strides = array<i32>} : memref<16384xf32, #tpu.memory_space<vmem>>, vector<16xf32>,
      tpu.vector_store %arg7[%swap3A_291], %gather3A_290 {strides = array<i32>} : memref<16384xf32, #tpu.memory_space<vmem>>, vector<16xf32>,
      %add3A_293 = arith.constant 112 : i32
      %add3A_294 = arith.addi %mul3A_246, %add3A_293 : i32
      %get3A_295 = arith.index_cast %add3A_294 : i32 to index
      %get3A_296 = tpu.vector_load %arg5[%get3A_295] {strides = array<i32>} : memref<16384xi32, #tpu.memory_space<vmem>>, vector<16xi32>,
      %gather3A_297 = tpu.vector_load_idx %arg6[%get3A_296] : memref<60000xf32, #tpu.memory_space<vmem>>[vector<16xi32>], vector<16xf32>,
      %swap3A_298 = arith.index_cast %add3A_294 : i32 to index
      %swap3A_299 = tpu.vector_load %arg7[%swap3A_298] {strides = array<i32>} : memref<16384xf32, #tpu.memory_space<vmem>>, vector<16xf32>,
      tpu.vector_store %arg7[%swap3A_298], %gather3A_297 {strides = array<i32>} : memref<16384xf32, #tpu.memory_space<vmem>>, vector<16xf32>,
    }
    %scan3A_217 = arith.constant 128 : i32
    %mul3A_218 = arith.constant 16384 : i32
    %mul3A_219 = arith.muli %add3A_211, %mul3A_218 : i32
    "tpu.region"() ({
      %run_scoped3A = tpu.sem_alloc : memref<!tpu.dma_semaphore, #tpu.memory_space<semaphore_mem>>
      %dma_start3A = tpu.memref_slice %arg4[%mul3A_219] : memref<12845056xf32, #tpu.memory_space<hbm>> -> memref<16384xf32, #tpu.memory_space<hbm>>
      %dma_start3A_244 = tpu.memref_slice %arg4[%mul3A_219] : memref<12845056xf32, #tpu.memory_space<hbm>> -> memref<16384xf32, #tpu.memory_space<hbm>>
      tpu.enqueue_dma source(%arg7 : memref<16384xf32, #tpu.memory_space<vmem>>) target(%dma_start3A_244 : memref<16384xf32, #tpu.memory_space<hbm>>) target_semaphore(%run_scoped3A : memref<!tpu.dma_semaphore, #tpu.memory_space<semaphore_mem>>)
      %dma_wait3A = tpu.memref_slice %arg4[%mul3A_219] : memref<12845056xf32, #tpu.memory_space<hbm>> -> memref<16384xf32, #tpu.memory_space<hbm>>
      %dma_wait3A_245 = tpu.memref_slice %arg4[%mul3A_219] : memref<12845056xf32, #tpu.memory_space<hbm>> -> memref<16384xf32, #tpu.memory_space<hbm>>
      tpu.wait_dma2 semaphore(%run_scoped3A : memref<!tpu.dma_semaphore, #tpu.memory_space<semaphore_mem>>) src(%arg7 : memref<16384xf32, #tpu.memory_space<vmem>>) dst(%dma_wait3A_245 : memref<16384xf32, #tpu.memory_space<hbm>>)
      tpu.yield
    }) : () -> ()
    %add3A_220 = arith.constant 704 : i32
    %add3A_221 = arith.addi %add3A, %add3A_220 : i32
    "tpu.region"() ({
      %run_scoped3A = tpu.sem_alloc : memref<!tpu.dma_semaphore, #tpu.memory_space<semaphore_mem>>
      %dma_start3A = arith.constant 0 : i32
      %dma_start3A_244 = tpu.memref_slice %arg2[%add3A_221, %dma_start3A] : memref<784x60000xf32, #tpu.memory_space<hbm>> -> memref<1x60000xf32, #tpu.memory_space<hbm>>
      %dma_start3A_245 = tpu.memref_squeeze %dma_start3A_244 : memref<1x60000xf32, #tpu.memory_space<hbm>> -> memref<60000xf32, #tpu.memory_space<hbm>>
      %dma_start3A_246 = arith.constant 0 : i32
      %dma_start3A_247 = tpu.memref_slice %arg2[%add3A_221, %dma_start3A_246] : memref<784x60000xf32, #tpu.memory_space<hbm>> -> memref<1x60000xf32, #tpu.memory_space<hbm>>
      %dma_start3A_248 = tpu.memref_squeeze %dma_start3A_247 : memref<1x60000xf32, #tpu.memory_space<hbm>> -> memref<60000xf32, #tpu.memory_space<hbm>>
      tpu.enqueue_dma source(%dma_start3A_248 : memref<60000xf32, #tpu.memory_space<hbm>>) target(%arg6 : memref<60000xf32, #tpu.memory_space<vmem>>) target_semaphore(%run_scoped3A : memref<!tpu.dma_semaphore, #tpu.memory_space<semaphore_mem>>)
      %dma_wait3A = arith.constant 0 : i32
      %dma_wait3A_249 = tpu.memref_slice %arg2[%add3A_221, %dma_wait3A] : memref<784x60000xf32, #tpu.memory_space<hbm>> -> memref<1x60000xf32, #tpu.memory_space<hbm>>
      %dma_wait3A_250 = tpu.memref_squeeze %dma_wait3A_249 : memref<1x60000xf32, #tpu.memory_space<hbm>> -> memref<60000xf32, #tpu.memory_space<hbm>>
      %dma_wait3A_251 = arith.constant 0 : i32
      %dma_wait3A_252 = tpu.memref_slice %arg2[%add3A_221, %dma_wait3A_251] : memref<784x60000xf32, #tpu.memory_space<hbm>> -> memref<1x60000xf32, #tpu.memory_space<hbm>>
      %dma_wait3A_253 = tpu.memref_squeeze %dma_wait3A_252 : memref<1x60000xf32, #tpu.memory_space<hbm>> -> memref<60000xf32, #tpu.memory_space<hbm>>
      tpu.wait_dma2 semaphore(%run_scoped3A : memref<!tpu.dma_semaphore, #tpu.memory_space<semaphore_mem>>) src(%dma_wait3A_253 : memref<60000xf32, #tpu.memory_space<hbm>>) dst(%arg6 : memref<60000xf32, #tpu.memory_space<vmem>>)
      tpu.yield
    }) : () -> ()
    %scan3A_222 = arith.constant 0 : i32
    %scan3A_223 = arith.constant 0 : i32
    %scan3A_224 = arith.constant 128 : i32
    %scan3A_225 = arith.addi %scan3A_223, %scan3A_224 : i32
    %scan3A_226 = arith.constant 1 : i32
    scf.for %scan3A_244 = %scan3A_223 to %scan3A_225 step %scan3A_226  : i32 {
      %mul3A_245 = arith.constant 128 : i32
      %mul3A_246 = arith.muli %scan3A_244, %mul3A_245 : i32
      %add3A_247 = arith.constant 0 : i32
      %add3A_248 = arith.addi %mul3A_246, %add3A_247 : i32
      %get3A = arith.index_cast %add3A_248 : i32 to index
      %get3A_249 = tpu.vector_load %arg5[%get3A] {strides = array<i32>} : memref<16384xi32, #tpu.memory_space<vmem>>, vector<16xi32>,
      %gather3A = tpu.vector_load_idx %arg6[%get3A_249] : memref<60000xf32, #tpu.memory_space<vmem>>[vector<16xi32>], vector<16xf32>,
      %swap3A = arith.index_cast %add3A_248 : i32 to index
      %swap3A_250 = tpu.vector_load %arg7[%swap3A] {strides = array<i32>} : memref<16384xf32, #tpu.memory_space<vmem>>, vector<16xf32>,
      tpu.vector_store %arg7[%swap3A], %gather3A {strides = array<i32>} : memref<16384xf32, #tpu.memory_space<vmem>>, vector<16xf32>,
      %add3A_251 = arith.constant 16 : i32
      %add3A_252 = arith.addi %mul3A_246, %add3A_251 : i32
      %get3A_253 = arith.index_cast %add3A_252 : i32 to index
      %get3A_254 = tpu.vector_load %arg5[%get3A_253] {strides = array<i32>} : memref<16384xi32, #tpu.memory_space<vmem>>, vector<16xi32>,
      %gather3A_255 = tpu.vector_load_idx %arg6[%get3A_254] : memref<60000xf32, #tpu.memory_space<vmem>>[vector<16xi32>], vector<16xf32>,
      %swap3A_256 = arith.index_cast %add3A_252 : i32 to index
      %swap3A_257 = tpu.vector_load %arg7[%swap3A_256] {strides = array<i32>} : memref<16384xf32, #tpu.memory_space<vmem>>, vector<16xf32>,
      tpu.vector_store %arg7[%swap3A_256], %gather3A_255 {strides = array<i32>} : memref<16384xf32, #tpu.memory_space<vmem>>, vector<16xf32>,
      %add3A_258 = arith.constant 32 : i32
      %add3A_259 = arith.addi %mul3A_246, %add3A_258 : i32
      %get3A_260 = arith.index_cast %add3A_259 : i32 to index
      %get3A_261 = tpu.vector_load %arg5[%get3A_260] {strides = array<i32>} : memref<16384xi32, #tpu.memory_space<vmem>>, vector<16xi32>,
      %gather3A_262 = tpu.vector_load_idx %arg6[%get3A_261] : memref<60000xf32, #tpu.memory_space<vmem>>[vector<16xi32>], vector<16xf32>,
      %swap3A_263 = arith.index_cast %add3A_259 : i32 to index
      %swap3A_264 = tpu.vector_load %arg7[%swap3A_263] {strides = array<i32>} : memref<16384xf32, #tpu.memory_space<vmem>>, vector<16xf32>,
      tpu.vector_store %arg7[%swap3A_263], %gather3A_262 {strides = array<i32>} : memref<16384xf32, #tpu.memory_space<vmem>>, vector<16xf32>,
      %add3A_265 = arith.constant 48 : i32
      %add3A_266 = arith.addi %mul3A_246, %add3A_265 : i32
      %get3A_267 = arith.index_cast %add3A_266 : i32 to index
      %get3A_268 = tpu.vector_load %arg5[%get3A_267] {strides = array<i32>} : memref<16384xi32, #tpu.memory_space<vmem>>, vector<16xi32>,
      %gather3A_269 = tpu.vector_load_idx %arg6[%get3A_268] : memref<60000xf32, #tpu.memory_space<vmem>>[vector<16xi32>], vector<16xf32>,
      %swap3A_270 = arith.index_cast %add3A_266 : i32 to index
      %swap3A_271 = tpu.vector_load %arg7[%swap3A_270] {strides = array<i32>} : memref<16384xf32, #tpu.memory_space<vmem>>, vector<16xf32>,
      tpu.vector_store %arg7[%swap3A_270], %gather3A_269 {strides = array<i32>} : memref<16384xf32, #tpu.memory_space<vmem>>, vector<16xf32>,
      %add3A_272 = arith.constant 64 : i32
      %add3A_273 = arith.addi %mul3A_246, %add3A_272 : i32
      %get3A_274 = arith.index_cast %add3A_273 : i32 to index
      %get3A_275 = tpu.vector_load %arg5[%get3A_274] {strides = array<i32>} : memref<16384xi32, #tpu.memory_space<vmem>>, vector<16xi32>,
      %gather3A_276 = tpu.vector_load_idx %arg6[%get3A_275] : memref<60000xf32, #tpu.memory_space<vmem>>[vector<16xi32>], vector<16xf32>,
      %swap3A_277 = arith.index_cast %add3A_273 : i32 to index
      %swap3A_278 = tpu.vector_load %arg7[%swap3A_277] {strides = array<i32>} : memref<16384xf32, #tpu.memory_space<vmem>>, vector<16xf32>,
      tpu.vector_store %arg7[%swap3A_277], %gather3A_276 {strides = array<i32>} : memref<16384xf32, #tpu.memory_space<vmem>>, vector<16xf32>,
      %add3A_279 = arith.constant 80 : i32
      %add3A_280 = arith.addi %mul3A_246, %add3A_279 : i32
      %get3A_281 = arith.index_cast %add3A_280 : i32 to index
      %get3A_282 = tpu.vector_load %arg5[%get3A_281] {strides = array<i32>} : memref<16384xi32, #tpu.memory_space<vmem>>, vector<16xi32>,
      %gather3A_283 = tpu.vector_load_idx %arg6[%get3A_282] : memref<60000xf32, #tpu.memory_space<vmem>>[vector<16xi32>], vector<16xf32>,
      %swap3A_284 = arith.index_cast %add3A_280 : i32 to index
      %swap3A_285 = tpu.vector_load %arg7[%swap3A_284] {strides = array<i32>} : memref<16384xf32, #tpu.memory_space<vmem>>, vector<16xf32>,
      tpu.vector_store %arg7[%swap3A_284], %gather3A_283 {strides = array<i32>} : memref<16384xf32, #tpu.memory_space<vmem>>, vector<16xf32>,
      %add3A_286 = arith.constant 96 : i32
      %add3A_287 = arith.addi %mul3A_246, %add3A_286 : i32
      %get3A_288 = arith.index_cast %add3A_287 : i32 to index
      %get3A_289 = tpu.vector_load %arg5[%get3A_288] {strides = array<i32>} : memref<16384xi32, #tpu.memory_space<vmem>>, vector<16xi32>,
      %gather3A_290 = tpu.vector_load_idx %arg6[%get3A_289] : memref<60000xf32, #tpu.memory_space<vmem>>[vector<16xi32>], vector<16xf32>,
      %swap3A_291 = arith.index_cast %add3A_287 : i32 to index
      %swap3A_292 = tpu.vector_load %arg7[%swap3A_291] {strides = array<i32>} : memref<16384xf32, #tpu.memory_space<vmem>>, vector<16xf32>,
      tpu.vector_store %arg7[%swap3A_291], %gather3A_290 {strides = array<i32>} : memref<16384xf32, #tpu.memory_space<vmem>>, vector<16xf32>,
      %add3A_293 = arith.constant 112 : i32
      %add3A_294 = arith.addi %mul3A_246, %add3A_293 : i32
      %get3A_295 = arith.index_cast %add3A_294 : i32 to index
      %get3A_296 = tpu.vector_load %arg5[%get3A_295] {strides = array<i32>} : memref<16384xi32, #tpu.memory_space<vmem>>, vector<16xi32>,
      %gather3A_297 = tpu.vector_load_idx %arg6[%get3A_296] : memref<60000xf32, #tpu.memory_space<vmem>>[vector<16xi32>], vector<16xf32>,
      %swap3A_298 = arith.index_cast %add3A_294 : i32 to index
      %swap3A_299 = tpu.vector_load %arg7[%swap3A_298] {strides = array<i32>} : memref<16384xf32, #tpu.memory_space<vmem>>, vector<16xf32>,
      tpu.vector_store %arg7[%swap3A_298], %gather3A_297 {strides = array<i32>} : memref<16384xf32, #tpu.memory_space<vmem>>, vector<16xf32>,
    }
    %scan3A_227 = arith.constant 128 : i32
    %mul3A_228 = arith.constant 16384 : i32
    %mul3A_229 = arith.muli %add3A_221, %mul3A_228 : i32
    "tpu.region"() ({
      %run_scoped3A = tpu.sem_alloc : memref<!tpu.dma_semaphore, #tpu.memory_space<semaphore_mem>>
      %dma_start3A = tpu.memref_slice %arg4[%mul3A_229] : memref<12845056xf32, #tpu.memory_space<hbm>> -> memref<16384xf32, #tpu.memory_space<hbm>>
      %dma_start3A_244 = tpu.memref_slice %arg4[%mul3A_229] : memref<12845056xf32, #tpu.memory_space<hbm>> -> memref<16384xf32, #tpu.memory_space<hbm>>
      tpu.enqueue_dma source(%arg7 : memref<16384xf32, #tpu.memory_space<vmem>>) target(%dma_start3A_244 : memref<16384xf32, #tpu.memory_space<hbm>>) target_semaphore(%run_scoped3A : memref<!tpu.dma_semaphore, #tpu.memory_space<semaphore_mem>>)
      %dma_wait3A = tpu.memref_slice %arg4[%mul3A_229] : memref<12845056xf32, #tpu.memory_space<hbm>> -> memref<16384xf32, #tpu.memory_space<hbm>>
      %dma_wait3A_245 = tpu.memref_slice %arg4[%mul3A_229] : memref<12845056xf32, #tpu.memory_space<hbm>> -> memref<16384xf32, #tpu.memory_space<hbm>>
      tpu.wait_dma2 semaphore(%run_scoped3A : memref<!tpu.dma_semaphore, #tpu.memory_space<semaphore_mem>>) src(%arg7 : memref<16384xf32, #tpu.memory_space<vmem>>) dst(%dma_wait3A_245 : memref<16384xf32, #tpu.memory_space<hbm>>)
      tpu.yield
    }) : () -> ()
    %add3A_230 = arith.constant 736 : i32
    %add3A_231 = arith.addi %add3A, %add3A_230 : i32
    "tpu.region"() ({
      %run_scoped3A = tpu.sem_alloc : memref<!tpu.dma_semaphore, #tpu.memory_space<semaphore_mem>>
      %dma_start3A = arith.constant 0 : i32
      %dma_start3A_244 = tpu.memref_slice %arg2[%add3A_231, %dma_start3A] : memref<784x60000xf32, #tpu.memory_space<hbm>> -> memref<1x60000xf32, #tpu.memory_space<hbm>>
      %dma_start3A_245 = tpu.memref_squeeze %dma_start3A_244 : memref<1x60000xf32, #tpu.memory_space<hbm>> -> memref<60000xf32, #tpu.memory_space<hbm>>
      %dma_start3A_246 = arith.constant 0 : i32
      %dma_start3A_247 = tpu.memref_slice %arg2[%add3A_231, %dma_start3A_246] : memref<784x60000xf32, #tpu.memory_space<hbm>> -> memref<1x60000xf32, #tpu.memory_space<hbm>>
      %dma_start3A_248 = tpu.memref_squeeze %dma_start3A_247 : memref<1x60000xf32, #tpu.memory_space<hbm>> -> memref<60000xf32, #tpu.memory_space<hbm>>
      tpu.enqueue_dma source(%dma_start3A_248 : memref<60000xf32, #tpu.memory_space<hbm>>) target(%arg6 : memref<60000xf32, #tpu.memory_space<vmem>>) target_semaphore(%run_scoped3A : memref<!tpu.dma_semaphore, #tpu.memory_space<semaphore_mem>>)
      %dma_wait3A = arith.constant 0 : i32
      %dma_wait3A_249 = tpu.memref_slice %arg2[%add3A_231, %dma_wait3A] : memref<784x60000xf32, #tpu.memory_space<hbm>> -> memref<1x60000xf32, #tpu.memory_space<hbm>>
      %dma_wait3A_250 = tpu.memref_squeeze %dma_wait3A_249 : memref<1x60000xf32, #tpu.memory_space<hbm>> -> memref<60000xf32, #tpu.memory_space<hbm>>
      %dma_wait3A_251 = arith.constant 0 : i32
      %dma_wait3A_252 = tpu.memref_slice %arg2[%add3A_231, %dma_wait3A_251] : memref<784x60000xf32, #tpu.memory_space<hbm>> -> memref<1x60000xf32, #tpu.memory_space<hbm>>
      %dma_wait3A_253 = tpu.memref_squeeze %dma_wait3A_252 : memref<1x60000xf32, #tpu.memory_space<hbm>> -> memref<60000xf32, #tpu.memory_space<hbm>>
      tpu.wait_dma2 semaphore(%run_scoped3A : memref<!tpu.dma_semaphore, #tpu.memory_space<semaphore_mem>>) src(%dma_wait3A_253 : memref<60000xf32, #tpu.memory_space<hbm>>) dst(%arg6 : memref<60000xf32, #tpu.memory_space<vmem>>)
      tpu.yield
    }) : () -> ()
    %scan3A_232 = arith.constant 0 : i32
    %scan3A_233 = arith.constant 0 : i32
    %scan3A_234 = arith.constant 128 : i32
    %scan3A_235 = arith.addi %scan3A_233, %scan3A_234 : i32
    %scan3A_236 = arith.constant 1 : i32
    scf.for %scan3A_244 = %scan3A_233 to %scan3A_235 step %scan3A_236  : i32 {
      %mul3A_245 = arith.constant 128 : i32
      %mul3A_246 = arith.muli %scan3A_244, %mul3A_245 : i32
      %add3A_247 = arith.constant 0 : i32
      %add3A_248 = arith.addi %mul3A_246, %add3A_247 : i32
      %get3A = arith.index_cast %add3A_248 : i32 to index
      %get3A_249 = tpu.vector_load %arg5[%get3A] {strides = array<i32>} : memref<16384xi32, #tpu.memory_space<vmem>>, vector<16xi32>,
      %gather3A = tpu.vector_load_idx %arg6[%get3A_249] : memref<60000xf32, #tpu.memory_space<vmem>>[vector<16xi32>], vector<16xf32>,
      %swap3A = arith.index_cast %add3A_248 : i32 to index
      %swap3A_250 = tpu.vector_load %arg7[%swap3A] {strides = array<i32>} : memref<16384xf32, #tpu.memory_space<vmem>>, vector<16xf32>,
      tpu.vector_store %arg7[%swap3A], %gather3A {strides = array<i32>} : memref<16384xf32, #tpu.memory_space<vmem>>, vector<16xf32>,
      %add3A_251 = arith.constant 16 : i32
      %add3A_252 = arith.addi %mul3A_246, %add3A_251 : i32
      %get3A_253 = arith.index_cast %add3A_252 : i32 to index
      %get3A_254 = tpu.vector_load %arg5[%get3A_253] {strides = array<i32>} : memref<16384xi32, #tpu.memory_space<vmem>>, vector<16xi32>,
      %gather3A_255 = tpu.vector_load_idx %arg6[%get3A_254] : memref<60000xf32, #tpu.memory_space<vmem>>[vector<16xi32>], vector<16xf32>,
      %swap3A_256 = arith.index_cast %add3A_252 : i32 to index
      %swap3A_257 = tpu.vector_load %arg7[%swap3A_256] {strides = array<i32>} : memref<16384xf32, #tpu.memory_space<vmem>>, vector<16xf32>,
      tpu.vector_store %arg7[%swap3A_256], %gather3A_255 {strides = array<i32>} : memref<16384xf32, #tpu.memory_space<vmem>>, vector<16xf32>,
      %add3A_258 = arith.constant 32 : i32
      %add3A_259 = arith.addi %mul3A_246, %add3A_258 : i32
      %get3A_260 = arith.index_cast %add3A_259 : i32 to index
      %get3A_261 = tpu.vector_load %arg5[%get3A_260] {strides = array<i32>} : memref<16384xi32, #tpu.memory_space<vmem>>, vector<16xi32>,
      %gather3A_262 = tpu.vector_load_idx %arg6[%get3A_261] : memref<60000xf32, #tpu.memory_space<vmem>>[vector<16xi32>], vector<16xf32>,
      %swap3A_263 = arith.index_cast %add3A_259 : i32 to index
      %swap3A_264 = tpu.vector_load %arg7[%swap3A_263] {strides = array<i32>} : memref<16384xf32, #tpu.memory_space<vmem>>, vector<16xf32>,
      tpu.vector_store %arg7[%swap3A_263], %gather3A_262 {strides = array<i32>} : memref<16384xf32, #tpu.memory_space<vmem>>, vector<16xf32>,
      %add3A_265 = arith.constant 48 : i32
      %add3A_266 = arith.addi %mul3A_246, %add3A_265 : i32
      %get3A_267 = arith.index_cast %add3A_266 : i32 to index
      %get3A_268 = tpu.vector_load %arg5[%get3A_267] {strides = array<i32>} : memref<16384xi32, #tpu.memory_space<vmem>>, vector<16xi32>,
      %gather3A_269 = tpu.vector_load_idx %arg6[%get3A_268] : memref<60000xf32, #tpu.memory_space<vmem>>[vector<16xi32>], vector<16xf32>,
      %swap3A_270 = arith.index_cast %add3A_266 : i32 to index
      %swap3A_271 = tpu.vector_load %arg7[%swap3A_270] {strides = array<i32>} : memref<16384xf32, #tpu.memory_space<vmem>>, vector<16xf32>,
      tpu.vector_store %arg7[%swap3A_270], %gather3A_269 {strides = array<i32>} : memref<16384xf32, #tpu.memory_space<vmem>>, vector<16xf32>,
      %add3A_272 = arith.constant 64 : i32
      %add3A_273 = arith.addi %mul3A_246, %add3A_272 : i32
      %get3A_274 = arith.index_cast %add3A_273 : i32 to index
      %get3A_275 = tpu.vector_load %arg5[%get3A_274] {strides = array<i32>} : memref<16384xi32, #tpu.memory_space<vmem>>, vector<16xi32>,
      %gather3A_276 = tpu.vector_load_idx %arg6[%get3A_275] : memref<60000xf32, #tpu.memory_space<vmem>>[vector<16xi32>], vector<16xf32>,
      %swap3A_277 = arith.index_cast %add3A_273 : i32 to index
      %swap3A_278 = tpu.vector_load %arg7[%swap3A_277] {strides = array<i32>} : memref<16384xf32, #tpu.memory_space<vmem>>, vector<16xf32>,
      tpu.vector_store %arg7[%swap3A_277], %gather3A_276 {strides = array<i32>} : memref<16384xf32, #tpu.memory_space<vmem>>, vector<16xf32>,
      %add3A_279 = arith.constant 80 : i32
      %add3A_280 = arith.addi %mul3A_246, %add3A_279 : i32
      %get3A_281 = arith.index_cast %add3A_280 : i32 to index
      %get3A_282 = tpu.vector_load %arg5[%get3A_281] {strides = array<i32>} : memref<16384xi32, #tpu.memory_space<vmem>>, vector<16xi32>,
      %gather3A_283 = tpu.vector_load_idx %arg6[%get3A_282] : memref<60000xf32, #tpu.memory_space<vmem>>[vector<16xi32>], vector<16xf32>,
      %swap3A_284 = arith.index_cast %add3A_280 : i32 to index
      %swap3A_285 = tpu.vector_load %arg7[%swap3A_284] {strides = array<i32>} : memref<16384xf32, #tpu.memory_space<vmem>>, vector<16xf32>,
      tpu.vector_store %arg7[%swap3A_284], %gather3A_283 {strides = array<i32>} : memref<16384xf32, #tpu.memory_space<vmem>>, vector<16xf32>,
      %add3A_286 = arith.constant 96 : i32
      %add3A_287 = arith.addi %mul3A_246, %add3A_286 : i32
      %get3A_288 = arith.index_cast %add3A_287 : i32 to index
      %get3A_289 = tpu.vector_load %arg5[%get3A_288] {strides = array<i32>} : memref<16384xi32, #tpu.memory_space<vmem>>, vector<16xi32>,
      %gather3A_290 = tpu.vector_load_idx %arg6[%get3A_289] : memref<60000xf32, #tpu.memory_space<vmem>>[vector<16xi32>], vector<16xf32>,
      %swap3A_291 = arith.index_cast %add3A_287 : i32 to index
      %swap3A_292 = tpu.vector_load %arg7[%swap3A_291] {strides = array<i32>} : memref<16384xf32, #tpu.memory_space<vmem>>, vector<16xf32>,
      tpu.vector_store %arg7[%swap3A_291], %gather3A_290 {strides = array<i32>} : memref<16384xf32, #tpu.memory_space<vmem>>, vector<16xf32>,
      %add3A_293 = arith.constant 112 : i32
      %add3A_294 = arith.addi %mul3A_246, %add3A_293 : i32
      %get3A_295 = arith.index_cast %add3A_294 : i32 to index
      %get3A_296 = tpu.vector_load %arg5[%get3A_295] {strides = array<i32>} : memref<16384xi32, #tpu.memory_space<vmem>>, vector<16xi32>,
      %gather3A_297 = tpu.vector_load_idx %arg6[%get3A_296] : memref<60000xf32, #tpu.memory_space<vmem>>[vector<16xi32>], vector<16xf32>,
      %swap3A_298 = arith.index_cast %add3A_294 : i32 to index
      %swap3A_299 = tpu.vector_load %arg7[%swap3A_298] {strides = array<i32>} : memref<16384xf32, #tpu.memory_space<vmem>>, vector<16xf32>,
      tpu.vector_store %arg7[%swap3A_298], %gather3A_297 {strides = array<i32>} : memref<16384xf32, #tpu.memory_space<vmem>>, vector<16xf32>,
    }
    %scan3A_237 = arith.constant 128 : i32
    %mul3A_238 = arith.constant 16384 : i32
    %mul3A_239 = arith.muli %add3A_231, %mul3A_238 : i32
    "tpu.region"() ({
      %run_scoped3A = tpu.sem_alloc : memref<!tpu.dma_semaphore, #tpu.memory_space<semaphore_mem>>
      %dma_start3A = tpu.memref_slice %arg4[%mul3A_239] : memref<12845056xf32, #tpu.memory_space<hbm>> -> memref<16384xf32, #tpu.memory_space<hbm>>
      %dma_start3A_244 = tpu.memref_slice %arg4[%mul3A_239] : memref<12845056xf32, #tpu.memory_space<hbm>> -> memref<16384xf32, #tpu.memory_space<hbm>>
      tpu.enqueue_dma source(%arg7 : memref<16384xf32, #tpu.memory_space<vmem>>) target(%dma_start3A_244 : memref<16384xf32, #tpu.memory_space<hbm>>) target_semaphore(%run_scoped3A : memref<!tpu.dma_semaphore, #tpu.memory_space<semaphore_mem>>)
      %dma_wait3A = tpu.memref_slice %arg4[%mul3A_239] : memref<12845056xf32, #tpu.memory_space<hbm>> -> memref<16384xf32, #tpu.memory_space<hbm>>
      %dma_wait3A_245 = tpu.memref_slice %arg4[%mul3A_239] : memref<12845056xf32, #tpu.memory_space<hbm>> -> memref<16384xf32, #tpu.memory_space<hbm>>
      tpu.wait_dma2 semaphore(%run_scoped3A : memref<!tpu.dma_semaphore, #tpu.memory_space<semaphore_mem>>) src(%arg7 : memref<16384xf32, #tpu.memory_space<vmem>>) dst(%dma_wait3A_245 : memref<16384xf32, #tpu.memory_space<hbm>>)
      tpu.yield
    }) : () -> ()
    %add3A_240 = arith.constant 768 : i32
    %add3A_241 = arith.addi %add3A, %add3A_240 : i32
    %lt3A = arith.constant 784 : i32
    %lt3A_242 = arith.cmpi slt, %add3A_241, %lt3A : i32
    %convert_element_type3A = arith.extui %lt3A_242 : i1 to i32
    %cond3A = arith.constant 0 : i32
    %cond3A_243 = arith.cmpi ne, %convert_element_type3A, %cond3A : i32
    scf.if %cond3A_243 {
      "tpu.region"() ({
        %run_scoped3A = tpu.sem_alloc : memref<!tpu.dma_semaphore, #tpu.memory_space<semaphore_mem>>
        %dma_start3A = arith.constant 0 : i32
        %dma_start3A_252 = tpu.memref_slice %arg2[%add3A_241, %dma_start3A] : memref<784x60000xf32, #tpu.memory_space<hbm>> -> memref<1x60000xf32, #tpu.memory_space<hbm>>
        %dma_start3A_253 = tpu.memref_squeeze %dma_start3A_252 : memref<1x60000xf32, #tpu.memory_space<hbm>> -> memref<60000xf32, #tpu.memory_space<hbm>>
        %dma_start3A_254 = arith.constant 0 : i32
        %dma_start3A_255 = tpu.memref_slice %arg2[%add3A_241, %dma_start3A_254] : memref<784x60000xf32, #tpu.memory_space<hbm>> -> memref<1x60000xf32, #tpu.memory_space<hbm>>
        %dma_start3A_256 = tpu.memref_squeeze %dma_start3A_255 : memref<1x60000xf32, #tpu.memory_space<hbm>> -> memref<60000xf32, #tpu.memory_space<hbm>>
        tpu.enqueue_dma source(%dma_start3A_256 : memref<60000xf32, #tpu.memory_space<hbm>>) target(%arg6 : memref<60000xf32, #tpu.memory_space<vmem>>) target_semaphore(%run_scoped3A : memref<!tpu.dma_semaphore, #tpu.memory_space<semaphore_mem>>)
        %dma_wait3A = arith.constant 0 : i32
        %dma_wait3A_257 = tpu.memref_slice %arg2[%add3A_241, %dma_wait3A] : memref<784x60000xf32, #tpu.memory_space<hbm>> -> memref<1x60000xf32, #tpu.memory_space<hbm>>
        %dma_wait3A_258 = tpu.memref_squeeze %dma_wait3A_257 : memref<1x60000xf32, #tpu.memory_space<hbm>> -> memref<60000xf32, #tpu.memory_space<hbm>>
        %dma_wait3A_259 = arith.constant 0 : i32
        %dma_wait3A_260 = tpu.memref_slice %arg2[%add3A_241, %dma_wait3A_259] : memref<784x60000xf32, #tpu.memory_space<hbm>> -> memref<1x60000xf32, #tpu.memory_space<hbm>>
        %dma_wait3A_261 = tpu.memref_squeeze %dma_wait3A_260 : memref<1x60000xf32, #tpu.memory_space<hbm>> -> memref<60000xf32, #tpu.memory_space<hbm>>
        tpu.wait_dma2 semaphore(%run_scoped3A : memref<!tpu.dma_semaphore, #tpu.memory_space<semaphore_mem>>) src(%dma_wait3A_261 : memref<60000xf32, #tpu.memory_space<hbm>>) dst(%arg6 : memref<60000xf32, #tpu.memory_space<vmem>>)
        tpu.yield
      }) : () -> ()
      %scan3A_244 = arith.constant 0 : i32
      %scan3A_245 = arith.constant 0 : i32
      %scan3A_246 = arith.constant 128 : i32
      %scan3A_247 = arith.addi %scan3A_245, %scan3A_246 : i32
      %scan3A_248 = arith.constant 1 : i32
      scf.for %scan3A_252 = %scan3A_245 to %scan3A_247 step %scan3A_248  : i32 {
        %mul3A_253 = arith.constant 128 : i32
        %mul3A_254 = arith.muli %scan3A_252, %mul3A_253 : i32
        %add3A_255 = arith.constant 0 : i32
        %add3A_256 = arith.addi %mul3A_254, %add3A_255 : i32
        %get3A = arith.index_cast %add3A_256 : i32 to index
        %get3A_257 = tpu.vector_load %arg5[%get3A] {strides = array<i32>} : memref<16384xi32, #tpu.memory_space<vmem>>, vector<16xi32>,
        %gather3A = tpu.vector_load_idx %arg6[%get3A_257] : memref<60000xf32, #tpu.memory_space<vmem>>[vector<16xi32>], vector<16xf32>,
        %swap3A = arith.index_cast %add3A_256 : i32 to index
        %swap3A_258 = tpu.vector_load %arg7[%swap3A] {strides = array<i32>} : memref<16384xf32, #tpu.memory_space<vmem>>, vector<16xf32>,
        tpu.vector_store %arg7[%swap3A], %gather3A {strides = array<i32>} : memref<16384xf32, #tpu.memory_space<vmem>>, vector<16xf32>,
        %add3A_259 = arith.constant 16 : i32
        %add3A_260 = arith.addi %mul3A_254, %add3A_259 : i32
        %get3A_261 = arith.index_cast %add3A_260 : i32 to index
        %get3A_262 = tpu.vector_load %arg5[%get3A_261] {strides = array<i32>} : memref<16384xi32, #tpu.memory_space<vmem>>, vector<16xi32>,
        %gather3A_263 = tpu.vector_load_idx %arg6[%get3A_262] : memref<60000xf32, #tpu.memory_space<vmem>>[vector<16xi32>], vector<16xf32>,
        %swap3A_264 = arith.index_cast %add3A_260 : i32 to index
        %swap3A_265 = tpu.vector_load %arg7[%swap3A_264] {strides = array<i32>} : memref<16384xf32, #tpu.memory_space<vmem>>, vector<16xf32>,
        tpu.vector_store %arg7[%swap3A_264], %gather3A_263 {strides = array<i32>} : memref<16384xf32, #tpu.memory_space<vmem>>, vector<16xf32>,
        %add3A_266 = arith.constant 32 : i32
        %add3A_267 = arith.addi %mul3A_254, %add3A_266 : i32
        %get3A_268 = arith.index_cast %add3A_267 : i32 to index
        %get3A_269 = tpu.vector_load %arg5[%get3A_268] {strides = array<i32>} : memref<16384xi32, #tpu.memory_space<vmem>>, vector<16xi32>,
        %gather3A_270 = tpu.vector_load_idx %arg6[%get3A_269] : memref<60000xf32, #tpu.memory_space<vmem>>[vector<16xi32>], vector<16xf32>,
        %swap3A_271 = arith.index_cast %add3A_267 : i32 to index
        %swap3A_272 = tpu.vector_load %arg7[%swap3A_271] {strides = array<i32>} : memref<16384xf32, #tpu.memory_space<vmem>>, vector<16xf32>,
        tpu.vector_store %arg7[%swap3A_271], %gather3A_270 {strides = array<i32>} : memref<16384xf32, #tpu.memory_space<vmem>>, vector<16xf32>,
        %add3A_273 = arith.constant 48 : i32
        %add3A_274 = arith.addi %mul3A_254, %add3A_273 : i32
        %get3A_275 = arith.index_cast %add3A_274 : i32 to index
        %get3A_276 = tpu.vector_load %arg5[%get3A_275] {strides = array<i32>} : memref<16384xi32, #tpu.memory_space<vmem>>, vector<16xi32>,
        %gather3A_277 = tpu.vector_load_idx %arg6[%get3A_276] : memref<60000xf32, #tpu.memory_space<vmem>>[vector<16xi32>], vector<16xf32>,
        %swap3A_278 = arith.index_cast %add3A_274 : i32 to index
        %swap3A_279 = tpu.vector_load %arg7[%swap3A_278] {strides = array<i32>} : memref<16384xf32, #tpu.memory_space<vmem>>, vector<16xf32>,
        tpu.vector_store %arg7[%swap3A_278], %gather3A_277 {strides = array<i32>} : memref<16384xf32, #tpu.memory_space<vmem>>, vector<16xf32>,
        %add3A_280 = arith.constant 64 : i32
        %add3A_281 = arith.addi %mul3A_254, %add3A_280 : i32
        %get3A_282 = arith.index_cast %add3A_281 : i32 to index
        %get3A_283 = tpu.vector_load %arg5[%get3A_282] {strides = array<i32>} : memref<16384xi32, #tpu.memory_space<vmem>>, vector<16xi32>,
        %gather3A_284 = tpu.vector_load_idx %arg6[%get3A_283] : memref<60000xf32, #tpu.memory_space<vmem>>[vector<16xi32>], vector<16xf32>,
        %swap3A_285 = arith.index_cast %add3A_281 : i32 to index
        %swap3A_286 = tpu.vector_load %arg7[%swap3A_285] {strides = array<i32>} : memref<16384xf32, #tpu.memory_space<vmem>>, vector<16xf32>,
        tpu.vector_store %arg7[%swap3A_285], %gather3A_284 {strides = array<i32>} : memref<16384xf32, #tpu.memory_space<vmem>>, vector<16xf32>,
        %add3A_287 = arith.constant 80 : i32
        %add3A_288 = arith.addi %mul3A_254, %add3A_287 : i32
        %get3A_289 = arith.index_cast %add3A_288 : i32 to index
        %get3A_290 = tpu.vector_load %arg5[%get3A_289] {strides = array<i32>} : memref<16384xi32, #tpu.memory_space<vmem>>, vector<16xi32>,
        %gather3A_291 = tpu.vector_load_idx %arg6[%get3A_290] : memref<60000xf32, #tpu.memory_space<vmem>>[vector<16xi32>], vector<16xf32>,
        %swap3A_292 = arith.index_cast %add3A_288 : i32 to index
        %swap3A_293 = tpu.vector_load %arg7[%swap3A_292] {strides = array<i32>} : memref<16384xf32, #tpu.memory_space<vmem>>, vector<16xf32>,
        tpu.vector_store %arg7[%swap3A_292], %gather3A_291 {strides = array<i32>} : memref<16384xf32, #tpu.memory_space<vmem>>, vector<16xf32>,
        %add3A_294 = arith.constant 96 : i32
        %add3A_295 = arith.addi %mul3A_254, %add3A_294 : i32
        %get3A_296 = arith.index_cast %add3A_295 : i32 to index
        %get3A_297 = tpu.vector_load %arg5[%get3A_296] {strides = array<i32>} : memref<16384xi32, #tpu.memory_space<vmem>>, vector<16xi32>,
        %gather3A_298 = tpu.vector_load_idx %arg6[%get3A_297] : memref<60000xf32, #tpu.memory_space<vmem>>[vector<16xi32>], vector<16xf32>,
        %swap3A_299 = arith.index_cast %add3A_295 : i32 to index
        %swap3A_300 = tpu.vector_load %arg7[%swap3A_299] {strides = array<i32>} : memref<16384xf32, #tpu.memory_space<vmem>>, vector<16xf32>,
        tpu.vector_store %arg7[%swap3A_299], %gather3A_298 {strides = array<i32>} : memref<16384xf32, #tpu.memory_space<vmem>>, vector<16xf32>,
        %add3A_301 = arith.constant 112 : i32
        %add3A_302 = arith.addi %mul3A_254, %add3A_301 : i32
        %get3A_303 = arith.index_cast %add3A_302 : i32 to index
        %get3A_304 = tpu.vector_load %arg5[%get3A_303] {strides = array<i32>} : memref<16384xi32, #tpu.memory_space<vmem>>, vector<16xi32>,
        %gather3A_305 = tpu.vector_load_idx %arg6[%get3A_304] : memref<60000xf32, #tpu.memory_space<vmem>>[vector<16xi32>], vector<16xf32>,
        %swap3A_306 = arith.index_cast %add3A_302 : i32 to index
        %swap3A_307 = tpu.vector_load %arg7[%swap3A_306] {strides = array<i32>} : memref<16384xf32, #tpu.memory_space<vmem>>, vector<16xf32>,
        tpu.vector_store %arg7[%swap3A_306], %gather3A_305 {strides = array<i32>} : memref<16384xf32, #tpu.memory_space<vmem>>, vector<16xf32>,
      }
      %scan3A_249 = arith.constant 128 : i32
      %mul3A_250 = arith.constant 16384 : i32
      %mul3A_251 = arith.muli %add3A_241, %mul3A_250 : i32
      "tpu.region"() ({
        %run_scoped3A = tpu.sem_alloc : memref<!tpu.dma_semaphore, #tpu.memory_space<semaphore_mem>>
        %dma_start3A = tpu.memref_slice %arg4[%mul3A_251] : memref<12845056xf32, #tpu.memory_space<hbm>> -> memref<16384xf32, #tpu.memory_space<hbm>>
        %dma_start3A_252 = tpu.memref_slice %arg4[%mul3A_251] : memref<12845056xf32, #tpu.memory_space<hbm>> -> memref<16384xf32, #tpu.memory_space<hbm>>
        tpu.enqueue_dma source(%arg7 : memref<16384xf32, #tpu.memory_space<vmem>>) target(%dma_start3A_252 : memref<16384xf32, #tpu.memory_space<hbm>>) target_semaphore(%run_scoped3A : memref<!tpu.dma_semaphore, #tpu.memory_space<semaphore_mem>>)
        %dma_wait3A = tpu.memref_slice %arg4[%mul3A_251] : memref<12845056xf32, #tpu.memory_space<hbm>> -> memref<16384xf32, #tpu.memory_space<hbm>>
        %dma_wait3A_253 = tpu.memref_slice %arg4[%mul3A_251] : memref<12845056xf32, #tpu.memory_space<hbm>> -> memref<16384xf32, #tpu.memory_space<hbm>>
        tpu.wait_dma2 semaphore(%run_scoped3A : memref<!tpu.dma_semaphore, #tpu.memory_space<semaphore_mem>>) src(%arg7 : memref<16384xf32, #tpu.memory_space<vmem>>) dst(%dma_wait3A_253 : memref<16384xf32, #tpu.memory_space<hbm>>)
        tpu.yield
      }) : () -> ()
    } else {
    }
    return
  }
}

</mosaic_0001>

<sc_bundles>
// kernel: kernel.3.cloned.1.call-start
scs
__scs_entry_jumppad:
0x0: {  	(pc) =	sbr.rel $0x88, $3  }
0x1: {  	(tag) =	ssettag $0x0;
	lr =	simm.s32 $0x1  }
0x2: {  	[smem:$0x3F9F] =	sst lr;
	_ =	strace $0xD0000000  }
0x3: {  	_ = 	snop  }
0x4: {  	_ = 	snop  }
0x5: {  	_ = 	snop  }
0x6: {  	_ = 	snop  }
0x7: {  	_ = 	snop  }
__scs_overlays_trampoline_lowered:
0x8: {  	[smem:$0x3FAE] =	sst s0  }
0x9: {  	[smem:$0x3FAF] =	sst s1  }
0xa: {  	[smem:$0x3FB0] =	sst s2  }
0xb: {  	[smem:$0x3FB1] =	sst s3  }
0xc: {  	[smem:$0x3FB2] =	sst s4  }
0xd: {  	[smem:$0x3FB3] =	sst s5  }
0xe: {  	[smem:$0x3FB4] =	sst s6  }
0xf: {  	[smem:$0x3FB5] =	sst s7  }
0x10: {  	[smem:$0x3FB6] =	sst s8  }
0x11: {  	[smem:$0x3FB7] =	sst s9;
	s0 =	simm.s32 @!p0 $0x0  }
0x12: {  	s1 =	sld [smem:$0x3F9D];
	s0 =	simm.s32 @p0 $0x1  }
0x13: {  	[smem:$0x3FB8] =	sst s0;
	s0 =	simm.s32 @!p1 $0x0  }
0x14: {  	s2 =	sld [smem:$0x3F9C];
	s0 =	simm.s32 @p1 $0x1  }
0x15: {  	[smem:$0x3FB9] =	sst s0;
	s0 =	simm.s32 @!p2 $0x0  }
0x16: {  	s3 =	sld [smem:$0x3FDB];
	s0 =	simm.s32 @p2 $0x1  }
0x17: {  	s4 =	simm.s32 $0x1BF5;
	[smem:$0x3FBB] =	sst s0  }
0x18: {  	s0 =	sld [smem:$0x3F9E];
	_ =	swait.ge [sflag:s4], $0x0  }
0x19: {  	s7 =	sld [smem:$0x3F9F]  }
0x1a: {  	s8 =	sadd.s32 $0xFFFFE003, lr  }
0x1b: {  	s9 =	sadd.s32 $0xFFFFFEF7, lr;
	s5 =	simm.s32 $0xFFFFFFFF;
	p2 =	slt.u32 s8, $0xFFFFF086  }
0x1c: {  	p1 =	slt.u32 s9, $0xF7A;
	s5 =	simm.s32 @!p2 $0x0  }
0x1d: {  	s5 =	simm.s32 @p1 $0x1;
	p0 =	seq.s32 s7, s2  }
0x1e: {  	s7 =	smul.u32 @!p0 $0xF7A, s2;
	p2 =	seq.s32 @!p0 s5, $0x0  }
0x1f: {  	s9 =	smul.u32 $0xF7A, s1;
	s8 =	simm.s32 @!p0 $0x1BF5;
	p2 =	por !p2, p0  }
0x20: {  	[sflag:s8] =	ssyncset.s32 @!p0 $0xFFFFF086;
	s6 =	sadd.s32 @!p0 s3, s7;
	s7 =	simm.s32 @!p0 $0x108  }
0x21: {  	s3 =	sadd.s32 s3, s9;
	s6 =	sadd.s32 @!p0 $0x88, s6;
	s7 =	simm.s32 @p2 $0x1082  }
0x22: {  	[simem:s7], [sflag:s8] =	dma.local @!p0 [hbm:s6], $0xF7A  }
0x23: {  	s9 =	sor.u32 $0xD0000000, s2;
	s6 =	simm.s32 $0x108;
	_ =	swait.ge @!p0 [sflag:s8], $0x0  }
0x24: {  	s3 =	sadd.s32 $0x88, s3;
	s6 =	simm.s32 @!p1 $0x1082;
	[sflag:s4] =	ssyncset.s32 $0xFFFFF086  }
0x25: {  	[simem:s6], [sflag:s4] =	dma.local [hbm:s3], $0xF7A  }
0x26: {  	[smem:$0x3F9F] =	sst s1;
	(tag) =	ssettag s2;
	_ =	strace s9  }
0x27: {  	s1 =	sld [smem:$0x3FAF]  }
0x28: {  	s2 =	sld [smem:$0x3FB0]  }
0x29: {  	s4 =	sld [smem:$0x3FB2]  }
0x2a: {  	p0 =	seq.s32 s5, $0x0;
	s5 =	sld [smem:$0x3FB3]  }
0x2b: {  	s6 =	sld [smem:$0x3FB4]  }
0x2c: {  	s7 =	sld [smem:$0x3FB5]  }
0x2d: {  	s3 =	simm.s32 $0x108;
	s8 =	sld [smem:$0x3FB6]  }
0x2e: {  	s3 =	simm.s32 @!p0 $0x1082;
	s9 =	sld [smem:$0x3FB7]  }
0x2f: {  	lr =	sadd.s32 s0, s3;
	s0 =	sld [smem:$0x3FAE]  }
0x30: {  	s3 =	sld [smem:$0x3FB1]  }
0x31: {  	[smem:$0x3FBA] =	sst s10  }
0x32: {  	s10 =	sld [smem:$0x3FB8];
	_ =	sdelay $0x3  }
0x33: {  	p0 =	seq.s32 s10, $0x1;
	s10 =	sld [smem:$0x3FBA];
	_ =	sdelay $0x3  }
0x34: {  	[smem:$0x3FBA] =	sst s10  }
0x35: {  	s10 =	sld [smem:$0x3FB9];
	_ =	sdelay $0x3  }
0x36: {  	p1 =	seq.s32 s10, $0x1;
	s10 =	sld [smem:$0x3FBA];
	_ =	sdelay $0x3  }
0x37: {  	[smem:$0x3FBA] =	sst s10  }
0x38: {  	s10 =	sld [smem:$0x3FBB]  }
0x39: {  	_ = 	snop;
	(pc) =	sbr.ind lr, $3  }
0x3a: {  	_ = 	snop  }
0x3b: {  	_ = 	snop  }
0x3c: {  	p2 =	seq.s32 s10, $0x1;
	s10 =	sld [smem:$0x3FBA]  }
0x3d: {  	_ =	shalt  }
0x3e: {  	_ =	shalt  }
0x3f: {  	_ =	shalt  }
0x40: {  	_ =	shalt  }
0x41: {  	_ =	shalt  }
0x42: {  	_ =	shalt  }
0x43: {  	_ =	shalt  }
0x44: {  	_ =	shalt  }
0x45: {  	_ =	shalt  }
0x46: {  	_ =	shalt  }
0x47: {  	_ =	shalt  }
0x48: {  	_ =	shalt  }
0x49: {  	_ =	shalt  }
0x4a: {  	_ =	shalt  }
0x4b: {  	_ =	shalt  }
0x4c: {  	_ =	shalt  }
0x4d: {  	_ =	shalt  }
0x4e: {  	_ =	shalt  }
0x4f: {  	_ =	shalt  }
0x50: {  	_ =	shalt  }
0x51: {  	_ =	shalt  }
0x52: {  	_ =	shalt  }
0x53: {  	_ =	shalt  }
0x54: {  	_ =	shalt  }
0x55: {  	_ =	shalt  }
0x56: {  	_ =	shalt  }
0x57: {  	_ =	shalt  }
0x58: {  	_ =	shalt  }
0x59: {  	_ =	shalt  }
0x5a: {  	_ =	shalt  }
0x5b: {  	_ =	shalt  }
0x5c: {  	_ =	shalt  }
0x5d: {  	_ =	shalt  }
0x5e: {  	_ =	shalt  }
0x5f: {  	_ =	shalt  }
0x60: {  	_ =	shalt  }
0x61: {  	_ =	shalt  }
0x62: {  	_ =	shalt  }
0x63: {  	_ =	shalt  }
0x64: {  	_ =	shalt  }
0x65: {  	_ =	shalt  }
0x66: {  	_ =	shalt  }
0x67: {  	_ =	shalt  }
0x68: {  	_ =	shalt  }
0x69: {  	_ =	shalt  }
0x6a: {  	_ =	shalt  }
0x6b: {  	_ =	shalt  }
0x6c: {  	_ =	shalt  }
0x6d: {  	_ =	shalt  }
0x6e: {  	_ =	shalt  }
0x6f: {  	_ =	shalt  }
0x70: {  	_ =	shalt  }
0x71: {  	_ =	shalt  }
0x72: {  	_ =	shalt  }
0x73: {  	_ =	shalt  }
0x74: {  	_ =	shalt  }
0x75: {  	_ =	shalt  }
0x76: {  	_ =	shalt  }
0x77: {  	_ =	shalt  }
0x78: {  	_ =	shalt  }
0x79: {  	_ =	shalt  }
0x7a: {  	_ =	shalt  }
0x7b: {  	_ =	shalt  }
0x7c: {  	_ =	shalt  }
0x7d: {  	_ =	shalt  }
0x7e: {  	_ =	shalt  }
0x7f: {  	_ =	shalt  }
0x80: {  	_ =	shalt  }
0x81: {  	_ =	shalt  }
0x82: {  	_ =	shalt  }
0x83: {  	_ =	shalt  }
0x84: {  	_ =	shalt  }
0x85: {  	_ =	shalt  }
0x86: {  	_ =	shalt  }
0x87: {  	_ =	shalt  }
.Lfunc_end0:
.L_simem_size_0:
called_computation_lowered:
.L_overlay_start_0:
0x88: {  	s2 =	sld [smem:$0x3FD9]  }
0x89: {  	s3 =	sld [smem:$0x3FFE];
	_ =	sdelay $0x1  }
0x8a: {  	s1 =	srdreg.scid  }
0x8b: {  	s0 =	sand.u32 $0x1, s1  }
0x8c: {  	s17 =	sshll.u32 s0, $0xA;
	s2 =	sadd.s32 s3, s2  }
0x8d: {  	s2 =	sadd.s32 s2, s17  }
0x8e: {  	[smem:$0x3FC6] =	sst s2  }
0x8f: {  	_ = 	snop  }
0x90: {  	s2 =	sld [smem:$0x3FC8]  }
0x91: {  	s18 =	sld [smem:$0x3FD0];
	(tm) =	ssettm $0x1  }
0x92: {  	s4 =	sld [smem:$0x3FFB];
	_ =	sdelay $0x3  }
0x93: {  	_ =	strace s4  }
0x94: {  	s4 =	sld [smem:$0x3FFC];
	_ =	sdelay $0x3  }
0x95: {  	_ =	strace s4  }
0x96: {  	s4 =	sld [smem:$0x3FFD];
	_ =	sdelay $0x3  }
0x97: {  	_ =	strace s4  }
0x98: {  	_ =	strace $0x8FFFFFFF  }
0x99: {  	s19 =	sld [smem:$0x3FDB];
	_ =	sdelay $0x1  }
0x9a: {  	s5 =	simm.s32 $_scs_section_size  }
0x9b: {  	s6 =	simm.s32 $_size__tile_overlayer_lowered;
	s7 =	simm.s32 $_tile_overlayer_lowered  }
0x9c: {  	s22 =	simm.s32 $0x1BFF;
	s21 =	sshll.u32 s7, $0x1;
	s4 =	sadd.s32 s5, s19  }
0x9d: {  	s8 =	simm.s32 $0x0;
	s20 =	sshll.u32 s6, $0x1;
	s6 =	sadd.s32 s21, s4  }
0x9e: {  	[timem:s8], [sflag:s22] =	dma.local [hbm:s6], s20  }
0x9f: {  	_ =	swait.ge [sflag:s22], s20  }
0xa0: {  	s5 =	ssub.s32 $0x0, s20;
	[sflag:s22] =	ssyncset.done $0x0  }
0xa1: {  	[sflag:s22] =	ssyncadd.s32 s5;
	_ =	sdelay $0x1  }
0xa2: {  	s23 =	simm.s32 $0x1B8B  }
0xa3: {  	_ =	swait.ge [sflag:s23], $0x1  }
0xa4: {  	[sflag:s23] =	ssyncset.done $0x0  }
0xa5: {  	s25 =	simm.s32 $0x1B8E;
	s24 =	sld [smem:$0x3FFE];
	[sflag:s23] =	ssyncadd.s32 $0xFFFFFFFF  }
0xa6: {  	s26 =	simm.s32 $execute0_lowered;
	[smem:$0x3FD2] =	sst s25  }
0xa7: {  	s6 =	sshll.u32 s26, $0x1;
	_ =	strace $0x80000046;
	[dreg:$0x1] =	wrdreg $0xFFFFFFFF  }
0xa8: {  	s28 =	simm.s32 $_size_execute0_lowered;
	s4 =	sadd.s32 s4, s6;
	[dreg:$0x0] =	wrdreg $0x0  }
0xa9: {  	s6 =	sshll.u32 s28, $0x1;
	[dreg:$0x2] =	wrdreg s4  }
0xaa: {  	[dreg:$0x3] =	wrdreg s6  }
0xab: {  	[dreg:$0x4] =	wrdreg $0xC0  }
0xac: {  	_ =	task [dreg:s8], $0x5FFFF  }
0xad: {  	[dreg:$0x1] =	wrdreg $0xFFFFFFFF  }
0xae: {  	[dreg:$0x0] =	wrdreg $0x60  }
0xaf: {  	[dreg:$0x2] =	wrdreg s24  }
0xb0: {  	[dreg:$0x3] =	wrdreg s2  }
0xb1: {  	[dreg:$0x4] =	wrdreg s18  }
0xb2: {  	[dreg:$0x5] =	wrdreg $0x9  }
0xb3: {  	_ =	task.clear_ibuf [dreg:s8], $0x6FFFF;
	_ =	strace $0x90000046  }
0xb4: {  	s29 =	simm.s32 $0x9;
	_ =	strace $0x80000048  }
0xb5: {  	_ =	swait.ge [sflag:s29], $0x1  }
0xb6: {  	[sflag:s29] =	ssyncadd.s32 $0xFFFFFFFF  }
0xb7: {  	_ =	strace $0x90000048  }
0xb8: {  	_ =	sfence  }
0xb9: {  	s30 =	sld [smem:$0x0];
	_ =	sdelay $0x2  }
0xba: {  	s31 =	sshll.u32 s1, $0xD;
	s1 =	sshrl.u32 s1, $0x2  }
0xbb: {  	s3 =	sand.u32 $0x4000, s31;
	s1 =	sadd.s32 s1, s30  }
0xbc: {  	s0 =	sor.u32 s3, s0;
	s1 =	sshll.u32 s1, $0x11  }
0xbd: {  	s0 =	sor.u32 s1, s0  }
0xbe: {  	s0 =	sadd.s32 $0x8F2B, s0  }
0xbf: {  	[sflag:s0] =	ssyncadd.remote.s32 $0x1  }
0xc0: {  	_ =	sfence.sel $0xFFFF  }
0xc1: {  	[dreg:$0x0] =	wrdreg $0xFFFFFFFF;
	(pc) =	sbr.abs _section_cstart, $3  }
0xc2: {  	[dreg:$0x1] =	wrdreg $0xFFFFFFFF  }
0xc3: {  	_ =	task.clear_ibuf [dreg:s8], $0x2FFFF;
	_ =	strace $0x9FFFFFFF  }
0xc4: {  	(tm) =	ssettm $0x7FFFFFFF  }
0xc5: {  	_ =	shalt  }
tec
execute0_lowered:
.L_overlay_start_1:
0x0: {  	(tag) =	ssettag $0x1  }
0x1: {  	s1 =	srdreg.scid;
	s4 =	stileid.u32  }
0x2: {  	s1 =	sand.u32 $0x1, s1;
	s2 =	sshll.u32 s4, $0x1  }
0x3: {  	s3 =	ssub.s32 $0x2, s1;
	s1 =	sor.u32 s1, s2  }
0x4: {  	s11 =	sshrl.u32 s4, $0x2;
	s13 =	sor.u32 $0x20, s1  }
0x5: {  	s2 =	smul.u32 $0x75400, s11;
	s14 =	sor.u32 $0x40, s1;
	[smem:$0x7EB] =	sst s13  }
0x6: {  	s12 =	sshrl.u32 s3, $0x1;
	s15 =	sor.u32 $0x60, s1;
	[smem:$0x7EC] =	sst s14  }
0x7: {  	s5 =	sshll.u32 s1, $0x7;
	s6 =	sor.u32 $0x80, s1;
	[smem:$0x7ED] =	sst s15  }
0x8: {  	s7 =	sor.u32 $0xA0, s1;
	s21 =	sor.u32 $0xC0, s1;
	[smem:$0x7EE] =	sst s6  }
0x9: {  	s22 =	sor.u32 $0xE0, s1;
	s23 =	sor.u32 $0x100, s1;
	[smem:$0x7F1] =	sst s7  }
0xa: {  	s24 =	sor.u32 $0x120, s1;
	s26 =	sor.u32 $0x140, s1;
	[smem:$0x7F2] =	sst s21  }
0xb: {  	s8 =	sor.u32 $0x160, s1;
	s10 =	sor.u32 $0x1A0, s1;
	[smem:$0x7F3] =	sst s22  }
0xc: {  	s11 =	sor.u32 $0x1C0, s1;
	s28 =	sor.u32 $0x2C0, s1;
	[smem:$0x7F4] =	sst s23  }
0xd: {  	s3 =	ssub.s32 s3, s12;
	s25 =	sand.u32 $0x380, s5;
	[smem:$0x7F5] =	sst s24  }
0xe: {  	s4 =	sshrl.u32 s14, $0x3;
	s5 =	sshrl.u32 s15, $0x3;
	[smem:$0x7F6] =	sst s26  }
0xf: {  	s6 =	sshrl.u32 s6, $0x3;
	[smem:$0x7F7] =	sst s8;
	s4 =	smul.u32 $0x75400, s4  }
0x10: {  	s17 =	sshrl.u32 s7, $0x3;
	[smem:$0x7F9] =	sst s10;
	s5 =	smul.u32 $0x75400, s5  }
0x11: {  	s30 =	sshrl.u32 s26, $0x3;
	[smem:$0x7FA] =	sst s11;
	s16 =	smul.u32 $0x75400, s6  }
0x12: {  	s12 =	sor.u32 $0x1E0, s1;
	[smem:$0x7FD] =	sst s3;
	s19 =	smul.u32 $0x75400, s17  }
0x13: {  	s2 =	sor.u32 s2, s25;
	s3 =	sshrl.u32 s13, $0x3;
	s7 =	smul.u32 $0x75400, s30  }
0x14: {  	s13 =	sshrl.u32 s8, $0x3;
	s17 =	sshrl.u32 s11, $0x3;
	s3 =	smul.u32 $0x75400, s3  }
0x15: {  	[smem:$0x7FB] =	sst s12;
	s2 =	sshrl.u32 s2, $0x3;
	s14 =	smul.u32 $0x75400, s13  }
0x16: {  	s13 =	sshrl.u32 s12, $0x3;
	[smem:$0x7E4] =	sst s2;
	s18 =	sor.u32 s25, s4  }
0x17: {  	s20 =	sor.u32 s25, s5;
	s2 =	sor.u32 s25, s16;
	s4 =	sshrl.u32 s23, $0x3  }
0x18: {  	s5 =	sshrl.u32 s24, $0x3;
	s31 =	sor.u32 s25, s7;
	s7 =	sor.u32 $0x180, s1  }
0x19: {  	s16 =	sshrl.u32 s10, $0x3;
	s23 =	smul.u32 $0x75400, s13;
	[smem:$0x7E6] =	sst s18  }
0x1a: {  	s3 =	sor.u32 s25, s3;
	[smem:$0x7E7] =	sst s20;
	s4 =	smul.u32 $0x75400, s4  }
0x1b: {  	[smem:$0x7E8] =	sst s2;
	s2 =	sshrl.u32 s21, $0x3;
	s29 =	smul.u32 $0x75400, s5  }
0x1c: {  	[smem:$0x7F8] =	sst s7;
	s8 =	sor.u32 s25, s14;
	s9 =	sshrl.u32 s7, $0x3  }
0x1d: {  	s21 =	smul.u32 $0x75400, s16;
	s16 =	sor.u32 $0x200, s1;
	[smem:$0x7E5] =	sst s3  }
0x1e: {  	s3 =	sor.u32 s25, s19;
	s2 =	smul.u32 $0x75400, s2;
	[smem:$0x7EA] =	sst s8  }
0x1f: {  	s20 =	smul.u32 $0x75400, s9;
	s24 =	sshrl.u32 s16, $0x3;
	s10 =	sor.u32 s25, s23  }
0x20: {  	s23 =	sor.u32 $0x2A0, s1;
	[smem:$0x7E9] =	sst s3;
	s3 =	sshrl.u32 s22, $0x3  }
0x21: {  	s30 =	sor.u32 s25, s4;
	s19 =	sor.u32 s25, s29;
	s22 =	smul.u32 $0x75400, s17  }
0x22: {  	s17 =	sor.u32 $0x220, s1;
	s14 =	smul.u32 $0x75400, s24;
	s12 =	sor.u32 s25, s21  }
0x23: {  	s21 =	sor.u32 $0x280, s1;
	s8 =	sshrl.u32 s23, $0x3;
	s3 =	smul.u32 $0x75400, s3  }
0x24: {  	s11 =	sor.u32 s25, s20;
	s15 =	sshrl.u32 s17, $0x3;
	s20 =	sor.u32 $0x240, s1  }
0x25: {  	s6 =	sshrl.u32 s21, $0x3;
	s13 =	sor.u32 s25, s22;
	s24 =	smul.u32 $0x75400, s15  }
0x26: {  	s29 =	sshrl.u32 s20, $0x3;
	s22 =	sor.u32 $0x260, s1;
	s6 =	smul.u32 $0x75400, s6  }
0x27: {  	s26 =	sor.u32 s25, s2;
	s2 =	smul.u32 $0x75400, s29;
	s5 =	sshrl.u32 s22, $0x3  }
0x28: {  	s14 =	sor.u32 s25, s14;
	s29 =	sshrl.u32 s28, $0x3;
	s7 =	smul.u32 $0x75400, s5  }
0x29: {  	s15 =	sor.u32 s25, s24;
	s5 =	smul.u32 $0x75400, s8;
	s24 =	sor.u32 $0x2E0, s1  }
0x2a: {  	s4 =	smul.u32 $0x75400, s29;
	s29 =	sor.u32 $0x300, s1;
	s9 =	sshrl.u32 s24, $0x3  }
0x2b: {  	s18 =	sor.u32 s25, s3;
	s3 =	smul.u32 $0x75400, s9;
	s9 =	sshrl.u32 s29, $0x3  }
0x2c: {  	s6 =	sor.u32 s25, s6;
	s8 =	sor.u32 s25, s2;
	s2 =	smul.u32 $0x75400, s9  }
0x2d: {  	s7 =	sor.u32 s25, s7;
	s5 =	sor.u32 s25, s5;
	s4 =	sor.u32 s25, s4  }
0x2e: {  	s3 =	sor.u32 s25, s3;
	s9 =	sor.u32 s25, s2;
	s25 =	sld [smem:$0x7E4]  }
0x2f: {  	s0 =	rddreg [dreg:$0x0]  }
0x30: {  	s0 =	sadd.s32 $0x669800, s0  }
0x31: {  	s2 =	sadd.s32 s0, s25;
	s25 =	sld [smem:$0x7E5];
	_ =	sdelay $0x1  }
0x32: {  	[dreg:$0x4] =	wrdreg s2  }
0x33: {  	s2 =	sshrl.u32 s25, $0x3;
	s25 =	sld [smem:$0x7E6]  }
0x34: {  	s2 =	sadd.s32 s0, s2  }
0x35: {  	[dreg:$0x5] =	wrdreg s2  }
0x36: {  	s2 =	sld [smem:$0x7E7];
	s25 =	sshrl.u32 s25, $0x3  }
0x37: {  	s25 =	sadd.s32 s0, s25  }
0x38: {  	[dreg:$0x6] =	wrdreg s25  }
0x39: {  	s2 =	sshrl.u32 s2, $0x3;
	s25 =	sld [smem:$0x7E8]  }
0x3a: {  	s2 =	sadd.s32 s0, s2  }
0x3b: {  	s10 =	sshrl.u32 s10, $0x3;
	[dreg:$0x7] =	wrdreg s2  }
0x3c: {  	s11 =	sshrl.u32 s11, $0x3;
	s2 =	sshrl.u32 s25, $0x3;
	s25 =	sld [smem:$0x7E9]  }
0x3d: {  	s19 =	sshrl.u32 s19, $0x3;
	s26 =	sshrl.u32 s26, $0x3;
	s11 =	sadd.s32 s0, s11  }
0x3e: {  	[dreg:$0x10] =	wrdreg s11;
	s5 =	sshrl.u32 s5, $0x3;
	s2 =	sadd.s32 s0, s2  }
0x3f: {  	[dreg:$0x8] =	wrdreg s2;
	s2 =	sshrl.u32 s25, $0x3;
	s25 =	sadd.s32 s0, s26  }
0x40: {  	s26 =	sshrl.u32 s18, $0x3;
	s18 =	sshrl.u32 s30, $0x3;
	s30 =	sld [smem:$0x7EA]  }
0x41: {  	s2 =	sadd.s32 s0, s2;
	[dreg:$0xa] =	wrdreg s25;
	s25 =	sadd.s32 s0, s19  }
0x42: {  	s19 =	sadd.s32 s0, s10;
	s10 =	sadd.s32 s0, s5;
	s5 =	sld [smem:$0x7F1]  }
0x43: {  	[dreg:$0x9] =	wrdreg s2  }
0x44: {  	[dreg:$0xd] =	wrdreg s25  }
0x45: {  	[dreg:$0x13] =	wrdreg s19  }
0x46: {  	[dreg:$0x19] =	wrdreg s10  }
0x47: {  	s25 =	sshrl.u32 s14, $0x3;
	s14 =	sld [smem:$0x7EB]  }
0x48: {  	s19 =	rddreg [dreg:$0x2]  }
0x49: {  	s2 =	sadd.s32 s0, s26;
	s10 =	sld [smem:$0x7F6]  }
0x4a: {  	s1 =	sshll.u32 s1, $0xB;
	[dreg:$0xb] =	wrdreg s2;
	s2 =	sadd.s32 s0, s18  }
0x4b: {  	s18 =	sshrl.u32 s13, $0x3;
	s13 =	sshrl.u32 s9, $0x3;
	s9 =	sld [smem:$0x7F5]  }
0x4c: {  	s26 =	sshrl.u32 s31, $0x3;
	s1 =	sadd.s32 s19, s1;
	[dreg:$0xc] =	wrdreg s2  }
0x4d: {  	s2 =	sadd.s32 s0, s26;
	[dreg:$0x1d] =	wrdreg s1  }
0x4e: {  	s8 =	sshrl.u32 s8, $0x3;
	[dreg:$0xe] =	wrdreg s2;
	s2 =	sshrl.u32 s30, $0x3  }
0x4f: {  	s30 =	sadd.s32 s0, s8;
	s8 =	sshrl.u32 s6, $0x3;
	s6 =	sld [smem:$0x7F2]  }
0x50: {  	s26 =	sshrl.u32 s15, $0x3;
	s15 =	sshll.u32 s14, $0xB;
	s14 =	sld [smem:$0x7FA]  }
0x51: {  	[dreg:$0x16] =	wrdreg s30  }
0x52: {  	s12 =	sshrl.u32 s12, $0x3;
	s2 =	sadd.s32 s0, s2;
	s30 =	sld [smem:$0x7EE]  }
0x53: {  	[dreg:$0xf] =	wrdreg s2;
	s2 =	sadd.s32 s0, s12  }
0x54: {  	[dreg:$0x11] =	wrdreg s2  }
0x55: {  	s2 =	sadd.s32 s0, s18;
	s18 =	sadd.s32 s19, s15;
	s15 =	sld [smem:$0x7FB]  }
0x56: {  	[dreg:$0x12] =	wrdreg s2  }
0x57: {  	[dreg:$0x1e] =	wrdreg s18  }
0x58: {  	s16 =	sshll.u32 s16, $0xB;
	s2 =	sadd.s32 s0, s25;
	s25 =	sld [smem:$0x7EC]  }
0x59: {  	s17 =	sshll.u32 s17, $0xB;
	s12 =	sshrl.u32 s3, $0x3;
	[dreg:$0x14] =	wrdreg s2  }
0x5a: {  	s3 =	sshll.u32 s30, $0xB;
	s2 =	sadd.s32 s0, s26;
	s26 =	sld [smem:$0x7ED]  }
0x5b: {  	s11 =	sshrl.u32 s4, $0x3;
	s4 =	sadd.s32 s19, s3;
	[dreg:$0x15] =	wrdreg s2  }
0x5c: {  	s21 =	sshll.u32 s21, $0xB;
	s7 =	sshrl.u32 s7, $0x3;
	[smem:$0x7F0] =	sst s4  }
0x5d: {  	s29 =	sshll.u32 s29, $0xB;
	s2 =	sadd.s32 s0, s7;
	s7 =	sld [smem:$0x7F3]  }
0x5e: {  	s18 =	sshll.u32 s20, $0xB;
	s20 =	sshll.u32 s22, $0xB;
	[dreg:$0x17] =	wrdreg s2  }
0x5f: {  	s22 =	sshll.u32 s23, $0xB;
	s2 =	sadd.s32 s0, s8;
	s8 =	sld [smem:$0x7F4]  }
0x60: {  	s23 =	sshll.u32 s28, $0xB;
	s4 =	sshll.u32 s9, $0xB;
	[dreg:$0x18] =	wrdreg s2  }
0x61: {  	s1 =	sshll.u32 s25, $0xB;
	s2 =	sadd.s32 s0, s11;
	s11 =	sld [smem:$0x7F7]  }
0x62: {  	s9 =	sshll.u32 s14, $0xB;
	s1 =	sadd.s32 s19, s1;
	[dreg:$0x1a] =	wrdreg s2  }
0x63: {  	s14 =	sadd.s32 s19, s20;
	s4 =	sadd.s32 s19, s4;
	[dreg:$0x1f] =	wrdreg s1  }
0x64: {  	s9 =	sadd.s32 s19, s9;
	s2 =	sadd.s32 s0, s12;
	s12 =	sld [smem:$0x7F8]  }
0x65: {  	s0 =	sadd.s32 s0, s13;
	s1 =	sshll.u32 s5, $0xB;
	s13 =	sld [smem:$0x7F9]  }
0x66: {  	s3 =	sshll.u32 s7, $0xB;
	s5 =	sshll.u32 s10, $0xB;
	[dreg:$0x1b] =	wrdreg s2  }
0x67: {  	s10 =	sshll.u32 s15, $0xB;
	s15 =	sadd.s32 s19, s21;
	[dreg:$0x1c] =	wrdreg s0  }
0x68: {  	s0 =	simm.s32 $0x0;
	s2 =	sshll.u32 s26, $0xB;
	s25 =	sadd.s32 s19, s1  }
0x69: {  	s5 =	sadd.s32 s19, s5;
	[smem:$0x7FF] =	sst s0;
	s2 =	sadd.s32 s19, s2  }
0x6a: {  	s10 =	sadd.s32 s19, s10;
	s26 =	sshll.u32 s24, $0xB;
	[smem:$0x7EF] =	sst s2  }
0x6b: {  	s2 =	sshll.u32 s6, $0xB;
	s6 =	sshll.u32 s11, $0xB;
	s7 =	sshll.u32 s12, $0xB  }
0x6c: {  	s11 =	sadd.s32 s19, s16;
	s12 =	sadd.s32 s19, s17;
	s16 =	sadd.s32 s19, s22  }
0x6d: {  	s17 =	sadd.s32 s19, s23;
	s1 =	sadd.s32 s19, s2;
	s2 =	sadd.s32 s19, s3  }
0x6e: {  	s3 =	sshll.u32 s8, $0xB;
	s8 =	sshll.u32 s13, $0xB;
	s6 =	sadd.s32 s19, s6  }
0x6f: {  	s7 =	sadd.s32 s19, s7;
	s13 =	sadd.s32 s19, s18;
	s18 =	sadd.s32 s19, s26  }
0x70: {  	s3 =	sadd.s32 s19, s3;
	s8 =	sadd.s32 s19, s8;
	s19 =	sadd.s32 s19, s29  }
0x71: {  	[smem:$0x7FC] =	sst s19  }
.Ltmp0:
0x72: {  	_ =	strace $0x80000047;
	(pc) =	sbr.rel .LBB2_1-.Ltmp0, $4  }
0x73: {  	s31 =	stileid.u32;
	s30 =	sld [smem:$0x7FD]  }
0x74: {  	p0 =	sgt.u32 s31, $0x7;
	s28 =	simm.s32 $0x0  }
0x75: {  	s20 =	simm.s32 $0x1;
	s21 =	simm.s32 $0x80;
	s24 =	simm.s32 $0x12A80  }
0x76: {  	s22 =	simm.s32 $0x400;
	s23 =	simm.s32 $0x4000;
	s19 =	smax.u32 s30, $0x1  }
.LBB2_52:
0x77: {  	_ =	sdelay $0x1  }
0x78: {  	v2 =	vld [tilespmem:s26+$0x0]  }
0x79: {  	[tilespmem:s29+$0x12AE0] =	vst v1  }
0x7a: {  	v0 =	vld.idx.msk [tilespmem:v0+s23+$0x0], $0xffff;
	_ =	sdelay $0x3  }
0x7b: {  	v1 =	vld [tilespmem:s26+$0x10]  }
0x7c: {  	[tilespmem:s29+$0x12AF0] =	vst v0  }
0x7d: {  	v0 =	vld.idx.msk [tilespmem:v2+s23+$0x0], $0xffff;
	_ =	sdelay $0x3  }
0x7e: {  	v58 =	vld [tilespmem:s26+$0x20]  }
0x7f: {  	[tilespmem:s26+$0x12A80] =	vst v0  }
0x80: {  	v1 =	vld.idx.msk [tilespmem:v1+s23+$0x0], $0xffff;
	_ =	sdelay $0x3  }
0x81: {  	v59 =	vld [tilespmem:s26+$0x30]  }
0x82: {  	[tilespmem:s26+$0x12A90] =	vst v1  }
0x83: {  	v0 =	vld.idx.msk [tilespmem:v58+s23+$0x0], $0xffff;
	_ =	sdelay $0x3  }
0x84: {  	v60 =	vld [tilespmem:s26+$0x40]  }
0x85: {  	[tilespmem:s26+$0x12AA0] =	vst v0  }
0x86: {  	v1 =	vld.idx.msk [tilespmem:v59+s23+$0x0], $0xffff;
	_ =	sdelay $0x3  }
0x87: {  	v61 =	vld [tilespmem:s26+$0x50]  }
0x88: {  	[tilespmem:s26+$0x12AB0] =	vst v1  }
0x89: {  	v0 =	vld.idx.msk [tilespmem:v60+s23+$0x0], $0xffff;
	_ =	sdelay $0x3  }
0x8a: {  	v62 =	vld [tilespmem:s26+$0x60]  }
0x8b: {  	[tilespmem:s26+$0x12AC0] =	vst v0  }
0x8c: {  	v1 =	vld.idx.msk [tilespmem:v61+s23+$0x0], $0xffff;
	_ =	sdelay $0x3  }
0x8d: {  	v63 =	vld [tilespmem:s26+$0x70]  }
0x8e: {  	[tilespmem:s26+$0x12AD0] =	vst v1  }
0x8f: {  	v0 =	vld.idx.msk [tilespmem:v62+s23+$0x0], $0xffff;
	_ =	sdelay $0x4  }
0x90: {  	[tilespmem:s26+$0x12AE0] =	vst v0  }
0x91: {  	v0 =	vld.idx.msk [tilespmem:v63+s23+$0x0], $0xffff;
	_ =	sdelay $0x2  }
0x92: {  	s30 =	sld [smem:$0x7FC];
	_ =	sdelay $0x1  }
0x93: {  	[tilespmem:s26+$0x12AF0] =	vst v0  }
0x94: {  	[hbm4b:s30+s0] =	stream.linear.scatter [tilespmem:s24], [sflag:$0x1], $0x4000, $0x38;
	[tilespmem:$0x16A80] =	vst v63  }
0x95: {  	_ =	swait.ge [sflag:s20], $0x4000  }
0x96: {  	[sflag:s20] =	ssyncset.done $0x0  }
0x97: {  	[sflag:s20] =	ssyncadd.s32 $0xFFFFC000  }
.LBB2_53:
0x98: {  	s28 =	sadd.s32 $0x1, s28  }
0x99: {  	p1 =	sne.s32 s28, s19  }
.Ltmp1:
0x9a: {  	_ = 	snop;
	(pc) =	sbr.rel @!p1 .LBB2_54-.Ltmp1, $1  }
0x9b: {  	_ =	sdelay $0x3  }
.LBB2_1:
0x9c: {  	s26 =	rddreg [dreg:$0x1]  }
0x9d: {  	[tilespmem:s0], [sflag:$0x1] =	stream.linear.gather [hbm4b:s26+s0], $0x4000, $0x38;
	[tilespmem:$0x16A80] =	vst v63  }
0x9e: {  	_ =	swait.ge [sflag:s20], $0x4000  }
0x9f: {  	[sflag:s20] =	ssyncset.done $0x0  }
0xa0: {  	s26 =	rddreg [dreg:$0x4];
	[sflag:s20] =	ssyncadd.s32 $0xFFFFC000  }
0xa1: {  	[tilespmem:s23], [sflag:$0x1] =	stream.strided.gather [hbm4b:s26+s21], $0xEA80, s22, s21, $0x38;
	[tilespmem:$0x16A80] =	vst v63  }
0xa2: {  	_ =	swait.ge [sflag:s20], $0xEA80  }
0xa3: {  	[sflag:s20] =	ssyncset.done $0x0  }
0xa4: {  	s29 =	simm.s32 $0x0;
	[sflag:s20] =	ssyncadd.s32 $0xFFFF1580  }
0xa5: {  	v0 =	vld [tilespmem:s29+$0x0];
	_ =	sdelay $0x5  }
0xa6: {  	v1 =	vld [tilespmem:s29+$0x10];
	_ =	sdelay $0x1  }
0xa7: {  	v0 =	vld.idx.msk [tilespmem:v0+s23+$0x0], $0xffff;
	_ =	sdelay $0x4  }
0xa8: {  	[tilespmem:s29+$0x12A80] =	vst v0;
	v0 =	vld [tilespmem:s29+$0x20]  }
0xa9: {  	v1 =	vld.idx.msk [tilespmem:v1+s23+$0x0], $0xffff;
	_ =	sdelay $0x4  }
0xaa: {  	[tilespmem:s29+$0x12A90] =	vst v1;
	v1 =	vld [tilespmem:s29+$0x30];
	_ =	sdelay $0x1  }
0xab: {  	v0 =	vld.idx.msk [tilespmem:v0+s23+$0x0], $0xffff;
	_ =	sdelay $0x4  }
0xac: {  	[tilespmem:s29+$0x12AA0] =	vst v0;
	v0 =	vld [tilespmem:s29+$0x40]  }
0xad: {  	v1 =	vld.idx.msk [tilespmem:v1+s23+$0x0], $0xffff;
	_ =	sdelay $0x4  }
0xae: {  	[tilespmem:s29+$0x12AB0] =	vst v1;
	v1 =	vld [tilespmem:s29+$0x50];
	_ =	sdelay $0x1  }
0xaf: {  	v0 =	vld.idx.msk [tilespmem:v0+s23+$0x0], $0xffff;
	_ =	sdelay $0x4  }
0xb0: {  	v2 =	vld [tilespmem:s29+$0x60];
	[tilespmem:s29+$0x12AC0] =	vst v0  }
0xb1: {  	v0 =	vld.idx.msk [tilespmem:v1+s23+$0x0], $0xffff;
	_ =	sdelay $0x4  }
0xb2: {  	[tilespmem:s29+$0x12AD0] =	vst v0;
	v0 =	vld [tilespmem:s29+$0x70];
	_ =	sdelay $0x1  }
0xb3: {  	v1 =	vld.idx.msk [tilespmem:v2+s23+$0x0], $0xffff;
	_ =	sdelay $0x3  }
0xb4: {  	s30 =	simm.s32 $0x400;
	s26 =	simm.s32 $0x80  }
.LBB2_2:
0xb5: {  	p1 =	sne.s32 s30, $0xFE00;
	v2 =	vld [tilespmem:s26+$0x0];
	[tilespmem:s29+$0x12AE0] =	vst v1  }
0xb6: {  	v0 =	vld.idx.msk [tilespmem:v0+s23+$0x0], $0xffff;
	_ =	sdelay $0x5  }
0xb7: {  	v1 =	vld [tilespmem:s26+$0x10];
	[tilespmem:s29+$0x12AF0] =	vst v0;
	s29 =	smov.u32 s26  }
0xb8: {  	v0 =	vld.idx.msk [tilespmem:v2+s23+$0x0], $0xffff;
	_ =	sdelay $0x5  }
0xb9: {  	[tilespmem:s29+$0x12A80] =	vst v0;
	v0 =	vld [tilespmem:s29+$0x20]  }
0xba: {  	v1 =	vld.idx.msk [tilespmem:v1+s23+$0x0], $0xffff;
	_ =	sdelay $0x5  }
0xbb: {  	[tilespmem:s29+$0x12A90] =	vst v1;
	v1 =	vld [tilespmem:s29+$0x30]  }
0xbc: {  	v0 =	vld.idx.msk [tilespmem:v0+s23+$0x0], $0xffff;
	_ =	sdelay $0x5  }
0xbd: {  	[tilespmem:s29+$0x12AA0] =	vst v0;
	v0 =	vld [tilespmem:s29+$0x40]  }
0xbe: {  	v1 =	vld.idx.msk [tilespmem:v1+s23+$0x0], $0xffff;
	_ =	sdelay $0x5  }
0xbf: {  	[tilespmem:s29+$0x12AB0] =	vst v1;
	v1 =	vld [tilespmem:s29+$0x50]  }
0xc0: {  	v0 =	vld.idx.msk [tilespmem:v0+s23+$0x0], $0xffff;
	_ =	sdelay $0x5  }
0xc1: {  	[tilespmem:s29+$0x12AC0] =	vst v0;
	v2 =	vld [tilespmem:s29+$0x60]  }
0xc2: {  	v0 =	vld.idx.msk [tilespmem:v1+s23+$0x0], $0xffff;
	_ =	sdelay $0x5  }
0xc3: {  	[tilespmem:s29+$0x12AD0] =	vst v0;
	v0 =	vld [tilespmem:s29+$0x70]  }
0xc4: {  	v1 =	vld.idx.msk [tilespmem:v2+s23+$0x0], $0xffff  }
.Ltmp2:
0xc5: {  	(pc) =	sbr.rel @p1 .LBB2_2-.Ltmp2, $2  }
0xc6: {  	_ =	sdelay $0x2  }
0xc7: {  	s26 =	sshra.s32 s30, $0x2;
	s30 =	sadd.s32 $0x200, s30  }
0xc8: {  	_ =	sdelay $0x1  }
0xc9: {  	v2 =	vld [tilespmem:s26+$0x0]  }
0xca: {  	[tilespmem:s29+$0x12AE0] =	vst v1  }
0xcb: {  	v0 =	vld.idx.msk [tilespmem:v0+s23+$0x0], $0xffff;
	_ =	sdelay $0x3  }
0xcc: {  	v1 =	vld [tilespmem:s26+$0x10]  }
0xcd: {  	[tilespmem:s29+$0x12AF0] =	vst v0  }
0xce: {  	v0 =	vld.idx.msk [tilespmem:v2+s23+$0x0], $0xffff;
	_ =	sdelay $0x4  }
0xcf: {  	[tilespmem:s26+$0x12A80] =	vst v0;
	v0 =	vld [tilespmem:s26+$0x20]  }
0xd0: {  	v1 =	vld.idx.msk [tilespmem:v1+s23+$0x0], $0xffff;
	_ =	sdelay $0x4  }
0xd1: {  	[tilespmem:s26+$0x12A90] =	vst v1;
	v1 =	vld [tilespmem:s26+$0x30];
	_ =	sdelay $0x1  }
0xd2: {  	v0 =	vld.idx.msk [tilespmem:v0+s23+$0x0], $0xffff;
	_ =	sdelay $0x4  }
0xd3: {  	[tilespmem:s26+$0x12AA0] =	vst v0;
	v0 =	vld [tilespmem:s26+$0x40]  }
0xd4: {  	v1 =	vld.idx.msk [tilespmem:v1+s23+$0x0], $0xffff;
	_ =	sdelay $0x4  }
0xd5: {  	[tilespmem:s26+$0x12AB0] =	vst v1;
	v1 =	vld [tilespmem:s26+$0x50];
	_ =	sdelay $0x1  }
0xd6: {  	v0 =	vld.idx.msk [tilespmem:v0+s23+$0x0], $0xffff;
	_ =	sdelay $0x4  }
0xd7: {  	[tilespmem:s26+$0x12AC0] =	vst v0;
	v0 =	vld [tilespmem:s26+$0x60]  }
0xd8: {  	v1 =	vld.idx.msk [tilespmem:v1+s23+$0x0], $0xffff;
	_ =	sdelay $0x4  }
0xd9: {  	[tilespmem:s26+$0x12AD0] =	vst v1;
	v1 =	vld [tilespmem:s26+$0x70];
	_ =	sdelay $0x1  }
0xda: {  	v0 =	vld.idx.msk [tilespmem:v0+s23+$0x0], $0xffff;
	_ =	sdelay $0x4  }
0xdb: {  	[tilespmem:s26+$0x12AE0] =	vst v0  }
0xdc: {  	v0 =	vld.idx.msk [tilespmem:v1+s23+$0x0], $0xffff;
	_ =	sdelay $0x4  }
0xdd: {  	s29 =	rddreg [dreg:$0x1d];
	[tilespmem:s26+$0x12AF0] =	vst v0;
	s26 =	simm.s32 $0x0  }
0xde: {  	[hbm4b:s29+s26] =	stream.linear.scatter [tilespmem:s24], [sflag:$0x1], $0x4000, $0x38;
	[tilespmem:$0x16A80] =	vst v63  }
0xdf: {  	_ =	swait.ge [sflag:s20], $0x4000  }
0xe0: {  	[sflag:s20] =	ssyncset.done $0x0  }
0xe1: {  	s26 =	rddreg [dreg:$0x5];
	[sflag:s20] =	ssyncadd.s32 $0xFFFFC000  }
0xe2: {  	[tilespmem:s23], [sflag:$0x1] =	stream.strided.gather [hbm4b:s26+s21], $0xEA80, s22, s21, $0x38;
	[tilespmem:$0x16A80] =	vst v63  }
0xe3: {  	_ =	swait.ge [sflag:s20], $0xEA80  }
0xe4: {  	[sflag:s20] =	ssyncset.done $0x0  }
0xe5: {  	s29 =	simm.s32 $0x0;
	[sflag:s20] =	ssyncadd.s32 $0xFFFF1580  }
0xe6: {  	v0 =	vld [tilespmem:s29+$0x0];
	_ =	sdelay $0x5  }
0xe7: {  	v1 =	vld [tilespmem:s29+$0x10];
	_ =	sdelay $0x1  }
0xe8: {  	v0 =	vld.idx.msk [tilespmem:v0+s23+$0x0], $0xffff;
	_ =	sdelay $0x4  }
0xe9: {  	[tilespmem:s29+$0x12A80] =	vst v0;
	v0 =	vld [tilespmem:s29+$0x20]  }
0xea: {  	v1 =	vld.idx.msk [tilespmem:v1+s23+$0x0], $0xffff;
	_ =	sdelay $0x4  }
0xeb: {  	[tilespmem:s29+$0x12A90] =	vst v1;
	v1 =	vld [tilespmem:s29+$0x30];
	_ =	sdelay $0x1  }
0xec: {  	v0 =	vld.idx.msk [tilespmem:v0+s23+$0x0], $0xffff;
	_ =	sdelay $0x4  }
0xed: {  	[tilespmem:s29+$0x12AA0] =	vst v0;
	v0 =	vld [tilespmem:s29+$0x40]  }
0xee: {  	v1 =	vld.idx.msk [tilespmem:v1+s23+$0x0], $0xffff;
	_ =	sdelay $0x4  }
0xef: {  	[tilespmem:s29+$0x12AB0] =	vst v1;
	v1 =	vld [tilespmem:s29+$0x50];
	_ =	sdelay $0x1  }
0xf0: {  	v0 =	vld.idx.msk [tilespmem:v0+s23+$0x0], $0xffff;
	_ =	sdelay $0x4  }
0xf1: {  	v2 =	vld [tilespmem:s29+$0x60];
	[tilespmem:s29+$0x12AC0] =	vst v0  }
0xf2: {  	v0 =	vld.idx.msk [tilespmem:v1+s23+$0x0], $0xffff;
	_ =	sdelay $0x4  }
0xf3: {  	[tilespmem:s29+$0x12AD0] =	vst v0;
	v0 =	vld [tilespmem:s29+$0x70];
	_ =	sdelay $0x1  }
0xf4: {  	v1 =	vld.idx.msk [tilespmem:v2+s23+$0x0], $0xffff;
	_ =	sdelay $0x3  }
0xf5: {  	s30 =	simm.s32 $0x400;
	s26 =	simm.s32 $0x80  }
.LBB2_4:
0xf6: {  	p1 =	sne.s32 s30, $0xFE00;
	v2 =	vld [tilespmem:s26+$0x0];
	[tilespmem:s29+$0x12AE0] =	vst v1  }
0xf7: {  	v0 =	vld.idx.msk [tilespmem:v0+s23+$0x0], $0xffff;
	_ =	sdelay $0x5  }
0xf8: {  	v1 =	vld [tilespmem:s26+$0x10];
	[tilespmem:s29+$0x12AF0] =	vst v0;
	s29 =	smov.u32 s26  }
0xf9: {  	v0 =	vld.idx.msk [tilespmem:v2+s23+$0x0], $0xffff;
	_ =	sdelay $0x5  }
0xfa: {  	[tilespmem:s29+$0x12A80] =	vst v0;
	v0 =	vld [tilespmem:s29+$0x20]  }
0xfb: {  	v1 =	vld.idx.msk [tilespmem:v1+s23+$0x0], $0xffff;
	_ =	sdelay $0x5  }
0xfc: {  	[tilespmem:s29+$0x12A90] =	vst v1;
	v1 =	vld [tilespmem:s29+$0x30]  }
0xfd: {  	v0 =	vld.idx.msk [tilespmem:v0+s23+$0x0], $0xffff;
	_ =	sdelay $0x5  }
0xfe: {  	[tilespmem:s29+$0x12AA0] =	vst v0;
	v0 =	vld [tilespmem:s29+$0x40]  }
0xff: {  	v1 =	vld.idx.msk [tilespmem:v1+s23+$0x0], $0xffff;
	_ =	sdelay $0x5  }
0x100: {  	[tilespmem:s29+$0x12AB0] =	vst v1;
	v1 =	vld [tilespmem:s29+$0x50]  }
0x101: {  	v0 =	vld.idx.msk [tilespmem:v0+s23+$0x0], $0xffff;
	_ =	sdelay $0x5  }
0x102: {  	[tilespmem:s29+$0x12AC0] =	vst v0;
	v2 =	vld [tilespmem:s29+$0x60]  }
0x103: {  	v0 =	vld.idx.msk [tilespmem:v1+s23+$0x0], $0xffff;
	_ =	sdelay $0x5  }
0x104: {  	[tilespmem:s29+$0x12AD0] =	vst v0;
	v0 =	vld [tilespmem:s29+$0x70]  }
0x105: {  	v1 =	vld.idx.msk [tilespmem:v2+s23+$0x0], $0xffff  }
.Ltmp3:
0x106: {  	(pc) =	sbr.rel @p1 .LBB2_4-.Ltmp3, $2  }
0x107: {  	_ =	sdelay $0x2  }
0x108: {  	s26 =	sshra.s32 s30, $0x2;
	s30 =	sadd.s32 $0x200, s30  }
0x109: {  	_ =	sdelay $0x1  }
0x10a: {  	v2 =	vld [tilespmem:s26+$0x0]  }
0x10b: {  	[tilespmem:s29+$0x12AE0] =	vst v1  }
0x10c: {  	v0 =	vld.idx.msk [tilespmem:v0+s23+$0x0], $0xffff;
	_ =	sdelay $0x3  }
0x10d: {  	v1 =	vld [tilespmem:s26+$0x10]  }
0x10e: {  	[tilespmem:s29+$0x12AF0] =	vst v0  }
0x10f: {  	v0 =	vld.idx.msk [tilespmem:v2+s23+$0x0], $0xffff;
	_ =	sdelay $0x4  }
0x110: {  	[tilespmem:s26+$0x12A80] =	vst v0;
	v0 =	vld [tilespmem:s26+$0x20]  }
0x111: {  	v1 =	vld.idx.msk [tilespmem:v1+s23+$0x0], $0xffff;
	_ =	sdelay $0x4  }
0x112: {  	[tilespmem:s26+$0x12A90] =	vst v1;
	v1 =	vld [tilespmem:s26+$0x30];
	_ =	sdelay $0x1  }
0x113: {  	v0 =	vld.idx.msk [tilespmem:v0+s23+$0x0], $0xffff;
	_ =	sdelay $0x4  }
0x114: {  	[tilespmem:s26+$0x12AA0] =	vst v0;
	v0 =	vld [tilespmem:s26+$0x40]  }
0x115: {  	v1 =	vld.idx.msk [tilespmem:v1+s23+$0x0], $0xffff;
	_ =	sdelay $0x4  }
0x116: {  	[tilespmem:s26+$0x12AB0] =	vst v1;
	v1 =	vld [tilespmem:s26+$0x50];
	_ =	sdelay $0x1  }
0x117: {  	v0 =	vld.idx.msk [tilespmem:v0+s23+$0x0], $0xffff;
	_ =	sdelay $0x4  }
0x118: {  	[tilespmem:s26+$0x12AC0] =	vst v0;
	v0 =	vld [tilespmem:s26+$0x60]  }
0x119: {  	v1 =	vld.idx.msk [tilespmem:v1+s23+$0x0], $0xffff;
	_ =	sdelay $0x4  }
0x11a: {  	[tilespmem:s26+$0x12AD0] =	vst v1;
	v1 =	vld [tilespmem:s26+$0x70];
	_ =	sdelay $0x1  }
0x11b: {  	v0 =	vld.idx.msk [tilespmem:v0+s23+$0x0], $0xffff;
	_ =	sdelay $0x4  }
0x11c: {  	[tilespmem:s26+$0x12AE0] =	vst v0  }
0x11d: {  	v0 =	vld.idx.msk [tilespmem:v1+s23+$0x0], $0xffff;
	_ =	sdelay $0x4  }
0x11e: {  	s29 =	rddreg [dreg:$0x1e];
	[tilespmem:s26+$0x12AF0] =	vst v0;
	s26 =	simm.s32 $0x0  }
0x11f: {  	[hbm4b:s29+s26] =	stream.linear.scatter [tilespmem:s24], [sflag:$0x1], $0x4000, $0x38;
	[tilespmem:$0x16A80] =	vst v63  }
0x120: {  	_ =	swait.ge [sflag:s20], $0x4000  }
0x121: {  	[sflag:s20] =	ssyncset.done $0x0  }
0x122: {  	s26 =	rddreg [dreg:$0x6];
	[sflag:s20] =	ssyncadd.s32 $0xFFFFC000  }
0x123: {  	[tilespmem:s23], [sflag:$0x1] =	stream.strided.gather [hbm4b:s26+s21], $0xEA80, s22, s21, $0x38;
	[tilespmem:$0x16A80] =	vst v63  }
0x124: {  	_ =	swait.ge [sflag:s20], $0xEA80  }
0x125: {  	[sflag:s20] =	ssyncset.done $0x0  }
0x126: {  	s29 =	simm.s32 $0x0;
	[sflag:s20] =	ssyncadd.s32 $0xFFFF1580  }
0x127: {  	v0 =	vld [tilespmem:s29+$0x0];
	_ =	sdelay $0x5  }
0x128: {  	v1 =	vld [tilespmem:s29+$0x10];
	_ =	sdelay $0x1  }
0x129: {  	v0 =	vld.idx.msk [tilespmem:v0+s23+$0x0], $0xffff;
	_ =	sdelay $0x4  }
0x12a: {  	[tilespmem:s29+$0x12A80] =	vst v0;
	v0 =	vld [tilespmem:s29+$0x20]  }
0x12b: {  	v1 =	vld.idx.msk [tilespmem:v1+s23+$0x0], $0xffff;
	_ =	sdelay $0x4  }
0x12c: {  	[tilespmem:s29+$0x12A90] =	vst v1;
	v1 =	vld [tilespmem:s29+$0x30];
	_ =	sdelay $0x1  }
0x12d: {  	v0 =	vld.idx.msk [tilespmem:v0+s23+$0x0], $0xffff;
	_ =	sdelay $0x4  }
0x12e: {  	[tilespmem:s29+$0x12AA0] =	vst v0;
	v0 =	vld [tilespmem:s29+$0x40]  }
0x12f: {  	v1 =	vld.idx.msk [tilespmem:v1+s23+$0x0], $0xffff;
	_ =	sdelay $0x4  }
0x130: {  	[tilespmem:s29+$0x12AB0] =	vst v1;
	v1 =	vld [tilespmem:s29+$0x50];
	_ =	sdelay $0x1  }
0x131: {  	v0 =	vld.idx.msk [tilespmem:v0+s23+$0x0], $0xffff;
	_ =	sdelay $0x4  }
0x132: {  	v2 =	vld [tilespmem:s29+$0x60];
	[tilespmem:s29+$0x12AC0] =	vst v0  }
0x133: {  	v0 =	vld.idx.msk [tilespmem:v1+s23+$0x0], $0xffff;
	_ =	sdelay $0x4  }
0x134: {  	[tilespmem:s29+$0x12AD0] =	vst v0;
	v0 =	vld [tilespmem:s29+$0x70];
	_ =	sdelay $0x1  }
0x135: {  	v1 =	vld.idx.msk [tilespmem:v2+s23+$0x0], $0xffff;
	_ =	sdelay $0x3  }
0x136: {  	s30 =	simm.s32 $0x400;
	s26 =	simm.s32 $0x80  }
.LBB2_6:
0x137: {  	p1 =	sne.s32 s30, $0xFE00;
	v2 =	vld [tilespmem:s26+$0x0];
	[tilespmem:s29+$0x12AE0] =	vst v1  }
0x138: {  	v0 =	vld.idx.msk [tilespmem:v0+s23+$0x0], $0xffff;
	_ =	sdelay $0x5  }
0x139: {  	v1 =	vld [tilespmem:s26+$0x10];
	[tilespmem:s29+$0x12AF0] =	vst v0;
	s29 =	smov.u32 s26  }
0x13a: {  	v0 =	vld.idx.msk [tilespmem:v2+s23+$0x0], $0xffff;
	_ =	sdelay $0x5  }
0x13b: {  	[tilespmem:s29+$0x12A80] =	vst v0;
	v0 =	vld [tilespmem:s29+$0x20]  }
0x13c: {  	v1 =	vld.idx.msk [tilespmem:v1+s23+$0x0], $0xffff;
	_ =	sdelay $0x5  }
0x13d: {  	[tilespmem:s29+$0x12A90] =	vst v1;
	v1 =	vld [tilespmem:s29+$0x30]  }
0x13e: {  	v0 =	vld.idx.msk [tilespmem:v0+s23+$0x0], $0xffff;
	_ =	sdelay $0x5  }
0x13f: {  	[tilespmem:s29+$0x12AA0] =	vst v0;
	v0 =	vld [tilespmem:s29+$0x40]  }
0x140: {  	v1 =	vld.idx.msk [tilespmem:v1+s23+$0x0], $0xffff;
	_ =	sdelay $0x5  }
0x141: {  	[tilespmem:s29+$0x12AB0] =	vst v1;
	v1 =	vld [tilespmem:s29+$0x50]  }
0x142: {  	v0 =	vld.idx.msk [tilespmem:v0+s23+$0x0], $0xffff;
	_ =	sdelay $0x5  }
0x143: {  	[tilespmem:s29+$0x12AC0] =	vst v0;
	v2 =	vld [tilespmem:s29+$0x60]  }
0x144: {  	v0 =	vld.idx.msk [tilespmem:v1+s23+$0x0], $0xffff;
	_ =	sdelay $0x5  }
0x145: {  	[tilespmem:s29+$0x12AD0] =	vst v0;
	v0 =	vld [tilespmem:s29+$0x70]  }
0x146: {  	v1 =	vld.idx.msk [tilespmem:v2+s23+$0x0], $0xffff  }
.Ltmp4:
0x147: {  	(pc) =	sbr.rel @p1 .LBB2_6-.Ltmp4, $2  }
0x148: {  	_ =	sdelay $0x2  }
0x149: {  	s26 =	sshra.s32 s30, $0x2;
	s30 =	sadd.s32 $0x200, s30  }
0x14a: {  	_ =	sdelay $0x1  }
0x14b: {  	v2 =	vld [tilespmem:s26+$0x0]  }
0x14c: {  	[tilespmem:s29+$0x12AE0] =	vst v1  }
0x14d: {  	v0 =	vld.idx.msk [tilespmem:v0+s23+$0x0], $0xffff;
	_ =	sdelay $0x3  }
0x14e: {  	v1 =	vld [tilespmem:s26+$0x10]  }
0x14f: {  	[tilespmem:s29+$0x12AF0] =	vst v0  }
0x150: {  	v0 =	vld.idx.msk [tilespmem:v2+s23+$0x0], $0xffff;
	_ =	sdelay $0x4  }
0x151: {  	[tilespmem:s26+$0x12A80] =	vst v0;
	v0 =	vld [tilespmem:s26+$0x20]  }
0x152: {  	v1 =	vld.idx.msk [tilespmem:v1+s23+$0x0], $0xffff;
	_ =	sdelay $0x4  }
0x153: {  	[tilespmem:s26+$0x12A90] =	vst v1;
	v1 =	vld [tilespmem:s26+$0x30];
	_ =	sdelay $0x1  }
0x154: {  	v0 =	vld.idx.msk [tilespmem:v0+s23+$0x0], $0xffff;
	_ =	sdelay $0x4  }
0x155: {  	[tilespmem:s26+$0x12AA0] =	vst v0;
	v0 =	vld [tilespmem:s26+$0x40]  }
0x156: {  	v1 =	vld.idx.msk [tilespmem:v1+s23+$0x0], $0xffff;
	_ =	sdelay $0x4  }
0x157: {  	[tilespmem:s26+$0x12AB0] =	vst v1;
	v1 =	vld [tilespmem:s26+$0x50];
	_ =	sdelay $0x1  }
0x158: {  	v0 =	vld.idx.msk [tilespmem:v0+s23+$0x0], $0xffff;
	_ =	sdelay $0x4  }
0x159: {  	[tilespmem:s26+$0x12AC0] =	vst v0;
	v0 =	vld [tilespmem:s26+$0x60]  }
0x15a: {  	v1 =	vld.idx.msk [tilespmem:v1+s23+$0x0], $0xffff;
	_ =	sdelay $0x4  }
0x15b: {  	[tilespmem:s26+$0x12AD0] =	vst v1;
	v1 =	vld [tilespmem:s26+$0x70];
	_ =	sdelay $0x1  }
0x15c: {  	v0 =	vld.idx.msk [tilespmem:v0+s23+$0x0], $0xffff;
	_ =	sdelay $0x4  }
0x15d: {  	[tilespmem:s26+$0x12AE0] =	vst v0  }
0x15e: {  	v0 =	vld.idx.msk [tilespmem:v1+s23+$0x0], $0xffff;
	_ =	sdelay $0x4  }
0x15f: {  	s29 =	rddreg [dreg:$0x1f];
	[tilespmem:s26+$0x12AF0] =	vst v0;
	s26 =	simm.s32 $0x0  }
0x160: {  	[hbm4b:s29+s26] =	stream.linear.scatter [tilespmem:s24], [sflag:$0x1], $0x4000, $0x38;
	[tilespmem:$0x16A80] =	vst v63  }
0x161: {  	_ =	swait.ge [sflag:s20], $0x4000  }
0x162: {  	[sflag:s20] =	ssyncset.done $0x0  }
0x163: {  	s26 =	rddreg [dreg:$0x7];
	[sflag:s20] =	ssyncadd.s32 $0xFFFFC000  }
0x164: {  	[tilespmem:s23], [sflag:$0x1] =	stream.strided.gather [hbm4b:s26+s21], $0xEA80, s22, s21, $0x38;
	[tilespmem:$0x16A80] =	vst v63  }
0x165: {  	_ =	swait.ge [sflag:s20], $0xEA80  }
0x166: {  	[sflag:s20] =	ssyncset.done $0x0  }
0x167: {  	s29 =	simm.s32 $0x0;
	[sflag:s20] =	ssyncadd.s32 $0xFFFF1580  }
0x168: {  	v0 =	vld [tilespmem:s29+$0x0];
	_ =	sdelay $0x5  }
0x169: {  	v1 =	vld [tilespmem:s29+$0x10];
	_ =	sdelay $0x1  }
0x16a: {  	v0 =	vld.idx.msk [tilespmem:v0+s23+$0x0], $0xffff;
	_ =	sdelay $0x4  }
0x16b: {  	[tilespmem:s29+$0x12A80] =	vst v0;
	v0 =	vld [tilespmem:s29+$0x20]  }
0x16c: {  	v1 =	vld.idx.msk [tilespmem:v1+s23+$0x0], $0xffff;
	_ =	sdelay $0x4  }
0x16d: {  	[tilespmem:s29+$0x12A90] =	vst v1;
	v1 =	vld [tilespmem:s29+$0x30];
	_ =	sdelay $0x1  }
0x16e: {  	v0 =	vld.idx.msk [tilespmem:v0+s23+$0x0], $0xffff;
	_ =	sdelay $0x4  }
0x16f: {  	[tilespmem:s29+$0x12AA0] =	vst v0;
	v0 =	vld [tilespmem:s29+$0x40]  }
0x170: {  	v1 =	vld.idx.msk [tilespmem:v1+s23+$0x0], $0xffff;
	_ =	sdelay $0x4  }
0x171: {  	[tilespmem:s29+$0x12AB0] =	vst v1;
	v1 =	vld [tilespmem:s29+$0x50];
	_ =	sdelay $0x1  }
0x172: {  	v0 =	vld.idx.msk [tilespmem:v0+s23+$0x0], $0xffff;
	_ =	sdelay $0x4  }
0x173: {  	v2 =	vld [tilespmem:s29+$0x60];
	[tilespmem:s29+$0x12AC0] =	vst v0  }
0x174: {  	v0 =	vld.idx.msk [tilespmem:v1+s23+$0x0], $0xffff;
	_ =	sdelay $0x4  }
0x175: {  	[tilespmem:s29+$0x12AD0] =	vst v0;
	v0 =	vld [tilespmem:s29+$0x70];
	_ =	sdelay $0x1  }
0x176: {  	v1 =	vld.idx.msk [tilespmem:v2+s23+$0x0], $0xffff;
	_ =	sdelay $0x3  }
0x177: {  	s30 =	simm.s32 $0x400;
	s26 =	simm.s32 $0x80  }
.LBB2_8:
0x178: {  	p1 =	sne.s32 s30, $0xFE00;
	v2 =	vld [tilespmem:s26+$0x0];
	[tilespmem:s29+$0x12AE0] =	vst v1  }
0x179: {  	v0 =	vld.idx.msk [tilespmem:v0+s23+$0x0], $0xffff;
	_ =	sdelay $0x5  }
0x17a: {  	v1 =	vld [tilespmem:s26+$0x10];
	[tilespmem:s29+$0x12AF0] =	vst v0;
	s29 =	smov.u32 s26  }
0x17b: {  	v0 =	vld.idx.msk [tilespmem:v2+s23+$0x0], $0xffff;
	_ =	sdelay $0x5  }
0x17c: {  	[tilespmem:s29+$0x12A80] =	vst v0;
	v0 =	vld [tilespmem:s29+$0x20]  }
0x17d: {  	v1 =	vld.idx.msk [tilespmem:v1+s23+$0x0], $0xffff;
	_ =	sdelay $0x5  }
0x17e: {  	[tilespmem:s29+$0x12A90] =	vst v1;
	v1 =	vld [tilespmem:s29+$0x30]  }
0x17f: {  	v0 =	vld.idx.msk [tilespmem:v0+s23+$0x0], $0xffff;
	_ =	sdelay $0x5  }
0x180: {  	[tilespmem:s29+$0x12AA0] =	vst v0;
	v0 =	vld [tilespmem:s29+$0x40]  }
0x181: {  	v1 =	vld.idx.msk [tilespmem:v1+s23+$0x0], $0xffff;
	_ =	sdelay $0x5  }
0x182: {  	[tilespmem:s29+$0x12AB0] =	vst v1;
	v1 =	vld [tilespmem:s29+$0x50]  }
0x183: {  	v0 =	vld.idx.msk [tilespmem:v0+s23+$0x0], $0xffff;
	_ =	sdelay $0x5  }
0x184: {  	[tilespmem:s29+$0x12AC0] =	vst v0;
	v2 =	vld [tilespmem:s29+$0x60]  }
0x185: {  	v0 =	vld.idx.msk [tilespmem:v1+s23+$0x0], $0xffff;
	_ =	sdelay $0x5  }
0x186: {  	[tilespmem:s29+$0x12AD0] =	vst v0;
	v0 =	vld [tilespmem:s29+$0x70]  }
0x187: {  	v1 =	vld.idx.msk [tilespmem:v2+s23+$0x0], $0xffff  }
.Ltmp5:
0x188: {  	(pc) =	sbr.rel @p1 .LBB2_8-.Ltmp5, $2  }
0x189: {  	_ =	sdelay $0x2  }
0x18a: {  	s26 =	sshra.s32 s30, $0x2;
	s30 =	sadd.s32 $0x200, s30  }
0x18b: {  	_ =	sdelay $0x1  }
0x18c: {  	v2 =	vld [tilespmem:s26+$0x0]  }
0x18d: {  	[tilespmem:s29+$0x12AE0] =	vst v1  }
0x18e: {  	v0 =	vld.idx.msk [tilespmem:v0+s23+$0x0], $0xffff;
	_ =	sdelay $0x3  }
0x18f: {  	v1 =	vld [tilespmem:s26+$0x10]  }
0x190: {  	[tilespmem:s29+$0x12AF0] =	vst v0  }
0x191: {  	v0 =	vld.idx.msk [tilespmem:v2+s23+$0x0], $0xffff;
	_ =	sdelay $0x4  }
0x192: {  	[tilespmem:s26+$0x12A80] =	vst v0;
	v0 =	vld [tilespmem:s26+$0x20]  }
0x193: {  	v1 =	vld.idx.msk [tilespmem:v1+s23+$0x0], $0xffff;
	_ =	sdelay $0x4  }
0x194: {  	[tilespmem:s26+$0x12A90] =	vst v1;
	v1 =	vld [tilespmem:s26+$0x30];
	_ =	sdelay $0x1  }
0x195: {  	v0 =	vld.idx.msk [tilespmem:v0+s23+$0x0], $0xffff;
	_ =	sdelay $0x4  }
0x196: {  	[tilespmem:s26+$0x12AA0] =	vst v0;
	v0 =	vld [tilespmem:s26+$0x40]  }
0x197: {  	v1 =	vld.idx.msk [tilespmem:v1+s23+$0x0], $0xffff;
	_ =	sdelay $0x4  }
0x198: {  	[tilespmem:s26+$0x12AB0] =	vst v1;
	v1 =	vld [tilespmem:s26+$0x50];
	_ =	sdelay $0x1  }
0x199: {  	v0 =	vld.idx.msk [tilespmem:v0+s23+$0x0], $0xffff;
	_ =	sdelay $0x4  }
0x19a: {  	[tilespmem:s26+$0x12AC0] =	vst v0;
	v0 =	vld [tilespmem:s26+$0x60]  }
0x19b: {  	v1 =	vld.idx.msk [tilespmem:v1+s23+$0x0], $0xffff;
	_ =	sdelay $0x4  }
0x19c: {  	[tilespmem:s26+$0x12AD0] =	vst v1;
	v1 =	vld [tilespmem:s26+$0x70];
	_ =	sdelay $0x1  }
0x19d: {  	v0 =	vld.idx.msk [tilespmem:v0+s23+$0x0], $0xffff;
	_ =	sdelay $0x4  }
0x19e: {  	[tilespmem:s26+$0x12AE0] =	vst v0  }
0x19f: {  	v0 =	vld.idx.msk [tilespmem:v1+s23+$0x0], $0xffff;
	_ =	sdelay $0x2  }
0x1a0: {  	s29 =	sld [smem:$0x7EF];
	_ =	sdelay $0x1  }
0x1a1: {  	[tilespmem:s26+$0x12AF0] =	vst v0;
	s26 =	simm.s32 $0x0  }
0x1a2: {  	[hbm4b:s29+s26] =	stream.linear.scatter [tilespmem:s24], [sflag:$0x1], $0x4000, $0x38;
	[tilespmem:$0x16A80] =	vst v63  }
0x1a3: {  	_ =	swait.ge [sflag:s20], $0x4000  }
0x1a4: {  	[sflag:s20] =	ssyncset.done $0x0  }
0x1a5: {  	s26 =	rddreg [dreg:$0x8];
	[sflag:s20] =	ssyncadd.s32 $0xFFFFC000  }
0x1a6: {  	[tilespmem:s23], [sflag:$0x1] =	stream.strided.gather [hbm4b:s26+s21], $0xEA80, s22, s21, $0x38;
	[tilespmem:$0x16A80] =	vst v63  }
0x1a7: {  	_ =	swait.ge [sflag:s20], $0xEA80  }
0x1a8: {  	[sflag:s20] =	ssyncset.done $0x0  }
0x1a9: {  	s29 =	simm.s32 $0x0;
	[sflag:s20] =	ssyncadd.s32 $0xFFFF1580  }
0x1aa: {  	v0 =	vld [tilespmem:s29+$0x0];
	_ =	sdelay $0x5  }
0x1ab: {  	v1 =	vld [tilespmem:s29+$0x10];
	_ =	sdelay $0x1  }
0x1ac: {  	v0 =	vld.idx.msk [tilespmem:v0+s23+$0x0], $0xffff;
	_ =	sdelay $0x4  }
0x1ad: {  	[tilespmem:s29+$0x12A80] =	vst v0;
	v0 =	vld [tilespmem:s29+$0x20]  }
0x1ae: {  	v1 =	vld.idx.msk [tilespmem:v1+s23+$0x0], $0xffff;
	_ =	sdelay $0x4  }
0x1af: {  	[tilespmem:s29+$0x12A90] =	vst v1;
	v1 =	vld [tilespmem:s29+$0x30];
	_ =	sdelay $0x1  }
0x1b0: {  	v0 =	vld.idx.msk [tilespmem:v0+s23+$0x0], $0xffff;
	_ =	sdelay $0x4  }
0x1b1: {  	[tilespmem:s29+$0x12AA0] =	vst v0;
	v0 =	vld [tilespmem:s29+$0x40]  }
0x1b2: {  	v1 =	vld.idx.msk [tilespmem:v1+s23+$0x0], $0xffff;
	_ =	sdelay $0x4  }
0x1b3: {  	[tilespmem:s29+$0x12AB0] =	vst v1;
	v1 =	vld [tilespmem:s29+$0x50];
	_ =	sdelay $0x1  }
0x1b4: {  	v0 =	vld.idx.msk [tilespmem:v0+s23+$0x0], $0xffff;
	_ =	sdelay $0x4  }
0x1b5: {  	v2 =	vld [tilespmem:s29+$0x60];
	[tilespmem:s29+$0x12AC0] =	vst v0  }
0x1b6: {  	v0 =	vld.idx.msk [tilespmem:v1+s23+$0x0], $0xffff;
	_ =	sdelay $0x4  }
0x1b7: {  	[tilespmem:s29+$0x12AD0] =	vst v0;
	v0 =	vld [tilespmem:s29+$0x70];
	_ =	sdelay $0x1  }
0x1b8: {  	v1 =	vld.idx.msk [tilespmem:v2+s23+$0x0], $0xffff;
	_ =	sdelay $0x3  }
0x1b9: {  	s30 =	simm.s32 $0x400;
	s26 =	simm.s32 $0x80  }
.LBB2_10:
0x1ba: {  	p1 =	sne.s32 s30, $0xFE00;
	v2 =	vld [tilespmem:s26+$0x0];
	[tilespmem:s29+$0x12AE0] =	vst v1  }
0x1bb: {  	v0 =	vld.idx.msk [tilespmem:v0+s23+$0x0], $0xffff;
	_ =	sdelay $0x5  }
0x1bc: {  	v1 =	vld [tilespmem:s26+$0x10];
	[tilespmem:s29+$0x12AF0] =	vst v0;
	s29 =	smov.u32 s26  }
0x1bd: {  	v0 =	vld.idx.msk [tilespmem:v2+s23+$0x0], $0xffff;
	_ =	sdelay $0x5  }
0x1be: {  	[tilespmem:s29+$0x12A80] =	vst v0;
	v0 =	vld [tilespmem:s29+$0x20]  }
0x1bf: {  	v1 =	vld.idx.msk [tilespmem:v1+s23+$0x0], $0xffff;
	_ =	sdelay $0x5  }
0x1c0: {  	[tilespmem:s29+$0x12A90] =	vst v1;
	v1 =	vld [tilespmem:s29+$0x30]  }
0x1c1: {  	v0 =	vld.idx.msk [tilespmem:v0+s23+$0x0], $0xffff;
	_ =	sdelay $0x5  }
0x1c2: {  	[tilespmem:s29+$0x12AA0] =	vst v0;
	v0 =	vld [tilespmem:s29+$0x40]  }
0x1c3: {  	v1 =	vld.idx.msk [tilespmem:v1+s23+$0x0], $0xffff;
	_ =	sdelay $0x5  }
0x1c4: {  	[tilespmem:s29+$0x12AB0] =	vst v1;
	v1 =	vld [tilespmem:s29+$0x50]  }
0x1c5: {  	v0 =	vld.idx.msk [tilespmem:v0+s23+$0x0], $0xffff;
	_ =	sdelay $0x5  }
0x1c6: {  	[tilespmem:s29+$0x12AC0] =	vst v0;
	v2 =	vld [tilespmem:s29+$0x60]  }
0x1c7: {  	v0 =	vld.idx.msk [tilespmem:v1+s23+$0x0], $0xffff;
	_ =	sdelay $0x5  }
0x1c8: {  	[tilespmem:s29+$0x12AD0] =	vst v0;
	v0 =	vld [tilespmem:s29+$0x70]  }
0x1c9: {  	v1 =	vld.idx.msk [tilespmem:v2+s23+$0x0], $0xffff  }
.Ltmp6:
0x1ca: {  	(pc) =	sbr.rel @p1 .LBB2_10-.Ltmp6, $2  }
0x1cb: {  	_ =	sdelay $0x2  }
0x1cc: {  	s26 =	sshra.s32 s30, $0x2;
	s30 =	sadd.s32 $0x200, s30  }
0x1cd: {  	_ =	sdelay $0x1  }
0x1ce: {  	v2 =	vld [tilespmem:s26+$0x0]  }
0x1cf: {  	[tilespmem:s29+$0x12AE0] =	vst v1  }
0x1d0: {  	v0 =	vld.idx.msk [tilespmem:v0+s23+$0x0], $0xffff;
	_ =	sdelay $0x3  }
0x1d1: {  	v1 =	vld [tilespmem:s26+$0x10]  }
0x1d2: {  	[tilespmem:s29+$0x12AF0] =	vst v0  }
0x1d3: {  	v0 =	vld.idx.msk [tilespmem:v2+s23+$0x0], $0xffff;
	_ =	sdelay $0x4  }
0x1d4: {  	[tilespmem:s26+$0x12A80] =	vst v0;
	v0 =	vld [tilespmem:s26+$0x20]  }
0x1d5: {  	v1 =	vld.idx.msk [tilespmem:v1+s23+$0x0], $0xffff;
	_ =	sdelay $0x4  }
0x1d6: {  	[tilespmem:s26+$0x12A90] =	vst v1;
	v1 =	vld [tilespmem:s26+$0x30];
	_ =	sdelay $0x1  }
0x1d7: {  	v0 =	vld.idx.msk [tilespmem:v0+s23+$0x0], $0xffff;
	_ =	sdelay $0x4  }
0x1d8: {  	[tilespmem:s26+$0x12AA0] =	vst v0;
	v0 =	vld [tilespmem:s26+$0x40]  }
0x1d9: {  	v1 =	vld.idx.msk [tilespmem:v1+s23+$0x0], $0xffff;
	_ =	sdelay $0x4  }
0x1da: {  	[tilespmem:s26+$0x12AB0] =	vst v1;
	v1 =	vld [tilespmem:s26+$0x50];
	_ =	sdelay $0x1  }
0x1db: {  	v0 =	vld.idx.msk [tilespmem:v0+s23+$0x0], $0xffff;
	_ =	sdelay $0x4  }
0x1dc: {  	[tilespmem:s26+$0x12AC0] =	vst v0;
	v0 =	vld [tilespmem:s26+$0x60]  }
0x1dd: {  	v1 =	vld.idx.msk [tilespmem:v1+s23+$0x0], $0xffff;
	_ =	sdelay $0x4  }
0x1de: {  	[tilespmem:s26+$0x12AD0] =	vst v1;
	v1 =	vld [tilespmem:s26+$0x70];
	_ =	sdelay $0x1  }
0x1df: {  	v0 =	vld.idx.msk [tilespmem:v0+s23+$0x0], $0xffff;
	_ =	sdelay $0x4  }
0x1e0: {  	[tilespmem:s26+$0x12AE0] =	vst v0  }
0x1e1: {  	v0 =	vld.idx.msk [tilespmem:v1+s23+$0x0], $0xffff;
	_ =	sdelay $0x2  }
0x1e2: {  	s29 =	sld [smem:$0x7F0];
	_ =	sdelay $0x1  }
0x1e3: {  	[tilespmem:s26+$0x12AF0] =	vst v0;
	s26 =	simm.s32 $0x0  }
0x1e4: {  	[hbm4b:s29+s26] =	stream.linear.scatter [tilespmem:s24], [sflag:$0x1], $0x4000, $0x38;
	[tilespmem:$0x16A80] =	vst v63  }
0x1e5: {  	_ =	swait.ge [sflag:s20], $0x4000  }
0x1e6: {  	[sflag:s20] =	ssyncset.done $0x0  }
0x1e7: {  	s26 =	rddreg [dreg:$0x9];
	[sflag:s20] =	ssyncadd.s32 $0xFFFFC000  }
0x1e8: {  	[tilespmem:s23], [sflag:$0x1] =	stream.strided.gather [hbm4b:s26+s21], $0xEA80, s22, s21, $0x38;
	[tilespmem:$0x16A80] =	vst v63  }
0x1e9: {  	_ =	swait.ge [sflag:s20], $0xEA80  }
0x1ea: {  	[sflag:s20] =	ssyncset.done $0x0  }
0x1eb: {  	s29 =	simm.s32 $0x0;
	[sflag:s20] =	ssyncadd.s32 $0xFFFF1580  }
0x1ec: {  	v0 =	vld [tilespmem:s29+$0x0];
	_ =	sdelay $0x5  }
0x1ed: {  	v1 =	vld [tilespmem:s29+$0x10];
	_ =	sdelay $0x1  }
0x1ee: {  	v0 =	vld.idx.msk [tilespmem:v0+s23+$0x0], $0xffff;
	_ =	sdelay $0x4  }
0x1ef: {  	[tilespmem:s29+$0x12A80] =	vst v0;
	v0 =	vld [tilespmem:s29+$0x20]  }
0x1f0: {  	v1 =	vld.idx.msk [tilespmem:v1+s23+$0x0], $0xffff;
	_ =	sdelay $0x4  }
0x1f1: {  	[tilespmem:s29+$0x12A90] =	vst v1;
	v1 =	vld [tilespmem:s29+$0x30];
	_ =	sdelay $0x1  }
0x1f2: {  	v0 =	vld.idx.msk [tilespmem:v0+s23+$0x0], $0xffff;
	_ =	sdelay $0x4  }
0x1f3: {  	[tilespmem:s29+$0x12AA0] =	vst v0;
	v0 =	vld [tilespmem:s29+$0x40]  }
0x1f4: {  	v1 =	vld.idx.msk [tilespmem:v1+s23+$0x0], $0xffff;
	_ =	sdelay $0x4  }
0x1f5: {  	[tilespmem:s29+$0x12AB0] =	vst v1;
	v1 =	vld [tilespmem:s29+$0x50];
	_ =	sdelay $0x1  }
0x1f6: {  	v0 =	vld.idx.msk [tilespmem:v0+s23+$0x0], $0xffff;
	_ =	sdelay $0x4  }
0x1f7: {  	v2 =	vld [tilespmem:s29+$0x60];
	[tilespmem:s29+$0x12AC0] =	vst v0  }
0x1f8: {  	v0 =	vld.idx.msk [tilespmem:v1+s23+$0x0], $0xffff;
	_ =	sdelay $0x4  }
0x1f9: {  	[tilespmem:s29+$0x12AD0] =	vst v0;
	v0 =	vld [tilespmem:s29+$0x70];
	_ =	sdelay $0x1  }
0x1fa: {  	v1 =	vld.idx.msk [tilespmem:v2+s23+$0x0], $0xffff;
	_ =	sdelay $0x3  }
0x1fb: {  	s30 =	simm.s32 $0x400;
	s26 =	simm.s32 $0x80  }
.LBB2_12:
0x1fc: {  	p1 =	sne.s32 s30, $0xFE00;
	v2 =	vld [tilespmem:s26+$0x0];
	[tilespmem:s29+$0x12AE0] =	vst v1  }
0x1fd: {  	v0 =	vld.idx.msk [tilespmem:v0+s23+$0x0], $0xffff;
	_ =	sdelay $0x5  }
0x1fe: {  	v1 =	vld [tilespmem:s26+$0x10];
	[tilespmem:s29+$0x12AF0] =	vst v0;
	s29 =	smov.u32 s26  }
0x1ff: {  	v0 =	vld.idx.msk [tilespmem:v2+s23+$0x0], $0xffff;
	_ =	sdelay $0x5  }
0x200: {  	[tilespmem:s29+$0x12A80] =	vst v0;
	v0 =	vld [tilespmem:s29+$0x20]  }
0x201: {  	v1 =	vld.idx.msk [tilespmem:v1+s23+$0x0], $0xffff;
	_ =	sdelay $0x5  }
0x202: {  	[tilespmem:s29+$0x12A90] =	vst v1;
	v1 =	vld [tilespmem:s29+$0x30]  }
0x203: {  	v0 =	vld.idx.msk [tilespmem:v0+s23+$0x0], $0xffff;
	_ =	sdelay $0x5  }
0x204: {  	[tilespmem:s29+$0x12AA0] =	vst v0;
	v0 =	vld [tilespmem:s29+$0x40]  }
0x205: {  	v1 =	vld.idx.msk [tilespmem:v1+s23+$0x0], $0xffff;
	_ =	sdelay $0x5  }
0x206: {  	[tilespmem:s29+$0x12AB0] =	vst v1;
	v1 =	vld [tilespmem:s29+$0x50]  }
0x207: {  	v0 =	vld.idx.msk [tilespmem:v0+s23+$0x0], $0xffff;
	_ =	sdelay $0x5  }
0x208: {  	[tilespmem:s29+$0x12AC0] =	vst v0;
	v2 =	vld [tilespmem:s29+$0x60]  }
0x209: {  	v0 =	vld.idx.msk [tilespmem:v1+s23+$0x0], $0xffff;
	_ =	sdelay $0x5  }
0x20a: {  	[tilespmem:s29+$0x12AD0] =	vst v0;
	v0 =	vld [tilespmem:s29+$0x70]  }
0x20b: {  	v1 =	vld.idx.msk [tilespmem:v2+s23+$0x0], $0xffff  }
.Ltmp7:
0x20c: {  	(pc) =	sbr.rel @p1 .LBB2_12-.Ltmp7, $2  }
0x20d: {  	_ =	sdelay $0x2  }
0x20e: {  	s26 =	sshra.s32 s30, $0x2;
	s30 =	sadd.s32 $0x200, s30  }
0x20f: {  	_ =	sdelay $0x1  }
0x210: {  	v2 =	vld [tilespmem:s26+$0x0]  }
0x211: {  	[tilespmem:s29+$0x12AE0] =	vst v1  }
0x212: {  	v0 =	vld.idx.msk [tilespmem:v0+s23+$0x0], $0xffff;
	_ =	sdelay $0x3  }
0x213: {  	v1 =	vld [tilespmem:s26+$0x10]  }
0x214: {  	[tilespmem:s29+$0x12AF0] =	vst v0  }
0x215: {  	v0 =	vld.idx.msk [tilespmem:v2+s23+$0x0], $0xffff;
	_ =	sdelay $0x4  }
0x216: {  	[tilespmem:s26+$0x12A80] =	vst v0;
	v0 =	vld [tilespmem:s26+$0x20]  }
0x217: {  	v1 =	vld.idx.msk [tilespmem:v1+s23+$0x0], $0xffff;
	_ =	sdelay $0x4  }
0x218: {  	[tilespmem:s26+$0x12A90] =	vst v1;
	v1 =	vld [tilespmem:s26+$0x30];
	_ =	sdelay $0x1  }
0x219: {  	v0 =	vld.idx.msk [tilespmem:v0+s23+$0x0], $0xffff;
	_ =	sdelay $0x4  }
0x21a: {  	[tilespmem:s26+$0x12AA0] =	vst v0;
	v0 =	vld [tilespmem:s26+$0x40]  }
0x21b: {  	v1 =	vld.idx.msk [tilespmem:v1+s23+$0x0], $0xffff;
	_ =	sdelay $0x4  }
0x21c: {  	[tilespmem:s26+$0x12AB0] =	vst v1;
	v1 =	vld [tilespmem:s26+$0x50];
	_ =	sdelay $0x1  }
0x21d: {  	v0 =	vld.idx.msk [tilespmem:v0+s23+$0x0], $0xffff;
	_ =	sdelay $0x4  }
0x21e: {  	[tilespmem:s26+$0x12AC0] =	vst v0;
	v0 =	vld [tilespmem:s26+$0x60]  }
0x21f: {  	v1 =	vld.idx.msk [tilespmem:v1+s23+$0x0], $0xffff;
	_ =	sdelay $0x4  }
0x220: {  	[tilespmem:s26+$0x12AD0] =	vst v1;
	v1 =	vld [tilespmem:s26+$0x70];
	_ =	sdelay $0x1  }
0x221: {  	v0 =	vld.idx.msk [tilespmem:v0+s23+$0x0], $0xffff;
	_ =	sdelay $0x4  }
0x222: {  	[tilespmem:s26+$0x12AE0] =	vst v0  }
0x223: {  	v0 =	vld.idx.msk [tilespmem:v1+s23+$0x0], $0xffff;
	_ =	sdelay $0x4  }
0x224: {  	[tilespmem:s26+$0x12AF0] =	vst v0;
	s26 =	simm.s32 $0x0  }
0x225: {  	[hbm4b:s25+s26] =	stream.linear.scatter [tilespmem:s24], [sflag:$0x1], $0x4000, $0x38;
	[tilespmem:$0x16A80] =	vst v63  }
0x226: {  	_ =	swait.ge [sflag:s20], $0x4000  }
0x227: {  	[sflag:s20] =	ssyncset.done $0x0  }
0x228: {  	s26 =	rddreg [dreg:$0xa];
	[sflag:s20] =	ssyncadd.s32 $0xFFFFC000  }
0x229: {  	[tilespmem:s23], [sflag:$0x1] =	stream.strided.gather [hbm4b:s26+s21], $0xEA80, s22, s21, $0x38;
	[tilespmem:$0x16A80] =	vst v63  }
0x22a: {  	_ =	swait.ge [sflag:s20], $0xEA80  }
0x22b: {  	[sflag:s20] =	ssyncset.done $0x0  }
0x22c: {  	s29 =	simm.s32 $0x0;
	[sflag:s20] =	ssyncadd.s32 $0xFFFF1580  }
0x22d: {  	v0 =	vld [tilespmem:s29+$0x0];
	_ =	sdelay $0x5  }
0x22e: {  	v1 =	vld [tilespmem:s29+$0x10];
	_ =	sdelay $0x1  }
0x22f: {  	v0 =	vld.idx.msk [tilespmem:v0+s23+$0x0], $0xffff;
	_ =	sdelay $0x4  }
0x230: {  	[tilespmem:s29+$0x12A80] =	vst v0;
	v0 =	vld [tilespmem:s29+$0x20]  }
0x231: {  	v1 =	vld.idx.msk [tilespmem:v1+s23+$0x0], $0xffff;
	_ =	sdelay $0x4  }
0x232: {  	[tilespmem:s29+$0x12A90] =	vst v1;
	v1 =	vld [tilespmem:s29+$0x30];
	_ =	sdelay $0x1  }
0x233: {  	v0 =	vld.idx.msk [tilespmem:v0+s23+$0x0], $0xffff;
	_ =	sdelay $0x4  }
0x234: {  	[tilespmem:s29+$0x12AA0] =	vst v0;
	v0 =	vld [tilespmem:s29+$0x40]  }
0x235: {  	v1 =	vld.idx.msk [tilespmem:v1+s23+$0x0], $0xffff;
	_ =	sdelay $0x4  }
0x236: {  	[tilespmem:s29+$0x12AB0] =	vst v1;
	v1 =	vld [tilespmem:s29+$0x50];
	_ =	sdelay $0x1  }
0x237: {  	v0 =	vld.idx.msk [tilespmem:v0+s23+$0x0], $0xffff;
	_ =	sdelay $0x4  }
0x238: {  	v2 =	vld [tilespmem:s29+$0x60];
	[tilespmem:s29+$0x12AC0] =	vst v0  }
0x239: {  	v0 =	vld.idx.msk [tilespmem:v1+s23+$0x0], $0xffff;
	_ =	sdelay $0x4  }
0x23a: {  	[tilespmem:s29+$0x12AD0] =	vst v0;
	v0 =	vld [tilespmem:s29+$0x70];
	_ =	sdelay $0x1  }
0x23b: {  	v1 =	vld.idx.msk [tilespmem:v2+s23+$0x0], $0xffff;
	_ =	sdelay $0x3  }
0x23c: {  	s30 =	simm.s32 $0x400;
	s26 =	simm.s32 $0x80  }
.LBB2_14:
0x23d: {  	p1 =	sne.s32 s30, $0xFE00;
	v2 =	vld [tilespmem:s26+$0x0];
	[tilespmem:s29+$0x12AE0] =	vst v1  }
0x23e: {  	v0 =	vld.idx.msk [tilespmem:v0+s23+$0x0], $0xffff;
	_ =	sdelay $0x5  }
0x23f: {  	v1 =	vld [tilespmem:s26+$0x10];
	[tilespmem:s29+$0x12AF0] =	vst v0;
	s29 =	smov.u32 s26  }
0x240: {  	v0 =	vld.idx.msk [tilespmem:v2+s23+$0x0], $0xffff;
	_ =	sdelay $0x5  }
0x241: {  	[tilespmem:s29+$0x12A80] =	vst v0;
	v0 =	vld [tilespmem:s29+$0x20]  }
0x242: {  	v1 =	vld.idx.msk [tilespmem:v1+s23+$0x0], $0xffff;
	_ =	sdelay $0x5  }
0x243: {  	[tilespmem:s29+$0x12A90] =	vst v1;
	v1 =	vld [tilespmem:s29+$0x30]  }
0x244: {  	v0 =	vld.idx.msk [tilespmem:v0+s23+$0x0], $0xffff;
	_ =	sdelay $0x5  }
0x245: {  	[tilespmem:s29+$0x12AA0] =	vst v0;
	v0 =	vld [tilespmem:s29+$0x40]  }
0x246: {  	v1 =	vld.idx.msk [tilespmem:v1+s23+$0x0], $0xffff;
	_ =	sdelay $0x5  }
0x247: {  	[tilespmem:s29+$0x12AB0] =	vst v1;
	v1 =	vld [tilespmem:s29+$0x50]  }
0x248: {  	v0 =	vld.idx.msk [tilespmem:v0+s23+$0x0], $0xffff;
	_ =	sdelay $0x5  }
0x249: {  	[tilespmem:s29+$0x12AC0] =	vst v0;
	v2 =	vld [tilespmem:s29+$0x60]  }
0x24a: {  	v0 =	vld.idx.msk [tilespmem:v1+s23+$0x0], $0xffff;
	_ =	sdelay $0x5  }
0x24b: {  	[tilespmem:s29+$0x12AD0] =	vst v0;
	v0 =	vld [tilespmem:s29+$0x70]  }
0x24c: {  	v1 =	vld.idx.msk [tilespmem:v2+s23+$0x0], $0xffff  }
.Ltmp8:
0x24d: {  	(pc) =	sbr.rel @p1 .LBB2_14-.Ltmp8, $2  }
0x24e: {  	_ =	sdelay $0x2  }
0x24f: {  	s26 =	sshra.s32 s30, $0x2;
	s30 =	sadd.s32 $0x200, s30  }
0x250: {  	_ =	sdelay $0x1  }
0x251: {  	v2 =	vld [tilespmem:s26+$0x0]  }
0x252: {  	[tilespmem:s29+$0x12AE0] =	vst v1  }
0x253: {  	v0 =	vld.idx.msk [tilespmem:v0+s23+$0x0], $0xffff;
	_ =	sdelay $0x3  }
0x254: {  	v1 =	vld [tilespmem:s26+$0x10]  }
0x255: {  	[tilespmem:s29+$0x12AF0] =	vst v0  }
0x256: {  	v0 =	vld.idx.msk [tilespmem:v2+s23+$0x0], $0xffff;
	_ =	sdelay $0x4  }
0x257: {  	[tilespmem:s26+$0x12A80] =	vst v0;
	v0 =	vld [tilespmem:s26+$0x20]  }
0x258: {  	v1 =	vld.idx.msk [tilespmem:v1+s23+$0x0], $0xffff;
	_ =	sdelay $0x4  }
0x259: {  	[tilespmem:s26+$0x12A90] =	vst v1;
	v1 =	vld [tilespmem:s26+$0x30];
	_ =	sdelay $0x1  }
0x25a: {  	v0 =	vld.idx.msk [tilespmem:v0+s23+$0x0], $0xffff;
	_ =	sdelay $0x4  }
0x25b: {  	[tilespmem:s26+$0x12AA0] =	vst v0;
	v0 =	vld [tilespmem:s26+$0x40]  }
0x25c: {  	v1 =	vld.idx.msk [tilespmem:v1+s23+$0x0], $0xffff;
	_ =	sdelay $0x4  }
0x25d: {  	[tilespmem:s26+$0x12AB0] =	vst v1;
	v1 =	vld [tilespmem:s26+$0x50];
	_ =	sdelay $0x1  }
0x25e: {  	v0 =	vld.idx.msk [tilespmem:v0+s23+$0x0], $0xffff;
	_ =	sdelay $0x4  }
0x25f: {  	[tilespmem:s26+$0x12AC0] =	vst v0;
	v0 =	vld [tilespmem:s26+$0x60]  }
0x260: {  	v1 =	vld.idx.msk [tilespmem:v1+s23+$0x0], $0xffff;
	_ =	sdelay $0x4  }
0x261: {  	[tilespmem:s26+$0x12AD0] =	vst v1;
	v1 =	vld [tilespmem:s26+$0x70];
	_ =	sdelay $0x1  }
0x262: {  	v0 =	vld.idx.msk [tilespmem:v0+s23+$0x0], $0xffff;
	_ =	sdelay $0x4  }
0x263: {  	[tilespmem:s26+$0x12AE0] =	vst v0  }
0x264: {  	v0 =	vld.idx.msk [tilespmem:v1+s23+$0x0], $0xffff;
	_ =	sdelay $0x4  }
0x265: {  	[tilespmem:s26+$0x12AF0] =	vst v0;
	s26 =	simm.s32 $0x0  }
0x266: {  	[hbm4b:s1+s26] =	stream.linear.scatter [tilespmem:s24], [sflag:$0x1], $0x4000, $0x38;
	[tilespmem:$0x16A80] =	vst v63  }
0x267: {  	_ =	swait.ge [sflag:s20], $0x4000  }
0x268: {  	[sflag:s20] =	ssyncset.done $0x0  }
0x269: {  	s26 =	rddreg [dreg:$0xb];
	[sflag:s20] =	ssyncadd.s32 $0xFFFFC000  }
0x26a: {  	[tilespmem:s23], [sflag:$0x1] =	stream.strided.gather [hbm4b:s26+s21], $0xEA80, s22, s21, $0x38;
	[tilespmem:$0x16A80] =	vst v63  }
0x26b: {  	_ =	swait.ge [sflag:s20], $0xEA80  }
0x26c: {  	[sflag:s20] =	ssyncset.done $0x0  }
0x26d: {  	s29 =	simm.s32 $0x0;
	[sflag:s20] =	ssyncadd.s32 $0xFFFF1580  }
0x26e: {  	v0 =	vld [tilespmem:s29+$0x0];
	_ =	sdelay $0x5  }
0x26f: {  	v1 =	vld [tilespmem:s29+$0x10];
	_ =	sdelay $0x1  }
0x270: {  	v0 =	vld.idx.msk [tilespmem:v0+s23+$0x0], $0xffff;
	_ =	sdelay $0x4  }
0x271: {  	[tilespmem:s29+$0x12A80] =	vst v0;
	v0 =	vld [tilespmem:s29+$0x20]  }
0x272: {  	v1 =	vld.idx.msk [tilespmem:v1+s23+$0x0], $0xffff;
	_ =	sdelay $0x4  }
0x273: {  	[tilespmem:s29+$0x12A90] =	vst v1;
	v1 =	vld [tilespmem:s29+$0x30];
	_ =	sdelay $0x1  }
0x274: {  	v0 =	vld.idx.msk [tilespmem:v0+s23+$0x0], $0xffff;
	_ =	sdelay $0x4  }
0x275: {  	[tilespmem:s29+$0x12AA0] =	vst v0;
	v0 =	vld [tilespmem:s29+$0x40]  }
0x276: {  	v1 =	vld.idx.msk [tilespmem:v1+s23+$0x0], $0xffff;
	_ =	sdelay $0x4  }
0x277: {  	[tilespmem:s29+$0x12AB0] =	vst v1;
	v1 =	vld [tilespmem:s29+$0x50];
	_ =	sdelay $0x1  }
0x278: {  	v0 =	vld.idx.msk [tilespmem:v0+s23+$0x0], $0xffff;
	_ =	sdelay $0x4  }
0x279: {  	v2 =	vld [tilespmem:s29+$0x60];
	[tilespmem:s29+$0x12AC0] =	vst v0  }
0x27a: {  	v0 =	vld.idx.msk [tilespmem:v1+s23+$0x0], $0xffff;
	_ =	sdelay $0x4  }
0x27b: {  	[tilespmem:s29+$0x12AD0] =	vst v0;
	v0 =	vld [tilespmem:s29+$0x70];
	_ =	sdelay $0x1  }
0x27c: {  	v1 =	vld.idx.msk [tilespmem:v2+s23+$0x0], $0xffff;
	_ =	sdelay $0x3  }
0x27d: {  	s30 =	simm.s32 $0x400;
	s26 =	simm.s32 $0x80  }
.LBB2_16:
0x27e: {  	p1 =	sne.s32 s30, $0xFE00;
	v2 =	vld [tilespmem:s26+$0x0];
	[tilespmem:s29+$0x12AE0] =	vst v1  }
0x27f: {  	v0 =	vld.idx.msk [tilespmem:v0+s23+$0x0], $0xffff;
	_ =	sdelay $0x5  }
0x280: {  	v1 =	vld [tilespmem:s26+$0x10];
	[tilespmem:s29+$0x12AF0] =	vst v0;
	s29 =	smov.u32 s26  }
0x281: {  	v0 =	vld.idx.msk [tilespmem:v2+s23+$0x0], $0xffff;
	_ =	sdelay $0x5  }
0x282: {  	[tilespmem:s29+$0x12A80] =	vst v0;
	v0 =	vld [tilespmem:s29+$0x20]  }
0x283: {  	v1 =	vld.idx.msk [tilespmem:v1+s23+$0x0], $0xffff;
	_ =	sdelay $0x5  }
0x284: {  	[tilespmem:s29+$0x12A90] =	vst v1;
	v1 =	vld [tilespmem:s29+$0x30]  }
0x285: {  	v0 =	vld.idx.msk [tilespmem:v0+s23+$0x0], $0xffff;
	_ =	sdelay $0x5  }
0x286: {  	[tilespmem:s29+$0x12AA0] =	vst v0;
	v0 =	vld [tilespmem:s29+$0x40]  }
0x287: {  	v1 =	vld.idx.msk [tilespmem:v1+s23+$0x0], $0xffff;
	_ =	sdelay $0x5  }
0x288: {  	[tilespmem:s29+$0x12AB0] =	vst v1;
	v1 =	vld [tilespmem:s29+$0x50]  }
0x289: {  	v0 =	vld.idx.msk [tilespmem:v0+s23+$0x0], $0xffff;
	_ =	sdelay $0x5  }
0x28a: {  	[tilespmem:s29+$0x12AC0] =	vst v0;
	v2 =	vld [tilespmem:s29+$0x60]  }
0x28b: {  	v0 =	vld.idx.msk [tilespmem:v1+s23+$0x0], $0xffff;
	_ =	sdelay $0x5  }
0x28c: {  	[tilespmem:s29+$0x12AD0] =	vst v0;
	v0 =	vld [tilespmem:s29+$0x70]  }
0x28d: {  	v1 =	vld.idx.msk [tilespmem:v2+s23+$0x0], $0xffff  }
.Ltmp9:
0x28e: {  	(pc) =	sbr.rel @p1 .LBB2_16-.Ltmp9, $2  }
0x28f: {  	_ =	sdelay $0x2  }
0x290: {  	s26 =	sshra.s32 s30, $0x2;
	s30 =	sadd.s32 $0x200, s30  }
0x291: {  	_ =	sdelay $0x1  }
0x292: {  	v2 =	vld [tilespmem:s26+$0x0]  }
0x293: {  	[tilespmem:s29+$0x12AE0] =	vst v1  }
0x294: {  	v0 =	vld.idx.msk [tilespmem:v0+s23+$0x0], $0xffff;
	_ =	sdelay $0x3  }
0x295: {  	v1 =	vld [tilespmem:s26+$0x10]  }
0x296: {  	[tilespmem:s29+$0x12AF0] =	vst v0  }
0x297: {  	v0 =	vld.idx.msk [tilespmem:v2+s23+$0x0], $0xffff;
	_ =	sdelay $0x4  }
0x298: {  	[tilespmem:s26+$0x12A80] =	vst v0;
	v0 =	vld [tilespmem:s26+$0x20]  }
0x299: {  	v1 =	vld.idx.msk [tilespmem:v1+s23+$0x0], $0xffff;
	_ =	sdelay $0x4  }
0x29a: {  	[tilespmem:s26+$0x12A90] =	vst v1;
	v1 =	vld [tilespmem:s26+$0x30];
	_ =	sdelay $0x1  }
0x29b: {  	v0 =	vld.idx.msk [tilespmem:v0+s23+$0x0], $0xffff;
	_ =	sdelay $0x4  }
0x29c: {  	[tilespmem:s26+$0x12AA0] =	vst v0;
	v0 =	vld [tilespmem:s26+$0x40]  }
0x29d: {  	v1 =	vld.idx.msk [tilespmem:v1+s23+$0x0], $0xffff;
	_ =	sdelay $0x4  }
0x29e: {  	[tilespmem:s26+$0x12AB0] =	vst v1;
	v1 =	vld [tilespmem:s26+$0x50];
	_ =	sdelay $0x1  }
0x29f: {  	v0 =	vld.idx.msk [tilespmem:v0+s23+$0x0], $0xffff;
	_ =	sdelay $0x4  }
0x2a0: {  	[tilespmem:s26+$0x12AC0] =	vst v0;
	v0 =	vld [tilespmem:s26+$0x60]  }
0x2a1: {  	v1 =	vld.idx.msk [tilespmem:v1+s23+$0x0], $0xffff;
	_ =	sdelay $0x4  }
0x2a2: {  	[tilespmem:s26+$0x12AD0] =	vst v1;
	v1 =	vld [tilespmem:s26+$0x70];
	_ =	sdelay $0x1  }
0x2a3: {  	v0 =	vld.idx.msk [tilespmem:v0+s23+$0x0], $0xffff;
	_ =	sdelay $0x4  }
0x2a4: {  	[tilespmem:s26+$0x12AE0] =	vst v0  }
0x2a5: {  	v0 =	vld.idx.msk [tilespmem:v1+s23+$0x0], $0xffff;
	_ =	sdelay $0x4  }
0x2a6: {  	[tilespmem:s26+$0x12AF0] =	vst v0;
	s26 =	simm.s32 $0x0  }
0x2a7: {  	[hbm4b:s2+s26] =	stream.linear.scatter [tilespmem:s24], [sflag:$0x1], $0x4000, $0x38;
	[tilespmem:$0x16A80] =	vst v63  }
0x2a8: {  	_ =	swait.ge [sflag:s20], $0x4000  }
0x2a9: {  	[sflag:s20] =	ssyncset.done $0x0  }
0x2aa: {  	s26 =	rddreg [dreg:$0xc];
	[sflag:s20] =	ssyncadd.s32 $0xFFFFC000  }
0x2ab: {  	[tilespmem:s23], [sflag:$0x1] =	stream.strided.gather [hbm4b:s26+s21], $0xEA80, s22, s21, $0x38;
	[tilespmem:$0x16A80] =	vst v63  }
0x2ac: {  	_ =	swait.ge [sflag:s20], $0xEA80  }
0x2ad: {  	[sflag:s20] =	ssyncset.done $0x0  }
0x2ae: {  	s29 =	simm.s32 $0x0;
	[sflag:s20] =	ssyncadd.s32 $0xFFFF1580  }
0x2af: {  	v0 =	vld [tilespmem:s29+$0x0];
	_ =	sdelay $0x5  }
0x2b0: {  	v1 =	vld [tilespmem:s29+$0x10];
	_ =	sdelay $0x1  }
0x2b1: {  	v0 =	vld.idx.msk [tilespmem:v0+s23+$0x0], $0xffff;
	_ =	sdelay $0x4  }
0x2b2: {  	[tilespmem:s29+$0x12A80] =	vst v0;
	v0 =	vld [tilespmem:s29+$0x20]  }
0x2b3: {  	v1 =	vld.idx.msk [tilespmem:v1+s23+$0x0], $0xffff;
	_ =	sdelay $0x4  }
0x2b4: {  	[tilespmem:s29+$0x12A90] =	vst v1;
	v1 =	vld [tilespmem:s29+$0x30];
	_ =	sdelay $0x1  }
0x2b5: {  	v0 =	vld.idx.msk [tilespmem:v0+s23+$0x0], $0xffff;
	_ =	sdelay $0x4  }
0x2b6: {  	[tilespmem:s29+$0x12AA0] =	vst v0;
	v0 =	vld [tilespmem:s29+$0x40]  }
0x2b7: {  	v1 =	vld.idx.msk [tilespmem:v1+s23+$0x0], $0xffff;
	_ =	sdelay $0x4  }
0x2b8: {  	[tilespmem:s29+$0x12AB0] =	vst v1;
	v1 =	vld [tilespmem:s29+$0x50];
	_ =	sdelay $0x1  }
0x2b9: {  	v0 =	vld.idx.msk [tilespmem:v0+s23+$0x0], $0xffff;
	_ =	sdelay $0x4  }
0x2ba: {  	v2 =	vld [tilespmem:s29+$0x60];
	[tilespmem:s29+$0x12AC0] =	vst v0  }
0x2bb: {  	v0 =	vld.idx.msk [tilespmem:v1+s23+$0x0], $0xffff;
	_ =	sdelay $0x4  }
0x2bc: {  	[tilespmem:s29+$0x12AD0] =	vst v0;
	v0 =	vld [tilespmem:s29+$0x70];
	_ =	sdelay $0x1  }
0x2bd: {  	v1 =	vld.idx.msk [tilespmem:v2+s23+$0x0], $0xffff;
	_ =	sdelay $0x3  }
0x2be: {  	s30 =	simm.s32 $0x400;
	s26 =	simm.s32 $0x80  }
.LBB2_18:
0x2bf: {  	p1 =	sne.s32 s30, $0xFE00;
	v2 =	vld [tilespmem:s26+$0x0];
	[tilespmem:s29+$0x12AE0] =	vst v1  }
0x2c0: {  	v0 =	vld.idx.msk [tilespmem:v0+s23+$0x0], $0xffff;
	_ =	sdelay $0x5  }
0x2c1: {  	v1 =	vld [tilespmem:s26+$0x10];
	[tilespmem:s29+$0x12AF0] =	vst v0;
	s29 =	smov.u32 s26  }
0x2c2: {  	v0 =	vld.idx.msk [tilespmem:v2+s23+$0x0], $0xffff;
	_ =	sdelay $0x5  }
0x2c3: {  	[tilespmem:s29+$0x12A80] =	vst v0;
	v0 =	vld [tilespmem:s29+$0x20]  }
0x2c4: {  	v1 =	vld.idx.msk [tilespmem:v1+s23+$0x0], $0xffff;
	_ =	sdelay $0x5  }
0x2c5: {  	[tilespmem:s29+$0x12A90] =	vst v1;
	v1 =	vld [tilespmem:s29+$0x30]  }
0x2c6: {  	v0 =	vld.idx.msk [tilespmem:v0+s23+$0x0], $0xffff;
	_ =	sdelay $0x5  }
0x2c7: {  	[tilespmem:s29+$0x12AA0] =	vst v0;
	v0 =	vld [tilespmem:s29+$0x40]  }
0x2c8: {  	v1 =	vld.idx.msk [tilespmem:v1+s23+$0x0], $0xffff;
	_ =	sdelay $0x5  }
0x2c9: {  	[tilespmem:s29+$0x12AB0] =	vst v1;
	v1 =	vld [tilespmem:s29+$0x50]  }
0x2ca: {  	v0 =	vld.idx.msk [tilespmem:v0+s23+$0x0], $0xffff;
	_ =	sdelay $0x5  }
0x2cb: {  	[tilespmem:s29+$0x12AC0] =	vst v0;
	v2 =	vld [tilespmem:s29+$0x60]  }
0x2cc: {  	v0 =	vld.idx.msk [tilespmem:v1+s23+$0x0], $0xffff;
	_ =	sdelay $0x5  }
0x2cd: {  	[tilespmem:s29+$0x12AD0] =	vst v0;
	v0 =	vld [tilespmem:s29+$0x70]  }
0x2ce: {  	v1 =	vld.idx.msk [tilespmem:v2+s23+$0x0], $0xffff  }
.Ltmp10:
0x2cf: {  	(pc) =	sbr.rel @p1 .LBB2_18-.Ltmp10, $2  }
0x2d0: {  	_ =	sdelay $0x2  }
0x2d1: {  	s26 =	sshra.s32 s30, $0x2;
	s30 =	sadd.s32 $0x200, s30  }
0x2d2: {  	_ =	sdelay $0x1  }
0x2d3: {  	v2 =	vld [tilespmem:s26+$0x0]  }
0x2d4: {  	[tilespmem:s29+$0x12AE0] =	vst v1  }
0x2d5: {  	v0 =	vld.idx.msk [tilespmem:v0+s23+$0x0], $0xffff;
	_ =	sdelay $0x3  }
0x2d6: {  	v1 =	vld [tilespmem:s26+$0x10]  }
0x2d7: {  	[tilespmem:s29+$0x12AF0] =	vst v0  }
0x2d8: {  	v0 =	vld.idx.msk [tilespmem:v2+s23+$0x0], $0xffff;
	_ =	sdelay $0x4  }
0x2d9: {  	[tilespmem:s26+$0x12A80] =	vst v0;
	v0 =	vld [tilespmem:s26+$0x20]  }
0x2da: {  	v1 =	vld.idx.msk [tilespmem:v1+s23+$0x0], $0xffff;
	_ =	sdelay $0x4  }
0x2db: {  	[tilespmem:s26+$0x12A90] =	vst v1;
	v1 =	vld [tilespmem:s26+$0x30];
	_ =	sdelay $0x1  }
0x2dc: {  	v0 =	vld.idx.msk [tilespmem:v0+s23+$0x0], $0xffff;
	_ =	sdelay $0x4  }
0x2dd: {  	[tilespmem:s26+$0x12AA0] =	vst v0;
	v0 =	vld [tilespmem:s26+$0x40]  }
0x2de: {  	v1 =	vld.idx.msk [tilespmem:v1+s23+$0x0], $0xffff;
	_ =	sdelay $0x4  }
0x2df: {  	[tilespmem:s26+$0x12AB0] =	vst v1;
	v1 =	vld [tilespmem:s26+$0x50];
	_ =	sdelay $0x1  }
0x2e0: {  	v0 =	vld.idx.msk [tilespmem:v0+s23+$0x0], $0xffff;
	_ =	sdelay $0x4  }
0x2e1: {  	[tilespmem:s26+$0x12AC0] =	vst v0;
	v0 =	vld [tilespmem:s26+$0x60]  }
0x2e2: {  	v1 =	vld.idx.msk [tilespmem:v1+s23+$0x0], $0xffff;
	_ =	sdelay $0x4  }
0x2e3: {  	[tilespmem:s26+$0x12AD0] =	vst v1;
	v1 =	vld [tilespmem:s26+$0x70];
	_ =	sdelay $0x1  }
0x2e4: {  	v0 =	vld.idx.msk [tilespmem:v0+s23+$0x0], $0xffff;
	_ =	sdelay $0x4  }
0x2e5: {  	[tilespmem:s26+$0x12AE0] =	vst v0  }
0x2e6: {  	v0 =	vld.idx.msk [tilespmem:v1+s23+$0x0], $0xffff;
	_ =	sdelay $0x4  }
0x2e7: {  	[tilespmem:s26+$0x12AF0] =	vst v0;
	s26 =	simm.s32 $0x0  }
0x2e8: {  	[hbm4b:s3+s26] =	stream.linear.scatter [tilespmem:s24], [sflag:$0x1], $0x4000, $0x38;
	[tilespmem:$0x16A80] =	vst v63  }
0x2e9: {  	_ =	swait.ge [sflag:s20], $0x4000  }
0x2ea: {  	[sflag:s20] =	ssyncset.done $0x0  }
0x2eb: {  	s26 =	rddreg [dreg:$0xd];
	[sflag:s20] =	ssyncadd.s32 $0xFFFFC000  }
0x2ec: {  	[tilespmem:s23], [sflag:$0x1] =	stream.strided.gather [hbm4b:s26+s21], $0xEA80, s22, s21, $0x38;
	[tilespmem:$0x16A80] =	vst v63  }
0x2ed: {  	_ =	swait.ge [sflag:s20], $0xEA80  }
0x2ee: {  	[sflag:s20] =	ssyncset.done $0x0  }
0x2ef: {  	s29 =	simm.s32 $0x0;
	[sflag:s20] =	ssyncadd.s32 $0xFFFF1580  }
0x2f0: {  	v0 =	vld [tilespmem:s29+$0x0];
	_ =	sdelay $0x5  }
0x2f1: {  	v1 =	vld [tilespmem:s29+$0x10];
	_ =	sdelay $0x1  }
0x2f2: {  	v0 =	vld.idx.msk [tilespmem:v0+s23+$0x0], $0xffff;
	_ =	sdelay $0x4  }
0x2f3: {  	[tilespmem:s29+$0x12A80] =	vst v0;
	v0 =	vld [tilespmem:s29+$0x20]  }
0x2f4: {  	v1 =	vld.idx.msk [tilespmem:v1+s23+$0x0], $0xffff;
	_ =	sdelay $0x4  }
0x2f5: {  	[tilespmem:s29+$0x12A90] =	vst v1;
	v1 =	vld [tilespmem:s29+$0x30];
	_ =	sdelay $0x1  }
0x2f6: {  	v0 =	vld.idx.msk [tilespmem:v0+s23+$0x0], $0xffff;
	_ =	sdelay $0x4  }
0x2f7: {  	[tilespmem:s29+$0x12AA0] =	vst v0;
	v0 =	vld [tilespmem:s29+$0x40]  }
0x2f8: {  	v1 =	vld.idx.msk [tilespmem:v1+s23+$0x0], $0xffff;
	_ =	sdelay $0x4  }
0x2f9: {  	[tilespmem:s29+$0x12AB0] =	vst v1;
	v1 =	vld [tilespmem:s29+$0x50];
	_ =	sdelay $0x1  }
0x2fa: {  	v0 =	vld.idx.msk [tilespmem:v0+s23+$0x0], $0xffff;
	_ =	sdelay $0x4  }
0x2fb: {  	v2 =	vld [tilespmem:s29+$0x60];
	[tilespmem:s29+$0x12AC0] =	vst v0  }
0x2fc: {  	v0 =	vld.idx.msk [tilespmem:v1+s23+$0x0], $0xffff;
	_ =	sdelay $0x4  }
0x2fd: {  	[tilespmem:s29+$0x12AD0] =	vst v0;
	v0 =	vld [tilespmem:s29+$0x70];
	_ =	sdelay $0x1  }
0x2fe: {  	v1 =	vld.idx.msk [tilespmem:v2+s23+$0x0], $0xffff;
	_ =	sdelay $0x3  }
0x2ff: {  	s30 =	simm.s32 $0x400;
	s26 =	simm.s32 $0x80  }
.LBB2_20:
0x300: {  	p1 =	sne.s32 s30, $0xFE00;
	v2 =	vld [tilespmem:s26+$0x0];
	[tilespmem:s29+$0x12AE0] =	vst v1  }
0x301: {  	v0 =	vld.idx.msk [tilespmem:v0+s23+$0x0], $0xffff;
	_ =	sdelay $0x5  }
0x302: {  	v1 =	vld [tilespmem:s26+$0x10];
	[tilespmem:s29+$0x12AF0] =	vst v0;
	s29 =	smov.u32 s26  }
0x303: {  	v0 =	vld.idx.msk [tilespmem:v2+s23+$0x0], $0xffff;
	_ =	sdelay $0x5  }
0x304: {  	[tilespmem:s29+$0x12A80] =	vst v0;
	v0 =	vld [tilespmem:s29+$0x20]  }
0x305: {  	v1 =	vld.idx.msk [tilespmem:v1+s23+$0x0], $0xffff;
	_ =	sdelay $0x5  }
0x306: {  	[tilespmem:s29+$0x12A90] =	vst v1;
	v1 =	vld [tilespmem:s29+$0x30]  }
0x307: {  	v0 =	vld.idx.msk [tilespmem:v0+s23+$0x0], $0xffff;
	_ =	sdelay $0x5  }
0x308: {  	[tilespmem:s29+$0x12AA0] =	vst v0;
	v0 =	vld [tilespmem:s29+$0x40]  }
0x309: {  	v1 =	vld.idx.msk [tilespmem:v1+s23+$0x0], $0xffff;
	_ =	sdelay $0x5  }
0x30a: {  	[tilespmem:s29+$0x12AB0] =	vst v1;
	v1 =	vld [tilespmem:s29+$0x50]  }
0x30b: {  	v0 =	vld.idx.msk [tilespmem:v0+s23+$0x0], $0xffff;
	_ =	sdelay $0x5  }
0x30c: {  	[tilespmem:s29+$0x12AC0] =	vst v0;
	v2 =	vld [tilespmem:s29+$0x60]  }
0x30d: {  	v0 =	vld.idx.msk [tilespmem:v1+s23+$0x0], $0xffff;
	_ =	sdelay $0x5  }
0x30e: {  	[tilespmem:s29+$0x12AD0] =	vst v0;
	v0 =	vld [tilespmem:s29+$0x70]  }
0x30f: {  	v1 =	vld.idx.msk [tilespmem:v2+s23+$0x0], $0xffff  }
.Ltmp11:
0x310: {  	(pc) =	sbr.rel @p1 .LBB2_20-.Ltmp11, $2  }
0x311: {  	_ =	sdelay $0x2  }
0x312: {  	s26 =	sshra.s32 s30, $0x2;
	s30 =	sadd.s32 $0x200, s30  }
0x313: {  	_ =	sdelay $0x1  }
0x314: {  	v2 =	vld [tilespmem:s26+$0x0]  }
0x315: {  	[tilespmem:s29+$0x12AE0] =	vst v1  }
0x316: {  	v0 =	vld.idx.msk [tilespmem:v0+s23+$0x0], $0xffff;
	_ =	sdelay $0x3  }
0x317: {  	v1 =	vld [tilespmem:s26+$0x10]  }
0x318: {  	[tilespmem:s29+$0x12AF0] =	vst v0  }
0x319: {  	v0 =	vld.idx.msk [tilespmem:v2+s23+$0x0], $0xffff;
	_ =	sdelay $0x4  }
0x31a: {  	[tilespmem:s26+$0x12A80] =	vst v0;
	v0 =	vld [tilespmem:s26+$0x20]  }
0x31b: {  	v1 =	vld.idx.msk [tilespmem:v1+s23+$0x0], $0xffff;
	_ =	sdelay $0x4  }
0x31c: {  	[tilespmem:s26+$0x12A90] =	vst v1;
	v1 =	vld [tilespmem:s26+$0x30];
	_ =	sdelay $0x1  }
0x31d: {  	v0 =	vld.idx.msk [tilespmem:v0+s23+$0x0], $0xffff;
	_ =	sdelay $0x4  }
0x31e: {  	[tilespmem:s26+$0x12AA0] =	vst v0;
	v0 =	vld [tilespmem:s26+$0x40]  }
0x31f: {  	v1 =	vld.idx.msk [tilespmem:v1+s23+$0x0], $0xffff;
	_ =	sdelay $0x4  }
0x320: {  	[tilespmem:s26+$0x12AB0] =	vst v1;
	v1 =	vld [tilespmem:s26+$0x50];
	_ =	sdelay $0x1  }
0x321: {  	v0 =	vld.idx.msk [tilespmem:v0+s23+$0x0], $0xffff;
	_ =	sdelay $0x4  }
0x322: {  	[tilespmem:s26+$0x12AC0] =	vst v0;
	v0 =	vld [tilespmem:s26+$0x60]  }
0x323: {  	v1 =	vld.idx.msk [tilespmem:v1+s23+$0x0], $0xffff;
	_ =	sdelay $0x4  }
0x324: {  	[tilespmem:s26+$0x12AD0] =	vst v1;
	v1 =	vld [tilespmem:s26+$0x70];
	_ =	sdelay $0x1  }
0x325: {  	v0 =	vld.idx.msk [tilespmem:v0+s23+$0x0], $0xffff;
	_ =	sdelay $0x4  }
0x326: {  	[tilespmem:s26+$0x12AE0] =	vst v0  }
0x327: {  	v0 =	vld.idx.msk [tilespmem:v1+s23+$0x0], $0xffff;
	_ =	sdelay $0x4  }
0x328: {  	[tilespmem:s26+$0x12AF0] =	vst v0;
	s26 =	simm.s32 $0x0  }
0x329: {  	[hbm4b:s4+s26] =	stream.linear.scatter [tilespmem:s24], [sflag:$0x1], $0x4000, $0x38;
	[tilespmem:$0x16A80] =	vst v63  }
0x32a: {  	_ =	swait.ge [sflag:s20], $0x4000  }
0x32b: {  	[sflag:s20] =	ssyncset.done $0x0  }
0x32c: {  	s26 =	rddreg [dreg:$0xe];
	[sflag:s20] =	ssyncadd.s32 $0xFFFFC000  }
0x32d: {  	[tilespmem:s23], [sflag:$0x1] =	stream.strided.gather [hbm4b:s26+s21], $0xEA80, s22, s21, $0x38;
	[tilespmem:$0x16A80] =	vst v63  }
0x32e: {  	_ =	swait.ge [sflag:s20], $0xEA80  }
0x32f: {  	[sflag:s20] =	ssyncset.done $0x0  }
0x330: {  	s29 =	simm.s32 $0x0;
	[sflag:s20] =	ssyncadd.s32 $0xFFFF1580  }
0x331: {  	v0 =	vld [tilespmem:s29+$0x0];
	_ =	sdelay $0x5  }
0x332: {  	v1 =	vld [tilespmem:s29+$0x10];
	_ =	sdelay $0x1  }
0x333: {  	v0 =	vld.idx.msk [tilespmem:v0+s23+$0x0], $0xffff;
	_ =	sdelay $0x4  }
0x334: {  	[tilespmem:s29+$0x12A80] =	vst v0;
	v0 =	vld [tilespmem:s29+$0x20]  }
0x335: {  	v1 =	vld.idx.msk [tilespmem:v1+s23+$0x0], $0xffff;
	_ =	sdelay $0x4  }
0x336: {  	[tilespmem:s29+$0x12A90] =	vst v1;
	v1 =	vld [tilespmem:s29+$0x30];
	_ =	sdelay $0x1  }
0x337: {  	v0 =	vld.idx.msk [tilespmem:v0+s23+$0x0], $0xffff;
	_ =	sdelay $0x4  }
0x338: {  	[tilespmem:s29+$0x12AA0] =	vst v0;
	v0 =	vld [tilespmem:s29+$0x40]  }
0x339: {  	v1 =	vld.idx.msk [tilespmem:v1+s23+$0x0], $0xffff;
	_ =	sdelay $0x4  }
0x33a: {  	[tilespmem:s29+$0x12AB0] =	vst v1;
	v1 =	vld [tilespmem:s29+$0x50];
	_ =	sdelay $0x1  }
0x33b: {  	v0 =	vld.idx.msk [tilespmem:v0+s23+$0x0], $0xffff;
	_ =	sdelay $0x4  }
0x33c: {  	v2 =	vld [tilespmem:s29+$0x60];
	[tilespmem:s29+$0x12AC0] =	vst v0  }
0x33d: {  	v0 =	vld.idx.msk [tilespmem:v1+s23+$0x0], $0xffff;
	_ =	sdelay $0x4  }
0x33e: {  	[tilespmem:s29+$0x12AD0] =	vst v0;
	v0 =	vld [tilespmem:s29+$0x70];
	_ =	sdelay $0x1  }
0x33f: {  	v1 =	vld.idx.msk [tilespmem:v2+s23+$0x0], $0xffff;
	_ =	sdelay $0x3  }
0x340: {  	s30 =	simm.s32 $0x400;
	s26 =	simm.s32 $0x80  }
.LBB2_22:
0x341: {  	p1 =	sne.s32 s30, $0xFE00;
	v2 =	vld [tilespmem:s26+$0x0];
	[tilespmem:s29+$0x12AE0] =	vst v1  }
0x342: {  	v0 =	vld.idx.msk [tilespmem:v0+s23+$0x0], $0xffff;
	_ =	sdelay $0x5  }
0x343: {  	v1 =	vld [tilespmem:s26+$0x10];
	[tilespmem:s29+$0x12AF0] =	vst v0;
	s29 =	smov.u32 s26  }
0x344: {  	v0 =	vld.idx.msk [tilespmem:v2+s23+$0x0], $0xffff;
	_ =	sdelay $0x5  }
0x345: {  	[tilespmem:s29+$0x12A80] =	vst v0;
	v0 =	vld [tilespmem:s29+$0x20]  }
0x346: {  	v1 =	vld.idx.msk [tilespmem:v1+s23+$0x0], $0xffff;
	_ =	sdelay $0x5  }
0x347: {  	[tilespmem:s29+$0x12A90] =	vst v1;
	v1 =	vld [tilespmem:s29+$0x30]  }
0x348: {  	v0 =	vld.idx.msk [tilespmem:v0+s23+$0x0], $0xffff;
	_ =	sdelay $0x5  }
0x349: {  	[tilespmem:s29+$0x12AA0] =	vst v0;
	v0 =	vld [tilespmem:s29+$0x40]  }
0x34a: {  	v1 =	vld.idx.msk [tilespmem:v1+s23+$0x0], $0xffff;
	_ =	sdelay $0x5  }
0x34b: {  	[tilespmem:s29+$0x12AB0] =	vst v1;
	v1 =	vld [tilespmem:s29+$0x50]  }
0x34c: {  	v0 =	vld.idx.msk [tilespmem:v0+s23+$0x0], $0xffff;
	_ =	sdelay $0x5  }
0x34d: {  	[tilespmem:s29+$0x12AC0] =	vst v0;
	v2 =	vld [tilespmem:s29+$0x60]  }
0x34e: {  	v0 =	vld.idx.msk [tilespmem:v1+s23+$0x0], $0xffff;
	_ =	sdelay $0x5  }
0x34f: {  	[tilespmem:s29+$0x12AD0] =	vst v0;
	v0 =	vld [tilespmem:s29+$0x70]  }
0x350: {  	v1 =	vld.idx.msk [tilespmem:v2+s23+$0x0], $0xffff  }
.Ltmp12:
0x351: {  	(pc) =	sbr.rel @p1 .LBB2_22-.Ltmp12, $2  }
0x352: {  	_ =	sdelay $0x2  }
0x353: {  	s26 =	sshra.s32 s30, $0x2;
	s30 =	sadd.s32 $0x200, s30  }
0x354: {  	_ =	sdelay $0x1  }
0x355: {  	v2 =	vld [tilespmem:s26+$0x0]  }
0x356: {  	[tilespmem:s29+$0x12AE0] =	vst v1  }
0x357: {  	v0 =	vld.idx.msk [tilespmem:v0+s23+$0x0], $0xffff;
	_ =	sdelay $0x3  }
0x358: {  	v1 =	vld [tilespmem:s26+$0x10]  }
0x359: {  	[tilespmem:s29+$0x12AF0] =	vst v0  }
0x35a: {  	v0 =	vld.idx.msk [tilespmem:v2+s23+$0x0], $0xffff;
	_ =	sdelay $0x4  }
0x35b: {  	[tilespmem:s26+$0x12A80] =	vst v0;
	v0 =	vld [tilespmem:s26+$0x20]  }
0x35c: {  	v1 =	vld.idx.msk [tilespmem:v1+s23+$0x0], $0xffff;
	_ =	sdelay $0x4  }
0x35d: {  	[tilespmem:s26+$0x12A90] =	vst v1;
	v1 =	vld [tilespmem:s26+$0x30];
	_ =	sdelay $0x1  }
0x35e: {  	v0 =	vld.idx.msk [tilespmem:v0+s23+$0x0], $0xffff;
	_ =	sdelay $0x4  }
0x35f: {  	[tilespmem:s26+$0x12AA0] =	vst v0;
	v0 =	vld [tilespmem:s26+$0x40]  }
0x360: {  	v1 =	vld.idx.msk [tilespmem:v1+s23+$0x0], $0xffff;
	_ =	sdelay $0x4  }
0x361: {  	[tilespmem:s26+$0x12AB0] =	vst v1;
	v1 =	vld [tilespmem:s26+$0x50];
	_ =	sdelay $0x1  }
0x362: {  	v0 =	vld.idx.msk [tilespmem:v0+s23+$0x0], $0xffff;
	_ =	sdelay $0x4  }
0x363: {  	[tilespmem:s26+$0x12AC0] =	vst v0;
	v0 =	vld [tilespmem:s26+$0x60]  }
0x364: {  	v1 =	vld.idx.msk [tilespmem:v1+s23+$0x0], $0xffff;
	_ =	sdelay $0x4  }
0x365: {  	[tilespmem:s26+$0x12AD0] =	vst v1;
	v1 =	vld [tilespmem:s26+$0x70];
	_ =	sdelay $0x1  }
0x366: {  	v0 =	vld.idx.msk [tilespmem:v0+s23+$0x0], $0xffff;
	_ =	sdelay $0x4  }
0x367: {  	[tilespmem:s26+$0x12AE0] =	vst v0  }
0x368: {  	v0 =	vld.idx.msk [tilespmem:v1+s23+$0x0], $0xffff;
	_ =	sdelay $0x4  }
0x369: {  	[tilespmem:s26+$0x12AF0] =	vst v0;
	s26 =	simm.s32 $0x0  }
0x36a: {  	[hbm4b:s5+s26] =	stream.linear.scatter [tilespmem:s24], [sflag:$0x1], $0x4000, $0x38;
	[tilespmem:$0x16A80] =	vst v63  }
0x36b: {  	_ =	swait.ge [sflag:s20], $0x4000  }
0x36c: {  	[sflag:s20] =	ssyncset.done $0x0  }
0x36d: {  	s26 =	rddreg [dreg:$0xf];
	[sflag:s20] =	ssyncadd.s32 $0xFFFFC000  }
0x36e: {  	[tilespmem:s23], [sflag:$0x1] =	stream.strided.gather [hbm4b:s26+s21], $0xEA80, s22, s21, $0x38;
	[tilespmem:$0x16A80] =	vst v63  }
0x36f: {  	_ =	swait.ge [sflag:s20], $0xEA80  }
0x370: {  	[sflag:s20] =	ssyncset.done $0x0  }
0x371: {  	s29 =	simm.s32 $0x0;
	[sflag:s20] =	ssyncadd.s32 $0xFFFF1580  }
0x372: {  	v0 =	vld [tilespmem:s29+$0x0];
	_ =	sdelay $0x5  }
0x373: {  	v1 =	vld [tilespmem:s29+$0x10];
	_ =	sdelay $0x1  }
0x374: {  	v0 =	vld.idx.msk [tilespmem:v0+s23+$0x0], $0xffff;
	_ =	sdelay $0x4  }
0x375: {  	[tilespmem:s29+$0x12A80] =	vst v0;
	v0 =	vld [tilespmem:s29+$0x20]  }
0x376: {  	v1 =	vld.idx.msk [tilespmem:v1+s23+$0x0], $0xffff;
	_ =	sdelay $0x4  }
0x377: {  	[tilespmem:s29+$0x12A90] =	vst v1;
	v1 =	vld [tilespmem:s29+$0x30];
	_ =	sdelay $0x1  }
0x378: {  	v0 =	vld.idx.msk [tilespmem:v0+s23+$0x0], $0xffff;
	_ =	sdelay $0x4  }
0x379: {  	[tilespmem:s29+$0x12AA0] =	vst v0;
	v0 =	vld [tilespmem:s29+$0x40]  }
0x37a: {  	v1 =	vld.idx.msk [tilespmem:v1+s23+$0x0], $0xffff;
	_ =	sdelay $0x4  }
0x37b: {  	[tilespmem:s29+$0x12AB0] =	vst v1;
	v1 =	vld [tilespmem:s29+$0x50];
	_ =	sdelay $0x1  }
0x37c: {  	v0 =	vld.idx.msk [tilespmem:v0+s23+$0x0], $0xffff;
	_ =	sdelay $0x4  }
0x37d: {  	v2 =	vld [tilespmem:s29+$0x60];
	[tilespmem:s29+$0x12AC0] =	vst v0  }
0x37e: {  	v0 =	vld.idx.msk [tilespmem:v1+s23+$0x0], $0xffff;
	_ =	sdelay $0x4  }
0x37f: {  	[tilespmem:s29+$0x12AD0] =	vst v0;
	v0 =	vld [tilespmem:s29+$0x70];
	_ =	sdelay $0x1  }
0x380: {  	v1 =	vld.idx.msk [tilespmem:v2+s23+$0x0], $0xffff;
	_ =	sdelay $0x3  }
0x381: {  	s30 =	simm.s32 $0x400;
	s26 =	simm.s32 $0x80  }
.LBB2_24:
0x382: {  	p1 =	sne.s32 s30, $0xFE00;
	v2 =	vld [tilespmem:s26+$0x0];
	[tilespmem:s29+$0x12AE0] =	vst v1  }
0x383: {  	v0 =	vld.idx.msk [tilespmem:v0+s23+$0x0], $0xffff;
	_ =	sdelay $0x5  }
0x384: {  	v1 =	vld [tilespmem:s26+$0x10];
	[tilespmem:s29+$0x12AF0] =	vst v0;
	s29 =	smov.u32 s26  }
0x385: {  	v0 =	vld.idx.msk [tilespmem:v2+s23+$0x0], $0xffff;
	_ =	sdelay $0x5  }
0x386: {  	[tilespmem:s29+$0x12A80] =	vst v0;
	v0 =	vld [tilespmem:s29+$0x20]  }
0x387: {  	v1 =	vld.idx.msk [tilespmem:v1+s23+$0x0], $0xffff;
	_ =	sdelay $0x5  }
0x388: {  	[tilespmem:s29+$0x12A90] =	vst v1;
	v1 =	vld [tilespmem:s29+$0x30]  }
0x389: {  	v0 =	vld.idx.msk [tilespmem:v0+s23+$0x0], $0xffff;
	_ =	sdelay $0x5  }
0x38a: {  	[tilespmem:s29+$0x12AA0] =	vst v0;
	v0 =	vld [tilespmem:s29+$0x40]  }
0x38b: {  	v1 =	vld.idx.msk [tilespmem:v1+s23+$0x0], $0xffff;
	_ =	sdelay $0x5  }
0x38c: {  	[tilespmem:s29+$0x12AB0] =	vst v1;
	v1 =	vld [tilespmem:s29+$0x50]  }
0x38d: {  	v0 =	vld.idx.msk [tilespmem:v0+s23+$0x0], $0xffff;
	_ =	sdelay $0x5  }
0x38e: {  	[tilespmem:s29+$0x12AC0] =	vst v0;
	v2 =	vld [tilespmem:s29+$0x60]  }
0x38f: {  	v0 =	vld.idx.msk [tilespmem:v1+s23+$0x0], $0xffff;
	_ =	sdelay $0x5  }
0x390: {  	[tilespmem:s29+$0x12AD0] =	vst v0;
	v0 =	vld [tilespmem:s29+$0x70]  }
0x391: {  	v1 =	vld.idx.msk [tilespmem:v2+s23+$0x0], $0xffff  }
.Ltmp13:
0x392: {  	(pc) =	sbr.rel @p1 .LBB2_24-.Ltmp13, $2  }
0x393: {  	_ =	sdelay $0x2  }
0x394: {  	s26 =	sshra.s32 s30, $0x2;
	s30 =	sadd.s32 $0x200, s30  }
0x395: {  	_ =	sdelay $0x1  }
0x396: {  	v2 =	vld [tilespmem:s26+$0x0]  }
0x397: {  	[tilespmem:s29+$0x12AE0] =	vst v1  }
0x398: {  	v0 =	vld.idx.msk [tilespmem:v0+s23+$0x0], $0xffff;
	_ =	sdelay $0x3  }
0x399: {  	v1 =	vld [tilespmem:s26+$0x10]  }
0x39a: {  	[tilespmem:s29+$0x12AF0] =	vst v0  }
0x39b: {  	v0 =	vld.idx.msk [tilespmem:v2+s23+$0x0], $0xffff;
	_ =	sdelay $0x4  }
0x39c: {  	[tilespmem:s26+$0x12A80] =	vst v0;
	v0 =	vld [tilespmem:s26+$0x20]  }
0x39d: {  	v1 =	vld.idx.msk [tilespmem:v1+s23+$0x0], $0xffff;
	_ =	sdelay $0x4  }
0x39e: {  	[tilespmem:s26+$0x12A90] =	vst v1;
	v1 =	vld [tilespmem:s26+$0x30];
	_ =	sdelay $0x1  }
0x39f: {  	v0 =	vld.idx.msk [tilespmem:v0+s23+$0x0], $0xffff;
	_ =	sdelay $0x4  }
0x3a0: {  	[tilespmem:s26+$0x12AA0] =	vst v0;
	v0 =	vld [tilespmem:s26+$0x40]  }
0x3a1: {  	v1 =	vld.idx.msk [tilespmem:v1+s23+$0x0], $0xffff;
	_ =	sdelay $0x4  }
0x3a2: {  	[tilespmem:s26+$0x12AB0] =	vst v1;
	v1 =	vld [tilespmem:s26+$0x50];
	_ =	sdelay $0x1  }
0x3a3: {  	v0 =	vld.idx.msk [tilespmem:v0+s23+$0x0], $0xffff;
	_ =	sdelay $0x4  }
0x3a4: {  	[tilespmem:s26+$0x12AC0] =	vst v0;
	v0 =	vld [tilespmem:s26+$0x60]  }
0x3a5: {  	v1 =	vld.idx.msk [tilespmem:v1+s23+$0x0], $0xffff;
	_ =	sdelay $0x4  }
0x3a6: {  	[tilespmem:s26+$0x12AD0] =	vst v1;
	v1 =	vld [tilespmem:s26+$0x70];
	_ =	sdelay $0x1  }
0x3a7: {  	v0 =	vld.idx.msk [tilespmem:v0+s23+$0x0], $0xffff;
	_ =	sdelay $0x4  }
0x3a8: {  	[tilespmem:s26+$0x12AE0] =	vst v0  }
0x3a9: {  	v0 =	vld.idx.msk [tilespmem:v1+s23+$0x0], $0xffff;
	_ =	sdelay $0x4  }
0x3aa: {  	[tilespmem:s26+$0x12AF0] =	vst v0;
	s26 =	simm.s32 $0x0  }
0x3ab: {  	[hbm4b:s6+s26] =	stream.linear.scatter [tilespmem:s24], [sflag:$0x1], $0x4000, $0x38;
	[tilespmem:$0x16A80] =	vst v63  }
0x3ac: {  	_ =	swait.ge [sflag:s20], $0x4000  }
0x3ad: {  	[sflag:s20] =	ssyncset.done $0x0  }
0x3ae: {  	s26 =	rddreg [dreg:$0x10];
	[sflag:s20] =	ssyncadd.s32 $0xFFFFC000  }
0x3af: {  	[tilespmem:s23], [sflag:$0x1] =	stream.strided.gather [hbm4b:s26+s21], $0xEA80, s22, s21, $0x38;
	[tilespmem:$0x16A80] =	vst v63  }
0x3b0: {  	_ =	swait.ge [sflag:s20], $0xEA80  }
0x3b1: {  	[sflag:s20] =	ssyncset.done $0x0  }
0x3b2: {  	s29 =	simm.s32 $0x0;
	[sflag:s20] =	ssyncadd.s32 $0xFFFF1580  }
0x3b3: {  	v0 =	vld [tilespmem:s29+$0x0];
	_ =	sdelay $0x5  }
0x3b4: {  	v1 =	vld [tilespmem:s29+$0x10];
	_ =	sdelay $0x1  }
0x3b5: {  	v0 =	vld.idx.msk [tilespmem:v0+s23+$0x0], $0xffff;
	_ =	sdelay $0x4  }
0x3b6: {  	[tilespmem:s29+$0x12A80] =	vst v0;
	v0 =	vld [tilespmem:s29+$0x20]  }
0x3b7: {  	v1 =	vld.idx.msk [tilespmem:v1+s23+$0x0], $0xffff;
	_ =	sdelay $0x4  }
0x3b8: {  	[tilespmem:s29+$0x12A90] =	vst v1;
	v1 =	vld [tilespmem:s29+$0x30];
	_ =	sdelay $0x1  }
0x3b9: {  	v0 =	vld.idx.msk [tilespmem:v0+s23+$0x0], $0xffff;
	_ =	sdelay $0x4  }
0x3ba: {  	[tilespmem:s29+$0x12AA0] =	vst v0;
	v0 =	vld [tilespmem:s29+$0x40]  }
0x3bb: {  	v1 =	vld.idx.msk [tilespmem:v1+s23+$0x0], $0xffff;
	_ =	sdelay $0x4  }
0x3bc: {  	[tilespmem:s29+$0x12AB0] =	vst v1;
	v1 =	vld [tilespmem:s29+$0x50];
	_ =	sdelay $0x1  }
0x3bd: {  	v0 =	vld.idx.msk [tilespmem:v0+s23+$0x0], $0xffff;
	_ =	sdelay $0x4  }
0x3be: {  	v2 =	vld [tilespmem:s29+$0x60];
	[tilespmem:s29+$0x12AC0] =	vst v0  }
0x3bf: {  	v0 =	vld.idx.msk [tilespmem:v1+s23+$0x0], $0xffff;
	_ =	sdelay $0x4  }
0x3c0: {  	[tilespmem:s29+$0x12AD0] =	vst v0;
	v0 =	vld [tilespmem:s29+$0x70];
	_ =	sdelay $0x1  }
0x3c1: {  	v1 =	vld.idx.msk [tilespmem:v2+s23+$0x0], $0xffff;
	_ =	sdelay $0x3  }
0x3c2: {  	s30 =	simm.s32 $0x400;
	s26 =	simm.s32 $0x80  }
.LBB2_26:
0x3c3: {  	p1 =	sne.s32 s30, $0xFE00;
	v2 =	vld [tilespmem:s26+$0x0];
	[tilespmem:s29+$0x12AE0] =	vst v1  }
0x3c4: {  	v0 =	vld.idx.msk [tilespmem:v0+s23+$0x0], $0xffff;
	_ =	sdelay $0x5  }
0x3c5: {  	v1 =	vld [tilespmem:s26+$0x10];
	[tilespmem:s29+$0x12AF0] =	vst v0;
	s29 =	smov.u32 s26  }
0x3c6: {  	v0 =	vld.idx.msk [tilespmem:v2+s23+$0x0], $0xffff;
	_ =	sdelay $0x5  }
0x3c7: {  	[tilespmem:s29+$0x12A80] =	vst v0;
	v0 =	vld [tilespmem:s29+$0x20]  }
0x3c8: {  	v1 =	vld.idx.msk [tilespmem:v1+s23+$0x0], $0xffff;
	_ =	sdelay $0x5  }
0x3c9: {  	[tilespmem:s29+$0x12A90] =	vst v1;
	v1 =	vld [tilespmem:s29+$0x30]  }
0x3ca: {  	v0 =	vld.idx.msk [tilespmem:v0+s23+$0x0], $0xffff;
	_ =	sdelay $0x5  }
0x3cb: {  	[tilespmem:s29+$0x12AA0] =	vst v0;
	v0 =	vld [tilespmem:s29+$0x40]  }
0x3cc: {  	v1 =	vld.idx.msk [tilespmem:v1+s23+$0x0], $0xffff;
	_ =	sdelay $0x5  }
0x3cd: {  	[tilespmem:s29+$0x12AB0] =	vst v1;
	v1 =	vld [tilespmem:s29+$0x50]  }
0x3ce: {  	v0 =	vld.idx.msk [tilespmem:v0+s23+$0x0], $0xffff;
	_ =	sdelay $0x5  }
0x3cf: {  	[tilespmem:s29+$0x12AC0] =	vst v0;
	v2 =	vld [tilespmem:s29+$0x60]  }
0x3d0: {  	v0 =	vld.idx.msk [tilespmem:v1+s23+$0x0], $0xffff;
	_ =	sdelay $0x5  }
0x3d1: {  	[tilespmem:s29+$0x12AD0] =	vst v0;
	v0 =	vld [tilespmem:s29+$0x70]  }
0x3d2: {  	v1 =	vld.idx.msk [tilespmem:v2+s23+$0x0], $0xffff  }
.Ltmp14:
0x3d3: {  	(pc) =	sbr.rel @p1 .LBB2_26-.Ltmp14, $2  }
0x3d4: {  	_ =	sdelay $0x2  }
0x3d5: {  	s26 =	sshra.s32 s30, $0x2;
	s30 =	sadd.s32 $0x200, s30  }
0x3d6: {  	_ =	sdelay $0x1  }
0x3d7: {  	v2 =	vld [tilespmem:s26+$0x0]  }
0x3d8: {  	[tilespmem:s29+$0x12AE0] =	vst v1  }
0x3d9: {  	v0 =	vld.idx.msk [tilespmem:v0+s23+$0x0], $0xffff;
	_ =	sdelay $0x3  }
0x3da: {  	v1 =	vld [tilespmem:s26+$0x10]  }
0x3db: {  	[tilespmem:s29+$0x12AF0] =	vst v0  }
0x3dc: {  	v0 =	vld.idx.msk [tilespmem:v2+s23+$0x0], $0xffff;
	_ =	sdelay $0x4  }
0x3dd: {  	[tilespmem:s26+$0x12A80] =	vst v0;
	v0 =	vld [tilespmem:s26+$0x20]  }
0x3de: {  	v1 =	vld.idx.msk [tilespmem:v1+s23+$0x0], $0xffff;
	_ =	sdelay $0x4  }
0x3df: {  	[tilespmem:s26+$0x12A90] =	vst v1;
	v1 =	vld [tilespmem:s26+$0x30];
	_ =	sdelay $0x1  }
0x3e0: {  	v0 =	vld.idx.msk [tilespmem:v0+s23+$0x0], $0xffff;
	_ =	sdelay $0x4  }
0x3e1: {  	[tilespmem:s26+$0x12AA0] =	vst v0;
	v0 =	vld [tilespmem:s26+$0x40]  }
0x3e2: {  	v1 =	vld.idx.msk [tilespmem:v1+s23+$0x0], $0xffff;
	_ =	sdelay $0x4  }
0x3e3: {  	[tilespmem:s26+$0x12AB0] =	vst v1;
	v1 =	vld [tilespmem:s26+$0x50];
	_ =	sdelay $0x1  }
0x3e4: {  	v0 =	vld.idx.msk [tilespmem:v0+s23+$0x0], $0xffff;
	_ =	sdelay $0x4  }
0x3e5: {  	[tilespmem:s26+$0x12AC0] =	vst v0;
	v0 =	vld [tilespmem:s26+$0x60]  }
0x3e6: {  	v1 =	vld.idx.msk [tilespmem:v1+s23+$0x0], $0xffff;
	_ =	sdelay $0x4  }
0x3e7: {  	[tilespmem:s26+$0x12AD0] =	vst v1;
	v1 =	vld [tilespmem:s26+$0x70];
	_ =	sdelay $0x1  }
0x3e8: {  	v0 =	vld.idx.msk [tilespmem:v0+s23+$0x0], $0xffff;
	_ =	sdelay $0x4  }
0x3e9: {  	[tilespmem:s26+$0x12AE0] =	vst v0  }
0x3ea: {  	v0 =	vld.idx.msk [tilespmem:v1+s23+$0x0], $0xffff;
	_ =	sdelay $0x4  }
0x3eb: {  	[tilespmem:s26+$0x12AF0] =	vst v0;
	s26 =	simm.s32 $0x0  }
0x3ec: {  	[hbm4b:s7+s26] =	stream.linear.scatter [tilespmem:s24], [sflag:$0x1], $0x4000, $0x38;
	[tilespmem:$0x16A80] =	vst v63  }
0x3ed: {  	_ =	swait.ge [sflag:s20], $0x4000  }
0x3ee: {  	[sflag:s20] =	ssyncset.done $0x0  }
0x3ef: {  	s26 =	rddreg [dreg:$0x11];
	[sflag:s20] =	ssyncadd.s32 $0xFFFFC000  }
0x3f0: {  	[tilespmem:s23], [sflag:$0x1] =	stream.strided.gather [hbm4b:s26+s21], $0xEA80, s22, s21, $0x38;
	[tilespmem:$0x16A80] =	vst v63  }
0x3f1: {  	_ =	swait.ge [sflag:s20], $0xEA80  }
0x3f2: {  	[sflag:s20] =	ssyncset.done $0x0  }
0x3f3: {  	s29 =	simm.s32 $0x0;
	[sflag:s20] =	ssyncadd.s32 $0xFFFF1580  }
0x3f4: {  	v0 =	vld [tilespmem:s29+$0x0];
	_ =	sdelay $0x5  }
0x3f5: {  	v1 =	vld [tilespmem:s29+$0x10];
	_ =	sdelay $0x1  }
0x3f6: {  	v0 =	vld.idx.msk [tilespmem:v0+s23+$0x0], $0xffff;
	_ =	sdelay $0x4  }
0x3f7: {  	[tilespmem:s29+$0x12A80] =	vst v0;
	v0 =	vld [tilespmem:s29+$0x20]  }
0x3f8: {  	v1 =	vld.idx.msk [tilespmem:v1+s23+$0x0], $0xffff;
	_ =	sdelay $0x4  }
0x3f9: {  	[tilespmem:s29+$0x12A90] =	vst v1;
	v1 =	vld [tilespmem:s29+$0x30];
	_ =	sdelay $0x1  }
0x3fa: {  	v0 =	vld.idx.msk [tilespmem:v0+s23+$0x0], $0xffff;
	_ =	sdelay $0x4  }
0x3fb: {  	[tilespmem:s29+$0x12AA0] =	vst v0;
	v0 =	vld [tilespmem:s29+$0x40]  }
0x3fc: {  	v1 =	vld.idx.msk [tilespmem:v1+s23+$0x0], $0xffff;
	_ =	sdelay $0x4  }
0x3fd: {  	[tilespmem:s29+$0x12AB0] =	vst v1;
	v1 =	vld [tilespmem:s29+$0x50];
	_ =	sdelay $0x1  }
0x3fe: {  	v0 =	vld.idx.msk [tilespmem:v0+s23+$0x0], $0xffff;
	_ =	sdelay $0x4  }
0x3ff: {  	v2 =	vld [tilespmem:s29+$0x60];
	[tilespmem:s29+$0x12AC0] =	vst v0  }
0x400: {  	v0 =	vld.idx.msk [tilespmem:v1+s23+$0x0], $0xffff;
	_ =	sdelay $0x4  }
0x401: {  	[tilespmem:s29+$0x12AD0] =	vst v0;
	v0 =	vld [tilespmem:s29+$0x70];
	_ =	sdelay $0x1  }
0x402: {  	v1 =	vld.idx.msk [tilespmem:v2+s23+$0x0], $0xffff;
	_ =	sdelay $0x3  }
0x403: {  	s30 =	simm.s32 $0x400;
	s26 =	simm.s32 $0x80  }
.LBB2_28:
0x404: {  	p1 =	sne.s32 s30, $0xFE00;
	v2 =	vld [tilespmem:s26+$0x0];
	[tilespmem:s29+$0x12AE0] =	vst v1  }
0x405: {  	v0 =	vld.idx.msk [tilespmem:v0+s23+$0x0], $0xffff;
	_ =	sdelay $0x5  }
0x406: {  	v1 =	vld [tilespmem:s26+$0x10];
	[tilespmem:s29+$0x12AF0] =	vst v0;
	s29 =	smov.u32 s26  }
0x407: {  	v0 =	vld.idx.msk [tilespmem:v2+s23+$0x0], $0xffff;
	_ =	sdelay $0x5  }
0x408: {  	[tilespmem:s29+$0x12A80] =	vst v0;
	v0 =	vld [tilespmem:s29+$0x20]  }
0x409: {  	v1 =	vld.idx.msk [tilespmem:v1+s23+$0x0], $0xffff;
	_ =	sdelay $0x5  }
0x40a: {  	[tilespmem:s29+$0x12A90] =	vst v1;
	v1 =	vld [tilespmem:s29+$0x30]  }
0x40b: {  	v0 =	vld.idx.msk [tilespmem:v0+s23+$0x0], $0xffff;
	_ =	sdelay $0x5  }
0x40c: {  	[tilespmem:s29+$0x12AA0] =	vst v0;
	v0 =	vld [tilespmem:s29+$0x40]  }
0x40d: {  	v1 =	vld.idx.msk [tilespmem:v1+s23+$0x0], $0xffff;
	_ =	sdelay $0x5  }
0x40e: {  	[tilespmem:s29+$0x12AB0] =	vst v1;
	v1 =	vld [tilespmem:s29+$0x50]  }
0x40f: {  	v0 =	vld.idx.msk [tilespmem:v0+s23+$0x0], $0xffff;
	_ =	sdelay $0x5  }
0x410: {  	[tilespmem:s29+$0x12AC0] =	vst v0;
	v2 =	vld [tilespmem:s29+$0x60]  }
0x411: {  	v0 =	vld.idx.msk [tilespmem:v1+s23+$0x0], $0xffff;
	_ =	sdelay $0x5  }
0x412: {  	[tilespmem:s29+$0x12AD0] =	vst v0;
	v0 =	vld [tilespmem:s29+$0x70]  }
0x413: {  	v1 =	vld.idx.msk [tilespmem:v2+s23+$0x0], $0xffff  }
.Ltmp15:
0x414: {  	(pc) =	sbr.rel @p1 .LBB2_28-.Ltmp15, $2  }
0x415: {  	_ =	sdelay $0x2  }
0x416: {  	s26 =	sshra.s32 s30, $0x2;
	s30 =	sadd.s32 $0x200, s30  }
0x417: {  	_ =	sdelay $0x1  }
0x418: {  	v2 =	vld [tilespmem:s26+$0x0]  }
0x419: {  	[tilespmem:s29+$0x12AE0] =	vst v1  }
0x41a: {  	v0 =	vld.idx.msk [tilespmem:v0+s23+$0x0], $0xffff;
	_ =	sdelay $0x3  }
0x41b: {  	v1 =	vld [tilespmem:s26+$0x10]  }
0x41c: {  	[tilespmem:s29+$0x12AF0] =	vst v0  }
0x41d: {  	v0 =	vld.idx.msk [tilespmem:v2+s23+$0x0], $0xffff;
	_ =	sdelay $0x4  }
0x41e: {  	[tilespmem:s26+$0x12A80] =	vst v0;
	v0 =	vld [tilespmem:s26+$0x20]  }
0x41f: {  	v1 =	vld.idx.msk [tilespmem:v1+s23+$0x0], $0xffff;
	_ =	sdelay $0x4  }
0x420: {  	[tilespmem:s26+$0x12A90] =	vst v1;
	v1 =	vld [tilespmem:s26+$0x30];
	_ =	sdelay $0x1  }
0x421: {  	v0 =	vld.idx.msk [tilespmem:v0+s23+$0x0], $0xffff;
	_ =	sdelay $0x4  }
0x422: {  	[tilespmem:s26+$0x12AA0] =	vst v0;
	v0 =	vld [tilespmem:s26+$0x40]  }
0x423: {  	v1 =	vld.idx.msk [tilespmem:v1+s23+$0x0], $0xffff;
	_ =	sdelay $0x4  }
0x424: {  	[tilespmem:s26+$0x12AB0] =	vst v1;
	v1 =	vld [tilespmem:s26+$0x50];
	_ =	sdelay $0x1  }
0x425: {  	v0 =	vld.idx.msk [tilespmem:v0+s23+$0x0], $0xffff;
	_ =	sdelay $0x4  }
0x426: {  	[tilespmem:s26+$0x12AC0] =	vst v0;
	v0 =	vld [tilespmem:s26+$0x60]  }
0x427: {  	v1 =	vld.idx.msk [tilespmem:v1+s23+$0x0], $0xffff;
	_ =	sdelay $0x4  }
0x428: {  	[tilespmem:s26+$0x12AD0] =	vst v1;
	v1 =	vld [tilespmem:s26+$0x70];
	_ =	sdelay $0x1  }
0x429: {  	v0 =	vld.idx.msk [tilespmem:v0+s23+$0x0], $0xffff;
	_ =	sdelay $0x4  }
0x42a: {  	[tilespmem:s26+$0x12AE0] =	vst v0  }
0x42b: {  	v0 =	vld.idx.msk [tilespmem:v1+s23+$0x0], $0xffff;
	_ =	sdelay $0x4  }
0x42c: {  	[tilespmem:s26+$0x12AF0] =	vst v0;
	s26 =	simm.s32 $0x0  }
0x42d: {  	[hbm4b:s8+s26] =	stream.linear.scatter [tilespmem:s24], [sflag:$0x1], $0x4000, $0x38;
	[tilespmem:$0x16A80] =	vst v63  }
0x42e: {  	_ =	swait.ge [sflag:s20], $0x4000  }
0x42f: {  	[sflag:s20] =	ssyncset.done $0x0  }
0x430: {  	s26 =	rddreg [dreg:$0x12];
	[sflag:s20] =	ssyncadd.s32 $0xFFFFC000  }
0x431: {  	[tilespmem:s23], [sflag:$0x1] =	stream.strided.gather [hbm4b:s26+s21], $0xEA80, s22, s21, $0x38;
	[tilespmem:$0x16A80] =	vst v63  }
0x432: {  	_ =	swait.ge [sflag:s20], $0xEA80  }
0x433: {  	[sflag:s20] =	ssyncset.done $0x0  }
0x434: {  	s29 =	simm.s32 $0x0;
	[sflag:s20] =	ssyncadd.s32 $0xFFFF1580  }
0x435: {  	v0 =	vld [tilespmem:s29+$0x0];
	_ =	sdelay $0x5  }
0x436: {  	v1 =	vld [tilespmem:s29+$0x10];
	_ =	sdelay $0x1  }
0x437: {  	v0 =	vld.idx.msk [tilespmem:v0+s23+$0x0], $0xffff;
	_ =	sdelay $0x4  }
0x438: {  	[tilespmem:s29+$0x12A80] =	vst v0;
	v0 =	vld [tilespmem:s29+$0x20]  }
0x439: {  	v1 =	vld.idx.msk [tilespmem:v1+s23+$0x0], $0xffff;
	_ =	sdelay $0x4  }
0x43a: {  	[tilespmem:s29+$0x12A90] =	vst v1;
	v1 =	vld [tilespmem:s29+$0x30];
	_ =	sdelay $0x1  }
0x43b: {  	v0 =	vld.idx.msk [tilespmem:v0+s23+$0x0], $0xffff;
	_ =	sdelay $0x4  }
0x43c: {  	[tilespmem:s29+$0x12AA0] =	vst v0;
	v0 =	vld [tilespmem:s29+$0x40]  }
0x43d: {  	v1 =	vld.idx.msk [tilespmem:v1+s23+$0x0], $0xffff;
	_ =	sdelay $0x4  }
0x43e: {  	[tilespmem:s29+$0x12AB0] =	vst v1;
	v1 =	vld [tilespmem:s29+$0x50];
	_ =	sdelay $0x1  }
0x43f: {  	v0 =	vld.idx.msk [tilespmem:v0+s23+$0x0], $0xffff;
	_ =	sdelay $0x4  }
0x440: {  	v2 =	vld [tilespmem:s29+$0x60];
	[tilespmem:s29+$0x12AC0] =	vst v0  }
0x441: {  	v0 =	vld.idx.msk [tilespmem:v1+s23+$0x0], $0xffff;
	_ =	sdelay $0x4  }
0x442: {  	[tilespmem:s29+$0x12AD0] =	vst v0;
	v0 =	vld [tilespmem:s29+$0x70];
	_ =	sdelay $0x1  }
0x443: {  	v1 =	vld.idx.msk [tilespmem:v2+s23+$0x0], $0xffff;
	_ =	sdelay $0x3  }
0x444: {  	s30 =	simm.s32 $0x400;
	s26 =	simm.s32 $0x80  }
.LBB2_30:
0x445: {  	p1 =	sne.s32 s30, $0xFE00;
	v2 =	vld [tilespmem:s26+$0x0];
	[tilespmem:s29+$0x12AE0] =	vst v1  }
0x446: {  	v0 =	vld.idx.msk [tilespmem:v0+s23+$0x0], $0xffff;
	_ =	sdelay $0x5  }
0x447: {  	v1 =	vld [tilespmem:s26+$0x10];
	[tilespmem:s29+$0x12AF0] =	vst v0;
	s29 =	smov.u32 s26  }
0x448: {  	v0 =	vld.idx.msk [tilespmem:v2+s23+$0x0], $0xffff;
	_ =	sdelay $0x5  }
0x449: {  	[tilespmem:s29+$0x12A80] =	vst v0;
	v0 =	vld [tilespmem:s29+$0x20]  }
0x44a: {  	v1 =	vld.idx.msk [tilespmem:v1+s23+$0x0], $0xffff;
	_ =	sdelay $0x5  }
0x44b: {  	[tilespmem:s29+$0x12A90] =	vst v1;
	v1 =	vld [tilespmem:s29+$0x30]  }
0x44c: {  	v0 =	vld.idx.msk [tilespmem:v0+s23+$0x0], $0xffff;
	_ =	sdelay $0x5  }
0x44d: {  	[tilespmem:s29+$0x12AA0] =	vst v0;
	v0 =	vld [tilespmem:s29+$0x40]  }
0x44e: {  	v1 =	vld.idx.msk [tilespmem:v1+s23+$0x0], $0xffff;
	_ =	sdelay $0x5  }
0x44f: {  	[tilespmem:s29+$0x12AB0] =	vst v1;
	v1 =	vld [tilespmem:s29+$0x50]  }
0x450: {  	v0 =	vld.idx.msk [tilespmem:v0+s23+$0x0], $0xffff;
	_ =	sdelay $0x5  }
0x451: {  	[tilespmem:s29+$0x12AC0] =	vst v0;
	v2 =	vld [tilespmem:s29+$0x60]  }
0x452: {  	v0 =	vld.idx.msk [tilespmem:v1+s23+$0x0], $0xffff;
	_ =	sdelay $0x5  }
0x453: {  	[tilespmem:s29+$0x12AD0] =	vst v0;
	v0 =	vld [tilespmem:s29+$0x70]  }
0x454: {  	v1 =	vld.idx.msk [tilespmem:v2+s23+$0x0], $0xffff  }
.Ltmp16:
0x455: {  	(pc) =	sbr.rel @p1 .LBB2_30-.Ltmp16, $2  }
0x456: {  	_ =	sdelay $0x2  }
0x457: {  	s26 =	sshra.s32 s30, $0x2;
	s30 =	sadd.s32 $0x200, s30  }
0x458: {  	_ =	sdelay $0x1  }
0x459: {  	v2 =	vld [tilespmem:s26+$0x0]  }
0x45a: {  	[tilespmem:s29+$0x12AE0] =	vst v1  }
0x45b: {  	v0 =	vld.idx.msk [tilespmem:v0+s23+$0x0], $0xffff;
	_ =	sdelay $0x3  }
0x45c: {  	v1 =	vld [tilespmem:s26+$0x10]  }
0x45d: {  	[tilespmem:s29+$0x12AF0] =	vst v0  }
0x45e: {  	v0 =	vld.idx.msk [tilespmem:v2+s23+$0x0], $0xffff;
	_ =	sdelay $0x4  }
0x45f: {  	[tilespmem:s26+$0x12A80] =	vst v0;
	v0 =	vld [tilespmem:s26+$0x20]  }
0x460: {  	v1 =	vld.idx.msk [tilespmem:v1+s23+$0x0], $0xffff;
	_ =	sdelay $0x4  }
0x461: {  	[tilespmem:s26+$0x12A90] =	vst v1;
	v1 =	vld [tilespmem:s26+$0x30];
	_ =	sdelay $0x1  }
0x462: {  	v0 =	vld.idx.msk [tilespmem:v0+s23+$0x0], $0xffff;
	_ =	sdelay $0x4  }
0x463: {  	[tilespmem:s26+$0x12AA0] =	vst v0;
	v0 =	vld [tilespmem:s26+$0x40]  }
0x464: {  	v1 =	vld.idx.msk [tilespmem:v1+s23+$0x0], $0xffff;
	_ =	sdelay $0x4  }
0x465: {  	[tilespmem:s26+$0x12AB0] =	vst v1;
	v1 =	vld [tilespmem:s26+$0x50];
	_ =	sdelay $0x1  }
0x466: {  	v0 =	vld.idx.msk [tilespmem:v0+s23+$0x0], $0xffff;
	_ =	sdelay $0x4  }
0x467: {  	[tilespmem:s26+$0x12AC0] =	vst v0;
	v0 =	vld [tilespmem:s26+$0x60]  }
0x468: {  	v1 =	vld.idx.msk [tilespmem:v1+s23+$0x0], $0xffff;
	_ =	sdelay $0x4  }
0x469: {  	[tilespmem:s26+$0x12AD0] =	vst v1;
	v1 =	vld [tilespmem:s26+$0x70];
	_ =	sdelay $0x1  }
0x46a: {  	v0 =	vld.idx.msk [tilespmem:v0+s23+$0x0], $0xffff;
	_ =	sdelay $0x4  }
0x46b: {  	[tilespmem:s26+$0x12AE0] =	vst v0  }
0x46c: {  	v0 =	vld.idx.msk [tilespmem:v1+s23+$0x0], $0xffff;
	_ =	sdelay $0x4  }
0x46d: {  	[tilespmem:s26+$0x12AF0] =	vst v0;
	s26 =	simm.s32 $0x0  }
0x46e: {  	[hbm4b:s9+s26] =	stream.linear.scatter [tilespmem:s24], [sflag:$0x1], $0x4000, $0x38;
	[tilespmem:$0x16A80] =	vst v63  }
0x46f: {  	_ =	swait.ge [sflag:s20], $0x4000  }
0x470: {  	[sflag:s20] =	ssyncset.done $0x0  }
0x471: {  	s26 =	rddreg [dreg:$0x13];
	[sflag:s20] =	ssyncadd.s32 $0xFFFFC000  }
0x472: {  	[tilespmem:s23], [sflag:$0x1] =	stream.strided.gather [hbm4b:s26+s21], $0xEA80, s22, s21, $0x38;
	[tilespmem:$0x16A80] =	vst v63  }
0x473: {  	_ =	swait.ge [sflag:s20], $0xEA80  }
0x474: {  	[sflag:s20] =	ssyncset.done $0x0  }
0x475: {  	s29 =	simm.s32 $0x0;
	[sflag:s20] =	ssyncadd.s32 $0xFFFF1580  }
0x476: {  	v0 =	vld [tilespmem:s29+$0x0];
	_ =	sdelay $0x5  }
0x477: {  	v1 =	vld [tilespmem:s29+$0x10];
	_ =	sdelay $0x1  }
0x478: {  	v0 =	vld.idx.msk [tilespmem:v0+s23+$0x0], $0xffff;
	_ =	sdelay $0x4  }
0x479: {  	[tilespmem:s29+$0x12A80] =	vst v0;
	v0 =	vld [tilespmem:s29+$0x20]  }
0x47a: {  	v1 =	vld.idx.msk [tilespmem:v1+s23+$0x0], $0xffff;
	_ =	sdelay $0x4  }
0x47b: {  	[tilespmem:s29+$0x12A90] =	vst v1;
	v1 =	vld [tilespmem:s29+$0x30];
	_ =	sdelay $0x1  }
0x47c: {  	v0 =	vld.idx.msk [tilespmem:v0+s23+$0x0], $0xffff;
	_ =	sdelay $0x4  }
0x47d: {  	[tilespmem:s29+$0x12AA0] =	vst v0;
	v0 =	vld [tilespmem:s29+$0x40]  }
0x47e: {  	v1 =	vld.idx.msk [tilespmem:v1+s23+$0x0], $0xffff;
	_ =	sdelay $0x4  }
0x47f: {  	[tilespmem:s29+$0x12AB0] =	vst v1;
	v1 =	vld [tilespmem:s29+$0x50];
	_ =	sdelay $0x1  }
0x480: {  	v0 =	vld.idx.msk [tilespmem:v0+s23+$0x0], $0xffff;
	_ =	sdelay $0x4  }
0x481: {  	v2 =	vld [tilespmem:s29+$0x60];
	[tilespmem:s29+$0x12AC0] =	vst v0  }
0x482: {  	v0 =	vld.idx.msk [tilespmem:v1+s23+$0x0], $0xffff;
	_ =	sdelay $0x4  }
0x483: {  	[tilespmem:s29+$0x12AD0] =	vst v0;
	v0 =	vld [tilespmem:s29+$0x70];
	_ =	sdelay $0x1  }
0x484: {  	v1 =	vld.idx.msk [tilespmem:v2+s23+$0x0], $0xffff;
	_ =	sdelay $0x3  }
0x485: {  	s30 =	simm.s32 $0x400;
	s26 =	simm.s32 $0x80  }
.LBB2_32:
0x486: {  	p1 =	sne.s32 s30, $0xFE00;
	v2 =	vld [tilespmem:s26+$0x0];
	[tilespmem:s29+$0x12AE0] =	vst v1  }
0x487: {  	v0 =	vld.idx.msk [tilespmem:v0+s23+$0x0], $0xffff;
	_ =	sdelay $0x5  }
0x488: {  	v1 =	vld [tilespmem:s26+$0x10];
	[tilespmem:s29+$0x12AF0] =	vst v0;
	s29 =	smov.u32 s26  }
0x489: {  	v0 =	vld.idx.msk [tilespmem:v2+s23+$0x0], $0xffff;
	_ =	sdelay $0x5  }
0x48a: {  	[tilespmem:s29+$0x12A80] =	vst v0;
	v0 =	vld [tilespmem:s29+$0x20]  }
0x48b: {  	v1 =	vld.idx.msk [tilespmem:v1+s23+$0x0], $0xffff;
	_ =	sdelay $0x5  }
0x48c: {  	[tilespmem:s29+$0x12A90] =	vst v1;
	v1 =	vld [tilespmem:s29+$0x30]  }
0x48d: {  	v0 =	vld.idx.msk [tilespmem:v0+s23+$0x0], $0xffff;
	_ =	sdelay $0x5  }
0x48e: {  	[tilespmem:s29+$0x12AA0] =	vst v0;
	v0 =	vld [tilespmem:s29+$0x40]  }
0x48f: {  	v1 =	vld.idx.msk [tilespmem:v1+s23+$0x0], $0xffff;
	_ =	sdelay $0x5  }
0x490: {  	[tilespmem:s29+$0x12AB0] =	vst v1;
	v1 =	vld [tilespmem:s29+$0x50]  }
0x491: {  	v0 =	vld.idx.msk [tilespmem:v0+s23+$0x0], $0xffff;
	_ =	sdelay $0x5  }
0x492: {  	[tilespmem:s29+$0x12AC0] =	vst v0;
	v2 =	vld [tilespmem:s29+$0x60]  }
0x493: {  	v0 =	vld.idx.msk [tilespmem:v1+s23+$0x0], $0xffff;
	_ =	sdelay $0x5  }
0x494: {  	[tilespmem:s29+$0x12AD0] =	vst v0;
	v0 =	vld [tilespmem:s29+$0x70]  }
0x495: {  	v1 =	vld.idx.msk [tilespmem:v2+s23+$0x0], $0xffff  }
.Ltmp17:
0x496: {  	(pc) =	sbr.rel @p1 .LBB2_32-.Ltmp17, $2  }
0x497: {  	_ =	sdelay $0x2  }
0x498: {  	s26 =	sshra.s32 s30, $0x2;
	s30 =	sadd.s32 $0x200, s30  }
0x499: {  	_ =	sdelay $0x1  }
0x49a: {  	v2 =	vld [tilespmem:s26+$0x0]  }
0x49b: {  	[tilespmem:s29+$0x12AE0] =	vst v1  }
0x49c: {  	v0 =	vld.idx.msk [tilespmem:v0+s23+$0x0], $0xffff;
	_ =	sdelay $0x3  }
0x49d: {  	v1 =	vld [tilespmem:s26+$0x10]  }
0x49e: {  	[tilespmem:s29+$0x12AF0] =	vst v0  }
0x49f: {  	v0 =	vld.idx.msk [tilespmem:v2+s23+$0x0], $0xffff;
	_ =	sdelay $0x4  }
0x4a0: {  	[tilespmem:s26+$0x12A80] =	vst v0;
	v0 =	vld [tilespmem:s26+$0x20]  }
0x4a1: {  	v1 =	vld.idx.msk [tilespmem:v1+s23+$0x0], $0xffff;
	_ =	sdelay $0x4  }
0x4a2: {  	[tilespmem:s26+$0x12A90] =	vst v1;
	v1 =	vld [tilespmem:s26+$0x30];
	_ =	sdelay $0x1  }
0x4a3: {  	v0 =	vld.idx.msk [tilespmem:v0+s23+$0x0], $0xffff;
	_ =	sdelay $0x4  }
0x4a4: {  	[tilespmem:s26+$0x12AA0] =	vst v0;
	v0 =	vld [tilespmem:s26+$0x40]  }
0x4a5: {  	v1 =	vld.idx.msk [tilespmem:v1+s23+$0x0], $0xffff;
	_ =	sdelay $0x4  }
0x4a6: {  	[tilespmem:s26+$0x12AB0] =	vst v1;
	v1 =	vld [tilespmem:s26+$0x50];
	_ =	sdelay $0x1  }
0x4a7: {  	v0 =	vld.idx.msk [tilespmem:v0+s23+$0x0], $0xffff;
	_ =	sdelay $0x4  }
0x4a8: {  	[tilespmem:s26+$0x12AC0] =	vst v0;
	v0 =	vld [tilespmem:s26+$0x60]  }
0x4a9: {  	v1 =	vld.idx.msk [tilespmem:v1+s23+$0x0], $0xffff;
	_ =	sdelay $0x4  }
0x4aa: {  	[tilespmem:s26+$0x12AD0] =	vst v1;
	v1 =	vld [tilespmem:s26+$0x70];
	_ =	sdelay $0x1  }
0x4ab: {  	v0 =	vld.idx.msk [tilespmem:v0+s23+$0x0], $0xffff;
	_ =	sdelay $0x4  }
0x4ac: {  	[tilespmem:s26+$0x12AE0] =	vst v0  }
0x4ad: {  	v0 =	vld.idx.msk [tilespmem:v1+s23+$0x0], $0xffff;
	_ =	sdelay $0x4  }
0x4ae: {  	[tilespmem:s26+$0x12AF0] =	vst v0;
	s26 =	simm.s32 $0x0  }
0x4af: {  	[hbm4b:s10+s26] =	stream.linear.scatter [tilespmem:s24], [sflag:$0x1], $0x4000, $0x38;
	[tilespmem:$0x16A80] =	vst v63  }
0x4b0: {  	_ =	swait.ge [sflag:s20], $0x4000  }
0x4b1: {  	[sflag:s20] =	ssyncset.done $0x0  }
0x4b2: {  	s26 =	rddreg [dreg:$0x14];
	[sflag:s20] =	ssyncadd.s32 $0xFFFFC000  }
0x4b3: {  	[tilespmem:s23], [sflag:$0x1] =	stream.strided.gather [hbm4b:s26+s21], $0xEA80, s22, s21, $0x38;
	[tilespmem:$0x16A80] =	vst v63  }
0x4b4: {  	_ =	swait.ge [sflag:s20], $0xEA80  }
0x4b5: {  	[sflag:s20] =	ssyncset.done $0x0  }
0x4b6: {  	s29 =	simm.s32 $0x0;
	[sflag:s20] =	ssyncadd.s32 $0xFFFF1580  }
0x4b7: {  	v0 =	vld [tilespmem:s29+$0x0];
	_ =	sdelay $0x5  }
0x4b8: {  	v1 =	vld [tilespmem:s29+$0x10];
	_ =	sdelay $0x1  }
0x4b9: {  	v0 =	vld.idx.msk [tilespmem:v0+s23+$0x0], $0xffff;
	_ =	sdelay $0x4  }
0x4ba: {  	[tilespmem:s29+$0x12A80] =	vst v0;
	v0 =	vld [tilespmem:s29+$0x20]  }
0x4bb: {  	v1 =	vld.idx.msk [tilespmem:v1+s23+$0x0], $0xffff;
	_ =	sdelay $0x4  }
0x4bc: {  	[tilespmem:s29+$0x12A90] =	vst v1;
	v1 =	vld [tilespmem:s29+$0x30];
	_ =	sdelay $0x1  }
0x4bd: {  	v0 =	vld.idx.msk [tilespmem:v0+s23+$0x0], $0xffff;
	_ =	sdelay $0x4  }
0x4be: {  	[tilespmem:s29+$0x12AA0] =	vst v0;
	v0 =	vld [tilespmem:s29+$0x40]  }
0x4bf: {  	v1 =	vld.idx.msk [tilespmem:v1+s23+$0x0], $0xffff;
	_ =	sdelay $0x4  }
0x4c0: {  	[tilespmem:s29+$0x12AB0] =	vst v1;
	v1 =	vld [tilespmem:s29+$0x50];
	_ =	sdelay $0x1  }
0x4c1: {  	v0 =	vld.idx.msk [tilespmem:v0+s23+$0x0], $0xffff;
	_ =	sdelay $0x4  }
0x4c2: {  	v2 =	vld [tilespmem:s29+$0x60];
	[tilespmem:s29+$0x12AC0] =	vst v0  }
0x4c3: {  	v0 =	vld.idx.msk [tilespmem:v1+s23+$0x0], $0xffff;
	_ =	sdelay $0x4  }
0x4c4: {  	[tilespmem:s29+$0x12AD0] =	vst v0;
	v0 =	vld [tilespmem:s29+$0x70];
	_ =	sdelay $0x1  }
0x4c5: {  	v1 =	vld.idx.msk [tilespmem:v2+s23+$0x0], $0xffff;
	_ =	sdelay $0x3  }
0x4c6: {  	s30 =	simm.s32 $0x400;
	s26 =	simm.s32 $0x80  }
.LBB2_34:
0x4c7: {  	p1 =	sne.s32 s30, $0xFE00;
	v2 =	vld [tilespmem:s26+$0x0];
	[tilespmem:s29+$0x12AE0] =	vst v1  }
0x4c8: {  	v0 =	vld.idx.msk [tilespmem:v0+s23+$0x0], $0xffff;
	_ =	sdelay $0x5  }
0x4c9: {  	v1 =	vld [tilespmem:s26+$0x10];
	[tilespmem:s29+$0x12AF0] =	vst v0;
	s29 =	smov.u32 s26  }
0x4ca: {  	v0 =	vld.idx.msk [tilespmem:v2+s23+$0x0], $0xffff;
	_ =	sdelay $0x5  }
0x4cb: {  	[tilespmem:s29+$0x12A80] =	vst v0;
	v0 =	vld [tilespmem:s29+$0x20]  }
0x4cc: {  	v1 =	vld.idx.msk [tilespmem:v1+s23+$0x0], $0xffff;
	_ =	sdelay $0x5  }
0x4cd: {  	[tilespmem:s29+$0x12A90] =	vst v1;
	v1 =	vld [tilespmem:s29+$0x30]  }
0x4ce: {  	v0 =	vld.idx.msk [tilespmem:v0+s23+$0x0], $0xffff;
	_ =	sdelay $0x5  }
0x4cf: {  	[tilespmem:s29+$0x12AA0] =	vst v0;
	v0 =	vld [tilespmem:s29+$0x40]  }
0x4d0: {  	v1 =	vld.idx.msk [tilespmem:v1+s23+$0x0], $0xffff;
	_ =	sdelay $0x5  }
0x4d1: {  	[tilespmem:s29+$0x12AB0] =	vst v1;
	v1 =	vld [tilespmem:s29+$0x50]  }
0x4d2: {  	v0 =	vld.idx.msk [tilespmem:v0+s23+$0x0], $0xffff;
	_ =	sdelay $0x5  }
0x4d3: {  	[tilespmem:s29+$0x12AC0] =	vst v0;
	v2 =	vld [tilespmem:s29+$0x60]  }
0x4d4: {  	v0 =	vld.idx.msk [tilespmem:v1+s23+$0x0], $0xffff;
	_ =	sdelay $0x5  }
0x4d5: {  	[tilespmem:s29+$0x12AD0] =	vst v0;
	v0 =	vld [tilespmem:s29+$0x70]  }
0x4d6: {  	v1 =	vld.idx.msk [tilespmem:v2+s23+$0x0], $0xffff  }
.Ltmp18:
0x4d7: {  	(pc) =	sbr.rel @p1 .LBB2_34-.Ltmp18, $2  }
0x4d8: {  	_ =	sdelay $0x2  }
0x4d9: {  	s26 =	sshra.s32 s30, $0x2;
	s30 =	sadd.s32 $0x200, s30  }
0x4da: {  	_ =	sdelay $0x1  }
0x4db: {  	v2 =	vld [tilespmem:s26+$0x0]  }
0x4dc: {  	[tilespmem:s29+$0x12AE0] =	vst v1  }
0x4dd: {  	v0 =	vld.idx.msk [tilespmem:v0+s23+$0x0], $0xffff;
	_ =	sdelay $0x3  }
0x4de: {  	v1 =	vld [tilespmem:s26+$0x10]  }
0x4df: {  	[tilespmem:s29+$0x12AF0] =	vst v0  }
0x4e0: {  	v0 =	vld.idx.msk [tilespmem:v2+s23+$0x0], $0xffff;
	_ =	sdelay $0x4  }
0x4e1: {  	[tilespmem:s26+$0x12A80] =	vst v0;
	v0 =	vld [tilespmem:s26+$0x20]  }
0x4e2: {  	v1 =	vld.idx.msk [tilespmem:v1+s23+$0x0], $0xffff;
	_ =	sdelay $0x4  }
0x4e3: {  	[tilespmem:s26+$0x12A90] =	vst v1;
	v1 =	vld [tilespmem:s26+$0x30];
	_ =	sdelay $0x1  }
0x4e4: {  	v0 =	vld.idx.msk [tilespmem:v0+s23+$0x0], $0xffff;
	_ =	sdelay $0x4  }
0x4e5: {  	[tilespmem:s26+$0x12AA0] =	vst v0;
	v0 =	vld [tilespmem:s26+$0x40]  }
0x4e6: {  	v1 =	vld.idx.msk [tilespmem:v1+s23+$0x0], $0xffff;
	_ =	sdelay $0x4  }
0x4e7: {  	[tilespmem:s26+$0x12AB0] =	vst v1;
	v1 =	vld [tilespmem:s26+$0x50];
	_ =	sdelay $0x1  }
0x4e8: {  	v0 =	vld.idx.msk [tilespmem:v0+s23+$0x0], $0xffff;
	_ =	sdelay $0x4  }
0x4e9: {  	[tilespmem:s26+$0x12AC0] =	vst v0;
	v0 =	vld [tilespmem:s26+$0x60]  }
0x4ea: {  	v1 =	vld.idx.msk [tilespmem:v1+s23+$0x0], $0xffff;
	_ =	sdelay $0x4  }
0x4eb: {  	[tilespmem:s26+$0x12AD0] =	vst v1;
	v1 =	vld [tilespmem:s26+$0x70];
	_ =	sdelay $0x1  }
0x4ec: {  	v0 =	vld.idx.msk [tilespmem:v0+s23+$0x0], $0xffff;
	_ =	sdelay $0x4  }
0x4ed: {  	[tilespmem:s26+$0x12AE0] =	vst v0  }
0x4ee: {  	v0 =	vld.idx.msk [tilespmem:v1+s23+$0x0], $0xffff;
	_ =	sdelay $0x4  }
0x4ef: {  	[tilespmem:s26+$0x12AF0] =	vst v0;
	s26 =	simm.s32 $0x0  }
0x4f0: {  	[hbm4b:s11+s26] =	stream.linear.scatter [tilespmem:s24], [sflag:$0x1], $0x4000, $0x38;
	[tilespmem:$0x16A80] =	vst v63  }
0x4f1: {  	_ =	swait.ge [sflag:s20], $0x4000  }
0x4f2: {  	[sflag:s20] =	ssyncset.done $0x0  }
0x4f3: {  	s26 =	rddreg [dreg:$0x15];
	[sflag:s20] =	ssyncadd.s32 $0xFFFFC000  }
0x4f4: {  	[tilespmem:s23], [sflag:$0x1] =	stream.strided.gather [hbm4b:s26+s21], $0xEA80, s22, s21, $0x38;
	[tilespmem:$0x16A80] =	vst v63  }
0x4f5: {  	_ =	swait.ge [sflag:s20], $0xEA80  }
0x4f6: {  	[sflag:s20] =	ssyncset.done $0x0  }
0x4f7: {  	s29 =	simm.s32 $0x0;
	[sflag:s20] =	ssyncadd.s32 $0xFFFF1580  }
0x4f8: {  	v0 =	vld [tilespmem:s29+$0x0];
	_ =	sdelay $0x5  }
0x4f9: {  	v1 =	vld [tilespmem:s29+$0x10];
	_ =	sdelay $0x1  }
0x4fa: {  	v0 =	vld.idx.msk [tilespmem:v0+s23+$0x0], $0xffff;
	_ =	sdelay $0x4  }
0x4fb: {  	[tilespmem:s29+$0x12A80] =	vst v0;
	v0 =	vld [tilespmem:s29+$0x20]  }
0x4fc: {  	v1 =	vld.idx.msk [tilespmem:v1+s23+$0x0], $0xffff;
	_ =	sdelay $0x4  }
0x4fd: {  	[tilespmem:s29+$0x12A90] =	vst v1;
	v1 =	vld [tilespmem:s29+$0x30];
	_ =	sdelay $0x1  }
0x4fe: {  	v0 =	vld.idx.msk [tilespmem:v0+s23+$0x0], $0xffff;
	_ =	sdelay $0x4  }
0x4ff: {  	[tilespmem:s29+$0x12AA0] =	vst v0;
	v0 =	vld [tilespmem:s29+$0x40]  }
0x500: {  	v1 =	vld.idx.msk [tilespmem:v1+s23+$0x0], $0xffff;
	_ =	sdelay $0x4  }
0x501: {  	[tilespmem:s29+$0x12AB0] =	vst v1;
	v1 =	vld [tilespmem:s29+$0x50];
	_ =	sdelay $0x1  }
0x502: {  	v0 =	vld.idx.msk [tilespmem:v0+s23+$0x0], $0xffff;
	_ =	sdelay $0x4  }
0x503: {  	v2 =	vld [tilespmem:s29+$0x60];
	[tilespmem:s29+$0x12AC0] =	vst v0  }
0x504: {  	v0 =	vld.idx.msk [tilespmem:v1+s23+$0x0], $0xffff;
	_ =	sdelay $0x4  }
0x505: {  	[tilespmem:s29+$0x12AD0] =	vst v0;
	v0 =	vld [tilespmem:s29+$0x70];
	_ =	sdelay $0x1  }
0x506: {  	v1 =	vld.idx.msk [tilespmem:v2+s23+$0x0], $0xffff;
	_ =	sdelay $0x3  }
0x507: {  	s30 =	simm.s32 $0x400;
	s26 =	simm.s32 $0x80  }
.LBB2_36:
0x508: {  	p1 =	sne.s32 s30, $0xFE00;
	v2 =	vld [tilespmem:s26+$0x0];
	[tilespmem:s29+$0x12AE0] =	vst v1  }
0x509: {  	v0 =	vld.idx.msk [tilespmem:v0+s23+$0x0], $0xffff;
	_ =	sdelay $0x5  }
0x50a: {  	v1 =	vld [tilespmem:s26+$0x10];
	[tilespmem:s29+$0x12AF0] =	vst v0;
	s29 =	smov.u32 s26  }
0x50b: {  	v0 =	vld.idx.msk [tilespmem:v2+s23+$0x0], $0xffff;
	_ =	sdelay $0x5  }
0x50c: {  	[tilespmem:s29+$0x12A80] =	vst v0;
	v0 =	vld [tilespmem:s29+$0x20]  }
0x50d: {  	v1 =	vld.idx.msk [tilespmem:v1+s23+$0x0], $0xffff;
	_ =	sdelay $0x5  }
0x50e: {  	[tilespmem:s29+$0x12A90] =	vst v1;
	v1 =	vld [tilespmem:s29+$0x30]  }
0x50f: {  	v0 =	vld.idx.msk [tilespmem:v0+s23+$0x0], $0xffff;
	_ =	sdelay $0x5  }
0x510: {  	[tilespmem:s29+$0x12AA0] =	vst v0;
	v0 =	vld [tilespmem:s29+$0x40]  }
0x511: {  	v1 =	vld.idx.msk [tilespmem:v1+s23+$0x0], $0xffff;
	_ =	sdelay $0x5  }
0x512: {  	[tilespmem:s29+$0x12AB0] =	vst v1;
	v1 =	vld [tilespmem:s29+$0x50]  }
0x513: {  	v0 =	vld.idx.msk [tilespmem:v0+s23+$0x0], $0xffff;
	_ =	sdelay $0x5  }
0x514: {  	[tilespmem:s29+$0x12AC0] =	vst v0;
	v2 =	vld [tilespmem:s29+$0x60]  }
0x515: {  	v0 =	vld.idx.msk [tilespmem:v1+s23+$0x0], $0xffff;
	_ =	sdelay $0x5  }
0x516: {  	[tilespmem:s29+$0x12AD0] =	vst v0;
	v0 =	vld [tilespmem:s29+$0x70]  }
0x517: {  	v1 =	vld.idx.msk [tilespmem:v2+s23+$0x0], $0xffff  }
.Ltmp19:
0x518: {  	(pc) =	sbr.rel @p1 .LBB2_36-.Ltmp19, $2  }
0x519: {  	_ =	sdelay $0x2  }
0x51a: {  	s26 =	sshra.s32 s30, $0x2;
	s30 =	sadd.s32 $0x200, s30  }
0x51b: {  	_ =	sdelay $0x1  }
0x51c: {  	v2 =	vld [tilespmem:s26+$0x0]  }
0x51d: {  	[tilespmem:s29+$0x12AE0] =	vst v1  }
0x51e: {  	v0 =	vld.idx.msk [tilespmem:v0+s23+$0x0], $0xffff;
	_ =	sdelay $0x3  }
0x51f: {  	v1 =	vld [tilespmem:s26+$0x10]  }
0x520: {  	[tilespmem:s29+$0x12AF0] =	vst v0  }
0x521: {  	v0 =	vld.idx.msk [tilespmem:v2+s23+$0x0], $0xffff;
	_ =	sdelay $0x4  }
0x522: {  	[tilespmem:s26+$0x12A80] =	vst v0;
	v0 =	vld [tilespmem:s26+$0x20]  }
0x523: {  	v1 =	vld.idx.msk [tilespmem:v1+s23+$0x0], $0xffff;
	_ =	sdelay $0x4  }
0x524: {  	[tilespmem:s26+$0x12A90] =	vst v1;
	v1 =	vld [tilespmem:s26+$0x30];
	_ =	sdelay $0x1  }
0x525: {  	v0 =	vld.idx.msk [tilespmem:v0+s23+$0x0], $0xffff;
	_ =	sdelay $0x4  }
0x526: {  	[tilespmem:s26+$0x12AA0] =	vst v0;
	v0 =	vld [tilespmem:s26+$0x40]  }
0x527: {  	v1 =	vld.idx.msk [tilespmem:v1+s23+$0x0], $0xffff;
	_ =	sdelay $0x4  }
0x528: {  	[tilespmem:s26+$0x12AB0] =	vst v1;
	v1 =	vld [tilespmem:s26+$0x50];
	_ =	sdelay $0x1  }
0x529: {  	v0 =	vld.idx.msk [tilespmem:v0+s23+$0x0], $0xffff;
	_ =	sdelay $0x4  }
0x52a: {  	[tilespmem:s26+$0x12AC0] =	vst v0;
	v0 =	vld [tilespmem:s26+$0x60]  }
0x52b: {  	v1 =	vld.idx.msk [tilespmem:v1+s23+$0x0], $0xffff;
	_ =	sdelay $0x4  }
0x52c: {  	[tilespmem:s26+$0x12AD0] =	vst v1;
	v1 =	vld [tilespmem:s26+$0x70];
	_ =	sdelay $0x1  }
0x52d: {  	v0 =	vld.idx.msk [tilespmem:v0+s23+$0x0], $0xffff;
	_ =	sdelay $0x4  }
0x52e: {  	[tilespmem:s26+$0x12AE0] =	vst v0  }
0x52f: {  	v0 =	vld.idx.msk [tilespmem:v1+s23+$0x0], $0xffff;
	_ =	sdelay $0x4  }
0x530: {  	[tilespmem:s26+$0x12AF0] =	vst v0;
	s26 =	simm.s32 $0x0  }
0x531: {  	[hbm4b:s12+s26] =	stream.linear.scatter [tilespmem:s24], [sflag:$0x1], $0x4000, $0x38;
	[tilespmem:$0x16A80] =	vst v63  }
0x532: {  	_ =	swait.ge [sflag:s20], $0x4000  }
0x533: {  	[sflag:s20] =	ssyncset.done $0x0  }
0x534: {  	s26 =	rddreg [dreg:$0x16];
	[sflag:s20] =	ssyncadd.s32 $0xFFFFC000  }
0x535: {  	[tilespmem:s23], [sflag:$0x1] =	stream.strided.gather [hbm4b:s26+s21], $0xEA80, s22, s21, $0x38;
	[tilespmem:$0x16A80] =	vst v63  }
0x536: {  	_ =	swait.ge [sflag:s20], $0xEA80  }
0x537: {  	[sflag:s20] =	ssyncset.done $0x0  }
0x538: {  	s29 =	simm.s32 $0x0;
	[sflag:s20] =	ssyncadd.s32 $0xFFFF1580  }
0x539: {  	v0 =	vld [tilespmem:s29+$0x0];
	_ =	sdelay $0x5  }
0x53a: {  	v1 =	vld [tilespmem:s29+$0x10];
	_ =	sdelay $0x1  }
0x53b: {  	v0 =	vld.idx.msk [tilespmem:v0+s23+$0x0], $0xffff;
	_ =	sdelay $0x4  }
0x53c: {  	[tilespmem:s29+$0x12A80] =	vst v0;
	v0 =	vld [tilespmem:s29+$0x20]  }
0x53d: {  	v1 =	vld.idx.msk [tilespmem:v1+s23+$0x0], $0xffff;
	_ =	sdelay $0x4  }
0x53e: {  	[tilespmem:s29+$0x12A90] =	vst v1;
	v1 =	vld [tilespmem:s29+$0x30];
	_ =	sdelay $0x1  }
0x53f: {  	v0 =	vld.idx.msk [tilespmem:v0+s23+$0x0], $0xffff;
	_ =	sdelay $0x4  }
0x540: {  	[tilespmem:s29+$0x12AA0] =	vst v0;
	v0 =	vld [tilespmem:s29+$0x40]  }
0x541: {  	v1 =	vld.idx.msk [tilespmem:v1+s23+$0x0], $0xffff;
	_ =	sdelay $0x4  }
0x542: {  	[tilespmem:s29+$0x12AB0] =	vst v1;
	v1 =	vld [tilespmem:s29+$0x50];
	_ =	sdelay $0x1  }
0x543: {  	v0 =	vld.idx.msk [tilespmem:v0+s23+$0x0], $0xffff;
	_ =	sdelay $0x4  }
0x544: {  	v2 =	vld [tilespmem:s29+$0x60];
	[tilespmem:s29+$0x12AC0] =	vst v0  }
0x545: {  	v0 =	vld.idx.msk [tilespmem:v1+s23+$0x0], $0xffff;
	_ =	sdelay $0x4  }
0x546: {  	[tilespmem:s29+$0x12AD0] =	vst v0;
	v0 =	vld [tilespmem:s29+$0x70];
	_ =	sdelay $0x1  }
0x547: {  	v1 =	vld.idx.msk [tilespmem:v2+s23+$0x0], $0xffff;
	_ =	sdelay $0x3  }
0x548: {  	s30 =	simm.s32 $0x400;
	s26 =	simm.s32 $0x80  }
.LBB2_38:
0x549: {  	p1 =	sne.s32 s30, $0xFE00;
	v2 =	vld [tilespmem:s26+$0x0];
	[tilespmem:s29+$0x12AE0] =	vst v1  }
0x54a: {  	v0 =	vld.idx.msk [tilespmem:v0+s23+$0x0], $0xffff;
	_ =	sdelay $0x5  }
0x54b: {  	v1 =	vld [tilespmem:s26+$0x10];
	[tilespmem:s29+$0x12AF0] =	vst v0;
	s29 =	smov.u32 s26  }
0x54c: {  	v0 =	vld.idx.msk [tilespmem:v2+s23+$0x0], $0xffff;
	_ =	sdelay $0x5  }
0x54d: {  	[tilespmem:s29+$0x12A80] =	vst v0;
	v0 =	vld [tilespmem:s29+$0x20]  }
0x54e: {  	v1 =	vld.idx.msk [tilespmem:v1+s23+$0x0], $0xffff;
	_ =	sdelay $0x5  }
0x54f: {  	[tilespmem:s29+$0x12A90] =	vst v1;
	v1 =	vld [tilespmem:s29+$0x30]  }
0x550: {  	v0 =	vld.idx.msk [tilespmem:v0+s23+$0x0], $0xffff;
	_ =	sdelay $0x5  }
0x551: {  	[tilespmem:s29+$0x12AA0] =	vst v0;
	v0 =	vld [tilespmem:s29+$0x40]  }
0x552: {  	v1 =	vld.idx.msk [tilespmem:v1+s23+$0x0], $0xffff;
	_ =	sdelay $0x5  }
0x553: {  	[tilespmem:s29+$0x12AB0] =	vst v1;
	v1 =	vld [tilespmem:s29+$0x50]  }
0x554: {  	v0 =	vld.idx.msk [tilespmem:v0+s23+$0x0], $0xffff;
	_ =	sdelay $0x5  }
0x555: {  	[tilespmem:s29+$0x12AC0] =	vst v0;
	v2 =	vld [tilespmem:s29+$0x60]  }
0x556: {  	v0 =	vld.idx.msk [tilespmem:v1+s23+$0x0], $0xffff;
	_ =	sdelay $0x5  }
0x557: {  	[tilespmem:s29+$0x12AD0] =	vst v0;
	v0 =	vld [tilespmem:s29+$0x70]  }
0x558: {  	v1 =	vld.idx.msk [tilespmem:v2+s23+$0x0], $0xffff  }
.Ltmp20:
0x559: {  	(pc) =	sbr.rel @p1 .LBB2_38-.Ltmp20, $2  }
0x55a: {  	_ =	sdelay $0x2  }
0x55b: {  	s26 =	sshra.s32 s30, $0x2;
	s30 =	sadd.s32 $0x200, s30  }
0x55c: {  	_ =	sdelay $0x1  }
0x55d: {  	v2 =	vld [tilespmem:s26+$0x0]  }
0x55e: {  	[tilespmem:s29+$0x12AE0] =	vst v1  }
0x55f: {  	v0 =	vld.idx.msk [tilespmem:v0+s23+$0x0], $0xffff;
	_ =	sdelay $0x3  }
0x560: {  	v1 =	vld [tilespmem:s26+$0x10]  }
0x561: {  	[tilespmem:s29+$0x12AF0] =	vst v0  }
0x562: {  	v0 =	vld.idx.msk [tilespmem:v2+s23+$0x0], $0xffff;
	_ =	sdelay $0x4  }
0x563: {  	[tilespmem:s26+$0x12A80] =	vst v0;
	v0 =	vld [tilespmem:s26+$0x20]  }
0x564: {  	v1 =	vld.idx.msk [tilespmem:v1+s23+$0x0], $0xffff;
	_ =	sdelay $0x4  }
0x565: {  	[tilespmem:s26+$0x12A90] =	vst v1;
	v1 =	vld [tilespmem:s26+$0x30];
	_ =	sdelay $0x1  }
0x566: {  	v0 =	vld.idx.msk [tilespmem:v0+s23+$0x0], $0xffff;
	_ =	sdelay $0x4  }
0x567: {  	[tilespmem:s26+$0x12AA0] =	vst v0;
	v0 =	vld [tilespmem:s26+$0x40]  }
0x568: {  	v1 =	vld.idx.msk [tilespmem:v1+s23+$0x0], $0xffff;
	_ =	sdelay $0x4  }
0x569: {  	[tilespmem:s26+$0x12AB0] =	vst v1;
	v1 =	vld [tilespmem:s26+$0x50];
	_ =	sdelay $0x1  }
0x56a: {  	v0 =	vld.idx.msk [tilespmem:v0+s23+$0x0], $0xffff;
	_ =	sdelay $0x4  }
0x56b: {  	[tilespmem:s26+$0x12AC0] =	vst v0;
	v0 =	vld [tilespmem:s26+$0x60]  }
0x56c: {  	v1 =	vld.idx.msk [tilespmem:v1+s23+$0x0], $0xffff;
	_ =	sdelay $0x4  }
0x56d: {  	[tilespmem:s26+$0x12AD0] =	vst v1;
	v1 =	vld [tilespmem:s26+$0x70];
	_ =	sdelay $0x1  }
0x56e: {  	v0 =	vld.idx.msk [tilespmem:v0+s23+$0x0], $0xffff;
	_ =	sdelay $0x4  }
0x56f: {  	[tilespmem:s26+$0x12AE0] =	vst v0  }
0x570: {  	v0 =	vld.idx.msk [tilespmem:v1+s23+$0x0], $0xffff;
	_ =	sdelay $0x4  }
0x571: {  	[tilespmem:s26+$0x12AF0] =	vst v0;
	s26 =	simm.s32 $0x0  }
0x572: {  	[hbm4b:s13+s26] =	stream.linear.scatter [tilespmem:s24], [sflag:$0x1], $0x4000, $0x38;
	[tilespmem:$0x16A80] =	vst v63  }
0x573: {  	_ =	swait.ge [sflag:s20], $0x4000  }
0x574: {  	[sflag:s20] =	ssyncset.done $0x0  }
0x575: {  	s26 =	rddreg [dreg:$0x17];
	[sflag:s20] =	ssyncadd.s32 $0xFFFFC000  }
0x576: {  	[tilespmem:s23], [sflag:$0x1] =	stream.strided.gather [hbm4b:s26+s21], $0xEA80, s22, s21, $0x38;
	[tilespmem:$0x16A80] =	vst v63  }
0x577: {  	_ =	swait.ge [sflag:s20], $0xEA80  }
0x578: {  	[sflag:s20] =	ssyncset.done $0x0  }
0x579: {  	s29 =	simm.s32 $0x0;
	[sflag:s20] =	ssyncadd.s32 $0xFFFF1580  }
0x57a: {  	v0 =	vld [tilespmem:s29+$0x0];
	_ =	sdelay $0x5  }
0x57b: {  	v1 =	vld [tilespmem:s29+$0x10];
	_ =	sdelay $0x1  }
0x57c: {  	v0 =	vld.idx.msk [tilespmem:v0+s23+$0x0], $0xffff;
	_ =	sdelay $0x4  }
0x57d: {  	[tilespmem:s29+$0x12A80] =	vst v0;
	v0 =	vld [tilespmem:s29+$0x20]  }
0x57e: {  	v1 =	vld.idx.msk [tilespmem:v1+s23+$0x0], $0xffff;
	_ =	sdelay $0x4  }
0x57f: {  	[tilespmem:s29+$0x12A90] =	vst v1;
	v1 =	vld [tilespmem:s29+$0x30];
	_ =	sdelay $0x1  }
0x580: {  	v0 =	vld.idx.msk [tilespmem:v0+s23+$0x0], $0xffff;
	_ =	sdelay $0x4  }
0x581: {  	[tilespmem:s29+$0x12AA0] =	vst v0;
	v0 =	vld [tilespmem:s29+$0x40]  }
0x582: {  	v1 =	vld.idx.msk [tilespmem:v1+s23+$0x0], $0xffff;
	_ =	sdelay $0x4  }
0x583: {  	[tilespmem:s29+$0x12AB0] =	vst v1;
	v1 =	vld [tilespmem:s29+$0x50];
	_ =	sdelay $0x1  }
0x584: {  	v0 =	vld.idx.msk [tilespmem:v0+s23+$0x0], $0xffff;
	_ =	sdelay $0x4  }
0x585: {  	v2 =	vld [tilespmem:s29+$0x60];
	[tilespmem:s29+$0x12AC0] =	vst v0  }
0x586: {  	v0 =	vld.idx.msk [tilespmem:v1+s23+$0x0], $0xffff;
	_ =	sdelay $0x4  }
0x587: {  	[tilespmem:s29+$0x12AD0] =	vst v0;
	v0 =	vld [tilespmem:s29+$0x70];
	_ =	sdelay $0x1  }
0x588: {  	v1 =	vld.idx.msk [tilespmem:v2+s23+$0x0], $0xffff;
	_ =	sdelay $0x3  }
0x589: {  	s30 =	simm.s32 $0x400;
	s26 =	simm.s32 $0x80  }
.LBB2_40:
0x58a: {  	p1 =	sne.s32 s30, $0xFE00;
	v2 =	vld [tilespmem:s26+$0x0];
	[tilespmem:s29+$0x12AE0] =	vst v1  }
0x58b: {  	v0 =	vld.idx.msk [tilespmem:v0+s23+$0x0], $0xffff;
	_ =	sdelay $0x5  }
0x58c: {  	v1 =	vld [tilespmem:s26+$0x10];
	[tilespmem:s29+$0x12AF0] =	vst v0;
	s29 =	smov.u32 s26  }
0x58d: {  	v0 =	vld.idx.msk [tilespmem:v2+s23+$0x0], $0xffff;
	_ =	sdelay $0x5  }
0x58e: {  	[tilespmem:s29+$0x12A80] =	vst v0;
	v0 =	vld [tilespmem:s29+$0x20]  }
0x58f: {  	v1 =	vld.idx.msk [tilespmem:v1+s23+$0x0], $0xffff;
	_ =	sdelay $0x5  }
0x590: {  	[tilespmem:s29+$0x12A90] =	vst v1;
	v1 =	vld [tilespmem:s29+$0x30]  }
0x591: {  	v0 =	vld.idx.msk [tilespmem:v0+s23+$0x0], $0xffff;
	_ =	sdelay $0x5  }
0x592: {  	[tilespmem:s29+$0x12AA0] =	vst v0;
	v0 =	vld [tilespmem:s29+$0x40]  }
0x593: {  	v1 =	vld.idx.msk [tilespmem:v1+s23+$0x0], $0xffff;
	_ =	sdelay $0x5  }
0x594: {  	[tilespmem:s29+$0x12AB0] =	vst v1;
	v1 =	vld [tilespmem:s29+$0x50]  }
0x595: {  	v0 =	vld.idx.msk [tilespmem:v0+s23+$0x0], $0xffff;
	_ =	sdelay $0x5  }
0x596: {  	[tilespmem:s29+$0x12AC0] =	vst v0;
	v2 =	vld [tilespmem:s29+$0x60]  }
0x597: {  	v0 =	vld.idx.msk [tilespmem:v1+s23+$0x0], $0xffff;
	_ =	sdelay $0x5  }
0x598: {  	[tilespmem:s29+$0x12AD0] =	vst v0;
	v0 =	vld [tilespmem:s29+$0x70]  }
0x599: {  	v1 =	vld.idx.msk [tilespmem:v2+s23+$0x0], $0xffff  }
.Ltmp21:
0x59a: {  	(pc) =	sbr.rel @p1 .LBB2_40-.Ltmp21, $2  }
0x59b: {  	_ =	sdelay $0x2  }
0x59c: {  	s26 =	sshra.s32 s30, $0x2;
	s30 =	sadd.s32 $0x200, s30  }
0x59d: {  	_ =	sdelay $0x1  }
0x59e: {  	v2 =	vld [tilespmem:s26+$0x0]  }
0x59f: {  	[tilespmem:s29+$0x12AE0] =	vst v1  }
0x5a0: {  	v0 =	vld.idx.msk [tilespmem:v0+s23+$0x0], $0xffff;
	_ =	sdelay $0x3  }
0x5a1: {  	v1 =	vld [tilespmem:s26+$0x10]  }
0x5a2: {  	[tilespmem:s29+$0x12AF0] =	vst v0  }
0x5a3: {  	v0 =	vld.idx.msk [tilespmem:v2+s23+$0x0], $0xffff;
	_ =	sdelay $0x4  }
0x5a4: {  	[tilespmem:s26+$0x12A80] =	vst v0;
	v0 =	vld [tilespmem:s26+$0x20]  }
0x5a5: {  	v1 =	vld.idx.msk [tilespmem:v1+s23+$0x0], $0xffff;
	_ =	sdelay $0x4  }
0x5a6: {  	[tilespmem:s26+$0x12A90] =	vst v1;
	v1 =	vld [tilespmem:s26+$0x30];
	_ =	sdelay $0x1  }
0x5a7: {  	v0 =	vld.idx.msk [tilespmem:v0+s23+$0x0], $0xffff;
	_ =	sdelay $0x4  }
0x5a8: {  	[tilespmem:s26+$0x12AA0] =	vst v0;
	v0 =	vld [tilespmem:s26+$0x40]  }
0x5a9: {  	v1 =	vld.idx.msk [tilespmem:v1+s23+$0x0], $0xffff;
	_ =	sdelay $0x4  }
0x5aa: {  	[tilespmem:s26+$0x12AB0] =	vst v1;
	v1 =	vld [tilespmem:s26+$0x50];
	_ =	sdelay $0x1  }
0x5ab: {  	v0 =	vld.idx.msk [tilespmem:v0+s23+$0x0], $0xffff;
	_ =	sdelay $0x4  }
0x5ac: {  	[tilespmem:s26+$0x12AC0] =	vst v0;
	v0 =	vld [tilespmem:s26+$0x60]  }
0x5ad: {  	v1 =	vld.idx.msk [tilespmem:v1+s23+$0x0], $0xffff;
	_ =	sdelay $0x4  }
0x5ae: {  	[tilespmem:s26+$0x12AD0] =	vst v1;
	v1 =	vld [tilespmem:s26+$0x70];
	_ =	sdelay $0x1  }
0x5af: {  	v0 =	vld.idx.msk [tilespmem:v0+s23+$0x0], $0xffff;
	_ =	sdelay $0x4  }
0x5b0: {  	[tilespmem:s26+$0x12AE0] =	vst v0  }
0x5b1: {  	v0 =	vld.idx.msk [tilespmem:v1+s23+$0x0], $0xffff;
	_ =	sdelay $0x4  }
0x5b2: {  	[tilespmem:s26+$0x12AF0] =	vst v0;
	s26 =	simm.s32 $0x0  }
0x5b3: {  	[hbm4b:s14+s26] =	stream.linear.scatter [tilespmem:s24], [sflag:$0x1], $0x4000, $0x38;
	[tilespmem:$0x16A80] =	vst v63  }
0x5b4: {  	_ =	swait.ge [sflag:s20], $0x4000  }
0x5b5: {  	[sflag:s20] =	ssyncset.done $0x0  }
0x5b6: {  	s26 =	rddreg [dreg:$0x18];
	[sflag:s20] =	ssyncadd.s32 $0xFFFFC000  }
0x5b7: {  	[tilespmem:s23], [sflag:$0x1] =	stream.strided.gather [hbm4b:s26+s21], $0xEA80, s22, s21, $0x38;
	[tilespmem:$0x16A80] =	vst v63  }
0x5b8: {  	_ =	swait.ge [sflag:s20], $0xEA80  }
0x5b9: {  	[sflag:s20] =	ssyncset.done $0x0  }
0x5ba: {  	s29 =	simm.s32 $0x0;
	[sflag:s20] =	ssyncadd.s32 $0xFFFF1580  }
0x5bb: {  	v0 =	vld [tilespmem:s29+$0x0];
	_ =	sdelay $0x5  }
0x5bc: {  	v1 =	vld [tilespmem:s29+$0x10];
	_ =	sdelay $0x1  }
0x5bd: {  	v0 =	vld.idx.msk [tilespmem:v0+s23+$0x0], $0xffff;
	_ =	sdelay $0x4  }
0x5be: {  	[tilespmem:s29+$0x12A80] =	vst v0;
	v0 =	vld [tilespmem:s29+$0x20]  }
0x5bf: {  	v1 =	vld.idx.msk [tilespmem:v1+s23+$0x0], $0xffff;
	_ =	sdelay $0x4  }
0x5c0: {  	[tilespmem:s29+$0x12A90] =	vst v1;
	v1 =	vld [tilespmem:s29+$0x30];
	_ =	sdelay $0x1  }
0x5c1: {  	v0 =	vld.idx.msk [tilespmem:v0+s23+$0x0], $0xffff;
	_ =	sdelay $0x4  }
0x5c2: {  	[tilespmem:s29+$0x12AA0] =	vst v0;
	v0 =	vld [tilespmem:s29+$0x40]  }
0x5c3: {  	v1 =	vld.idx.msk [tilespmem:v1+s23+$0x0], $0xffff;
	_ =	sdelay $0x4  }
0x5c4: {  	[tilespmem:s29+$0x12AB0] =	vst v1;
	v1 =	vld [tilespmem:s29+$0x50];
	_ =	sdelay $0x1  }
0x5c5: {  	v0 =	vld.idx.msk [tilespmem:v0+s23+$0x0], $0xffff;
	_ =	sdelay $0x4  }
0x5c6: {  	v2 =	vld [tilespmem:s29+$0x60];
	[tilespmem:s29+$0x12AC0] =	vst v0  }
0x5c7: {  	v0 =	vld.idx.msk [tilespmem:v1+s23+$0x0], $0xffff;
	_ =	sdelay $0x4  }
0x5c8: {  	[tilespmem:s29+$0x12AD0] =	vst v0;
	v0 =	vld [tilespmem:s29+$0x70];
	_ =	sdelay $0x1  }
0x5c9: {  	v1 =	vld.idx.msk [tilespmem:v2+s23+$0x0], $0xffff;
	_ =	sdelay $0x3  }
0x5ca: {  	s30 =	simm.s32 $0x400;
	s26 =	simm.s32 $0x80  }
.LBB2_42:
0x5cb: {  	p1 =	sne.s32 s30, $0xFE00;
	v2 =	vld [tilespmem:s26+$0x0];
	[tilespmem:s29+$0x12AE0] =	vst v1  }
0x5cc: {  	v0 =	vld.idx.msk [tilespmem:v0+s23+$0x0], $0xffff;
	_ =	sdelay $0x5  }
0x5cd: {  	v1 =	vld [tilespmem:s26+$0x10];
	[tilespmem:s29+$0x12AF0] =	vst v0;
	s29 =	smov.u32 s26  }
0x5ce: {  	v0 =	vld.idx.msk [tilespmem:v2+s23+$0x0], $0xffff;
	_ =	sdelay $0x5  }
0x5cf: {  	[tilespmem:s29+$0x12A80] =	vst v0;
	v0 =	vld [tilespmem:s29+$0x20]  }
0x5d0: {  	v1 =	vld.idx.msk [tilespmem:v1+s23+$0x0], $0xffff;
	_ =	sdelay $0x5  }
0x5d1: {  	[tilespmem:s29+$0x12A90] =	vst v1;
	v1 =	vld [tilespmem:s29+$0x30]  }
0x5d2: {  	v0 =	vld.idx.msk [tilespmem:v0+s23+$0x0], $0xffff;
	_ =	sdelay $0x5  }
0x5d3: {  	[tilespmem:s29+$0x12AA0] =	vst v0;
	v0 =	vld [tilespmem:s29+$0x40]  }
0x5d4: {  	v1 =	vld.idx.msk [tilespmem:v1+s23+$0x0], $0xffff;
	_ =	sdelay $0x5  }
0x5d5: {  	[tilespmem:s29+$0x12AB0] =	vst v1;
	v1 =	vld [tilespmem:s29+$0x50]  }
0x5d6: {  	v0 =	vld.idx.msk [tilespmem:v0+s23+$0x0], $0xffff;
	_ =	sdelay $0x5  }
0x5d7: {  	[tilespmem:s29+$0x12AC0] =	vst v0;
	v2 =	vld [tilespmem:s29+$0x60]  }
0x5d8: {  	v0 =	vld.idx.msk [tilespmem:v1+s23+$0x0], $0xffff;
	_ =	sdelay $0x5  }
0x5d9: {  	[tilespmem:s29+$0x12AD0] =	vst v0;
	v0 =	vld [tilespmem:s29+$0x70]  }
0x5da: {  	v1 =	vld.idx.msk [tilespmem:v2+s23+$0x0], $0xffff  }
.Ltmp22:
0x5db: {  	(pc) =	sbr.rel @p1 .LBB2_42-.Ltmp22, $2  }
0x5dc: {  	_ =	sdelay $0x2  }
0x5dd: {  	s26 =	sshra.s32 s30, $0x2;
	s30 =	sadd.s32 $0x200, s30  }
0x5de: {  	_ =	sdelay $0x1  }
0x5df: {  	v2 =	vld [tilespmem:s26+$0x0]  }
0x5e0: {  	[tilespmem:s29+$0x12AE0] =	vst v1  }
0x5e1: {  	v0 =	vld.idx.msk [tilespmem:v0+s23+$0x0], $0xffff;
	_ =	sdelay $0x3  }
0x5e2: {  	v1 =	vld [tilespmem:s26+$0x10]  }
0x5e3: {  	[tilespmem:s29+$0x12AF0] =	vst v0  }
0x5e4: {  	v0 =	vld.idx.msk [tilespmem:v2+s23+$0x0], $0xffff;
	_ =	sdelay $0x4  }
0x5e5: {  	[tilespmem:s26+$0x12A80] =	vst v0;
	v0 =	vld [tilespmem:s26+$0x20]  }
0x5e6: {  	v1 =	vld.idx.msk [tilespmem:v1+s23+$0x0], $0xffff;
	_ =	sdelay $0x4  }
0x5e7: {  	[tilespmem:s26+$0x12A90] =	vst v1;
	v1 =	vld [tilespmem:s26+$0x30];
	_ =	sdelay $0x1  }
0x5e8: {  	v0 =	vld.idx.msk [tilespmem:v0+s23+$0x0], $0xffff;
	_ =	sdelay $0x4  }
0x5e9: {  	[tilespmem:s26+$0x12AA0] =	vst v0;
	v0 =	vld [tilespmem:s26+$0x40]  }
0x5ea: {  	v1 =	vld.idx.msk [tilespmem:v1+s23+$0x0], $0xffff;
	_ =	sdelay $0x4  }
0x5eb: {  	[tilespmem:s26+$0x12AB0] =	vst v1;
	v1 =	vld [tilespmem:s26+$0x50];
	_ =	sdelay $0x1  }
0x5ec: {  	v0 =	vld.idx.msk [tilespmem:v0+s23+$0x0], $0xffff;
	_ =	sdelay $0x4  }
0x5ed: {  	[tilespmem:s26+$0x12AC0] =	vst v0;
	v0 =	vld [tilespmem:s26+$0x60]  }
0x5ee: {  	v1 =	vld.idx.msk [tilespmem:v1+s23+$0x0], $0xffff;
	_ =	sdelay $0x4  }
0x5ef: {  	[tilespmem:s26+$0x12AD0] =	vst v1;
	v1 =	vld [tilespmem:s26+$0x70];
	_ =	sdelay $0x1  }
0x5f0: {  	v0 =	vld.idx.msk [tilespmem:v0+s23+$0x0], $0xffff;
	_ =	sdelay $0x4  }
0x5f1: {  	[tilespmem:s26+$0x12AE0] =	vst v0  }
0x5f2: {  	v0 =	vld.idx.msk [tilespmem:v1+s23+$0x0], $0xffff;
	_ =	sdelay $0x4  }
0x5f3: {  	[tilespmem:s26+$0x12AF0] =	vst v0;
	s26 =	simm.s32 $0x0  }
0x5f4: {  	[hbm4b:s15+s26] =	stream.linear.scatter [tilespmem:s24], [sflag:$0x1], $0x4000, $0x38;
	[tilespmem:$0x16A80] =	vst v63  }
0x5f5: {  	_ =	swait.ge [sflag:s20], $0x4000  }
0x5f6: {  	[sflag:s20] =	ssyncset.done $0x0  }
0x5f7: {  	s26 =	rddreg [dreg:$0x19];
	[sflag:s20] =	ssyncadd.s32 $0xFFFFC000  }
0x5f8: {  	[tilespmem:s23], [sflag:$0x1] =	stream.strided.gather [hbm4b:s26+s21], $0xEA80, s22, s21, $0x38;
	[tilespmem:$0x16A80] =	vst v63  }
0x5f9: {  	_ =	swait.ge [sflag:s20], $0xEA80  }
0x5fa: {  	[sflag:s20] =	ssyncset.done $0x0  }
0x5fb: {  	s29 =	simm.s32 $0x0;
	[sflag:s20] =	ssyncadd.s32 $0xFFFF1580  }
0x5fc: {  	v0 =	vld [tilespmem:s29+$0x0];
	_ =	sdelay $0x5  }
0x5fd: {  	v1 =	vld [tilespmem:s29+$0x10];
	_ =	sdelay $0x1  }
0x5fe: {  	v0 =	vld.idx.msk [tilespmem:v0+s23+$0x0], $0xffff;
	_ =	sdelay $0x4  }
0x5ff: {  	[tilespmem:s29+$0x12A80] =	vst v0;
	v0 =	vld [tilespmem:s29+$0x20]  }
0x600: {  	v1 =	vld.idx.msk [tilespmem:v1+s23+$0x0], $0xffff;
	_ =	sdelay $0x4  }
0x601: {  	[tilespmem:s29+$0x12A90] =	vst v1;
	v1 =	vld [tilespmem:s29+$0x30];
	_ =	sdelay $0x1  }
0x602: {  	v0 =	vld.idx.msk [tilespmem:v0+s23+$0x0], $0xffff;
	_ =	sdelay $0x4  }
0x603: {  	[tilespmem:s29+$0x12AA0] =	vst v0;
	v0 =	vld [tilespmem:s29+$0x40]  }
0x604: {  	v1 =	vld.idx.msk [tilespmem:v1+s23+$0x0], $0xffff;
	_ =	sdelay $0x4  }
0x605: {  	[tilespmem:s29+$0x12AB0] =	vst v1;
	v1 =	vld [tilespmem:s29+$0x50];
	_ =	sdelay $0x1  }
0x606: {  	v0 =	vld.idx.msk [tilespmem:v0+s23+$0x0], $0xffff;
	_ =	sdelay $0x4  }
0x607: {  	v2 =	vld [tilespmem:s29+$0x60];
	[tilespmem:s29+$0x12AC0] =	vst v0  }
0x608: {  	v0 =	vld.idx.msk [tilespmem:v1+s23+$0x0], $0xffff;
	_ =	sdelay $0x4  }
0x609: {  	[tilespmem:s29+$0x12AD0] =	vst v0;
	v0 =	vld [tilespmem:s29+$0x70];
	_ =	sdelay $0x1  }
0x60a: {  	v1 =	vld.idx.msk [tilespmem:v2+s23+$0x0], $0xffff;
	_ =	sdelay $0x3  }
0x60b: {  	s30 =	simm.s32 $0x400;
	s26 =	simm.s32 $0x80  }
.LBB2_44:
0x60c: {  	p1 =	sne.s32 s30, $0xFE00;
	v2 =	vld [tilespmem:s26+$0x0];
	[tilespmem:s29+$0x12AE0] =	vst v1  }
0x60d: {  	v0 =	vld.idx.msk [tilespmem:v0+s23+$0x0], $0xffff;
	_ =	sdelay $0x5  }
0x60e: {  	v1 =	vld [tilespmem:s26+$0x10];
	[tilespmem:s29+$0x12AF0] =	vst v0;
	s29 =	smov.u32 s26  }
0x60f: {  	v0 =	vld.idx.msk [tilespmem:v2+s23+$0x0], $0xffff;
	_ =	sdelay $0x5  }
0x610: {  	[tilespmem:s29+$0x12A80] =	vst v0;
	v0 =	vld [tilespmem:s29+$0x20]  }
0x611: {  	v1 =	vld.idx.msk [tilespmem:v1+s23+$0x0], $0xffff;
	_ =	sdelay $0x5  }
0x612: {  	[tilespmem:s29+$0x12A90] =	vst v1;
	v1 =	vld [tilespmem:s29+$0x30]  }
0x613: {  	v0 =	vld.idx.msk [tilespmem:v0+s23+$0x0], $0xffff;
	_ =	sdelay $0x5  }
0x614: {  	[tilespmem:s29+$0x12AA0] =	vst v0;
	v0 =	vld [tilespmem:s29+$0x40]  }
0x615: {  	v1 =	vld.idx.msk [tilespmem:v1+s23+$0x0], $0xffff;
	_ =	sdelay $0x5  }
0x616: {  	[tilespmem:s29+$0x12AB0] =	vst v1;
	v1 =	vld [tilespmem:s29+$0x50]  }
0x617: {  	v0 =	vld.idx.msk [tilespmem:v0+s23+$0x0], $0xffff;
	_ =	sdelay $0x5  }
0x618: {  	[tilespmem:s29+$0x12AC0] =	vst v0;
	v2 =	vld [tilespmem:s29+$0x60]  }
0x619: {  	v0 =	vld.idx.msk [tilespmem:v1+s23+$0x0], $0xffff;
	_ =	sdelay $0x5  }
0x61a: {  	[tilespmem:s29+$0x12AD0] =	vst v0;
	v0 =	vld [tilespmem:s29+$0x70]  }
0x61b: {  	v1 =	vld.idx.msk [tilespmem:v2+s23+$0x0], $0xffff  }
.Ltmp23:
0x61c: {  	(pc) =	sbr.rel @p1 .LBB2_44-.Ltmp23, $2  }
0x61d: {  	_ =	sdelay $0x2  }
0x61e: {  	s26 =	sshra.s32 s30, $0x2;
	s30 =	sadd.s32 $0x200, s30  }
0x61f: {  	_ =	sdelay $0x1  }
0x620: {  	v2 =	vld [tilespmem:s26+$0x0]  }
0x621: {  	[tilespmem:s29+$0x12AE0] =	vst v1  }
0x622: {  	v0 =	vld.idx.msk [tilespmem:v0+s23+$0x0], $0xffff;
	_ =	sdelay $0x3  }
0x623: {  	v1 =	vld [tilespmem:s26+$0x10]  }
0x624: {  	[tilespmem:s29+$0x12AF0] =	vst v0  }
0x625: {  	v0 =	vld.idx.msk [tilespmem:v2+s23+$0x0], $0xffff;
	_ =	sdelay $0x4  }
0x626: {  	[tilespmem:s26+$0x12A80] =	vst v0;
	v0 =	vld [tilespmem:s26+$0x20]  }
0x627: {  	v1 =	vld.idx.msk [tilespmem:v1+s23+$0x0], $0xffff;
	_ =	sdelay $0x4  }
0x628: {  	[tilespmem:s26+$0x12A90] =	vst v1;
	v1 =	vld [tilespmem:s26+$0x30];
	_ =	sdelay $0x1  }
0x629: {  	v0 =	vld.idx.msk [tilespmem:v0+s23+$0x0], $0xffff;
	_ =	sdelay $0x4  }
0x62a: {  	[tilespmem:s26+$0x12AA0] =	vst v0;
	v0 =	vld [tilespmem:s26+$0x40]  }
0x62b: {  	v1 =	vld.idx.msk [tilespmem:v1+s23+$0x0], $0xffff;
	_ =	sdelay $0x4  }
0x62c: {  	[tilespmem:s26+$0x12AB0] =	vst v1;
	v1 =	vld [tilespmem:s26+$0x50];
	_ =	sdelay $0x1  }
0x62d: {  	v0 =	vld.idx.msk [tilespmem:v0+s23+$0x0], $0xffff;
	_ =	sdelay $0x4  }
0x62e: {  	[tilespmem:s26+$0x12AC0] =	vst v0;
	v0 =	vld [tilespmem:s26+$0x60]  }
0x62f: {  	v1 =	vld.idx.msk [tilespmem:v1+s23+$0x0], $0xffff;
	_ =	sdelay $0x4  }
0x630: {  	[tilespmem:s26+$0x12AD0] =	vst v1;
	v1 =	vld [tilespmem:s26+$0x70];
	_ =	sdelay $0x1  }
0x631: {  	v0 =	vld.idx.msk [tilespmem:v0+s23+$0x0], $0xffff;
	_ =	sdelay $0x4  }
0x632: {  	[tilespmem:s26+$0x12AE0] =	vst v0  }
0x633: {  	v0 =	vld.idx.msk [tilespmem:v1+s23+$0x0], $0xffff;
	_ =	sdelay $0x4  }
0x634: {  	[tilespmem:s26+$0x12AF0] =	vst v0;
	s26 =	simm.s32 $0x0  }
0x635: {  	[hbm4b:s16+s26] =	stream.linear.scatter [tilespmem:s24], [sflag:$0x1], $0x4000, $0x38;
	[tilespmem:$0x16A80] =	vst v63  }
0x636: {  	_ =	swait.ge [sflag:s20], $0x4000  }
0x637: {  	[sflag:s20] =	ssyncset.done $0x0  }
0x638: {  	s26 =	rddreg [dreg:$0x1a];
	[sflag:s20] =	ssyncadd.s32 $0xFFFFC000  }
0x639: {  	[tilespmem:s23], [sflag:$0x1] =	stream.strided.gather [hbm4b:s26+s21], $0xEA80, s22, s21, $0x38;
	[tilespmem:$0x16A80] =	vst v63  }
0x63a: {  	_ =	swait.ge [sflag:s20], $0xEA80  }
0x63b: {  	[sflag:s20] =	ssyncset.done $0x0  }
0x63c: {  	s29 =	simm.s32 $0x0;
	[sflag:s20] =	ssyncadd.s32 $0xFFFF1580  }
0x63d: {  	v0 =	vld [tilespmem:s29+$0x0];
	_ =	sdelay $0x5  }
0x63e: {  	v1 =	vld [tilespmem:s29+$0x10];
	_ =	sdelay $0x1  }
0x63f: {  	v0 =	vld.idx.msk [tilespmem:v0+s23+$0x0], $0xffff;
	_ =	sdelay $0x4  }
0x640: {  	[tilespmem:s29+$0x12A80] =	vst v0;
	v0 =	vld [tilespmem:s29+$0x20]  }
0x641: {  	v1 =	vld.idx.msk [tilespmem:v1+s23+$0x0], $0xffff;
	_ =	sdelay $0x4  }
0x642: {  	[tilespmem:s29+$0x12A90] =	vst v1;
	v1 =	vld [tilespmem:s29+$0x30];
	_ =	sdelay $0x1  }
0x643: {  	v0 =	vld.idx.msk [tilespmem:v0+s23+$0x0], $0xffff;
	_ =	sdelay $0x4  }
0x644: {  	[tilespmem:s29+$0x12AA0] =	vst v0;
	v0 =	vld [tilespmem:s29+$0x40]  }
0x645: {  	v1 =	vld.idx.msk [tilespmem:v1+s23+$0x0], $0xffff;
	_ =	sdelay $0x4  }
0x646: {  	[tilespmem:s29+$0x12AB0] =	vst v1;
	v1 =	vld [tilespmem:s29+$0x50];
	_ =	sdelay $0x1  }
0x647: {  	v0 =	vld.idx.msk [tilespmem:v0+s23+$0x0], $0xffff;
	_ =	sdelay $0x4  }
0x648: {  	v2 =	vld [tilespmem:s29+$0x60];
	[tilespmem:s29+$0x12AC0] =	vst v0  }
0x649: {  	v0 =	vld.idx.msk [tilespmem:v1+s23+$0x0], $0xffff;
	_ =	sdelay $0x4  }
0x64a: {  	[tilespmem:s29+$0x12AD0] =	vst v0;
	v0 =	vld [tilespmem:s29+$0x70];
	_ =	sdelay $0x1  }
0x64b: {  	v1 =	vld.idx.msk [tilespmem:v2+s23+$0x0], $0xffff;
	_ =	sdelay $0x3  }
0x64c: {  	s30 =	simm.s32 $0x400;
	s26 =	simm.s32 $0x80  }
.LBB2_46:
0x64d: {  	p1 =	sne.s32 s30, $0xFE00;
	v2 =	vld [tilespmem:s26+$0x0];
	[tilespmem:s29+$0x12AE0] =	vst v1  }
0x64e: {  	v0 =	vld.idx.msk [tilespmem:v0+s23+$0x0], $0xffff;
	_ =	sdelay $0x5  }
0x64f: {  	v1 =	vld [tilespmem:s26+$0x10];
	[tilespmem:s29+$0x12AF0] =	vst v0;
	s29 =	smov.u32 s26  }
0x650: {  	v0 =	vld.idx.msk [tilespmem:v2+s23+$0x0], $0xffff;
	_ =	sdelay $0x5  }
0x651: {  	[tilespmem:s29+$0x12A80] =	vst v0;
	v0 =	vld [tilespmem:s29+$0x20]  }
0x652: {  	v1 =	vld.idx.msk [tilespmem:v1+s23+$0x0], $0xffff;
	_ =	sdelay $0x5  }
0x653: {  	[tilespmem:s29+$0x12A90] =	vst v1;
	v1 =	vld [tilespmem:s29+$0x30]  }
0x654: {  	v0 =	vld.idx.msk [tilespmem:v0+s23+$0x0], $0xffff;
	_ =	sdelay $0x5  }
0x655: {  	[tilespmem:s29+$0x12AA0] =	vst v0;
	v0 =	vld [tilespmem:s29+$0x40]  }
0x656: {  	v1 =	vld.idx.msk [tilespmem:v1+s23+$0x0], $0xffff;
	_ =	sdelay $0x5  }
0x657: {  	[tilespmem:s29+$0x12AB0] =	vst v1;
	v1 =	vld [tilespmem:s29+$0x50]  }
0x658: {  	v0 =	vld.idx.msk [tilespmem:v0+s23+$0x0], $0xffff;
	_ =	sdelay $0x5  }
0x659: {  	[tilespmem:s29+$0x12AC0] =	vst v0;
	v2 =	vld [tilespmem:s29+$0x60]  }
0x65a: {  	v0 =	vld.idx.msk [tilespmem:v1+s23+$0x0], $0xffff;
	_ =	sdelay $0x5  }
0x65b: {  	[tilespmem:s29+$0x12AD0] =	vst v0;
	v0 =	vld [tilespmem:s29+$0x70]  }
0x65c: {  	v1 =	vld.idx.msk [tilespmem:v2+s23+$0x0], $0xffff  }
.Ltmp24:
0x65d: {  	(pc) =	sbr.rel @p1 .LBB2_46-.Ltmp24, $2  }
0x65e: {  	_ =	sdelay $0x2  }
0x65f: {  	s26 =	sshra.s32 s30, $0x2;
	s30 =	sadd.s32 $0x200, s30  }
0x660: {  	_ =	sdelay $0x1  }
0x661: {  	v2 =	vld [tilespmem:s26+$0x0]  }
0x662: {  	[tilespmem:s29+$0x12AE0] =	vst v1  }
0x663: {  	v0 =	vld.idx.msk [tilespmem:v0+s23+$0x0], $0xffff;
	_ =	sdelay $0x3  }
0x664: {  	v1 =	vld [tilespmem:s26+$0x10]  }
0x665: {  	[tilespmem:s29+$0x12AF0] =	vst v0  }
0x666: {  	v0 =	vld.idx.msk [tilespmem:v2+s23+$0x0], $0xffff;
	_ =	sdelay $0x4  }
0x667: {  	[tilespmem:s26+$0x12A80] =	vst v0;
	v0 =	vld [tilespmem:s26+$0x20]  }
0x668: {  	v1 =	vld.idx.msk [tilespmem:v1+s23+$0x0], $0xffff;
	_ =	sdelay $0x4  }
0x669: {  	[tilespmem:s26+$0x12A90] =	vst v1;
	v1 =	vld [tilespmem:s26+$0x30];
	_ =	sdelay $0x1  }
0x66a: {  	v0 =	vld.idx.msk [tilespmem:v0+s23+$0x0], $0xffff;
	_ =	sdelay $0x4  }
0x66b: {  	[tilespmem:s26+$0x12AA0] =	vst v0;
	v0 =	vld [tilespmem:s26+$0x40]  }
0x66c: {  	v1 =	vld.idx.msk [tilespmem:v1+s23+$0x0], $0xffff;
	_ =	sdelay $0x4  }
0x66d: {  	[tilespmem:s26+$0x12AB0] =	vst v1;
	v1 =	vld [tilespmem:s26+$0x50];
	_ =	sdelay $0x1  }
0x66e: {  	v0 =	vld.idx.msk [tilespmem:v0+s23+$0x0], $0xffff;
	_ =	sdelay $0x4  }
0x66f: {  	[tilespmem:s26+$0x12AC0] =	vst v0;
	v0 =	vld [tilespmem:s26+$0x60]  }
0x670: {  	v1 =	vld.idx.msk [tilespmem:v1+s23+$0x0], $0xffff;
	_ =	sdelay $0x4  }
0x671: {  	[tilespmem:s26+$0x12AD0] =	vst v1;
	v1 =	vld [tilespmem:s26+$0x70];
	_ =	sdelay $0x1  }
0x672: {  	v0 =	vld.idx.msk [tilespmem:v0+s23+$0x0], $0xffff;
	_ =	sdelay $0x4  }
0x673: {  	[tilespmem:s26+$0x12AE0] =	vst v0  }
0x674: {  	v0 =	vld.idx.msk [tilespmem:v1+s23+$0x0], $0xffff;
	_ =	sdelay $0x4  }
0x675: {  	[tilespmem:s26+$0x12AF0] =	vst v0;
	s26 =	simm.s32 $0x0  }
0x676: {  	[hbm4b:s17+s26] =	stream.linear.scatter [tilespmem:s24], [sflag:$0x1], $0x4000, $0x38;
	[tilespmem:$0x16A80] =	vst v63  }
0x677: {  	_ =	swait.ge [sflag:s20], $0x4000  }
0x678: {  	[sflag:s20] =	ssyncset.done $0x0  }
0x679: {  	s26 =	rddreg [dreg:$0x1b];
	[sflag:s20] =	ssyncadd.s32 $0xFFFFC000  }
0x67a: {  	[tilespmem:s23], [sflag:$0x1] =	stream.strided.gather [hbm4b:s26+s21], $0xEA80, s22, s21, $0x38;
	[tilespmem:$0x16A80] =	vst v63  }
0x67b: {  	_ =	swait.ge [sflag:s20], $0xEA80  }
0x67c: {  	[sflag:s20] =	ssyncset.done $0x0  }
0x67d: {  	s29 =	simm.s32 $0x0;
	[sflag:s20] =	ssyncadd.s32 $0xFFFF1580  }
0x67e: {  	v0 =	vld [tilespmem:s29+$0x0];
	_ =	sdelay $0x5  }
0x67f: {  	v1 =	vld [tilespmem:s29+$0x10];
	_ =	sdelay $0x1  }
0x680: {  	v0 =	vld.idx.msk [tilespmem:v0+s23+$0x0], $0xffff;
	_ =	sdelay $0x4  }
0x681: {  	[tilespmem:s29+$0x12A80] =	vst v0;
	v0 =	vld [tilespmem:s29+$0x20]  }
0x682: {  	v1 =	vld.idx.msk [tilespmem:v1+s23+$0x0], $0xffff;
	_ =	sdelay $0x4  }
0x683: {  	[tilespmem:s29+$0x12A90] =	vst v1;
	v1 =	vld [tilespmem:s29+$0x30];
	_ =	sdelay $0x1  }
0x684: {  	v0 =	vld.idx.msk [tilespmem:v0+s23+$0x0], $0xffff;
	_ =	sdelay $0x4  }
0x685: {  	[tilespmem:s29+$0x12AA0] =	vst v0;
	v0 =	vld [tilespmem:s29+$0x40]  }
0x686: {  	v1 =	vld.idx.msk [tilespmem:v1+s23+$0x0], $0xffff;
	_ =	sdelay $0x4  }
0x687: {  	[tilespmem:s29+$0x12AB0] =	vst v1;
	v1 =	vld [tilespmem:s29+$0x50];
	_ =	sdelay $0x1  }
0x688: {  	v0 =	vld.idx.msk [tilespmem:v0+s23+$0x0], $0xffff;
	_ =	sdelay $0x4  }
0x689: {  	v2 =	vld [tilespmem:s29+$0x60];
	[tilespmem:s29+$0x12AC0] =	vst v0  }
0x68a: {  	v0 =	vld.idx.msk [tilespmem:v1+s23+$0x0], $0xffff;
	_ =	sdelay $0x4  }
0x68b: {  	[tilespmem:s29+$0x12AD0] =	vst v0;
	v0 =	vld [tilespmem:s29+$0x70];
	_ =	sdelay $0x1  }
0x68c: {  	v1 =	vld.idx.msk [tilespmem:v2+s23+$0x0], $0xffff;
	_ =	sdelay $0x3  }
0x68d: {  	s30 =	simm.s32 $0x400;
	s26 =	simm.s32 $0x80  }
.LBB2_48:
0x68e: {  	p1 =	sne.s32 s30, $0xFE00;
	v2 =	vld [tilespmem:s26+$0x0];
	[tilespmem:s29+$0x12AE0] =	vst v1  }
0x68f: {  	v0 =	vld.idx.msk [tilespmem:v0+s23+$0x0], $0xffff;
	_ =	sdelay $0x5  }
0x690: {  	v1 =	vld [tilespmem:s26+$0x10];
	[tilespmem:s29+$0x12AF0] =	vst v0;
	s29 =	smov.u32 s26  }
0x691: {  	v0 =	vld.idx.msk [tilespmem:v2+s23+$0x0], $0xffff;
	_ =	sdelay $0x5  }
0x692: {  	[tilespmem:s29+$0x12A80] =	vst v0;
	v0 =	vld [tilespmem:s29+$0x20]  }
0x693: {  	v1 =	vld.idx.msk [tilespmem:v1+s23+$0x0], $0xffff;
	_ =	sdelay $0x5  }
0x694: {  	[tilespmem:s29+$0x12A90] =	vst v1;
	v1 =	vld [tilespmem:s29+$0x30]  }
0x695: {  	v0 =	vld.idx.msk [tilespmem:v0+s23+$0x0], $0xffff;
	_ =	sdelay $0x5  }
0x696: {  	[tilespmem:s29+$0x12AA0] =	vst v0;
	v0 =	vld [tilespmem:s29+$0x40]  }
0x697: {  	v1 =	vld.idx.msk [tilespmem:v1+s23+$0x0], $0xffff;
	_ =	sdelay $0x5  }
0x698: {  	[tilespmem:s29+$0x12AB0] =	vst v1;
	v1 =	vld [tilespmem:s29+$0x50]  }
0x699: {  	v0 =	vld.idx.msk [tilespmem:v0+s23+$0x0], $0xffff;
	_ =	sdelay $0x5  }
0x69a: {  	[tilespmem:s29+$0x12AC0] =	vst v0;
	v2 =	vld [tilespmem:s29+$0x60]  }
0x69b: {  	v0 =	vld.idx.msk [tilespmem:v1+s23+$0x0], $0xffff;
	_ =	sdelay $0x5  }
0x69c: {  	[tilespmem:s29+$0x12AD0] =	vst v0;
	v0 =	vld [tilespmem:s29+$0x70]  }
0x69d: {  	v1 =	vld.idx.msk [tilespmem:v2+s23+$0x0], $0xffff  }
.Ltmp25:
0x69e: {  	(pc) =	sbr.rel @p1 .LBB2_48-.Ltmp25, $2  }
0x69f: {  	_ =	sdelay $0x2  }
0x6a0: {  	s26 =	sshra.s32 s30, $0x2;
	s30 =	sadd.s32 $0x200, s30  }
0x6a1: {  	_ =	sdelay $0x1  }
0x6a2: {  	v2 =	vld [tilespmem:s26+$0x0]  }
0x6a3: {  	[tilespmem:s29+$0x12AE0] =	vst v1  }
0x6a4: {  	v0 =	vld.idx.msk [tilespmem:v0+s23+$0x0], $0xffff;
	_ =	sdelay $0x3  }
0x6a5: {  	v1 =	vld [tilespmem:s26+$0x10]  }
0x6a6: {  	[tilespmem:s29+$0x12AF0] =	vst v0  }
0x6a7: {  	v0 =	vld.idx.msk [tilespmem:v2+s23+$0x0], $0xffff;
	_ =	sdelay $0x3  }
0x6a8: {  	v58 =	vld [tilespmem:s26+$0x20]  }
0x6a9: {  	[tilespmem:s26+$0x12A80] =	vst v0  }
0x6aa: {  	v1 =	vld.idx.msk [tilespmem:v1+s23+$0x0], $0xffff;
	_ =	sdelay $0x3  }
0x6ab: {  	v59 =	vld [tilespmem:s26+$0x30]  }
0x6ac: {  	[tilespmem:s26+$0x12A90] =	vst v1  }
0x6ad: {  	v0 =	vld.idx.msk [tilespmem:v58+s23+$0x0], $0xffff;
	_ =	sdelay $0x3  }
0x6ae: {  	v60 =	vld [tilespmem:s26+$0x40]  }
0x6af: {  	[tilespmem:s26+$0x12AA0] =	vst v0  }
0x6b0: {  	v1 =	vld.idx.msk [tilespmem:v59+s23+$0x0], $0xffff;
	_ =	sdelay $0x3  }
0x6b1: {  	v61 =	vld [tilespmem:s26+$0x50]  }
0x6b2: {  	[tilespmem:s26+$0x12AB0] =	vst v1  }
0x6b3: {  	v0 =	vld.idx.msk [tilespmem:v60+s23+$0x0], $0xffff;
	_ =	sdelay $0x3  }
0x6b4: {  	v62 =	vld [tilespmem:s26+$0x60]  }
0x6b5: {  	[tilespmem:s26+$0x12AC0] =	vst v0  }
0x6b6: {  	v1 =	vld.idx.msk [tilespmem:v61+s23+$0x0], $0xffff;
	_ =	sdelay $0x3  }
0x6b7: {  	v63 =	vld [tilespmem:s26+$0x70]  }
0x6b8: {  	[tilespmem:s26+$0x12AD0] =	vst v1  }
0x6b9: {  	v0 =	vld.idx.msk [tilespmem:v62+s23+$0x0], $0xffff;
	_ =	sdelay $0x4  }
0x6ba: {  	[tilespmem:s26+$0x12AE0] =	vst v0  }
0x6bb: {  	v0 =	vld.idx.msk [tilespmem:v63+s23+$0x0], $0xffff;
	_ =	sdelay $0x4  }
.Ltmp26:
0x6bc: {  	[tilespmem:s26+$0x12AF0] =	vst v0;
	(pc) =	sbr.rel @p0 .LBB2_53-.Ltmp26, $4  }
0x6bd: {  	[hbm4b:s18+s0] =	stream.linear.scatter [tilespmem:s24], [sflag:$0x1], $0x4000, $0x38;
	[tilespmem:$0x16A80] =	vst v63  }
0x6be: {  	_ =	swait.ge [sflag:s20], $0x4000  }
0x6bf: {  	[sflag:s20] =	ssyncset.done $0x0  }
0x6c0: {  	[sflag:s20] =	ssyncadd.s32 $0xFFFFC000  }
0x6c1: {  	s26 =	rddreg [dreg:$0x1c]  }
0x6c2: {  	[tilespmem:s23], [sflag:$0x1] =	stream.strided.gather [hbm4b:s26+s21], $0xEA80, s22, s21, $0x38;
	[tilespmem:$0x16A80] =	vst v63  }
0x6c3: {  	_ =	swait.ge [sflag:s20], $0xEA80  }
0x6c4: {  	[sflag:s20] =	ssyncset.done $0x0  }
0x6c5: {  	s29 =	simm.s32 $0x0;
	[sflag:s20] =	ssyncadd.s32 $0xFFFF1580  }
0x6c6: {  	v0 =	vld [tilespmem:s29+$0x0];
	_ =	sdelay $0x5  }
0x6c7: {  	v1 =	vld [tilespmem:s29+$0x10];
	_ =	sdelay $0x1  }
0x6c8: {  	v0 =	vld.idx.msk [tilespmem:v0+s23+$0x0], $0xffff;
	_ =	sdelay $0x4  }
0x6c9: {  	[tilespmem:s29+$0x12A80] =	vst v0;
	v0 =	vld [tilespmem:s29+$0x20]  }
0x6ca: {  	v1 =	vld.idx.msk [tilespmem:v1+s23+$0x0], $0xffff;
	_ =	sdelay $0x4  }
0x6cb: {  	[tilespmem:s29+$0x12A90] =	vst v1;
	v1 =	vld [tilespmem:s29+$0x30];
	_ =	sdelay $0x1  }
0x6cc: {  	v0 =	vld.idx.msk [tilespmem:v0+s23+$0x0], $0xffff;
	_ =	sdelay $0x4  }
0x6cd: {  	[tilespmem:s29+$0x12AA0] =	vst v0;
	v0 =	vld [tilespmem:s29+$0x40]  }
0x6ce: {  	v1 =	vld.idx.msk [tilespmem:v1+s23+$0x0], $0xffff;
	_ =	sdelay $0x4  }
0x6cf: {  	[tilespmem:s29+$0x12AB0] =	vst v1;
	v1 =	vld [tilespmem:s29+$0x50];
	_ =	sdelay $0x1  }
0x6d0: {  	v0 =	vld.idx.msk [tilespmem:v0+s23+$0x0], $0xffff;
	_ =	sdelay $0x4  }
0x6d1: {  	v2 =	vld [tilespmem:s29+$0x60];
	[tilespmem:s29+$0x12AC0] =	vst v0  }
0x6d2: {  	v0 =	vld.idx.msk [tilespmem:v1+s23+$0x0], $0xffff;
	_ =	sdelay $0x4  }
0x6d3: {  	[tilespmem:s29+$0x12AD0] =	vst v0;
	v0 =	vld [tilespmem:s29+$0x70];
	_ =	sdelay $0x1  }
0x6d4: {  	v1 =	vld.idx.msk [tilespmem:v2+s23+$0x0], $0xffff;
	_ =	sdelay $0x3  }
0x6d5: {  	s30 =	simm.s32 $0x400;
	s26 =	simm.s32 $0x80  }
.LBB2_51:
0x6d6: {  	p1 =	sne.s32 s30, $0xFE00;
	v2 =	vld [tilespmem:s26+$0x0];
	[tilespmem:s29+$0x12AE0] =	vst v1  }
0x6d7: {  	v0 =	vld.idx.msk [tilespmem:v0+s23+$0x0], $0xffff;
	_ =	sdelay $0x5  }
0x6d8: {  	v1 =	vld [tilespmem:s26+$0x10];
	[tilespmem:s29+$0x12AF0] =	vst v0;
	s29 =	smov.u32 s26  }
0x6d9: {  	v0 =	vld.idx.msk [tilespmem:v2+s23+$0x0], $0xffff;
	_ =	sdelay $0x5  }
0x6da: {  	[tilespmem:s29+$0x12A80] =	vst v0;
	v0 =	vld [tilespmem:s29+$0x20]  }
0x6db: {  	v1 =	vld.idx.msk [tilespmem:v1+s23+$0x0], $0xffff;
	_ =	sdelay $0x5  }
0x6dc: {  	[tilespmem:s29+$0x12A90] =	vst v1;
	v1 =	vld [tilespmem:s29+$0x30]  }
0x6dd: {  	v0 =	vld.idx.msk [tilespmem:v0+s23+$0x0], $0xffff;
	_ =	sdelay $0x5  }
0x6de: {  	[tilespmem:s29+$0x12AA0] =	vst v0;
	v0 =	vld [tilespmem:s29+$0x40]  }
0x6df: {  	v1 =	vld.idx.msk [tilespmem:v1+s23+$0x0], $0xffff;
	_ =	sdelay $0x5  }
0x6e0: {  	[tilespmem:s29+$0x12AB0] =	vst v1;
	v1 =	vld [tilespmem:s29+$0x50]  }
0x6e1: {  	v0 =	vld.idx.msk [tilespmem:v0+s23+$0x0], $0xffff;
	_ =	sdelay $0x5  }
0x6e2: {  	[tilespmem:s29+$0x12AC0] =	vst v0;
	v2 =	vld [tilespmem:s29+$0x60]  }
0x6e3: {  	v0 =	vld.idx.msk [tilespmem:v1+s23+$0x0], $0xffff;
	_ =	sdelay $0x5  }
0x6e4: {  	[tilespmem:s29+$0x12AD0] =	vst v0;
	v0 =	vld [tilespmem:s29+$0x70]  }
0x6e5: {  	v1 =	vld.idx.msk [tilespmem:v2+s23+$0x0], $0xffff  }
.Ltmp27:
0x6e6: {  	(pc) =	sbr.rel @p1 .LBB2_51-.Ltmp27, $2  }
0x6e7: {  	_ =	sdelay $0x2  }
0x6e8: {  	s26 =	sshra.s32 s30, $0x2;
	s30 =	sadd.s32 $0x200, s30  }
.Ltmp28:
0x6e9: {  	_ = 	snop;
	(pc) =	sbr.rel .LBB2_52-.Ltmp28, $1  }
0x6ea: {  	_ =	sdelay $0x3  }
.LBB2_54:
0x6eb: {  	_ =	sfence.sel $0x180000  }
0x6ec: {  	[bflag:$0x0] =	sbarrier.arrive $0xFFFF  }
0x6ed: {  	_ =	strace $0x90000047  }
0x6ee: {  	[bflag:$0x2] =	sbarrier.arrive $0xFFFF  }
0x6ef: {  	p0 =	sne.s32 s31, $0x0;
	s0 =	rddreg [dreg:$0x3]  }
0x6f0: {  	s0 =	sadd.s32 @!p0 $0x100000, s0  }
0x6f1: {  	[sflag:s0] =	ssyncadd.tile.s32 @!p0 $0x1;
	_ =	shalt  }
.Lfunc_end2:
_tile_overlayer_lowered:
.L_overlay_start_2:
0x6f2: {  	(tag) =	ssettag $0x2  }
0x6f3: {  	s0 =	rddreg [dreg:$0x0];
	s2 =	stileid.u32  }
0x6f4: {  	s1 =	rddreg [dreg:$0x1];
	p0 =	sne.s32 s2, $0x0  }
0x6f5: {  	s3 =	rddreg [dreg:$0x2];
	[bflag:$0x3] =	sbarrier.arrive $0xFFFF;
	s2 =	simm.s32 @!p0 $0x1C01  }
0x6f6: {  	[timem:s3], [sflag:s2] =	dma.local @!p0 [hbm:s0], s1  }
0x6f7: {  	s0 =	simm.s32 @!p0 $0x1  }
0x6f8: {  	_ =	swait.ge @!p0 [sflag:s0], s1  }
0x6f9: {  	s1 =	ssub.s32 @!p0 $0x0, s1;
	[sflag:s0] =	ssyncset.done @!p0 $0x0  }
0x6fa: {  	[sflag:s0] =	ssyncadd.s32 @!p0 s1  }
0x6fb: {  	[bflag:$0x3] =	sbarrier.arrive $0xFFFF  }
0x6fc: {  	_ =	shalt  }

</sc_bundles>
